<compile_context>
chip_gen: v7x
topology: tpu7x:2x2x1
jax: 0.10.2.dev20260603
libtpu: 0.0.44.dev20260713+nightly
codegen_flags: <defaults>
</compile_context>

<pallas_src>
import functools

import jax
import jax.numpy as jnp
from jax import lax
from jax.experimental import pallas as pl
from jax.experimental.pallas import tpu as pltpu
from jax.experimental.pallas import tpu_sc as plsc

_NS = [32768, 8192, 2048, 512, 128]
_CS = [32, 64, 128, 256, 512]
_NWORKERS = 32



def _knn_body(q_ref, stc_ref, idx_ref, w_ref, *, tile, n_src):
    g_chunks = n_src // 128
    chunk_bits = (g_chunks - 1).bit_length()
    keep_mask = jnp.int32(-(1 << chunk_bits)) if chunk_bits else jnp.int32(-1)
    chunk_mask = jnp.int32(g_chunks - 1)
    q = q_ref[...]
    stc = stc_ref[...]
    d2 = jnp.zeros((g_chunks, tile, 128), jnp.float32)
    for d in range(3):
        qd = q[:, d:d + 1].reshape(1, tile, 1)
        sd = stc[:, d:d + 1, :].reshape(g_chunks, 1, 128)
        diff = qd - sd
        d2 = d2 + diff * diff
    bits = lax.bitcast_convert_type(d2, jnp.int32)
    gid = lax.broadcasted_iota(jnp.int32, (g_chunks, tile, 128), 0)
    keys = lax.bitcast_convert_type((bits & keep_mask) | gid, jnp.float32)

    inf = jnp.float32(jnp.inf)
    m1 = jnp.min(keys, axis=0)
    k2 = jnp.where(keys == m1[None], inf, keys)
    m2 = jnp.min(k2, axis=0)
    k3 = jnp.where(k2 == m2[None], inf, k2)
    m3 = jnp.min(k3, axis=0)

    lane = lax.broadcasted_iota(jnp.int32, (tile, 128), 1)

    def pick(m, t):
        l = jnp.min(jnp.where(m == t, lane, 128), axis=1, keepdims=True)
        tb = lax.bitcast_convert_type(t, jnp.int32)
        col = (tb & chunk_mask) * 128 + l
        d2v = lax.bitcast_convert_type(tb & keep_mask, jnp.float32)
        return col, d2v

    t1 = jnp.min(m1, axis=1, keepdims=True)
    i1, d1v = pick(m1, t1)
    m1a = jnp.where(m1 == t1, inf, m1)
    t2 = jnp.minimum(jnp.min(m1a, axis=1, keepdims=True),
                     jnp.min(m2, axis=1, keepdims=True))
    i2, d2v_ = pick(jnp.minimum(m1a, m2), t2)
    m1b = jnp.where(m1a == t2, inf, m1a)
    m2b = jnp.where(m2 == t2, inf, m2)
    t3 = jnp.minimum(jnp.minimum(jnp.min(m1b, axis=1, keepdims=True),
                                 jnp.min(m2b, axis=1, keepdims=True)),
                     jnp.min(m3, axis=1, keepdims=True))
    i3, d3v = pick(jnp.minimum(jnp.minimum(m1b, m2b), m3), t3)

    w = [1.0 / jnp.maximum(d, 1e-16) for d in (d1v, d2v_, d3v)]
    wsum = w[0] + w[1] + w[2]
    wn = [x / wsum for x in w]
    zi = jnp.zeros((tile, 5), jnp.int32)
    zf = jnp.zeros((tile, 5), jnp.float32)
    idx_ref[...] = jnp.concatenate([i1, i2, i3, zi], axis=1)
    w_ref[...] = jnp.concatenate(wn + [zf], axis=1)


def _knn(p_dst_pad, p_src_chunks, n_dst, n_src, tile):
    grid = n_dst // tile
    g_chunks = n_src // 128
    return pl.pallas_call(
        functools.partial(_knn_body, tile=tile, n_src=n_src),
        grid=(grid,),
        in_specs=[pl.BlockSpec((tile, 8), lambda i: (i, 0)),
                  pl.BlockSpec((g_chunks, 8, 128), lambda i: (0, 0, 0))],
        out_specs=[pl.BlockSpec((tile, 8), lambda i: (i, 0)),
                   pl.BlockSpec((tile, 8), lambda i: (i, 0))],
        out_shape=[jax.ShapeDtypeStruct((n_dst, 8), jnp.int32),
                   jax.ShapeDtypeStruct((n_dst, 8), jnp.float32)],
    )(p_dst_pad, p_src_chunks)



def _sc_gather(f_src, idx_flat, n_dst, c):
    rows_n = n_dst // _NWORKERS
    chunk = min(rows_n, 65536 // c)
    n_chunk = rows_n // chunk
    sub = min(chunk, 128)
    n_sub = chunk // sub
    mesh = plsc.VectorSubcoreMesh(core_axis_name="c", subcore_axis_name="s")

    @functools.partial(
        pl.kernel, mesh=mesh,
        out_type=jax.ShapeDtypeStruct((3, n_dst, c), jnp.float32),
        scratch_types=[pltpu.VMEM((chunk,), jnp.int32),
                       pltpu.VMEM((chunk, c), jnp.float32),
                       pltpu.SemaphoreType.DMA],
        compiler_params=pltpu.CompilerParams(use_tc_tiling_on_sc=False),
    )
    def gather_kernel(f_hbm, idx_hbm, out_hbm, idx_v, rows_v, sem):
        wid = lax.axis_index("s") * 2 + lax.axis_index("c")
        base = wid * rows_n

        def body(t, carry):
            k = t // n_chunk
            off = base + (t % n_chunk) * chunk
            pltpu.sync_copy(idx_hbm.at[pl.ds(k * n_dst + off, chunk)], idx_v)
            if n_sub == 1:
                copies = [pltpu.async_copy(f_hbm.at[idx_v], rows_v, sem)]
            else:
                copies = [
                    pltpu.async_copy(f_hbm.at[idx_v.at[pl.ds(j * sub, sub)]],
                                     rows_v.at[pl.ds(j * sub, sub)], sem)
                    for j in range(n_sub)
                ]
            for cp in copies:
                cp.wait()
            pltpu.sync_copy(rows_v, out_hbm.at[k, pl.ds(off, chunk)])
            return carry

        lax.fori_loop(0, 3 * n_chunk, body, 0)

    return gather_kernel(f_src, idx_flat)



def _mlp_a_body(f_ref, r_ref, w_ref, wa_ref, wb_ref, b_ref, y_ref, acc_ref):
    up = (w_ref[:, 0:1] * r_ref[0] + w_ref[:, 1:2] * r_ref[1]
          + w_ref[:, 2:3] * r_ref[2])
    y = (jnp.dot(f_ref[...], wa_ref[...], preferred_element_type=jnp.float32)
         + jnp.dot(up, wb_ref[...], preferred_element_type=jnp.float32)
         + b_ref[...])
    y_ref[...] = y
    s0 = jnp.sum(y, axis=0, keepdims=True)
    s1 = jnp.sum(y * y, axis=0, keepdims=True)
    upd = jnp.concatenate([s0, s1, jnp.zeros((6, y.shape[1]), jnp.float32)],
                          axis=0)

    @pl.when(pl.program_id(0) == 0)
    def _():
        acc_ref[...] = upd

    @pl.when(pl.program_id(0) != 0)
    def _():
        acc_ref[...] += upd


def _mlp_a(f_dst, rows, w8, wa, wb, b0, tile):
    n, cf = f_dst.shape
    c_src = rows.shape[2]
    c1 = wa.shape[1]
    grid = n // tile
    return pl.pallas_call(
        _mlp_a_body,
        grid=(grid,),
        in_specs=[pl.BlockSpec((tile, cf), lambda i: (i, 0)),
                  pl.BlockSpec((3, tile, c_src), lambda i: (0, i, 0)),
                  pl.BlockSpec((tile, 8), lambda i: (i, 0)),
                  pl.BlockSpec((cf, c1), lambda i: (0, 0)),
                  pl.BlockSpec((c_src, c1), lambda i: (0, 0)),
                  pl.BlockSpec((1, c1), lambda i: (0, 0))],
        out_specs=[pl.BlockSpec((tile, c1), lambda i: (i, 0)),
                   pl.BlockSpec((8, c1), lambda i: (0, 0))],
        out_shape=[jax.ShapeDtypeStruct((n, c1), jnp.float32),
                   jax.ShapeDtypeStruct((8, c1), jnp.float32)],
    )(f_dst, rows, w8, wa, wb, b0)


def _mlp_b_body(y_ref, acc_ref, g_ref, be_ref, w_ref, b_ref, y2_ref, acc2_ref,
                *, inv_n):
    mu = acc_ref[0:1, :] * inv_n
    var = acc_ref[1:2, :] * inv_n - mu * mu
    rstd = lax.rsqrt(var + 1e-5)
    x = jnp.maximum((y_ref[...] - mu) * rstd * g_ref[...] + be_ref[...], 0.0)
    y2 = jnp.dot(x, w_ref[...], preferred_element_type=jnp.float32) + b_ref[...]
    y2_ref[...] = y2
    s0 = jnp.sum(y2, axis=0, keepdims=True)
    s1 = jnp.sum(y2 * y2, axis=0, keepdims=True)
    upd = jnp.concatenate([s0, s1, jnp.zeros((6, y2.shape[1]), jnp.float32)],
                          axis=0)

    @pl.when(pl.program_id(0) == 0)
    def _():
        acc2_ref[...] = upd

    @pl.when(pl.program_id(0) != 0)
    def _():
        acc2_ref[...] += upd


def _mlp_b(y1, acc1, g0, be0, w1, b1, tile):
    n, c1 = y1.shape
    c2 = w1.shape[1]
    grid = n // tile
    return pl.pallas_call(
        functools.partial(_mlp_b_body, inv_n=1.0 / n),
        grid=(grid,),
        in_specs=[pl.BlockSpec((tile, c1), lambda i: (i, 0)),
                  pl.BlockSpec((8, c1), lambda i: (0, 0)),
                  pl.BlockSpec((1, c1), lambda i: (0, 0)),
                  pl.BlockSpec((1, c1), lambda i: (0, 0)),
                  pl.BlockSpec((c1, c2), lambda i: (0, 0)),
                  pl.BlockSpec((1, c2), lambda i: (0, 0))],
        out_specs=[pl.BlockSpec((tile, c2), lambda i: (i, 0)),
                   pl.BlockSpec((8, c2), lambda i: (0, 0))],
        out_shape=[jax.ShapeDtypeStruct((n, c2), jnp.float32),
                   jax.ShapeDtypeStruct((8, c2), jnp.float32)],
    )(y1, acc1, g0, be0, w1, b1)


def _mlp_c_body(y_ref, acc_ref, g_ref, be_ref, o_ref, *, inv_n):
    mu = acc_ref[0:1, :] * inv_n
    var = acc_ref[1:2, :] * inv_n - mu * mu
    rstd = lax.rsqrt(var + 1e-5)
    o_ref[...] = jnp.maximum(
        (y_ref[...] - mu) * rstd * g_ref[...] + be_ref[...], 0.0)


def _mlp_c(y2, acc2, g1, be1, tile):
    n, c2 = y2.shape
    grid = n // tile
    return pl.pallas_call(
        functools.partial(_mlp_c_body, inv_n=1.0 / n),
        grid=(grid,),
        in_specs=[pl.BlockSpec((tile, c2), lambda i: (i, 0)),
                  pl.BlockSpec((8, c2), lambda i: (0, 0)),
                  pl.BlockSpec((1, c2), lambda i: (0, 0)),
                  pl.BlockSpec((1, c2), lambda i: (0, 0))],
        out_specs=pl.BlockSpec((tile, c2), lambda i: (i, 0)),
        out_shape=jax.ShapeDtypeStruct((n, c2), jnp.float32),
    )(y2, acc2, g1, be1)



def kernel(p0, f0, b0, p1, f1, b1, p2, f2, b2, p3, f3, b3, p4, f4, b4,
           W0_0, bias0_0, gamma0_0, beta0_0, W0_1, bias0_1, gamma0_1, beta0_1,
           W1_0, bias1_0, gamma1_0, beta1_0, W1_1, bias1_1, gamma1_1, beta1_1,
           W2_0, bias2_0, gamma2_0, beta2_0, W2_1, bias2_1, gamma2_1, beta2_1,
           W3_0, bias3_0, gamma3_0, beta3_0, W3_1, bias3_1, gamma3_1, beta3_1):
    p = [p0, p1, p2, p3, p4]
    f = [f0, f1, f2, f3, f4]
    params = [
        (W0_0, bias0_0, gamma0_0, beta0_0, W0_1, bias0_1, gamma0_1, beta0_1),
        (W1_0, bias1_0, gamma1_0, beta1_0, W1_1, bias1_1, gamma1_1, beta1_1),
        (W2_0, bias2_0, gamma2_0, beta2_0, W2_1, bias2_1, gamma2_1, beta2_1),
        (W3_0, bias3_0, gamma3_0, beta3_0, W3_1, bias3_1, gamma3_1, beta3_1),
    ]
    pad8 = [jnp.pad(x, ((0, 0), (0, 5))) for x in p]
    pchunks = [jnp.transpose(x.reshape(-1, 128, 8), (0, 2, 1)) for x in pad8]

    knn_tile = 256
    mlp_tile = 512

    knn = {}
    for s in range(3, -1, -1):
        idx8, w8 = _knn(pad8[s], pchunks[s + 1], _NS[s], _NS[s + 1], knn_tile)
        idx_flat = jnp.transpose(idx8[:, :3]).reshape(-1)
        knn[s] = (idx_flat, w8)

    for s in range(3, -1, -1):
        n_dst = _NS[s]
        cf = f[s].shape[1]
        c_src = f[s + 1].shape[1]
        idx_flat, w8 = knn[s]
        w0, b0_, g0, be0, w1, b1_, g1, be1 = params[s]
        wa, wb = w0[:cf], w0[cf:]
        c_gat = -(-c_src // 8) * 8
        f_src = f[s + 1]
        if c_gat != c_src:
            f_src = jnp.pad(f_src, ((0, 0), (0, c_gat - c_src)))
            wb = jnp.pad(wb, ((0, c_gat - c_src), (0, 0)))
        rows = _sc_gather(f_src, idx_flat, n_dst, c_gat)
        tile = min(mlp_tile, n_dst)
        y1, acc1 = _mlp_a(f[s], rows, w8, wa, wb, b0_.reshape(1, -1), tile)
        y2, acc2 = _mlp_b(y1, acc1, g0.reshape(1, -1), be0.reshape(1, -1),
                          w1, b1_.reshape(1, -1), tile)
        f[s] = _mlp_c(y2, acc2, g1.reshape(1, -1), be1.reshape(1, -1), tile)
    return f[0]

# --- scband reference (transcript-rebuilt; emitter-appended) ---
"""Pipeline reference for scband-py-gpoint-next-decoder-60610578481732 (READ-ONLY COPY).

The authoritative reference and input builder live on the scoring server;
editing this copy changes nothing except your own understanding.
"""

import jax, jax.numpy as jnp
import numpy as np

NS = [32768, 8192, 2048, 512, 128]
CS = [32, 64, 128, 256, 512]
MLPS = [[96, 32, 32], [192, 64, 64], [384, 128, 128], [768, 256, 256]]


def setup_inputs(seed: int = 0):
    key = jax.random.key(seed)
    inp = {}
    for i in range(5):
        key, k1, k2 = jax.random.split(key, 3)
        inp['p%d' % i] = jax.random.uniform(k1, (NS[i], 3), dtype=jnp.float32)
        inp['f%d' % i] = jax.random.normal(k2, (NS[i], CS[i]), dtype=jnp.float32)
        inp['b%d' % i] = jnp.zeros((NS[i],), dtype=jnp.int32)
    for s in range(4):
        mlp = MLPS[s]
        for j in range(2):
            key, kw = jax.random.split(key)
            inp['W%d_%d' % (s, j)] = jax.random.normal(kw, (mlp[j], mlp[j + 1]), dtype=jnp.float32) * (1.0 / float(np.sqrt(mlp[j])))
            inp['bias%d_%d' % (s, j)] = jnp.zeros((mlp[j + 1],), dtype=jnp.float32)
            inp['gamma%d_%d' % (s, j)] = jnp.ones((mlp[j + 1],), dtype=jnp.float32)
            inp['beta%d_%d' % (s, j)] = jnp.zeros((mlp[j + 1],), dtype=jnp.float32)
    return inp


def _linear_block(x, W, b, g, be):
    # Linear -> BatchNorm1d (batch statistics) -> ReLU, matching create_linearblock
    y = x @ W + b
    mu = jnp.mean(y, axis=0, keepdims=True)
    var = jnp.var(y, axis=0, keepdims=True)
    y = (y - mu) / jnp.sqrt(var + 1e-5) * g + be
    return jax.nn.relu(y)


def _knn_interpolate(x, pos_src, pos_dst, k=3, chunk=512):
    # PyG knn_interpolate with inverse-squared-distance weights over k nearest
    # source points; single batch (all batch ids are 0). Chunked over queries.
    n = pos_dst.shape[0]

    def body(q):
        d2 = jnp.sum((q[:, None, :] - pos_src[None, :, :]) ** 2, axis=-1)
        neg, idx = jax.lax.top_k(-d2, k)
        w = 1.0 / jnp.maximum(-neg, 1e-16)
        feats = jnp.take(x, idx, axis=0)
        return jnp.sum(w[:, :, None] * feats, axis=1) / jnp.sum(w, axis=1, keepdims=True)

    qs = pos_dst.reshape(n // chunk, chunk, 3)
    out = jax.lax.map(body, qs)
    return out.reshape(n, x.shape[-1])


def _forward(inp):
    p = [inp['p%d' % i] for i in range(5)]
    f = [inp['f%d' % i] for i in range(5)]
    # decoder stages from coarsest (torch loop i=-1..-4)
    for s in range(3, -1, -1):
        up = _knn_interpolate(f[s + 1], p[s + 1], p[s], k=3)
        x = jnp.concatenate([f[s], up], axis=1)
        for j in range(2):
            x = _linear_block(x, inp['W%d_%d' % (s, j)], inp['bias%d_%d' % (s, j)],
                              inp['gamma%d_%d' % (s, j)], inp['beta%d_%d' % (s, j)])
        f[s] = x
    return f[0]


def reference(p0, f0, b0, p1, f1, b1, p2, f2, b2, p3, f3, b3, p4, f4, b4,
              W0_0, bias0_0, gamma0_0, beta0_0, W0_1, bias0_1, gamma0_1, beta0_1,
              W1_0, bias1_0, gamma1_0, beta1_0, W1_1, bias1_1, gamma1_1, beta1_1,
              W2_0, bias2_0, gamma2_0, beta2_0, W2_1, bias2_1, gamma2_1, beta2_1,
              W3_0, bias3_0, gamma3_0, beta3_0, W3_1, bias3_1, gamma3_1, beta3_1):
    inp = {
        'p0': p0, 'f0': f0, 'b0': b0,
        'p1': p1, 'f1': f1, 'b1': b1,
        'p2': p2, 'f2': f2, 'b2': b2,
        'p3': p3, 'f3': f3, 'b3': b3,
        'p4': p4, 'f4': f4, 'b4': b4,
        'W0_0': W0_0, 'bias0_0': bias0_0, 'gamma0_0': gamma0_0, 'beta0_0': beta0_0,
        'W0_1': W0_1, 'bias0_1': bias0_1, 'gamma0_1': gamma0_1, 'beta0_1': beta0_1,
        'W1_0': W1_0, 'bias1_0': bias1_0, 'gamma1_0': gamma1_0, 'beta1_0': beta1_0,
        'W1_1': W1_1, 'bias1_1': bias1_1, 'gamma1_1': gamma1_1, 'beta1_1': beta1_1,
        'W2_0': W2_0, 'bias2_0': bias2_0, 'gamma2_0': gamma2_0, 'beta2_0': beta2_0,
        'W2_1': W2_1, 'bias2_1': bias2_1, 'gamma2_1': gamma2_1, 'beta2_1': beta2_1,
        'W3_0': W3_0, 'bias3_0': bias3_0, 'gamma3_0': gamma3_0, 'beta3_0': beta3_0,
        'W3_1': W3_1, 'bias3_1': bias3_1, 'gamma3_1': gamma3_1, 'beta3_1': beta3_1,
    }
    return _forward(inp)

if __name__ == "__main__":
    import jax
    _d = setup_inputs()
    print(jax.jit(kernel)(*tuple(_d.values())))

</pallas_src>

<mosaic_0001>
#map = affine_map<(d0, d1) -> (0, 0)>
#map1 = affine_map<(d0, d1) -> (0)>
#map2 = affine_map<(d0, d1) -> (0, 0, 0)>
module attributes {stable_mosaic.version = 14 : i64} {
  func.func @gather_kernel(%arg0: i32, %arg1: i32, %arg2: memref<512x256xf32, #tpu.memory_space<hbm>>, %arg3: memref<6144xi32, #tpu.memory_space<hbm>>, %arg4: memref<3x2048x256xf32, #tpu.memory_space<hbm>>, %arg5: memref<64xi32, #tpu.memory_space<vmem>>, %arg6: memref<64x256xf32, #tpu.memory_space<vmem>>, %arg7: memref<!tpu.dma_semaphore, #tpu.memory_space<semaphore_mem>>) attributes {dimension_semantics = [#tpu.dimension_semantics<core_parallel>, #tpu.dimension_semantics<subcore_parallel>], iteration_bounds = array<i64: 2, 16>, scalar_prefetch = 0 : i64, scratch_operands = 3 : i64, tpu.core_type = #tpu.core_type<sc_vector_subcore>, window_params = [{transform_indices = #map}, {transform_indices = #map1}, {transform_indices = #map2}]} {
    %mul3A = arith.constant 2 : i32
    %mul3A_0 = arith.muli %arg1, %mul3A : i32
    %add3A = arith.addi %mul3A_0, %arg0 : i32
    %mul3A_1 = arith.constant 64 : i32
    %mul3A_2 = arith.muli %add3A, %mul3A_1 : i32
    %scan3A = arith.constant 0 : i32
    %scan3A_3 = arith.constant 0 : i32
    %scan3A_4 = arith.constant 3 : i32
    %scan3A_5 = arith.addi %scan3A_3, %scan3A_4 : i32
    %scan3A_6 = arith.constant 1 : i32
    scf.for %scan3A_8 = %scan3A_3 to %scan3A_5 step %scan3A_6  : i32 {
      %jit3A = arith.constant 1 : i32
      %div3A = arith.divsi %scan3A_8, %jit3A : i32
      %sign3A = arith.constant 0 : i32
      %sign3A_9 = arith.cmpi sgt, %scan3A_8, %sign3A : i32
      %sign3A_10 = arith.extui %sign3A_9 : i1 to i32
      %sign3A_11 = arith.constant 0 : i32
      %sign3A_12 = arith.cmpi slt, %scan3A_8, %sign3A_11 : i32
      %sign3A_13 = arith.extui %sign3A_12 : i1 to i32
      %sign3A_14 = arith.subi %sign3A_10, %sign3A_13 : i32
      %sign3A_15 = arith.constant 0 : i32
      %sign3A_16 = arith.cmpi sgt, %jit3A, %sign3A_15 : i32
      %sign3A_17 = arith.extui %sign3A_16 : i1 to i32
      %sign3A_18 = arith.constant 0 : i32
      %sign3A_19 = arith.cmpi slt, %jit3A, %sign3A_18 : i32
      %sign3A_20 = arith.extui %sign3A_19 : i1 to i32
      %sign3A_21 = arith.subi %sign3A_17, %sign3A_20 : i32
      %ne3A = arith.cmpi ne, %sign3A_14, %sign3A_21 : i32
      %rem3A = arith.remsi %scan3A_8, %jit3A : i32
      %ne3A_22 = arith.constant 0 : i32
      %ne3A_23 = arith.cmpi ne, %rem3A, %ne3A_22 : i32
      %and3A = arith.andi %ne3A, %ne3A_23 : i1
      %sub3A = arith.constant 1 : i32
      %sub3A_24 = arith.subi %div3A, %sub3A : i32
      %select_n3A = arith.select %and3A, %sub3A_24, %div3A : i32
      %jit3A_25 = arith.constant 1 : i32
      %eq3A = arith.constant 0 : i32
      %eq3A_26 = arith.cmpi eq, %jit3A_25, %eq3A : i32
      %jit3A_27 = arith.constant 1 : i32
      %select_n3A_28 = arith.select %eq3A_26, %jit3A_27, %jit3A_25 : i32
      %rem3A_29 = arith.remsi %scan3A_8, %select_n3A_28 : i32
      %ne3A_30 = arith.constant 0 : i32
      %ne3A_31 = arith.cmpi ne, %rem3A_29, %ne3A_30 : i32
      %lt3A = arith.constant 0 : i32
      %lt3A_32 = arith.cmpi slt, %rem3A_29, %lt3A : i32
      %lt3A_33 = arith.constant 0 : i32
      %lt3A_34 = arith.cmpi slt, %select_n3A_28, %lt3A_33 : i32
      %ne3A_35 = arith.xori %lt3A_32, %lt3A_34 : i1
      %and3A_36 = arith.andi %ne3A_35, %ne3A_31 : i1
      %add3A_37 = arith.addi %rem3A_29, %select_n3A_28 : i32
      %select_n3A_38 = arith.select %and3A_36, %add3A_37, %rem3A_29 : i32
      %mul3A_39 = arith.constant 64 : i32
      %mul3A_40 = arith.muli %select_n3A_38, %mul3A_39 : i32
      %add3A_41 = arith.addi %mul3A_2, %mul3A_40 : i32
      %mul3A_42 = arith.constant 2048 : i32
      %mul3A_43 = arith.muli %select_n3A, %mul3A_42 : i32
      %add3A_44 = arith.addi %mul3A_43, %add3A_41 : i32
      "tpu.region"() ({
        %run_scoped3A = tpu.sem_alloc : memref<!tpu.dma_semaphore, #tpu.memory_space<semaphore_mem>>
        %dma_start3A_49 = tpu.memref_slice %arg3[%add3A_44] : memref<6144xi32, #tpu.memory_space<hbm>> -> memref<64xi32, #tpu.memory_space<hbm>>
        %dma_start3A_50 = tpu.memref_slice %arg3[%add3A_44] : memref<6144xi32, #tpu.memory_space<hbm>> -> memref<64xi32, #tpu.memory_space<hbm>>
        tpu.enqueue_dma source(%dma_start3A_50 : memref<64xi32, #tpu.memory_space<hbm>>) target(%arg5 : memref<64xi32, #tpu.memory_space<vmem>>) target_semaphore(%run_scoped3A : memref<!tpu.dma_semaphore, #tpu.memory_space<semaphore_mem>>)
        %dma_wait3A_51 = tpu.memref_slice %arg3[%add3A_44] : memref<6144xi32, #tpu.memory_space<hbm>> -> memref<64xi32, #tpu.memory_space<hbm>>
        %dma_wait3A_52 = tpu.memref_slice %arg3[%add3A_44] : memref<6144xi32, #tpu.memory_space<hbm>> -> memref<64xi32, #tpu.memory_space<hbm>>
        tpu.wait_dma2 semaphore(%run_scoped3A : memref<!tpu.dma_semaphore, #tpu.memory_space<semaphore_mem>>) src(%dma_wait3A_52 : memref<64xi32, #tpu.memory_space<hbm>>) dst(%arg5 : memref<64xi32, #tpu.memory_space<vmem>>)
        tpu.yield
      }) : () -> ()
      %dma_start3A = arith.constant 0 : i32
      %dma_start3A_45 = arith.constant 0 : i32
      %dma_start3A_46 = tpu.memref_slice %arg2[%dma_start3A, %dma_start3A_45] : memref<512x256xf32, #tpu.memory_space<hbm>> -> memref<512x256xf32, #tpu.memory_space<hbm>>
      tpu.enqueue_indirect_dma source(%dma_start3A_46 : memref<512x256xf32, #tpu.memory_space<hbm>>) target(%arg6 : memref<64x256xf32, #tpu.memory_space<vmem>>) offsets(%arg5 : memref<64xi32, #tpu.memory_space<vmem>>) semaphore(%arg7 : memref<!tpu.dma_semaphore, #tpu.memory_space<semaphore_mem>>)
      %dma_wait3A = arith.constant 0 : i32
      %dma_wait3A_47 = arith.constant 0 : i32
      %dma_wait3A_48 = tpu.memref_slice %arg2[%dma_wait3A, %dma_wait3A_47] : memref<512x256xf32, #tpu.memory_space<hbm>> -> memref<512x256xf32, #tpu.memory_space<hbm>>
      tpu.wait_indirect_dma semaphore(%arg7 : memref<!tpu.dma_semaphore, #tpu.memory_space<semaphore_mem>>) src(%dma_wait3A_48 : memref<512x256xf32, #tpu.memory_space<hbm>>) dst(%arg6 : memref<64x256xf32, #tpu.memory_space<vmem>>)
      "tpu.region"() ({
        %run_scoped3A = tpu.sem_alloc : memref<!tpu.dma_semaphore, #tpu.memory_space<semaphore_mem>>
        %dma_start3A_49 = arith.constant 0 : i32
        %dma_start3A_50 = tpu.memref_slice %arg4[%select_n3A, %add3A_41, %dma_start3A_49] : memref<3x2048x256xf32, #tpu.memory_space<hbm>> -> memref<1x64x256xf32, #tpu.memory_space<hbm>>
        %dma_start3A_51 = tpu.memref_squeeze %dma_start3A_50 : memref<1x64x256xf32, #tpu.memory_space<hbm>> -> memref<64x256xf32, #tpu.memory_space<hbm>>
        %dma_start3A_52 = arith.constant 0 : i32
        %dma_start3A_53 = tpu.memref_slice %arg4[%select_n3A, %add3A_41, %dma_start3A_52] : memref<3x2048x256xf32, #tpu.memory_space<hbm>> -> memref<1x64x256xf32, #tpu.memory_space<hbm>>
        %dma_start3A_54 = tpu.memref_squeeze %dma_start3A_53 : memref<1x64x256xf32, #tpu.memory_space<hbm>> -> memref<64x256xf32, #tpu.memory_space<hbm>>
        tpu.enqueue_dma source(%arg6 : memref<64x256xf32, #tpu.memory_space<vmem>>) target(%dma_start3A_54 : memref<64x256xf32, #tpu.memory_space<hbm>>) target_semaphore(%run_scoped3A : memref<!tpu.dma_semaphore, #tpu.memory_space<semaphore_mem>>)
        %dma_wait3A_55 = arith.constant 0 : i32
        %dma_wait3A_56 = tpu.memref_slice %arg4[%select_n3A, %add3A_41, %dma_wait3A_55] : memref<3x2048x256xf32, #tpu.memory_space<hbm>> -> memref<1x64x256xf32, #tpu.memory_space<hbm>>
        %dma_wait3A_57 = tpu.memref_squeeze %dma_wait3A_56 : memref<1x64x256xf32, #tpu.memory_space<hbm>> -> memref<64x256xf32, #tpu.memory_space<hbm>>
        %dma_wait3A_58 = arith.constant 0 : i32
        %dma_wait3A_59 = tpu.memref_slice %arg4[%select_n3A, %add3A_41, %dma_wait3A_58] : memref<3x2048x256xf32, #tpu.memory_space<hbm>> -> memref<1x64x256xf32, #tpu.memory_space<hbm>>
        %dma_wait3A_60 = tpu.memref_squeeze %dma_wait3A_59 : memref<1x64x256xf32, #tpu.memory_space<hbm>> -> memref<64x256xf32, #tpu.memory_space<hbm>>
        tpu.wait_dma2 semaphore(%run_scoped3A : memref<!tpu.dma_semaphore, #tpu.memory_space<semaphore_mem>>) src(%arg6 : memref<64x256xf32, #tpu.memory_space<vmem>>) dst(%dma_wait3A_60 : memref<64x256xf32, #tpu.memory_space<hbm>>)
        tpu.yield
      }) : () -> ()
    }
    %scan3A_7 = arith.constant 3 : i32
    return
  }
}

#map = affine_map<(d0, d1) -> (0, 0)>
#map1 = affine_map<(d0, d1) -> (0)>
#map2 = affine_map<(d0, d1) -> (0, 0, 0)>
module attributes {stable_mosaic.version = 14 : i64} {
  func.func @gather_kernel(%arg0: i32, %arg1: i32, %arg2: memref<128x512xf32, #tpu.memory_space<hbm>>, %arg3: memref<1536xi32, #tpu.memory_space<hbm>>, %arg4: memref<3x512x512xf32, #tpu.memory_space<hbm>>, %arg5: memref<16xi32, #tpu.memory_space<vmem>>, %arg6: memref<16x512xf32, #tpu.memory_space<vmem>>, %arg7: memref<!tpu.dma_semaphore, #tpu.memory_space<semaphore_mem>>) attributes {dimension_semantics = [#tpu.dimension_semantics<core_parallel>, #tpu.dimension_semantics<subcore_parallel>], iteration_bounds = array<i64: 2, 16>, scalar_prefetch = 0 : i64, scratch_operands = 3 : i64, tpu.core_type = #tpu.core_type<sc_vector_subcore>, window_params = [{transform_indices = #map}, {transform_indices = #map1}, {transform_indices = #map2}]} {
    %mul3A = arith.constant 2 : i32
    %mul3A_0 = arith.muli %arg1, %mul3A : i32
    %add3A = arith.addi %mul3A_0, %arg0 : i32
    %mul3A_1 = arith.constant 16 : i32
    %mul3A_2 = arith.muli %add3A, %mul3A_1 : i32
    %scan3A = arith.constant 0 : i32
    %scan3A_3 = arith.constant 0 : i32
    %scan3A_4 = arith.constant 3 : i32
    %scan3A_5 = arith.addi %scan3A_3, %scan3A_4 : i32
    %scan3A_6 = arith.constant 1 : i32
    scf.for %scan3A_8 = %scan3A_3 to %scan3A_5 step %scan3A_6  : i32 {
      %jit3A = arith.constant 1 : i32
      %div3A = arith.divsi %scan3A_8, %jit3A : i32
      %sign3A = arith.constant 0 : i32
      %sign3A_9 = arith.cmpi sgt, %scan3A_8, %sign3A : i32
      %sign3A_10 = arith.extui %sign3A_9 : i1 to i32
      %sign3A_11 = arith.constant 0 : i32
      %sign3A_12 = arith.cmpi slt, %scan3A_8, %sign3A_11 : i32
      %sign3A_13 = arith.extui %sign3A_12 : i1 to i32
      %sign3A_14 = arith.subi %sign3A_10, %sign3A_13 : i32
      %sign3A_15 = arith.constant 0 : i32
      %sign3A_16 = arith.cmpi sgt, %jit3A, %sign3A_15 : i32
      %sign3A_17 = arith.extui %sign3A_16 : i1 to i32
      %sign3A_18 = arith.constant 0 : i32
      %sign3A_19 = arith.cmpi slt, %jit3A, %sign3A_18 : i32
      %sign3A_20 = arith.extui %sign3A_19 : i1 to i32
      %sign3A_21 = arith.subi %sign3A_17, %sign3A_20 : i32
      %ne3A = arith.cmpi ne, %sign3A_14, %sign3A_21 : i32
      %rem3A = arith.remsi %scan3A_8, %jit3A : i32
      %ne3A_22 = arith.constant 0 : i32
      %ne3A_23 = arith.cmpi ne, %rem3A, %ne3A_22 : i32
      %and3A = arith.andi %ne3A, %ne3A_23 : i1
      %sub3A = arith.constant 1 : i32
      %sub3A_24 = arith.subi %div3A, %sub3A : i32
      %select_n3A = arith.select %and3A, %sub3A_24, %div3A : i32
      %jit3A_25 = arith.constant 1 : i32
      %eq3A = arith.constant 0 : i32
      %eq3A_26 = arith.cmpi eq, %jit3A_25, %eq3A : i32
      %jit3A_27 = arith.constant 1 : i32
      %select_n3A_28 = arith.select %eq3A_26, %jit3A_27, %jit3A_25 : i32
      %rem3A_29 = arith.remsi %scan3A_8, %select_n3A_28 : i32
      %ne3A_30 = arith.constant 0 : i32
      %ne3A_31 = arith.cmpi ne, %rem3A_29, %ne3A_30 : i32
      %lt3A = arith.constant 0 : i32
      %lt3A_32 = arith.cmpi slt, %rem3A_29, %lt3A : i32
      %lt3A_33 = arith.constant 0 : i32
      %lt3A_34 = arith.cmpi slt, %select_n3A_28, %lt3A_33 : i32
      %ne3A_35 = arith.xori %lt3A_32, %lt3A_34 : i1
      %and3A_36 = arith.andi %ne3A_35, %ne3A_31 : i1
      %add3A_37 = arith.addi %rem3A_29, %select_n3A_28 : i32
      %select_n3A_38 = arith.select %and3A_36, %add3A_37, %rem3A_29 : i32
      %mul3A_39 = arith.constant 16 : i32
      %mul3A_40 = arith.muli %select_n3A_38, %mul3A_39 : i32
      %add3A_41 = arith.addi %mul3A_2, %mul3A_40 : i32
      %mul3A_42 = arith.constant 512 : i32
      %mul3A_43 = arith.muli %select_n3A, %mul3A_42 : i32
      %add3A_44 = arith.addi %mul3A_43, %add3A_41 : i32
      "tpu.region"() ({
        %run_scoped3A = tpu.sem_alloc : memref<!tpu.dma_semaphore, #tpu.memory_space<semaphore_mem>>
        %dma_start3A_49 = tpu.memref_slice %arg3[%add3A_44] : memref<1536xi32, #tpu.memory_space<hbm>> -> memref<16xi32, #tpu.memory_space<hbm>>
        %dma_start3A_50 = tpu.memref_slice %arg3[%add3A_44] : memref<1536xi32, #tpu.memory_space<hbm>> -> memref<16xi32, #tpu.memory_space<hbm>>
        tpu.enqueue_dma source(%dma_start3A_50 : memref<16xi32, #tpu.memory_space<hbm>>) target(%arg5 : memref<16xi32, #tpu.memory_space<vmem>>) target_semaphore(%run_scoped3A : memref<!tpu.dma_semaphore, #tpu.memory_space<semaphore_mem>>)
        %dma_wait3A_51 = tpu.memref_slice %arg3[%add3A_44] : memref<1536xi32, #tpu.memory_space<hbm>> -> memref<16xi32, #tpu.memory_space<hbm>>
        %dma_wait3A_52 = tpu.memref_slice %arg3[%add3A_44] : memref<1536xi32, #tpu.memory_space<hbm>> -> memref<16xi32, #tpu.memory_space<hbm>>
        tpu.wait_dma2 semaphore(%run_scoped3A : memref<!tpu.dma_semaphore, #tpu.memory_space<semaphore_mem>>) src(%dma_wait3A_52 : memref<16xi32, #tpu.memory_space<hbm>>) dst(%arg5 : memref<16xi32, #tpu.memory_space<vmem>>)
        tpu.yield
      }) : () -> ()
      %dma_start3A = arith.constant 0 : i32
      %dma_start3A_45 = arith.constant 0 : i32
      %dma_start3A_46 = tpu.memref_slice %arg2[%dma_start3A, %dma_start3A_45] : memref<128x512xf32, #tpu.memory_space<hbm>> -> memref<128x512xf32, #tpu.memory_space<hbm>>
      tpu.enqueue_indirect_dma source(%dma_start3A_46 : memref<128x512xf32, #tpu.memory_space<hbm>>) target(%arg6 : memref<16x512xf32, #tpu.memory_space<vmem>>) offsets(%arg5 : memref<16xi32, #tpu.memory_space<vmem>>) semaphore(%arg7 : memref<!tpu.dma_semaphore, #tpu.memory_space<semaphore_mem>>)
      %dma_wait3A = arith.constant 0 : i32
      %dma_wait3A_47 = arith.constant 0 : i32
      %dma_wait3A_48 = tpu.memref_slice %arg2[%dma_wait3A, %dma_wait3A_47] : memref<128x512xf32, #tpu.memory_space<hbm>> -> memref<128x512xf32, #tpu.memory_space<hbm>>
      tpu.wait_indirect_dma semaphore(%arg7 : memref<!tpu.dma_semaphore, #tpu.memory_space<semaphore_mem>>) src(%dma_wait3A_48 : memref<128x512xf32, #tpu.memory_space<hbm>>) dst(%arg6 : memref<16x512xf32, #tpu.memory_space<vmem>>)
      "tpu.region"() ({
        %run_scoped3A = tpu.sem_alloc : memref<!tpu.dma_semaphore, #tpu.memory_space<semaphore_mem>>
        %dma_start3A_49 = arith.constant 0 : i32
        %dma_start3A_50 = tpu.memref_slice %arg4[%select_n3A, %add3A_41, %dma_start3A_49] : memref<3x512x512xf32, #tpu.memory_space<hbm>> -> memref<1x16x512xf32, #tpu.memory_space<hbm>>
        %dma_start3A_51 = tpu.memref_squeeze %dma_start3A_50 : memref<1x16x512xf32, #tpu.memory_space<hbm>> -> memref<16x512xf32, #tpu.memory_space<hbm>>
        %dma_start3A_52 = arith.constant 0 : i32
        %dma_start3A_53 = tpu.memref_slice %arg4[%select_n3A, %add3A_41, %dma_start3A_52] : memref<3x512x512xf32, #tpu.memory_space<hbm>> -> memref<1x16x512xf32, #tpu.memory_space<hbm>>
        %dma_start3A_54 = tpu.memref_squeeze %dma_start3A_53 : memref<1x16x512xf32, #tpu.memory_space<hbm>> -> memref<16x512xf32, #tpu.memory_space<hbm>>
        tpu.enqueue_dma source(%arg6 : memref<16x512xf32, #tpu.memory_space<vmem>>) target(%dma_start3A_54 : memref<16x512xf32, #tpu.memory_space<hbm>>) target_semaphore(%run_scoped3A : memref<!tpu.dma_semaphore, #tpu.memory_space<semaphore_mem>>)
        %dma_wait3A_55 = arith.constant 0 : i32
        %dma_wait3A_56 = tpu.memref_slice %arg4[%select_n3A, %add3A_41, %dma_wait3A_55] : memref<3x512x512xf32, #tpu.memory_space<hbm>> -> memref<1x16x512xf32, #tpu.memory_space<hbm>>
        %dma_wait3A_57 = tpu.memref_squeeze %dma_wait3A_56 : memref<1x16x512xf32, #tpu.memory_space<hbm>> -> memref<16x512xf32, #tpu.memory_space<hbm>>
        %dma_wait3A_58 = arith.constant 0 : i32
        %dma_wait3A_59 = tpu.memref_slice %arg4[%select_n3A, %add3A_41, %dma_wait3A_58] : memref<3x512x512xf32, #tpu.memory_space<hbm>> -> memref<1x16x512xf32, #tpu.memory_space<hbm>>
        %dma_wait3A_60 = tpu.memref_squeeze %dma_wait3A_59 : memref<1x16x512xf32, #tpu.memory_space<hbm>> -> memref<16x512xf32, #tpu.memory_space<hbm>>
        tpu.wait_dma2 semaphore(%run_scoped3A : memref<!tpu.dma_semaphore, #tpu.memory_space<semaphore_mem>>) src(%arg6 : memref<16x512xf32, #tpu.memory_space<vmem>>) dst(%dma_wait3A_60 : memref<16x512xf32, #tpu.memory_space<hbm>>)
        tpu.yield
      }) : () -> ()
    }
    %scan3A_7 = arith.constant 3 : i32
    return
  }
}

#map = affine_map<(d0, d1) -> (0, 0)>
#map1 = affine_map<(d0, d1) -> (0)>
#map2 = affine_map<(d0, d1) -> (0, 0, 0)>
module attributes {stable_mosaic.version = 14 : i64} {
  func.func @gather_kernel(%arg0: i32, %arg1: i32, %arg2: memref<2048x128xf32, #tpu.memory_space<hbm>>, %arg3: memref<24576xi32, #tpu.memory_space<hbm>>, %arg4: memref<3x8192x128xf32, #tpu.memory_space<hbm>>, %arg5: memref<256xi32, #tpu.memory_space<vmem>>, %arg6: memref<256x128xf32, #tpu.memory_space<vmem>>, %arg7: memref<!tpu.dma_semaphore, #tpu.memory_space<semaphore_mem>>) attributes {dimension_semantics = [#tpu.dimension_semantics<core_parallel>, #tpu.dimension_semantics<subcore_parallel>], iteration_bounds = array<i64: 2, 16>, scalar_prefetch = 0 : i64, scratch_operands = 3 : i64, tpu.core_type = #tpu.core_type<sc_vector_subcore>, window_params = [{transform_indices = #map}, {transform_indices = #map1}, {transform_indices = #map2}]} {
    %mul3A = arith.constant 2 : i32
    %mul3A_0 = arith.muli %arg1, %mul3A : i32
    %add3A = arith.addi %mul3A_0, %arg0 : i32
    %mul3A_1 = arith.constant 256 : i32
    %mul3A_2 = arith.muli %add3A, %mul3A_1 : i32
    %scan3A = arith.constant 0 : i32
    %scan3A_3 = arith.constant 0 : i32
    %scan3A_4 = arith.constant 3 : i32
    %scan3A_5 = arith.addi %scan3A_3, %scan3A_4 : i32
    %scan3A_6 = arith.constant 1 : i32
    scf.for %scan3A_8 = %scan3A_3 to %scan3A_5 step %scan3A_6  : i32 {
      %jit3A = arith.constant 1 : i32
      %div3A = arith.divsi %scan3A_8, %jit3A : i32
      %sign3A = arith.constant 0 : i32
      %sign3A_9 = arith.cmpi sgt, %scan3A_8, %sign3A : i32
      %sign3A_10 = arith.extui %sign3A_9 : i1 to i32
      %sign3A_11 = arith.constant 0 : i32
      %sign3A_12 = arith.cmpi slt, %scan3A_8, %sign3A_11 : i32
      %sign3A_13 = arith.extui %sign3A_12 : i1 to i32
      %sign3A_14 = arith.subi %sign3A_10, %sign3A_13 : i32
      %sign3A_15 = arith.constant 0 : i32
      %sign3A_16 = arith.cmpi sgt, %jit3A, %sign3A_15 : i32
      %sign3A_17 = arith.extui %sign3A_16 : i1 to i32
      %sign3A_18 = arith.constant 0 : i32
      %sign3A_19 = arith.cmpi slt, %jit3A, %sign3A_18 : i32
      %sign3A_20 = arith.extui %sign3A_19 : i1 to i32
      %sign3A_21 = arith.subi %sign3A_17, %sign3A_20 : i32
      %ne3A = arith.cmpi ne, %sign3A_14, %sign3A_21 : i32
      %rem3A = arith.remsi %scan3A_8, %jit3A : i32
      %ne3A_22 = arith.constant 0 : i32
      %ne3A_23 = arith.cmpi ne, %rem3A, %ne3A_22 : i32
      %and3A = arith.andi %ne3A, %ne3A_23 : i1
      %sub3A = arith.constant 1 : i32
      %sub3A_24 = arith.subi %div3A, %sub3A : i32
      %select_n3A = arith.select %and3A, %sub3A_24, %div3A : i32
      %jit3A_25 = arith.constant 1 : i32
      %eq3A = arith.constant 0 : i32
      %eq3A_26 = arith.cmpi eq, %jit3A_25, %eq3A : i32
      %jit3A_27 = arith.constant 1 : i32
      %select_n3A_28 = arith.select %eq3A_26, %jit3A_27, %jit3A_25 : i32
      %rem3A_29 = arith.remsi %scan3A_8, %select_n3A_28 : i32
      %ne3A_30 = arith.constant 0 : i32
      %ne3A_31 = arith.cmpi ne, %rem3A_29, %ne3A_30 : i32
      %lt3A = arith.constant 0 : i32
      %lt3A_32 = arith.cmpi slt, %rem3A_29, %lt3A : i32
      %lt3A_33 = arith.constant 0 : i32
      %lt3A_34 = arith.cmpi slt, %select_n3A_28, %lt3A_33 : i32
      %ne3A_35 = arith.xori %lt3A_32, %lt3A_34 : i1
      %and3A_36 = arith.andi %ne3A_35, %ne3A_31 : i1
      %add3A_37 = arith.addi %rem3A_29, %select_n3A_28 : i32
      %select_n3A_38 = arith.select %and3A_36, %add3A_37, %rem3A_29 : i32
      %mul3A_39 = arith.constant 256 : i32
      %mul3A_40 = arith.muli %select_n3A_38, %mul3A_39 : i32
      %add3A_41 = arith.addi %mul3A_2, %mul3A_40 : i32
      %mul3A_42 = arith.constant 8192 : i32
      %mul3A_43 = arith.muli %select_n3A, %mul3A_42 : i32
      %add3A_44 = arith.addi %mul3A_43, %add3A_41 : i32
      "tpu.region"() ({
        %run_scoped3A = tpu.sem_alloc : memref<!tpu.dma_semaphore, #tpu.memory_space<semaphore_mem>>
        %dma_start3A_75 = tpu.memref_slice %arg3[%add3A_44] : memref<24576xi32, #tpu.memory_space<hbm>> -> memref<256xi32, #tpu.memory_space<hbm>>
        %dma_start3A_76 = tpu.memref_slice %arg3[%add3A_44] : memref<24576xi32, #tpu.memory_space<hbm>> -> memref<256xi32, #tpu.memory_space<hbm>>
        tpu.enqueue_dma source(%dma_start3A_76 : memref<256xi32, #tpu.memory_space<hbm>>) target(%arg5 : memref<256xi32, #tpu.memory_space<vmem>>) target_semaphore(%run_scoped3A : memref<!tpu.dma_semaphore, #tpu.memory_space<semaphore_mem>>)
        %dma_wait3A_77 = tpu.memref_slice %arg3[%add3A_44] : memref<24576xi32, #tpu.memory_space<hbm>> -> memref<256xi32, #tpu.memory_space<hbm>>
        %dma_wait3A_78 = tpu.memref_slice %arg3[%add3A_44] : memref<24576xi32, #tpu.memory_space<hbm>> -> memref<256xi32, #tpu.memory_space<hbm>>
        tpu.wait_dma2 semaphore(%run_scoped3A : memref<!tpu.dma_semaphore, #tpu.memory_space<semaphore_mem>>) src(%dma_wait3A_78 : memref<256xi32, #tpu.memory_space<hbm>>) dst(%arg5 : memref<256xi32, #tpu.memory_space<vmem>>)
        tpu.yield
      }) : () -> ()
      %dma_start3A = arith.constant 0 : i32
      %dma_start3A_45 = arith.constant 0 : i32
      %dma_start3A_46 = tpu.memref_slice %arg6[%dma_start3A, %dma_start3A_45] : memref<256x128xf32, #tpu.memory_space<vmem>> -> memref<128x128xf32, #tpu.memory_space<vmem>>
      %dma_start3A_47 = arith.constant 0 : i32
      %dma_start3A_48 = tpu.memref_slice %arg5[%dma_start3A_47] : memref<256xi32, #tpu.memory_space<vmem>> -> memref<128xi32, #tpu.memory_space<vmem>>
      %dma_start3A_49 = arith.constant 0 : i32
      %dma_start3A_50 = arith.constant 0 : i32
      %dma_start3A_51 = tpu.memref_slice %arg2[%dma_start3A_49, %dma_start3A_50] : memref<2048x128xf32, #tpu.memory_space<hbm>> -> memref<2048x128xf32, #tpu.memory_space<hbm>>
      tpu.enqueue_indirect_dma source(%dma_start3A_51 : memref<2048x128xf32, #tpu.memory_space<hbm>>) target(%dma_start3A_46 : memref<128x128xf32, #tpu.memory_space<vmem>>) offsets(%dma_start3A_48 : memref<128xi32, #tpu.memory_space<vmem>>) semaphore(%arg7 : memref<!tpu.dma_semaphore, #tpu.memory_space<semaphore_mem>>)
      %dma_start3A_52 = arith.constant 128 : i32
      %dma_start3A_53 = arith.constant 0 : i32
      %dma_start3A_54 = tpu.memref_slice %arg6[%dma_start3A_52, %dma_start3A_53] : memref<256x128xf32, #tpu.memory_space<vmem>> -> memref<128x128xf32, #tpu.memory_space<vmem>>
      %dma_start3A_55 = arith.constant 128 : i32
      %dma_start3A_56 = tpu.memref_slice %arg5[%dma_start3A_55] : memref<256xi32, #tpu.memory_space<vmem>> -> memref<128xi32, #tpu.memory_space<vmem>>
      %dma_start3A_57 = arith.constant 0 : i32
      %dma_start3A_58 = arith.constant 0 : i32
      %dma_start3A_59 = tpu.memref_slice %arg2[%dma_start3A_57, %dma_start3A_58] : memref<2048x128xf32, #tpu.memory_space<hbm>> -> memref<2048x128xf32, #tpu.memory_space<hbm>>
      tpu.enqueue_indirect_dma source(%dma_start3A_59 : memref<2048x128xf32, #tpu.memory_space<hbm>>) target(%dma_start3A_54 : memref<128x128xf32, #tpu.memory_space<vmem>>) offsets(%dma_start3A_56 : memref<128xi32, #tpu.memory_space<vmem>>) semaphore(%arg7 : memref<!tpu.dma_semaphore, #tpu.memory_space<semaphore_mem>>)
      %dma_wait3A = arith.constant 0 : i32
      %dma_wait3A_60 = arith.constant 0 : i32
      %dma_wait3A_61 = tpu.memref_slice %arg6[%dma_wait3A, %dma_wait3A_60] : memref<256x128xf32, #tpu.memory_space<vmem>> -> memref<128x128xf32, #tpu.memory_space<vmem>>
      %dma_wait3A_62 = arith.constant 0 : i32
      %dma_wait3A_63 = tpu.memref_slice %arg5[%dma_wait3A_62] : memref<256xi32, #tpu.memory_space<vmem>> -> memref<128xi32, #tpu.memory_space<vmem>>
      %dma_wait3A_64 = arith.constant 0 : i32
      %dma_wait3A_65 = arith.constant 0 : i32
      %dma_wait3A_66 = tpu.memref_slice %arg2[%dma_wait3A_64, %dma_wait3A_65] : memref<2048x128xf32, #tpu.memory_space<hbm>> -> memref<2048x128xf32, #tpu.memory_space<hbm>>
      tpu.wait_indirect_dma semaphore(%arg7 : memref<!tpu.dma_semaphore, #tpu.memory_space<semaphore_mem>>) src(%dma_wait3A_66 : memref<2048x128xf32, #tpu.memory_space<hbm>>) dst(%dma_wait3A_61 : memref<128x128xf32, #tpu.memory_space<vmem>>)
      %dma_wait3A_67 = arith.constant 128 : i32
      %dma_wait3A_68 = arith.constant 0 : i32
      %dma_wait3A_69 = tpu.memref_slice %arg6[%dma_wait3A_67, %dma_wait3A_68] : memref<256x128xf32, #tpu.memory_space<vmem>> -> memref<128x128xf32, #tpu.memory_space<vmem>>
      %dma_wait3A_70 = arith.constant 128 : i32
      %dma_wait3A_71 = tpu.memref_slice %arg5[%dma_wait3A_70] : memref<256xi32, #tpu.memory_space<vmem>> -> memref<128xi32, #tpu.memory_space<vmem>>
      %dma_wait3A_72 = arith.constant 0 : i32
      %dma_wait3A_73 = arith.constant 0 : i32
      %dma_wait3A_74 = tpu.memref_slice %arg2[%dma_wait3A_72, %dma_wait3A_73] : memref<2048x128xf32, #tpu.memory_space<hbm>> -> memref<2048x128xf32, #tpu.memory_space<hbm>>
      tpu.wait_indirect_dma semaphore(%arg7 : memref<!tpu.dma_semaphore, #tpu.memory_space<semaphore_mem>>) src(%dma_wait3A_74 : memref<2048x128xf32, #tpu.memory_space<hbm>>) dst(%dma_wait3A_69 : memref<128x128xf32, #tpu.memory_space<vmem>>)
      "tpu.region"() ({
        %run_scoped3A = tpu.sem_alloc : memref<!tpu.dma_semaphore, #tpu.memory_space<semaphore_mem>>
        %dma_start3A_75 = arith.constant 0 : i32
        %dma_start3A_76 = tpu.memref_slice %arg4[%select_n3A, %add3A_41, %dma_start3A_75] : memref<3x8192x128xf32, #tpu.memory_space<hbm>> -> memref<1x256x128xf32, #tpu.memory_space<hbm>>
        %dma_start3A_77 = tpu.memref_squeeze %dma_start3A_76 : memref<1x256x128xf32, #tpu.memory_space<hbm>> -> memref<256x128xf32, #tpu.memory_space<hbm>>
        %dma_start3A_78 = arith.constant 0 : i32
        %dma_start3A_79 = tpu.memref_slice %arg4[%select_n3A, %add3A_41, %dma_start3A_78] : memref<3x8192x128xf32, #tpu.memory_space<hbm>> -> memref<1x256x128xf32, #tpu.memory_space<hbm>>
        %dma_start3A_80 = tpu.memref_squeeze %dma_start3A_79 : memref<1x256x128xf32, #tpu.memory_space<hbm>> -> memref<256x128xf32, #tpu.memory_space<hbm>>
        tpu.enqueue_dma source(%arg6 : memref<256x128xf32, #tpu.memory_space<vmem>>) target(%dma_start3A_80 : memref<256x128xf32, #tpu.memory_space<hbm>>) target_semaphore(%run_scoped3A : memref<!tpu.dma_semaphore, #tpu.memory_space<semaphore_mem>>)
        %dma_wait3A_81 = arith.constant 0 : i32
        %dma_wait3A_82 = tpu.memref_slice %arg4[%select_n3A, %add3A_41, %dma_wait3A_81] : memref<3x8192x128xf32, #tpu.memory_space<hbm>> -> memref<1x256x128xf32, #tpu.memory_space<hbm>>
        %dma_wait3A_83 = tpu.memref_squeeze %dma_wait3A_82 : memref<1x256x128xf32, #tpu.memory_space<hbm>> -> memref<256x128xf32, #tpu.memory_space<hbm>>
        %dma_wait3A_84 = arith.constant 0 : i32
        %dma_wait3A_85 = tpu.memref_slice %arg4[%select_n3A, %add3A_41, %dma_wait3A_84] : memref<3x8192x128xf32, #tpu.memory_space<hbm>> -> memref<1x256x128xf32, #tpu.memory_space<hbm>>
        %dma_wait3A_86 = tpu.memref_squeeze %dma_wait3A_85 : memref<1x256x128xf32, #tpu.memory_space<hbm>> -> memref<256x128xf32, #tpu.memory_space<hbm>>
        tpu.wait_dma2 semaphore(%run_scoped3A : memref<!tpu.dma_semaphore, #tpu.memory_space<semaphore_mem>>) src(%arg6 : memref<256x128xf32, #tpu.memory_space<vmem>>) dst(%dma_wait3A_86 : memref<256x128xf32, #tpu.memory_space<hbm>>)
        tpu.yield
      }) : () -> ()
    }
    %scan3A_7 = arith.constant 3 : i32
    return
  }
}

#map = affine_map<(d0, d1) -> (0, 0)>
#map1 = affine_map<(d0, d1) -> (0)>
#map2 = affine_map<(d0, d1) -> (0, 0, 0)>
module attributes {stable_mosaic.version = 14 : i64} {
  func.func @gather_kernel(%arg0: i32, %arg1: i32, %arg2: memref<8192x64xf32, #tpu.memory_space<hbm>>, %arg3: memref<98304xi32, #tpu.memory_space<hbm>>, %arg4: memref<3x32768x64xf32, #tpu.memory_space<hbm>>, %arg5: memref<1024xi32, #tpu.memory_space<vmem>>, %arg6: memref<1024x64xf32, #tpu.memory_space<vmem>>, %arg7: memref<!tpu.dma_semaphore, #tpu.memory_space<semaphore_mem>>) attributes {dimension_semantics = [#tpu.dimension_semantics<core_parallel>, #tpu.dimension_semantics<subcore_parallel>], iteration_bounds = array<i64: 2, 16>, scalar_prefetch = 0 : i64, scratch_operands = 3 : i64, tpu.core_type = #tpu.core_type<sc_vector_subcore>, window_params = [{transform_indices = #map}, {transform_indices = #map1}, {transform_indices = #map2}]} {
    %mul3A = arith.constant 2 : i32
    %mul3A_0 = arith.muli %arg1, %mul3A : i32
    %add3A = arith.addi %mul3A_0, %arg0 : i32
    %mul3A_1 = arith.constant 1024 : i32
    %mul3A_2 = arith.muli %add3A, %mul3A_1 : i32
    %scan3A = arith.constant 0 : i32
    %scan3A_3 = arith.constant 0 : i32
    %scan3A_4 = arith.constant 3 : i32
    %scan3A_5 = arith.addi %scan3A_3, %scan3A_4 : i32
    %scan3A_6 = arith.constant 1 : i32
    scf.for %scan3A_8 = %scan3A_3 to %scan3A_5 step %scan3A_6  : i32 {
      %jit3A = arith.constant 1 : i32
      %div3A = arith.divsi %scan3A_8, %jit3A : i32
      %sign3A = arith.constant 0 : i32
      %sign3A_9 = arith.cmpi sgt, %scan3A_8, %sign3A : i32
      %sign3A_10 = arith.extui %sign3A_9 : i1 to i32
      %sign3A_11 = arith.constant 0 : i32
      %sign3A_12 = arith.cmpi slt, %scan3A_8, %sign3A_11 : i32
      %sign3A_13 = arith.extui %sign3A_12 : i1 to i32
      %sign3A_14 = arith.subi %sign3A_10, %sign3A_13 : i32
      %sign3A_15 = arith.constant 0 : i32
      %sign3A_16 = arith.cmpi sgt, %jit3A, %sign3A_15 : i32
      %sign3A_17 = arith.extui %sign3A_16 : i1 to i32
      %sign3A_18 = arith.constant 0 : i32
      %sign3A_19 = arith.cmpi slt, %jit3A, %sign3A_18 : i32
      %sign3A_20 = arith.extui %sign3A_19 : i1 to i32
      %sign3A_21 = arith.subi %sign3A_17, %sign3A_20 : i32
      %ne3A = arith.cmpi ne, %sign3A_14, %sign3A_21 : i32
      %rem3A = arith.remsi %scan3A_8, %jit3A : i32
      %ne3A_22 = arith.constant 0 : i32
      %ne3A_23 = arith.cmpi ne, %rem3A, %ne3A_22 : i32
      %and3A = arith.andi %ne3A, %ne3A_23 : i1
      %sub3A = arith.constant 1 : i32
      %sub3A_24 = arith.subi %div3A, %sub3A : i32
      %select_n3A = arith.select %and3A, %sub3A_24, %div3A : i32
      %jit3A_25 = arith.constant 1 : i32
      %eq3A = arith.constant 0 : i32
      %eq3A_26 = arith.cmpi eq, %jit3A_25, %eq3A : i32
      %jit3A_27 = arith.constant 1 : i32
      %select_n3A_28 = arith.select %eq3A_26, %jit3A_27, %jit3A_25 : i32
      %rem3A_29 = arith.remsi %scan3A_8, %select_n3A_28 : i32
      %ne3A_30 = arith.constant 0 : i32
      %ne3A_31 = arith.cmpi ne, %rem3A_29, %ne3A_30 : i32
      %lt3A = arith.constant 0 : i32
      %lt3A_32 = arith.cmpi slt, %rem3A_29, %lt3A : i32
      %lt3A_33 = arith.constant 0 : i32
      %lt3A_34 = arith.cmpi slt, %select_n3A_28, %lt3A_33 : i32
      %ne3A_35 = arith.xori %lt3A_32, %lt3A_34 : i1
      %and3A_36 = arith.andi %ne3A_35, %ne3A_31 : i1
      %add3A_37 = arith.addi %rem3A_29, %select_n3A_28 : i32
      %select_n3A_38 = arith.select %and3A_36, %add3A_37, %rem3A_29 : i32
      %mul3A_39 = arith.constant 1024 : i32
      %mul3A_40 = arith.muli %select_n3A_38, %mul3A_39 : i32
      %add3A_41 = arith.addi %mul3A_2, %mul3A_40 : i32
      %mul3A_42 = arith.constant 32768 : i32
      %mul3A_43 = arith.muli %select_n3A, %mul3A_42 : i32
      %add3A_44 = arith.addi %mul3A_43, %add3A_41 : i32
      "tpu.region"() ({
        %run_scoped3A = tpu.sem_alloc : memref<!tpu.dma_semaphore, #tpu.memory_space<semaphore_mem>>
        %dma_start3A_171 = tpu.memref_slice %arg3[%add3A_44] : memref<98304xi32, #tpu.memory_space<hbm>> -> memref<1024xi32, #tpu.memory_space<hbm>>
        %dma_start3A_172 = tpu.memref_slice %arg3[%add3A_44] : memref<98304xi32, #tpu.memory_space<hbm>> -> memref<1024xi32, #tpu.memory_space<hbm>>
        tpu.enqueue_dma source(%dma_start3A_172 : memref<1024xi32, #tpu.memory_space<hbm>>) target(%arg5 : memref<1024xi32, #tpu.memory_space<vmem>>) target_semaphore(%run_scoped3A : memref<!tpu.dma_semaphore, #tpu.memory_space<semaphore_mem>>)
        %dma_wait3A_173 = tpu.memref_slice %arg3[%add3A_44] : memref<98304xi32, #tpu.memory_space<hbm>> -> memref<1024xi32, #tpu.memory_space<hbm>>
        %dma_wait3A_174 = tpu.memref_slice %arg3[%add3A_44] : memref<98304xi32, #tpu.memory_space<hbm>> -> memref<1024xi32, #tpu.memory_space<hbm>>
        tpu.wait_dma2 semaphore(%run_scoped3A : memref<!tpu.dma_semaphore, #tpu.memory_space<semaphore_mem>>) src(%dma_wait3A_174 : memref<1024xi32, #tpu.memory_space<hbm>>) dst(%arg5 : memref<1024xi32, #tpu.memory_space<vmem>>)
        tpu.yield
      }) : () -> ()
      %dma_start3A = arith.constant 0 : i32
      %dma_start3A_45 = arith.constant 0 : i32
      %dma_start3A_46 = tpu.memref_slice %arg6[%dma_start3A, %dma_start3A_45] : memref<1024x64xf32, #tpu.memory_space<vmem>> -> memref<128x64xf32, #tpu.memory_space<vmem>>
      %dma_start3A_47 = arith.constant 0 : i32
      %dma_start3A_48 = tpu.memref_slice %arg5[%dma_start3A_47] : memref<1024xi32, #tpu.memory_space<vmem>> -> memref<128xi32, #tpu.memory_space<vmem>>
      %dma_start3A_49 = arith.constant 0 : i32
      %dma_start3A_50 = arith.constant 0 : i32
      %dma_start3A_51 = tpu.memref_slice %arg2[%dma_start3A_49, %dma_start3A_50] : memref<8192x64xf32, #tpu.memory_space<hbm>> -> memref<8192x64xf32, #tpu.memory_space<hbm>>
      tpu.enqueue_indirect_dma source(%dma_start3A_51 : memref<8192x64xf32, #tpu.memory_space<hbm>>) target(%dma_start3A_46 : memref<128x64xf32, #tpu.memory_space<vmem>>) offsets(%dma_start3A_48 : memref<128xi32, #tpu.memory_space<vmem>>) semaphore(%arg7 : memref<!tpu.dma_semaphore, #tpu.memory_space<semaphore_mem>>)
      %dma_start3A_52 = arith.constant 128 : i32
      %dma_start3A_53 = arith.constant 0 : i32
      %dma_start3A_54 = tpu.memref_slice %arg6[%dma_start3A_52, %dma_start3A_53] : memref<1024x64xf32, #tpu.memory_space<vmem>> -> memref<128x64xf32, #tpu.memory_space<vmem>>
      %dma_start3A_55 = arith.constant 128 : i32
      %dma_start3A_56 = tpu.memref_slice %arg5[%dma_start3A_55] : memref<1024xi32, #tpu.memory_space<vmem>> -> memref<128xi32, #tpu.memory_space<vmem>>
      %dma_start3A_57 = arith.constant 0 : i32
      %dma_start3A_58 = arith.constant 0 : i32
      %dma_start3A_59 = tpu.memref_slice %arg2[%dma_start3A_57, %dma_start3A_58] : memref<8192x64xf32, #tpu.memory_space<hbm>> -> memref<8192x64xf32, #tpu.memory_space<hbm>>
      tpu.enqueue_indirect_dma source(%dma_start3A_59 : memref<8192x64xf32, #tpu.memory_space<hbm>>) target(%dma_start3A_54 : memref<128x64xf32, #tpu.memory_space<vmem>>) offsets(%dma_start3A_56 : memref<128xi32, #tpu.memory_space<vmem>>) semaphore(%arg7 : memref<!tpu.dma_semaphore, #tpu.memory_space<semaphore_mem>>)
      %dma_start3A_60 = arith.constant 256 : i32
      %dma_start3A_61 = arith.constant 0 : i32
      %dma_start3A_62 = tpu.memref_slice %arg6[%dma_start3A_60, %dma_start3A_61] : memref<1024x64xf32, #tpu.memory_space<vmem>> -> memref<128x64xf32, #tpu.memory_space<vmem>>
      %dma_start3A_63 = arith.constant 256 : i32
      %dma_start3A_64 = tpu.memref_slice %arg5[%dma_start3A_63] : memref<1024xi32, #tpu.memory_space<vmem>> -> memref<128xi32, #tpu.memory_space<vmem>>
      %dma_start3A_65 = arith.constant 0 : i32
      %dma_start3A_66 = arith.constant 0 : i32
      %dma_start3A_67 = tpu.memref_slice %arg2[%dma_start3A_65, %dma_start3A_66] : memref<8192x64xf32, #tpu.memory_space<hbm>> -> memref<8192x64xf32, #tpu.memory_space<hbm>>
      tpu.enqueue_indirect_dma source(%dma_start3A_67 : memref<8192x64xf32, #tpu.memory_space<hbm>>) target(%dma_start3A_62 : memref<128x64xf32, #tpu.memory_space<vmem>>) offsets(%dma_start3A_64 : memref<128xi32, #tpu.memory_space<vmem>>) semaphore(%arg7 : memref<!tpu.dma_semaphore, #tpu.memory_space<semaphore_mem>>)
      %dma_start3A_68 = arith.constant 384 : i32
      %dma_start3A_69 = arith.constant 0 : i32
      %dma_start3A_70 = tpu.memref_slice %arg6[%dma_start3A_68, %dma_start3A_69] : memref<1024x64xf32, #tpu.memory_space<vmem>> -> memref<128x64xf32, #tpu.memory_space<vmem>>
      %dma_start3A_71 = arith.constant 384 : i32
      %dma_start3A_72 = tpu.memref_slice %arg5[%dma_start3A_71] : memref<1024xi32, #tpu.memory_space<vmem>> -> memref<128xi32, #tpu.memory_space<vmem>>
      %dma_start3A_73 = arith.constant 0 : i32
      %dma_start3A_74 = arith.constant 0 : i32
      %dma_start3A_75 = tpu.memref_slice %arg2[%dma_start3A_73, %dma_start3A_74] : memref<8192x64xf32, #tpu.memory_space<hbm>> -> memref<8192x64xf32, #tpu.memory_space<hbm>>
      tpu.enqueue_indirect_dma source(%dma_start3A_75 : memref<8192x64xf32, #tpu.memory_space<hbm>>) target(%dma_start3A_70 : memref<128x64xf32, #tpu.memory_space<vmem>>) offsets(%dma_start3A_72 : memref<128xi32, #tpu.memory_space<vmem>>) semaphore(%arg7 : memref<!tpu.dma_semaphore, #tpu.memory_space<semaphore_mem>>)
      %dma_start3A_76 = arith.constant 512 : i32
      %dma_start3A_77 = arith.constant 0 : i32
      %dma_start3A_78 = tpu.memref_slice %arg6[%dma_start3A_76, %dma_start3A_77] : memref<1024x64xf32, #tpu.memory_space<vmem>> -> memref<128x64xf32, #tpu.memory_space<vmem>>
      %dma_start3A_79 = arith.constant 512 : i32
      %dma_start3A_80 = tpu.memref_slice %arg5[%dma_start3A_79] : memref<1024xi32, #tpu.memory_space<vmem>> -> memref<128xi32, #tpu.memory_space<vmem>>
      %dma_start3A_81 = arith.constant 0 : i32
      %dma_start3A_82 = arith.constant 0 : i32
      %dma_start3A_83 = tpu.memref_slice %arg2[%dma_start3A_81, %dma_start3A_82] : memref<8192x64xf32, #tpu.memory_space<hbm>> -> memref<8192x64xf32, #tpu.memory_space<hbm>>
      tpu.enqueue_indirect_dma source(%dma_start3A_83 : memref<8192x64xf32, #tpu.memory_space<hbm>>) target(%dma_start3A_78 : memref<128x64xf32, #tpu.memory_space<vmem>>) offsets(%dma_start3A_80 : memref<128xi32, #tpu.memory_space<vmem>>) semaphore(%arg7 : memref<!tpu.dma_semaphore, #tpu.memory_space<semaphore_mem>>)
      %dma_start3A_84 = arith.constant 640 : i32
      %dma_start3A_85 = arith.constant 0 : i32
      %dma_start3A_86 = tpu.memref_slice %arg6[%dma_start3A_84, %dma_start3A_85] : memref<1024x64xf32, #tpu.memory_space<vmem>> -> memref<128x64xf32, #tpu.memory_space<vmem>>
      %dma_start3A_87 = arith.constant 640 : i32
      %dma_start3A_88 = tpu.memref_slice %arg5[%dma_start3A_87] : memref<1024xi32, #tpu.memory_space<vmem>> -> memref<128xi32, #tpu.memory_space<vmem>>
      %dma_start3A_89 = arith.constant 0 : i32
      %dma_start3A_90 = arith.constant 0 : i32
      %dma_start3A_91 = tpu.memref_slice %arg2[%dma_start3A_89, %dma_start3A_90] : memref<8192x64xf32, #tpu.memory_space<hbm>> -> memref<8192x64xf32, #tpu.memory_space<hbm>>
      tpu.enqueue_indirect_dma source(%dma_start3A_91 : memref<8192x64xf32, #tpu.memory_space<hbm>>) target(%dma_start3A_86 : memref<128x64xf32, #tpu.memory_space<vmem>>) offsets(%dma_start3A_88 : memref<128xi32, #tpu.memory_space<vmem>>) semaphore(%arg7 : memref<!tpu.dma_semaphore, #tpu.memory_space<semaphore_mem>>)
      %dma_start3A_92 = arith.constant 768 : i32
      %dma_start3A_93 = arith.constant 0 : i32
      %dma_start3A_94 = tpu.memref_slice %arg6[%dma_start3A_92, %dma_start3A_93] : memref<1024x64xf32, #tpu.memory_space<vmem>> -> memref<128x64xf32, #tpu.memory_space<vmem>>
      %dma_start3A_95 = arith.constant 768 : i32
      %dma_start3A_96 = tpu.memref_slice %arg5[%dma_start3A_95] : memref<1024xi32, #tpu.memory_space<vmem>> -> memref<128xi32, #tpu.memory_space<vmem>>
      %dma_start3A_97 = arith.constant 0 : i32
      %dma_start3A_98 = arith.constant 0 : i32
      %dma_start3A_99 = tpu.memref_slice %arg2[%dma_start3A_97, %dma_start3A_98] : memref<8192x64xf32, #tpu.memory_space<hbm>> -> memref<8192x64xf32, #tpu.memory_space<hbm>>
      tpu.enqueue_indirect_dma source(%dma_start3A_99 : memref<8192x64xf32, #tpu.memory_space<hbm>>) target(%dma_start3A_94 : memref<128x64xf32, #tpu.memory_space<vmem>>) offsets(%dma_start3A_96 : memref<128xi32, #tpu.memory_space<vmem>>) semaphore(%arg7 : memref<!tpu.dma_semaphore, #tpu.memory_space<semaphore_mem>>)
      %dma_start3A_100 = arith.constant 896 : i32
      %dma_start3A_101 = arith.constant 0 : i32
      %dma_start3A_102 = tpu.memref_slice %arg6[%dma_start3A_100, %dma_start3A_101] : memref<1024x64xf32, #tpu.memory_space<vmem>> -> memref<128x64xf32, #tpu.memory_space<vmem>>
      %dma_start3A_103 = arith.constant 896 : i32
      %dma_start3A_104 = tpu.memref_slice %arg5[%dma_start3A_103] : memref<1024xi32, #tpu.memory_space<vmem>> -> memref<128xi32, #tpu.memory_space<vmem>>
      %dma_start3A_105 = arith.constant 0 : i32
      %dma_start3A_106 = arith.constant 0 : i32
      %dma_start3A_107 = tpu.memref_slice %arg2[%dma_start3A_105, %dma_start3A_106] : memref<8192x64xf32, #tpu.memory_space<hbm>> -> memref<8192x64xf32, #tpu.memory_space<hbm>>
      tpu.enqueue_indirect_dma source(%dma_start3A_107 : memref<8192x64xf32, #tpu.memory_space<hbm>>) target(%dma_start3A_102 : memref<128x64xf32, #tpu.memory_space<vmem>>) offsets(%dma_start3A_104 : memref<128xi32, #tpu.memory_space<vmem>>) semaphore(%arg7 : memref<!tpu.dma_semaphore, #tpu.memory_space<semaphore_mem>>)
      %dma_wait3A = arith.constant 0 : i32
      %dma_wait3A_108 = arith.constant 0 : i32
      %dma_wait3A_109 = tpu.memref_slice %arg6[%dma_wait3A, %dma_wait3A_108] : memref<1024x64xf32, #tpu.memory_space<vmem>> -> memref<128x64xf32, #tpu.memory_space<vmem>>
      %dma_wait3A_110 = arith.constant 0 : i32
      %dma_wait3A_111 = tpu.memref_slice %arg5[%dma_wait3A_110] : memref<1024xi32, #tpu.memory_space<vmem>> -> memref<128xi32, #tpu.memory_space<vmem>>
      %dma_wait3A_112 = arith.constant 0 : i32
      %dma_wait3A_113 = arith.constant 0 : i32
      %dma_wait3A_114 = tpu.memref_slice %arg2[%dma_wait3A_112, %dma_wait3A_113] : memref<8192x64xf32, #tpu.memory_space<hbm>> -> memref<8192x64xf32, #tpu.memory_space<hbm>>
      tpu.wait_indirect_dma semaphore(%arg7 : memref<!tpu.dma_semaphore, #tpu.memory_space<semaphore_mem>>) src(%dma_wait3A_114 : memref<8192x64xf32, #tpu.memory_space<hbm>>) dst(%dma_wait3A_109 : memref<128x64xf32, #tpu.memory_space<vmem>>)
      %dma_wait3A_115 = arith.constant 128 : i32
      %dma_wait3A_116 = arith.constant 0 : i32
      %dma_wait3A_117 = tpu.memref_slice %arg6[%dma_wait3A_115, %dma_wait3A_116] : memref<1024x64xf32, #tpu.memory_space<vmem>> -> memref<128x64xf32, #tpu.memory_space<vmem>>
      %dma_wait3A_118 = arith.constant 128 : i32
      %dma_wait3A_119 = tpu.memref_slice %arg5[%dma_wait3A_118] : memref<1024xi32, #tpu.memory_space<vmem>> -> memref<128xi32, #tpu.memory_space<vmem>>
      %dma_wait3A_120 = arith.constant 0 : i32
      %dma_wait3A_121 = arith.constant 0 : i32
      %dma_wait3A_122 = tpu.memref_slice %arg2[%dma_wait3A_120, %dma_wait3A_121] : memref<8192x64xf32, #tpu.memory_space<hbm>> -> memref<8192x64xf32, #tpu.memory_space<hbm>>
      tpu.wait_indirect_dma semaphore(%arg7 : memref<!tpu.dma_semaphore, #tpu.memory_space<semaphore_mem>>) src(%dma_wait3A_122 : memref<8192x64xf32, #tpu.memory_space<hbm>>) dst(%dma_wait3A_117 : memref<128x64xf32, #tpu.memory_space<vmem>>)
      %dma_wait3A_123 = arith.constant 256 : i32
      %dma_wait3A_124 = arith.constant 0 : i32
      %dma_wait3A_125 = tpu.memref_slice %arg6[%dma_wait3A_123, %dma_wait3A_124] : memref<1024x64xf32, #tpu.memory_space<vmem>> -> memref<128x64xf32, #tpu.memory_space<vmem>>
      %dma_wait3A_126 = arith.constant 256 : i32
      %dma_wait3A_127 = tpu.memref_slice %arg5[%dma_wait3A_126] : memref<1024xi32, #tpu.memory_space<vmem>> -> memref<128xi32, #tpu.memory_space<vmem>>
      %dma_wait3A_128 = arith.constant 0 : i32
      %dma_wait3A_129 = arith.constant 0 : i32
      %dma_wait3A_130 = tpu.memref_slice %arg2[%dma_wait3A_128, %dma_wait3A_129] : memref<8192x64xf32, #tpu.memory_space<hbm>> -> memref<8192x64xf32, #tpu.memory_space<hbm>>
      tpu.wait_indirect_dma semaphore(%arg7 : memref<!tpu.dma_semaphore, #tpu.memory_space<semaphore_mem>>) src(%dma_wait3A_130 : memref<8192x64xf32, #tpu.memory_space<hbm>>) dst(%dma_wait3A_125 : memref<128x64xf32, #tpu.memory_space<vmem>>)
      %dma_wait3A_131 = arith.constant 384 : i32
      %dma_wait3A_132 = arith.constant 0 : i32
      %dma_wait3A_133 = tpu.memref_slice %arg6[%dma_wait3A_131, %dma_wait3A_132] : memref<1024x64xf32, #tpu.memory_space<vmem>> -> memref<128x64xf32, #tpu.memory_space<vmem>>
      %dma_wait3A_134 = arith.constant 384 : i32
      %dma_wait3A_135 = tpu.memref_slice %arg5[%dma_wait3A_134] : memref<1024xi32, #tpu.memory_space<vmem>> -> memref<128xi32, #tpu.memory_space<vmem>>
      %dma_wait3A_136 = arith.constant 0 : i32
      %dma_wait3A_137 = arith.constant 0 : i32
      %dma_wait3A_138 = tpu.memref_slice %arg2[%dma_wait3A_136, %dma_wait3A_137] : memref<8192x64xf32, #tpu.memory_space<hbm>> -> memref<8192x64xf32, #tpu.memory_space<hbm>>
      tpu.wait_indirect_dma semaphore(%arg7 : memref<!tpu.dma_semaphore, #tpu.memory_space<semaphore_mem>>) src(%dma_wait3A_138 : memref<8192x64xf32, #tpu.memory_space<hbm>>) dst(%dma_wait3A_133 : memref<128x64xf32, #tpu.memory_space<vmem>>)
      %dma_wait3A_139 = arith.constant 512 : i32
      %dma_wait3A_140 = arith.constant 0 : i32
      %dma_wait3A_141 = tpu.memref_slice %arg6[%dma_wait3A_139, %dma_wait3A_140] : memref<1024x64xf32, #tpu.memory_space<vmem>> -> memref<128x64xf32, #tpu.memory_space<vmem>>
      %dma_wait3A_142 = arith.constant 512 : i32
      %dma_wait3A_143 = tpu.memref_slice %arg5[%dma_wait3A_142] : memref<1024xi32, #tpu.memory_space<vmem>> -> memref<128xi32, #tpu.memory_space<vmem>>
      %dma_wait3A_144 = arith.constant 0 : i32
      %dma_wait3A_145 = arith.constant 0 : i32
      %dma_wait3A_146 = tpu.memref_slice %arg2[%dma_wait3A_144, %dma_wait3A_145] : memref<8192x64xf32, #tpu.memory_space<hbm>> -> memref<8192x64xf32, #tpu.memory_space<hbm>>
      tpu.wait_indirect_dma semaphore(%arg7 : memref<!tpu.dma_semaphore, #tpu.memory_space<semaphore_mem>>) src(%dma_wait3A_146 : memref<8192x64xf32, #tpu.memory_space<hbm>>) dst(%dma_wait3A_141 : memref<128x64xf32, #tpu.memory_space<vmem>>)
      %dma_wait3A_147 = arith.constant 640 : i32
      %dma_wait3A_148 = arith.constant 0 : i32
      %dma_wait3A_149 = tpu.memref_slice %arg6[%dma_wait3A_147, %dma_wait3A_148] : memref<1024x64xf32, #tpu.memory_space<vmem>> -> memref<128x64xf32, #tpu.memory_space<vmem>>
      %dma_wait3A_150 = arith.constant 640 : i32
      %dma_wait3A_151 = tpu.memref_slice %arg5[%dma_wait3A_150] : memref<1024xi32, #tpu.memory_space<vmem>> -> memref<128xi32, #tpu.memory_space<vmem>>
      %dma_wait3A_152 = arith.constant 0 : i32
      %dma_wait3A_153 = arith.constant 0 : i32
      %dma_wait3A_154 = tpu.memref_slice %arg2[%dma_wait3A_152, %dma_wait3A_153] : memref<8192x64xf32, #tpu.memory_space<hbm>> -> memref<8192x64xf32, #tpu.memory_space<hbm>>
      tpu.wait_indirect_dma semaphore(%arg7 : memref<!tpu.dma_semaphore, #tpu.memory_space<semaphore_mem>>) src(%dma_wait3A_154 : memref<8192x64xf32, #tpu.memory_space<hbm>>) dst(%dma_wait3A_149 : memref<128x64xf32, #tpu.memory_space<vmem>>)
      %dma_wait3A_155 = arith.constant 768 : i32
      %dma_wait3A_156 = arith.constant 0 : i32
      %dma_wait3A_157 = tpu.memref_slice %arg6[%dma_wait3A_155, %dma_wait3A_156] : memref<1024x64xf32, #tpu.memory_space<vmem>> -> memref<128x64xf32, #tpu.memory_space<vmem>>
      %dma_wait3A_158 = arith.constant 768 : i32
      %dma_wait3A_159 = tpu.memref_slice %arg5[%dma_wait3A_158] : memref<1024xi32, #tpu.memory_space<vmem>> -> memref<128xi32, #tpu.memory_space<vmem>>
      %dma_wait3A_160 = arith.constant 0 : i32
      %dma_wait3A_161 = arith.constant 0 : i32
      %dma_wait3A_162 = tpu.memref_slice %arg2[%dma_wait3A_160, %dma_wait3A_161] : memref<8192x64xf32, #tpu.memory_space<hbm>> -> memref<8192x64xf32, #tpu.memory_space<hbm>>
      tpu.wait_indirect_dma semaphore(%arg7 : memref<!tpu.dma_semaphore, #tpu.memory_space<semaphore_mem>>) src(%dma_wait3A_162 : memref<8192x64xf32, #tpu.memory_space<hbm>>) dst(%dma_wait3A_157 : memref<128x64xf32, #tpu.memory_space<vmem>>)
      %dma_wait3A_163 = arith.constant 896 : i32
      %dma_wait3A_164 = arith.constant 0 : i32
      %dma_wait3A_165 = tpu.memref_slice %arg6[%dma_wait3A_163, %dma_wait3A_164] : memref<1024x64xf32, #tpu.memory_space<vmem>> -> memref<128x64xf32, #tpu.memory_space<vmem>>
      %dma_wait3A_166 = arith.constant 896 : i32
      %dma_wait3A_167 = tpu.memref_slice %arg5[%dma_wait3A_166] : memref<1024xi32, #tpu.memory_space<vmem>> -> memref<128xi32, #tpu.memory_space<vmem>>
      %dma_wait3A_168 = arith.constant 0 : i32
      %dma_wait3A_169 = arith.constant 0 : i32
      %dma_wait3A_170 = tpu.memref_slice %arg2[%dma_wait3A_168, %dma_wait3A_169] : memref<8192x64xf32, #tpu.memory_space<hbm>> -> memref<8192x64xf32, #tpu.memory_space<hbm>>
      tpu.wait_indirect_dma semaphore(%arg7 : memref<!tpu.dma_semaphore, #tpu.memory_space<semaphore_mem>>) src(%dma_wait3A_170 : memref<8192x64xf32, #tpu.memory_space<hbm>>) dst(%dma_wait3A_165 : memref<128x64xf32, #tpu.memory_space<vmem>>)
      "tpu.region"() ({
        %run_scoped3A = tpu.sem_alloc : memref<!tpu.dma_semaphore, #tpu.memory_space<semaphore_mem>>
        %dma_start3A_171 = arith.constant 0 : i32
        %dma_start3A_172 = tpu.memref_slice %arg4[%select_n3A, %add3A_41, %dma_start3A_171] : memref<3x32768x64xf32, #tpu.memory_space<hbm>> -> memref<1x1024x64xf32, #tpu.memory_space<hbm>>
        %dma_start3A_173 = tpu.memref_squeeze %dma_start3A_172 : memref<1x1024x64xf32, #tpu.memory_space<hbm>> -> memref<1024x64xf32, #tpu.memory_space<hbm>>
        %dma_start3A_174 = arith.constant 0 : i32
        %dma_start3A_175 = tpu.memref_slice %arg4[%select_n3A, %add3A_41, %dma_start3A_174] : memref<3x32768x64xf32, #tpu.memory_space<hbm>> -> memref<1x1024x64xf32, #tpu.memory_space<hbm>>
        %dma_start3A_176 = tpu.memref_squeeze %dma_start3A_175 : memref<1x1024x64xf32, #tpu.memory_space<hbm>> -> memref<1024x64xf32, #tpu.memory_space<hbm>>
        tpu.enqueue_dma source(%arg6 : memref<1024x64xf32, #tpu.memory_space<vmem>>) target(%dma_start3A_176 : memref<1024x64xf32, #tpu.memory_space<hbm>>) target_semaphore(%run_scoped3A : memref<!tpu.dma_semaphore, #tpu.memory_space<semaphore_mem>>)
        %dma_wait3A_177 = arith.constant 0 : i32
        %dma_wait3A_178 = tpu.memref_slice %arg4[%select_n3A, %add3A_41, %dma_wait3A_177] : memref<3x32768x64xf32, #tpu.memory_space<hbm>> -> memref<1x1024x64xf32, #tpu.memory_space<hbm>>
        %dma_wait3A_179 = tpu.memref_squeeze %dma_wait3A_178 : memref<1x1024x64xf32, #tpu.memory_space<hbm>> -> memref<1024x64xf32, #tpu.memory_space<hbm>>
        %dma_wait3A_180 = arith.constant 0 : i32
        %dma_wait3A_181 = tpu.memref_slice %arg4[%select_n3A, %add3A_41, %dma_wait3A_180] : memref<3x32768x64xf32, #tpu.memory_space<hbm>> -> memref<1x1024x64xf32, #tpu.memory_space<hbm>>
        %dma_wait3A_182 = tpu.memref_squeeze %dma_wait3A_181 : memref<1x1024x64xf32, #tpu.memory_space<hbm>> -> memref<1024x64xf32, #tpu.memory_space<hbm>>
        tpu.wait_dma2 semaphore(%run_scoped3A : memref<!tpu.dma_semaphore, #tpu.memory_space<semaphore_mem>>) src(%arg6 : memref<1024x64xf32, #tpu.memory_space<vmem>>) dst(%dma_wait3A_182 : memref<1024x64xf32, #tpu.memory_space<hbm>>)
        tpu.yield
      }) : () -> ()
    }
    %scan3A_7 = arith.constant 3 : i32
    return
  }
}

module attributes {stable_mosaic.version = 14 : i64} {
  func.func @_knn_body(%arg0: i32, %arg1: memref<256x8xf32, #tpu.memory_space<vmem>>, %arg2: memref<1x8x128xf32, #tpu.memory_space<vmem>>, %arg3: memref<256x8xi32, #tpu.memory_space<vmem>>, %arg4: memref<256x8xf32, #tpu.memory_space<vmem>>) attributes {dimension_semantics = [#tpu.dimension_semantics<arbitrary>], iteration_bounds = array<i64: 2>, scalar_prefetch = 0 : i64, scratch_operands = 0 : i64, tpu.core_type = #tpu.core_type<tc>, window_params = [{transform_indices = @transform_0, window_bounds = array<i64: 256, 8>}, {pipeline_mode = #tpu.pipeline_mode<synchronous>, transform_indices = @transform_1, window_bounds = array<i64: 1, 8, 128>}, {transform_indices = @transform_2, window_bounds = array<i64: 256, 8>}, {transform_indices = @transform_3, window_bounds = array<i64: 256, 8>}]} {
    %get3A = arith.constant 0 : index
    %get3A_0 = arith.constant 0 : index
    %get3A_1 = vector.load %arg1[%get3A, %get3A_0] : memref<256x8xf32, #tpu.memory_space<vmem>>, vector<256x8xf32>
    %get3A_2 = arith.constant 0 : index
    %get3A_3 = arith.constant 0 : index
    %get3A_4 = arith.constant 0 : index
    %get3A_5 = vector.load %arg2[%get3A_2, %get3A_3, %get3A_4] : memref<1x8x128xf32, #tpu.memory_space<vmem>>, vector<1x8x128xf32>
    %broadcast_in_dim3A = arith.constant 0.000000e+00 : f32
    %broadcast_in_dim3A_6 = vector.broadcast %broadcast_in_dim3A : f32 to vector<1x256x128xf32>
    %slice3A = vector.extract_strided_slice %get3A_1 {offsets = [0, 0], sizes = [256, 1], strides = [1, 1]} : vector<256x8xf32> to vector<256x1xf32>
    %reshape3A = vector.shape_cast %slice3A : vector<256x1xf32> to vector<1x256x1xf32>
    %slice3A_7 = vector.extract_strided_slice %get3A_5 {offsets = [0, 0, 0], sizes = [1, 1, 128], strides = [1, 1, 1]} : vector<1x8x128xf32> to vector<1x1x128xf32>
    %sub3A = vector.broadcast %reshape3A : vector<1x256x1xf32> to vector<1x256x128xf32>
    %sub3A_8 = vector.broadcast %slice3A_7 : vector<1x1x128xf32> to vector<1x256x128xf32>
    %sub3A_9 = arith.subf %sub3A, %sub3A_8 : vector<1x256x128xf32>
    %mul3A = arith.mulf %sub3A_9, %sub3A_9 : vector<1x256x128xf32>
    %add3A = arith.addf %broadcast_in_dim3A_6, %mul3A : vector<1x256x128xf32>
    %slice3A_10 = vector.extract_strided_slice %get3A_1 {offsets = [0, 1], sizes = [256, 1], strides = [1, 1]} : vector<256x8xf32> to vector<256x1xf32>
    %reshape3A_11 = vector.shape_cast %slice3A_10 : vector<256x1xf32> to vector<1x256x1xf32>
    %slice3A_12 = vector.extract_strided_slice %get3A_5 {offsets = [0, 1, 0], sizes = [1, 1, 128], strides = [1, 1, 1]} : vector<1x8x128xf32> to vector<1x1x128xf32>
    %sub3A_13 = vector.broadcast %reshape3A_11 : vector<1x256x1xf32> to vector<1x256x128xf32>
    %sub3A_14 = vector.broadcast %slice3A_12 : vector<1x1x128xf32> to vector<1x256x128xf32>
    %sub3A_15 = arith.subf %sub3A_13, %sub3A_14 : vector<1x256x128xf32>
    %mul3A_16 = arith.mulf %sub3A_15, %sub3A_15 : vector<1x256x128xf32>
    %add3A_17 = arith.addf %add3A, %mul3A_16 : vector<1x256x128xf32>
    %slice3A_18 = vector.extract_strided_slice %get3A_1 {offsets = [0, 2], sizes = [256, 1], strides = [1, 1]} : vector<256x8xf32> to vector<256x1xf32>
    %reshape3A_19 = vector.shape_cast %slice3A_18 : vector<256x1xf32> to vector<1x256x1xf32>
    %slice3A_20 = vector.extract_strided_slice %get3A_5 {offsets = [0, 2, 0], sizes = [1, 1, 128], strides = [1, 1, 1]} : vector<1x8x128xf32> to vector<1x1x128xf32>
    %sub3A_21 = vector.broadcast %reshape3A_19 : vector<1x256x1xf32> to vector<1x256x128xf32>
    %sub3A_22 = vector.broadcast %slice3A_20 : vector<1x1x128xf32> to vector<1x256x128xf32>
    %sub3A_23 = arith.subf %sub3A_21, %sub3A_22 : vector<1x256x128xf32>
    %mul3A_24 = arith.mulf %sub3A_23, %sub3A_23 : vector<1x256x128xf32>
    %add3A_25 = arith.addf %add3A_17, %mul3A_24 : vector<1x256x128xf32>
    %bitcast_convert_type3A = tpu.bitcast %add3A_25 : vector<1x256x128xf32> -> vector<1x256x128xi32>
    %iota3A = tpu.iota {dimensions = array<i32: 0>} : vector<1x256x128xi32>
    %and3A = arith.constant -1 : i32
    %and3A_26 = vector.broadcast %and3A : i32 to vector<1x256x128xi32>
    %and3A_27 = arith.andi %bitcast_convert_type3A, %and3A_26 : vector<1x256x128xi32>
    %or3A = arith.ori %and3A_27, %iota3A : vector<1x256x128xi32>
    %bitcast_convert_type3A_28 = tpu.bitcast %or3A : vector<1x256x128xi32> -> vector<1x256x128xf32>
    %reduce_min3A = arith.constant dense<0x7F800000> : vector<256x128xf32>
    %reduce_min3A_29 = vector.multi_reduction <minimumf>, %bitcast_convert_type3A_28, %reduce_min3A [0] : vector<1x256x128xf32> to vector<256x128xf32>
    %broadcast_in_dim3A_30 = vector.shape_cast %reduce_min3A_29 : vector<256x128xf32> to vector<1x256x128xf32>
    %eq3A = arith.cmpf oeq, %bitcast_convert_type3A_28, %broadcast_in_dim3A_30 : vector<1x256x128xf32>
    %jit3A = arith.constant 0x7F800000 : f32
    %broadcast_in_dim3A_31 = vector.broadcast %jit3A : f32 to vector<1x256x128xf32>
    %select_n3A = arith.select %eq3A, %broadcast_in_dim3A_31, %bitcast_convert_type3A_28 : vector<1x256x128xi1>, vector<1x256x128xf32>
    %reduce_min3A_32 = arith.constant dense<0x7F800000> : vector<256x128xf32>
    %reduce_min3A_33 = vector.multi_reduction <minimumf>, %select_n3A, %reduce_min3A_32 [0] : vector<1x256x128xf32> to vector<256x128xf32>
    %broadcast_in_dim3A_34 = vector.shape_cast %reduce_min3A_33 : vector<256x128xf32> to vector<1x256x128xf32>
    %eq3A_35 = arith.cmpf oeq, %select_n3A, %broadcast_in_dim3A_34 : vector<1x256x128xf32>
    %jit3A_36 = arith.constant 0x7F800000 : f32
    %broadcast_in_dim3A_37 = vector.broadcast %jit3A_36 : f32 to vector<1x256x128xf32>
    %select_n3A_38 = arith.select %eq3A_35, %broadcast_in_dim3A_37, %select_n3A : vector<1x256x128xi1>, vector<1x256x128xf32>
    %reduce_min3A_39 = arith.constant dense<0x7F800000> : vector<256x128xf32>
    %reduce_min3A_40 = vector.multi_reduction <minimumf>, %select_n3A_38, %reduce_min3A_39 [0] : vector<1x256x128xf32> to vector<256x128xf32>
    %iota3A_41 = tpu.iota {dimensions = array<i32: 1>} : vector<256x128xi32>
    %reduce_min3A_42 = arith.constant dense<0x7F800000> : vector<256xf32>
    %reduce_min3A_43 = vector.multi_reduction <minimumf>, %reduce_min3A_29, %reduce_min3A_42 [1] : vector<256x128xf32> to vector<256xf32>
    %broadcast_in_dim3A_44 = vector.shape_cast %reduce_min3A_43 : vector<256xf32> to vector<256x1xf32>
    %eq3A_45 = vector.broadcast %broadcast_in_dim3A_44 : vector<256x1xf32> to vector<256x128xf32>
    %eq3A_46 = arith.cmpf oeq, %reduce_min3A_29, %eq3A_45 : vector<256x128xf32>
    %jit3A_47 = arith.constant 128 : i32
    %broadcast_in_dim3A_48 = vector.broadcast %jit3A_47 : i32 to vector<256x128xi32>
    %select_n3A_49 = arith.select %eq3A_46, %iota3A_41, %broadcast_in_dim3A_48 : vector<256x128xi1>, vector<256x128xi32>
    %reduce_min3A_50 = arith.constant dense<2147483647> : vector<256xi32>
    %reduce_min3A_51 = vector.multi_reduction <minsi>, %select_n3A_49, %reduce_min3A_50 [1] : vector<256x128xi32> to vector<256xi32>
    %broadcast_in_dim3A_52 = vector.shape_cast %reduce_min3A_51 : vector<256xi32> to vector<256x1xi32>
    %bitcast_convert_type3A_53 = tpu.bitcast %broadcast_in_dim3A_44 : vector<256x1xf32> -> vector<256x1xi32>
    %and3A_54 = arith.constant 0 : i32
    %and3A_55 = vector.broadcast %and3A_54 : i32 to vector<256x1xi32>
    %and3A_56 = arith.andi %bitcast_convert_type3A_53, %and3A_55 : vector<256x1xi32>
    %mul3A_57 = arith.constant 128 : i32
    %mul3A_58 = vector.broadcast %mul3A_57 : i32 to vector<256x1xi32>
    %mul3A_59 = arith.muli %and3A_56, %mul3A_58 : vector<256x1xi32>
    %add3A_60 = arith.addi %mul3A_59, %broadcast_in_dim3A_52 : vector<256x1xi32>
    %and3A_61 = arith.constant -1 : i32
    %and3A_62 = vector.broadcast %and3A_61 : i32 to vector<256x1xi32>
    %and3A_63 = arith.andi %bitcast_convert_type3A_53, %and3A_62 : vector<256x1xi32>
    %bitcast_convert_type3A_64 = tpu.bitcast %and3A_63 : vector<256x1xi32> -> vector<256x1xf32>
    %eq3A_65 = vector.broadcast %broadcast_in_dim3A_44 : vector<256x1xf32> to vector<256x128xf32>
    %eq3A_66 = arith.cmpf oeq, %reduce_min3A_29, %eq3A_65 : vector<256x128xf32>
    %jit3A_67 = arith.constant 0x7F800000 : f32
    %broadcast_in_dim3A_68 = vector.broadcast %jit3A_67 : f32 to vector<256x128xf32>
    %select_n3A_69 = arith.select %eq3A_66, %broadcast_in_dim3A_68, %reduce_min3A_29 : vector<256x128xi1>, vector<256x128xf32>
    %reduce_min3A_70 = arith.constant dense<0x7F800000> : vector<256xf32>
    %reduce_min3A_71 = vector.multi_reduction <minimumf>, %select_n3A_69, %reduce_min3A_70 [1] : vector<256x128xf32> to vector<256xf32>
    %broadcast_in_dim3A_72 = vector.shape_cast %reduce_min3A_71 : vector<256xf32> to vector<256x1xf32>
    %reduce_min3A_73 = arith.constant dense<0x7F800000> : vector<256xf32>
    %reduce_min3A_74 = vector.multi_reduction <minimumf>, %reduce_min3A_33, %reduce_min3A_73 [1] : vector<256x128xf32> to vector<256xf32>
    %broadcast_in_dim3A_75 = vector.shape_cast %reduce_min3A_74 : vector<256xf32> to vector<256x1xf32>
    %min3A = arith.minimumf %broadcast_in_dim3A_72, %broadcast_in_dim3A_75 : vector<256x1xf32>
    %min3A_76 = arith.minimumf %select_n3A_69, %reduce_min3A_33 : vector<256x128xf32>
    %eq3A_77 = vector.broadcast %min3A : vector<256x1xf32> to vector<256x128xf32>
    %eq3A_78 = arith.cmpf oeq, %min3A_76, %eq3A_77 : vector<256x128xf32>
    %jit3A_79 = arith.constant 128 : i32
    %broadcast_in_dim3A_80 = vector.broadcast %jit3A_79 : i32 to vector<256x128xi32>
    %select_n3A_81 = arith.select %eq3A_78, %iota3A_41, %broadcast_in_dim3A_80 : vector<256x128xi1>, vector<256x128xi32>
    %reduce_min3A_82 = arith.constant dense<2147483647> : vector<256xi32>
    %reduce_min3A_83 = vector.multi_reduction <minsi>, %select_n3A_81, %reduce_min3A_82 [1] : vector<256x128xi32> to vector<256xi32>
    %broadcast_in_dim3A_84 = vector.shape_cast %reduce_min3A_83 : vector<256xi32> to vector<256x1xi32>
    %bitcast_convert_type3A_85 = tpu.bitcast %min3A : vector<256x1xf32> -> vector<256x1xi32>
    %and3A_86 = arith.constant 0 : i32
    %and3A_87 = vector.broadcast %and3A_86 : i32 to vector<256x1xi32>
    %and3A_88 = arith.andi %bitcast_convert_type3A_85, %and3A_87 : vector<256x1xi32>
    %mul3A_89 = arith.constant 128 : i32
    %mul3A_90 = vector.broadcast %mul3A_89 : i32 to vector<256x1xi32>
    %mul3A_91 = arith.muli %and3A_88, %mul3A_90 : vector<256x1xi32>
    %add3A_92 = arith.addi %mul3A_91, %broadcast_in_dim3A_84 : vector<256x1xi32>
    %and3A_93 = arith.constant -1 : i32
    %and3A_94 = vector.broadcast %and3A_93 : i32 to vector<256x1xi32>
    %and3A_95 = arith.andi %bitcast_convert_type3A_85, %and3A_94 : vector<256x1xi32>
    %bitcast_convert_type3A_96 = tpu.bitcast %and3A_95 : vector<256x1xi32> -> vector<256x1xf32>
    %eq3A_97 = vector.broadcast %min3A : vector<256x1xf32> to vector<256x128xf32>
    %eq3A_98 = arith.cmpf oeq, %select_n3A_69, %eq3A_97 : vector<256x128xf32>
    %jit3A_99 = arith.constant 0x7F800000 : f32
    %broadcast_in_dim3A_100 = vector.broadcast %jit3A_99 : f32 to vector<256x128xf32>
    %select_n3A_101 = arith.select %eq3A_98, %broadcast_in_dim3A_100, %select_n3A_69 : vector<256x128xi1>, vector<256x128xf32>
    %eq3A_102 = vector.broadcast %min3A : vector<256x1xf32> to vector<256x128xf32>
    %eq3A_103 = arith.cmpf oeq, %reduce_min3A_33, %eq3A_102 : vector<256x128xf32>
    %jit3A_104 = arith.constant 0x7F800000 : f32
    %broadcast_in_dim3A_105 = vector.broadcast %jit3A_104 : f32 to vector<256x128xf32>
    %select_n3A_106 = arith.select %eq3A_103, %broadcast_in_dim3A_105, %reduce_min3A_33 : vector<256x128xi1>, vector<256x128xf32>
    %reduce_min3A_107 = arith.constant dense<0x7F800000> : vector<256xf32>
    %reduce_min3A_108 = vector.multi_reduction <minimumf>, %select_n3A_101, %reduce_min3A_107 [1] : vector<256x128xf32> to vector<256xf32>
    %broadcast_in_dim3A_109 = vector.shape_cast %reduce_min3A_108 : vector<256xf32> to vector<256x1xf32>
    %reduce_min3A_110 = arith.constant dense<0x7F800000> : vector<256xf32>
    %reduce_min3A_111 = vector.multi_reduction <minimumf>, %select_n3A_106, %reduce_min3A_110 [1] : vector<256x128xf32> to vector<256xf32>
    %broadcast_in_dim3A_112 = vector.shape_cast %reduce_min3A_111 : vector<256xf32> to vector<256x1xf32>
    %min3A_113 = arith.minimumf %broadcast_in_dim3A_109, %broadcast_in_dim3A_112 : vector<256x1xf32>
    %reduce_min3A_114 = arith.constant dense<0x7F800000> : vector<256xf32>
    %reduce_min3A_115 = vector.multi_reduction <minimumf>, %reduce_min3A_40, %reduce_min3A_114 [1] : vector<256x128xf32> to vector<256xf32>
    %broadcast_in_dim3A_116 = vector.shape_cast %reduce_min3A_115 : vector<256xf32> to vector<256x1xf32>
    %min3A_117 = arith.minimumf %min3A_113, %broadcast_in_dim3A_116 : vector<256x1xf32>
    %min3A_118 = arith.minimumf %select_n3A_101, %select_n3A_106 : vector<256x128xf32>
    %min3A_119 = arith.minimumf %min3A_118, %reduce_min3A_40 : vector<256x128xf32>
    %eq3A_120 = vector.broadcast %min3A_117 : vector<256x1xf32> to vector<256x128xf32>
    %eq3A_121 = arith.cmpf oeq, %min3A_119, %eq3A_120 : vector<256x128xf32>
    %jit3A_122 = arith.constant 128 : i32
    %broadcast_in_dim3A_123 = vector.broadcast %jit3A_122 : i32 to vector<256x128xi32>
    %select_n3A_124 = arith.select %eq3A_121, %iota3A_41, %broadcast_in_dim3A_123 : vector<256x128xi1>, vector<256x128xi32>
    %reduce_min3A_125 = arith.constant dense<2147483647> : vector<256xi32>
    %reduce_min3A_126 = vector.multi_reduction <minsi>, %select_n3A_124, %reduce_min3A_125 [1] : vector<256x128xi32> to vector<256xi32>
    %broadcast_in_dim3A_127 = vector.shape_cast %reduce_min3A_126 : vector<256xi32> to vector<256x1xi32>
    %bitcast_convert_type3A_128 = tpu.bitcast %min3A_117 : vector<256x1xf32> -> vector<256x1xi32>
    %and3A_129 = arith.constant 0 : i32
    %and3A_130 = vector.broadcast %and3A_129 : i32 to vector<256x1xi32>
    %and3A_131 = arith.andi %bitcast_convert_type3A_128, %and3A_130 : vector<256x1xi32>
    %mul3A_132 = arith.constant 128 : i32
    %mul3A_133 = vector.broadcast %mul3A_132 : i32 to vector<256x1xi32>
    %mul3A_134 = arith.muli %and3A_131, %mul3A_133 : vector<256x1xi32>
    %add3A_135 = arith.addi %mul3A_134, %broadcast_in_dim3A_127 : vector<256x1xi32>
    %and3A_136 = arith.constant -1 : i32
    %and3A_137 = vector.broadcast %and3A_136 : i32 to vector<256x1xi32>
    %and3A_138 = arith.andi %bitcast_convert_type3A_128, %and3A_137 : vector<256x1xi32>
    %bitcast_convert_type3A_139 = tpu.bitcast %and3A_138 : vector<256x1xi32> -> vector<256x1xf32>
    %max3A = arith.constant 1.000000e-16 : f32
    %max3A_140 = vector.broadcast %max3A : f32 to vector<256x1xf32>
    %max3A_141 = arith.maximumf %bitcast_convert_type3A_64, %max3A_140 : vector<256x1xf32>
    %div3A = arith.constant 1.000000e+00 : f32
    %div3A_142 = vector.broadcast %div3A : f32 to vector<256x1xf32>
    %div3A_143 = arith.divf %div3A_142, %max3A_141 : vector<256x1xf32>
    %max3A_144 = arith.constant 1.000000e-16 : f32
    %max3A_145 = vector.broadcast %max3A_144 : f32 to vector<256x1xf32>
    %max3A_146 = arith.maximumf %bitcast_convert_type3A_96, %max3A_145 : vector<256x1xf32>
    %div3A_147 = arith.constant 1.000000e+00 : f32
    %div3A_148 = vector.broadcast %div3A_147 : f32 to vector<256x1xf32>
    %div3A_149 = arith.divf %div3A_148, %max3A_146 : vector<256x1xf32>
    %max3A_150 = arith.constant 1.000000e-16 : f32
    %max3A_151 = vector.broadcast %max3A_150 : f32 to vector<256x1xf32>
    %max3A_152 = arith.maximumf %bitcast_convert_type3A_139, %max3A_151 : vector<256x1xf32>
    %div3A_153 = arith.constant 1.000000e+00 : f32
    %div3A_154 = vector.broadcast %div3A_153 : f32 to vector<256x1xf32>
    %div3A_155 = arith.divf %div3A_154, %max3A_152 : vector<256x1xf32>
    %add3A_156 = arith.addf %div3A_143, %div3A_149 : vector<256x1xf32>
    %add3A_157 = arith.addf %add3A_156, %div3A_155 : vector<256x1xf32>
    %div3A_158 = arith.divf %div3A_143, %add3A_157 : vector<256x1xf32>
    %div3A_159 = arith.divf %div3A_149, %add3A_157 : vector<256x1xf32>
    %div3A_160 = arith.divf %div3A_155, %add3A_157 : vector<256x1xf32>
    %broadcast_in_dim3A_161 = arith.constant 0 : i32
    %broadcast_in_dim3A_162 = vector.broadcast %broadcast_in_dim3A_161 : i32 to vector<256x5xi32>
    %broadcast_in_dim3A_163 = arith.constant 0.000000e+00 : f32
    %broadcast_in_dim3A_164 = vector.broadcast %broadcast_in_dim3A_163 : f32 to vector<256x5xf32>
    %concatenate3A = tpu.concatenate %add3A_60, %add3A_92, %add3A_135, %broadcast_in_dim3A_162 in 1 : vector<256x1xi32>, vector<256x1xi32>, vector<256x1xi32>, vector<256x5xi32> -> vector<256x8xi32>
    %swap3A = arith.constant 0 : index
    %swap3A_165 = arith.constant 0 : index
    %swap3A_166 = vector.load %arg3[%swap3A, %swap3A_165] : memref<256x8xi32, #tpu.memory_space<vmem>>, vector<256x8xi32>
    tpu.vector_store %arg3[%swap3A, %swap3A_165], %concatenate3A {strides = array<i32>} : memref<256x8xi32, #tpu.memory_space<vmem>>, vector<256x8xi32>,
    %concatenate3A_167 = tpu.concatenate %div3A_158, %div3A_159, %div3A_160, %broadcast_in_dim3A_164 in 1 : vector<256x1xf32>, vector<256x1xf32>, vector<256x1xf32>, vector<256x5xf32> -> vector<256x8xf32>
    %swap3A_168 = arith.constant 0 : index
    %swap3A_169 = arith.constant 0 : index
    %swap3A_170 = vector.load %arg4[%swap3A_168, %swap3A_169] : memref<256x8xf32, #tpu.memory_space<vmem>>, vector<256x8xf32>
    tpu.vector_store %arg4[%swap3A_168, %swap3A_169], %concatenate3A_167 {strides = array<i32>} : memref<256x8xf32, #tpu.memory_space<vmem>>, vector<256x8xf32>,
    return
  }
  func.func @transform_0(%arg0: i32) -> (i32, i32) {
    %c0_i32 = arith.constant 0 : i32
    %c0_i32_0 = arith.constant 0 : i32
    return %arg0, %c0_i32 : i32, i32
  }
  func.func @transform_1(%arg0: i32) -> (i32, i32, i32) {
    %c0_i32 = arith.constant 0 : i32
    %c0_i32_0 = arith.constant 0 : i32
    %c0_i32_1 = arith.constant 0 : i32
    %c0_i32_2 = arith.constant 0 : i32
    return %c0_i32, %c0_i32_0, %c0_i32_1 : i32, i32, i32
  }
  func.func @transform_2(%arg0: i32) -> (i32, i32) {
    %c0_i32 = arith.constant 0 : i32
    %c0_i32_0 = arith.constant 0 : i32
    return %arg0, %c0_i32 : i32, i32
  }
  func.func @transform_3(%arg0: i32) -> (i32, i32) {
    %c0_i32 = arith.constant 0 : i32
    %c0_i32_0 = arith.constant 0 : i32
    return %arg0, %c0_i32 : i32, i32
  }
}

module attributes {stable_mosaic.version = 14 : i64} {
  func.func @_knn_body(%arg0: i32, %arg1: memref<256x8xf32, #tpu.memory_space<vmem>>, %arg2: memref<4x8x128xf32, #tpu.memory_space<vmem>>, %arg3: memref<256x8xi32, #tpu.memory_space<vmem>>, %arg4: memref<256x8xf32, #tpu.memory_space<vmem>>) attributes {dimension_semantics = [#tpu.dimension_semantics<arbitrary>], iteration_bounds = array<i64: 8>, scalar_prefetch = 0 : i64, scratch_operands = 0 : i64, tpu.core_type = #tpu.core_type<tc>, window_params = [{transform_indices = @transform_0, window_bounds = array<i64: 256, 8>}, {pipeline_mode = #tpu.pipeline_mode<synchronous>, transform_indices = @transform_1, window_bounds = array<i64: 4, 8, 128>}, {transform_indices = @transform_2, window_bounds = array<i64: 256, 8>}, {transform_indices = @transform_3, window_bounds = array<i64: 256, 8>}]} {
    %get3A = arith.constant 0 : index
    %get3A_0 = arith.constant 0 : index
    %get3A_1 = vector.load %arg1[%get3A, %get3A_0] : memref<256x8xf32, #tpu.memory_space<vmem>>, vector<256x8xf32>
    %get3A_2 = arith.constant 0 : index
    %get3A_3 = arith.constant 0 : index
    %get3A_4 = arith.constant 0 : index
    %get3A_5 = vector.load %arg2[%get3A_2, %get3A_3, %get3A_4] : memref<4x8x128xf32, #tpu.memory_space<vmem>>, vector<4x8x128xf32>
    %broadcast_in_dim3A = arith.constant 0.000000e+00 : f32
    %broadcast_in_dim3A_6 = vector.broadcast %broadcast_in_dim3A : f32 to vector<4x256x128xf32>
    %slice3A = vector.extract_strided_slice %get3A_1 {offsets = [0, 0], sizes = [256, 1], strides = [1, 1]} : vector<256x8xf32> to vector<256x1xf32>
    %reshape3A = vector.shape_cast %slice3A : vector<256x1xf32> to vector<1x256x1xf32>
    %slice3A_7 = vector.extract_strided_slice %get3A_5 {offsets = [0, 0, 0], sizes = [4, 1, 128], strides = [1, 1, 1]} : vector<4x8x128xf32> to vector<4x1x128xf32>
    %sub3A = vector.broadcast %reshape3A : vector<1x256x1xf32> to vector<4x256x128xf32>
    %sub3A_8 = vector.broadcast %slice3A_7 : vector<4x1x128xf32> to vector<4x256x128xf32>
    %sub3A_9 = arith.subf %sub3A, %sub3A_8 : vector<4x256x128xf32>
    %mul3A = arith.mulf %sub3A_9, %sub3A_9 : vector<4x256x128xf32>
    %add3A = arith.addf %broadcast_in_dim3A_6, %mul3A : vector<4x256x128xf32>
    %slice3A_10 = vector.extract_strided_slice %get3A_1 {offsets = [0, 1], sizes = [256, 1], strides = [1, 1]} : vector<256x8xf32> to vector<256x1xf32>
    %reshape3A_11 = vector.shape_cast %slice3A_10 : vector<256x1xf32> to vector<1x256x1xf32>
    %slice3A_12 = vector.extract_strided_slice %get3A_5 {offsets = [0, 1, 0], sizes = [4, 1, 128], strides = [1, 1, 1]} : vector<4x8x128xf32> to vector<4x1x128xf32>
    %sub3A_13 = vector.broadcast %reshape3A_11 : vector<1x256x1xf32> to vector<4x256x128xf32>
    %sub3A_14 = vector.broadcast %slice3A_12 : vector<4x1x128xf32> to vector<4x256x128xf32>
    %sub3A_15 = arith.subf %sub3A_13, %sub3A_14 : vector<4x256x128xf32>
    %mul3A_16 = arith.mulf %sub3A_15, %sub3A_15 : vector<4x256x128xf32>
    %add3A_17 = arith.addf %add3A, %mul3A_16 : vector<4x256x128xf32>
    %slice3A_18 = vector.extract_strided_slice %get3A_1 {offsets = [0, 2], sizes = [256, 1], strides = [1, 1]} : vector<256x8xf32> to vector<256x1xf32>
    %reshape3A_19 = vector.shape_cast %slice3A_18 : vector<256x1xf32> to vector<1x256x1xf32>
    %slice3A_20 = vector.extract_strided_slice %get3A_5 {offsets = [0, 2, 0], sizes = [4, 1, 128], strides = [1, 1, 1]} : vector<4x8x128xf32> to vector<4x1x128xf32>
    %sub3A_21 = vector.broadcast %reshape3A_19 : vector<1x256x1xf32> to vector<4x256x128xf32>
    %sub3A_22 = vector.broadcast %slice3A_20 : vector<4x1x128xf32> to vector<4x256x128xf32>
    %sub3A_23 = arith.subf %sub3A_21, %sub3A_22 : vector<4x256x128xf32>
    %mul3A_24 = arith.mulf %sub3A_23, %sub3A_23 : vector<4x256x128xf32>
    %add3A_25 = arith.addf %add3A_17, %mul3A_24 : vector<4x256x128xf32>
    %bitcast_convert_type3A = tpu.bitcast %add3A_25 : vector<4x256x128xf32> -> vector<4x256x128xi32>
    %iota3A = tpu.iota {dimensions = array<i32: 0>} : vector<4x256x128xi32>
    %and3A = arith.constant -4 : i32
    %and3A_26 = vector.broadcast %and3A : i32 to vector<4x256x128xi32>
    %and3A_27 = arith.andi %bitcast_convert_type3A, %and3A_26 : vector<4x256x128xi32>
    %or3A = arith.ori %and3A_27, %iota3A : vector<4x256x128xi32>
    %bitcast_convert_type3A_28 = tpu.bitcast %or3A : vector<4x256x128xi32> -> vector<4x256x128xf32>
    %reduce_min3A = arith.constant dense<0x7F800000> : vector<256x128xf32>
    %reduce_min3A_29 = vector.multi_reduction <minimumf>, %bitcast_convert_type3A_28, %reduce_min3A [0] : vector<4x256x128xf32> to vector<256x128xf32>
    %broadcast_in_dim3A_30 = vector.shape_cast %reduce_min3A_29 : vector<256x128xf32> to vector<1x256x128xf32>
    %eq3A = vector.broadcast %broadcast_in_dim3A_30 : vector<1x256x128xf32> to vector<4x256x128xf32>
    %eq3A_31 = arith.cmpf oeq, %bitcast_convert_type3A_28, %eq3A : vector<4x256x128xf32>
    %jit3A = arith.constant 0x7F800000 : f32
    %broadcast_in_dim3A_32 = vector.broadcast %jit3A : f32 to vector<4x256x128xf32>
    %select_n3A = arith.select %eq3A_31, %broadcast_in_dim3A_32, %bitcast_convert_type3A_28 : vector<4x256x128xi1>, vector<4x256x128xf32>
    %reduce_min3A_33 = arith.constant dense<0x7F800000> : vector<256x128xf32>
    %reduce_min3A_34 = vector.multi_reduction <minimumf>, %select_n3A, %reduce_min3A_33 [0] : vector<4x256x128xf32> to vector<256x128xf32>
    %broadcast_in_dim3A_35 = vector.shape_cast %reduce_min3A_34 : vector<256x128xf32> to vector<1x256x128xf32>
    %eq3A_36 = vector.broadcast %broadcast_in_dim3A_35 : vector<1x256x128xf32> to vector<4x256x128xf32>
    %eq3A_37 = arith.cmpf oeq, %select_n3A, %eq3A_36 : vector<4x256x128xf32>
    %jit3A_38 = arith.constant 0x7F800000 : f32
    %broadcast_in_dim3A_39 = vector.broadcast %jit3A_38 : f32 to vector<4x256x128xf32>
    %select_n3A_40 = arith.select %eq3A_37, %broadcast_in_dim3A_39, %select_n3A : vector<4x256x128xi1>, vector<4x256x128xf32>
    %reduce_min3A_41 = arith.constant dense<0x7F800000> : vector<256x128xf32>
    %reduce_min3A_42 = vector.multi_reduction <minimumf>, %select_n3A_40, %reduce_min3A_41 [0] : vector<4x256x128xf32> to vector<256x128xf32>
    %iota3A_43 = tpu.iota {dimensions = array<i32: 1>} : vector<256x128xi32>
    %reduce_min3A_44 = arith.constant dense<0x7F800000> : vector<256xf32>
    %reduce_min3A_45 = vector.multi_reduction <minimumf>, %reduce_min3A_29, %reduce_min3A_44 [1] : vector<256x128xf32> to vector<256xf32>
    %broadcast_in_dim3A_46 = vector.shape_cast %reduce_min3A_45 : vector<256xf32> to vector<256x1xf32>
    %eq3A_47 = vector.broadcast %broadcast_in_dim3A_46 : vector<256x1xf32> to vector<256x128xf32>
    %eq3A_48 = arith.cmpf oeq, %reduce_min3A_29, %eq3A_47 : vector<256x128xf32>
    %jit3A_49 = arith.constant 128 : i32
    %broadcast_in_dim3A_50 = vector.broadcast %jit3A_49 : i32 to vector<256x128xi32>
    %select_n3A_51 = arith.select %eq3A_48, %iota3A_43, %broadcast_in_dim3A_50 : vector<256x128xi1>, vector<256x128xi32>
    %reduce_min3A_52 = arith.constant dense<2147483647> : vector<256xi32>
    %reduce_min3A_53 = vector.multi_reduction <minsi>, %select_n3A_51, %reduce_min3A_52 [1] : vector<256x128xi32> to vector<256xi32>
    %broadcast_in_dim3A_54 = vector.shape_cast %reduce_min3A_53 : vector<256xi32> to vector<256x1xi32>
    %bitcast_convert_type3A_55 = tpu.bitcast %broadcast_in_dim3A_46 : vector<256x1xf32> -> vector<256x1xi32>
    %and3A_56 = arith.constant 3 : i32
    %and3A_57 = vector.broadcast %and3A_56 : i32 to vector<256x1xi32>
    %and3A_58 = arith.andi %bitcast_convert_type3A_55, %and3A_57 : vector<256x1xi32>
    %mul3A_59 = arith.constant 128 : i32
    %mul3A_60 = vector.broadcast %mul3A_59 : i32 to vector<256x1xi32>
    %mul3A_61 = arith.muli %and3A_58, %mul3A_60 : vector<256x1xi32>
    %add3A_62 = arith.addi %mul3A_61, %broadcast_in_dim3A_54 : vector<256x1xi32>
    %and3A_63 = arith.constant -4 : i32
    %and3A_64 = vector.broadcast %and3A_63 : i32 to vector<256x1xi32>
    %and3A_65 = arith.andi %bitcast_convert_type3A_55, %and3A_64 : vector<256x1xi32>
    %bitcast_convert_type3A_66 = tpu.bitcast %and3A_65 : vector<256x1xi32> -> vector<256x1xf32>
    %eq3A_67 = vector.broadcast %broadcast_in_dim3A_46 : vector<256x1xf32> to vector<256x128xf32>
    %eq3A_68 = arith.cmpf oeq, %reduce_min3A_29, %eq3A_67 : vector<256x128xf32>
    %jit3A_69 = arith.constant 0x7F800000 : f32
    %broadcast_in_dim3A_70 = vector.broadcast %jit3A_69 : f32 to vector<256x128xf32>
    %select_n3A_71 = arith.select %eq3A_68, %broadcast_in_dim3A_70, %reduce_min3A_29 : vector<256x128xi1>, vector<256x128xf32>
    %reduce_min3A_72 = arith.constant dense<0x7F800000> : vector<256xf32>
    %reduce_min3A_73 = vector.multi_reduction <minimumf>, %select_n3A_71, %reduce_min3A_72 [1] : vector<256x128xf32> to vector<256xf32>
    %broadcast_in_dim3A_74 = vector.shape_cast %reduce_min3A_73 : vector<256xf32> to vector<256x1xf32>
    %reduce_min3A_75 = arith.constant dense<0x7F800000> : vector<256xf32>
    %reduce_min3A_76 = vector.multi_reduction <minimumf>, %reduce_min3A_34, %reduce_min3A_75 [1] : vector<256x128xf32> to vector<256xf32>
    %broadcast_in_dim3A_77 = vector.shape_cast %reduce_min3A_76 : vector<256xf32> to vector<256x1xf32>
    %min3A = arith.minimumf %broadcast_in_dim3A_74, %broadcast_in_dim3A_77 : vector<256x1xf32>
    %min3A_78 = arith.minimumf %select_n3A_71, %reduce_min3A_34 : vector<256x128xf32>
    %eq3A_79 = vector.broadcast %min3A : vector<256x1xf32> to vector<256x128xf32>
    %eq3A_80 = arith.cmpf oeq, %min3A_78, %eq3A_79 : vector<256x128xf32>
    %jit3A_81 = arith.constant 128 : i32
    %broadcast_in_dim3A_82 = vector.broadcast %jit3A_81 : i32 to vector<256x128xi32>
    %select_n3A_83 = arith.select %eq3A_80, %iota3A_43, %broadcast_in_dim3A_82 : vector<256x128xi1>, vector<256x128xi32>
    %reduce_min3A_84 = arith.constant dense<2147483647> : vector<256xi32>
    %reduce_min3A_85 = vector.multi_reduction <minsi>, %select_n3A_83, %reduce_min3A_84 [1] : vector<256x128xi32> to vector<256xi32>
    %broadcast_in_dim3A_86 = vector.shape_cast %reduce_min3A_85 : vector<256xi32> to vector<256x1xi32>
    %bitcast_convert_type3A_87 = tpu.bitcast %min3A : vector<256x1xf32> -> vector<256x1xi32>
    %and3A_88 = arith.constant 3 : i32
    %and3A_89 = vector.broadcast %and3A_88 : i32 to vector<256x1xi32>
    %and3A_90 = arith.andi %bitcast_convert_type3A_87, %and3A_89 : vector<256x1xi32>
    %mul3A_91 = arith.constant 128 : i32
    %mul3A_92 = vector.broadcast %mul3A_91 : i32 to vector<256x1xi32>
    %mul3A_93 = arith.muli %and3A_90, %mul3A_92 : vector<256x1xi32>
    %add3A_94 = arith.addi %mul3A_93, %broadcast_in_dim3A_86 : vector<256x1xi32>
    %and3A_95 = arith.constant -4 : i32
    %and3A_96 = vector.broadcast %and3A_95 : i32 to vector<256x1xi32>
    %and3A_97 = arith.andi %bitcast_convert_type3A_87, %and3A_96 : vector<256x1xi32>
    %bitcast_convert_type3A_98 = tpu.bitcast %and3A_97 : vector<256x1xi32> -> vector<256x1xf32>
    %eq3A_99 = vector.broadcast %min3A : vector<256x1xf32> to vector<256x128xf32>
    %eq3A_100 = arith.cmpf oeq, %select_n3A_71, %eq3A_99 : vector<256x128xf32>
    %jit3A_101 = arith.constant 0x7F800000 : f32
    %broadcast_in_dim3A_102 = vector.broadcast %jit3A_101 : f32 to vector<256x128xf32>
    %select_n3A_103 = arith.select %eq3A_100, %broadcast_in_dim3A_102, %select_n3A_71 : vector<256x128xi1>, vector<256x128xf32>
    %eq3A_104 = vector.broadcast %min3A : vector<256x1xf32> to vector<256x128xf32>
    %eq3A_105 = arith.cmpf oeq, %reduce_min3A_34, %eq3A_104 : vector<256x128xf32>
    %jit3A_106 = arith.constant 0x7F800000 : f32
    %broadcast_in_dim3A_107 = vector.broadcast %jit3A_106 : f32 to vector<256x128xf32>
    %select_n3A_108 = arith.select %eq3A_105, %broadcast_in_dim3A_107, %reduce_min3A_34 : vector<256x128xi1>, vector<256x128xf32>
    %reduce_min3A_109 = arith.constant dense<0x7F800000> : vector<256xf32>
    %reduce_min3A_110 = vector.multi_reduction <minimumf>, %select_n3A_103, %reduce_min3A_109 [1] : vector<256x128xf32> to vector<256xf32>
    %broadcast_in_dim3A_111 = vector.shape_cast %reduce_min3A_110 : vector<256xf32> to vector<256x1xf32>
    %reduce_min3A_112 = arith.constant dense<0x7F800000> : vector<256xf32>
    %reduce_min3A_113 = vector.multi_reduction <minimumf>, %select_n3A_108, %reduce_min3A_112 [1] : vector<256x128xf32> to vector<256xf32>
    %broadcast_in_dim3A_114 = vector.shape_cast %reduce_min3A_113 : vector<256xf32> to vector<256x1xf32>
    %min3A_115 = arith.minimumf %broadcast_in_dim3A_111, %broadcast_in_dim3A_114 : vector<256x1xf32>
    %reduce_min3A_116 = arith.constant dense<0x7F800000> : vector<256xf32>
    %reduce_min3A_117 = vector.multi_reduction <minimumf>, %reduce_min3A_42, %reduce_min3A_116 [1] : vector<256x128xf32> to vector<256xf32>
    %broadcast_in_dim3A_118 = vector.shape_cast %reduce_min3A_117 : vector<256xf32> to vector<256x1xf32>
    %min3A_119 = arith.minimumf %min3A_115, %broadcast_in_dim3A_118 : vector<256x1xf32>
    %min3A_120 = arith.minimumf %select_n3A_103, %select_n3A_108 : vector<256x128xf32>
    %min3A_121 = arith.minimumf %min3A_120, %reduce_min3A_42 : vector<256x128xf32>
    %eq3A_122 = vector.broadcast %min3A_119 : vector<256x1xf32> to vector<256x128xf32>
    %eq3A_123 = arith.cmpf oeq, %min3A_121, %eq3A_122 : vector<256x128xf32>
    %jit3A_124 = arith.constant 128 : i32
    %broadcast_in_dim3A_125 = vector.broadcast %jit3A_124 : i32 to vector<256x128xi32>
    %select_n3A_126 = arith.select %eq3A_123, %iota3A_43, %broadcast_in_dim3A_125 : vector<256x128xi1>, vector<256x128xi32>
    %reduce_min3A_127 = arith.constant dense<2147483647> : vector<256xi32>
    %reduce_min3A_128 = vector.multi_reduction <minsi>, %select_n3A_126, %reduce_min3A_127 [1] : vector<256x128xi32> to vector<256xi32>
    %broadcast_in_dim3A_129 = vector.shape_cast %reduce_min3A_128 : vector<256xi32> to vector<256x1xi32>
    %bitcast_convert_type3A_130 = tpu.bitcast %min3A_119 : vector<256x1xf32> -> vector<256x1xi32>
    %and3A_131 = arith.constant 3 : i32
    %and3A_132 = vector.broadcast %and3A_131 : i32 to vector<256x1xi32>
    %and3A_133 = arith.andi %bitcast_convert_type3A_130, %and3A_132 : vector<256x1xi32>
    %mul3A_134 = arith.constant 128 : i32
    %mul3A_135 = vector.broadcast %mul3A_134 : i32 to vector<256x1xi32>
    %mul3A_136 = arith.muli %and3A_133, %mul3A_135 : vector<256x1xi32>
    %add3A_137 = arith.addi %mul3A_136, %broadcast_in_dim3A_129 : vector<256x1xi32>
    %and3A_138 = arith.constant -4 : i32
    %and3A_139 = vector.broadcast %and3A_138 : i32 to vector<256x1xi32>
    %and3A_140 = arith.andi %bitcast_convert_type3A_130, %and3A_139 : vector<256x1xi32>
    %bitcast_convert_type3A_141 = tpu.bitcast %and3A_140 : vector<256x1xi32> -> vector<256x1xf32>
    %max3A = arith.constant 1.000000e-16 : f32
    %max3A_142 = vector.broadcast %max3A : f32 to vector<256x1xf32>
    %max3A_143 = arith.maximumf %bitcast_convert_type3A_66, %max3A_142 : vector<256x1xf32>
    %div3A = arith.constant 1.000000e+00 : f32
    %div3A_144 = vector.broadcast %div3A : f32 to vector<256x1xf32>
    %div3A_145 = arith.divf %div3A_144, %max3A_143 : vector<256x1xf32>
    %max3A_146 = arith.constant 1.000000e-16 : f32
    %max3A_147 = vector.broadcast %max3A_146 : f32 to vector<256x1xf32>
    %max3A_148 = arith.maximumf %bitcast_convert_type3A_98, %max3A_147 : vector<256x1xf32>
    %div3A_149 = arith.constant 1.000000e+00 : f32
    %div3A_150 = vector.broadcast %div3A_149 : f32 to vector<256x1xf32>
    %div3A_151 = arith.divf %div3A_150, %max3A_148 : vector<256x1xf32>
    %max3A_152 = arith.constant 1.000000e-16 : f32
    %max3A_153 = vector.broadcast %max3A_152 : f32 to vector<256x1xf32>
    %max3A_154 = arith.maximumf %bitcast_convert_type3A_141, %max3A_153 : vector<256x1xf32>
    %div3A_155 = arith.constant 1.000000e+00 : f32
    %div3A_156 = vector.broadcast %div3A_155 : f32 to vector<256x1xf32>
    %div3A_157 = arith.divf %div3A_156, %max3A_154 : vector<256x1xf32>
    %add3A_158 = arith.addf %div3A_145, %div3A_151 : vector<256x1xf32>
    %add3A_159 = arith.addf %add3A_158, %div3A_157 : vector<256x1xf32>
    %div3A_160 = arith.divf %div3A_145, %add3A_159 : vector<256x1xf32>
    %div3A_161 = arith.divf %div3A_151, %add3A_159 : vector<256x1xf32>
    %div3A_162 = arith.divf %div3A_157, %add3A_159 : vector<256x1xf32>
    %broadcast_in_dim3A_163 = arith.constant 0 : i32
    %broadcast_in_dim3A_164 = vector.broadcast %broadcast_in_dim3A_163 : i32 to vector<256x5xi32>
    %broadcast_in_dim3A_165 = arith.constant 0.000000e+00 : f32
    %broadcast_in_dim3A_166 = vector.broadcast %broadcast_in_dim3A_165 : f32 to vector<256x5xf32>
    %concatenate3A = tpu.concatenate %add3A_62, %add3A_94, %add3A_137, %broadcast_in_dim3A_164 in 1 : vector<256x1xi32>, vector<256x1xi32>, vector<256x1xi32>, vector<256x5xi32> -> vector<256x8xi32>
    %swap3A = arith.constant 0 : index
    %swap3A_167 = arith.constant 0 : index
    %swap3A_168 = vector.load %arg3[%swap3A, %swap3A_167] : memref<256x8xi32, #tpu.memory_space<vmem>>, vector<256x8xi32>
    tpu.vector_store %arg3[%swap3A, %swap3A_167], %concatenate3A {strides = array<i32>} : memref<256x8xi32, #tpu.memory_space<vmem>>, vector<256x8xi32>,
    %concatenate3A_169 = tpu.concatenate %div3A_160, %div3A_161, %div3A_162, %broadcast_in_dim3A_166 in 1 : vector<256x1xf32>, vector<256x1xf32>, vector<256x1xf32>, vector<256x5xf32> -> vector<256x8xf32>
    %swap3A_170 = arith.constant 0 : index
    %swap3A_171 = arith.constant 0 : index
    %swap3A_172 = vector.load %arg4[%swap3A_170, %swap3A_171] : memref<256x8xf32, #tpu.memory_space<vmem>>, vector<256x8xf32>
    tpu.vector_store %arg4[%swap3A_170, %swap3A_171], %concatenate3A_169 {strides = array<i32>} : memref<256x8xf32, #tpu.memory_space<vmem>>, vector<256x8xf32>,
    return
  }
  func.func @transform_0(%arg0: i32) -> (i32, i32) {
    %c0_i32 = arith.constant 0 : i32
    %c0_i32_0 = arith.constant 0 : i32
    return %arg0, %c0_i32 : i32, i32
  }
  func.func @transform_1(%arg0: i32) -> (i32, i32, i32) {
    %c0_i32 = arith.constant 0 : i32
    %c0_i32_0 = arith.constant 0 : i32
    %c0_i32_1 = arith.constant 0 : i32
    %c0_i32_2 = arith.constant 0 : i32
    return %c0_i32, %c0_i32_0, %c0_i32_1 : i32, i32, i32
  }
  func.func @transform_2(%arg0: i32) -> (i32, i32) {
    %c0_i32 = arith.constant 0 : i32
    %c0_i32_0 = arith.constant 0 : i32
    return %arg0, %c0_i32 : i32, i32
  }
  func.func @transform_3(%arg0: i32) -> (i32, i32) {
    %c0_i32 = arith.constant 0 : i32
    %c0_i32_0 = arith.constant 0 : i32
    return %arg0, %c0_i32 : i32, i32
  }
}

module attributes {stable_mosaic.version = 14 : i64} {
  func.func @_mlp_a_body(%arg0: i32, %arg1: memref<512x256xf32, #tpu.memory_space<vmem>>, %arg2: memref<3x512x512xf32, #tpu.memory_space<vmem>>, %arg3: memref<512x8xf32, #tpu.memory_space<vmem>>, %arg4: memref<256x256xf32, #tpu.memory_space<vmem>>, %arg5: memref<512x256xf32, #tpu.memory_space<vmem>>, %arg6: memref<1x256xf32, #tpu.memory_space<vmem>>, %arg7: memref<512x256xf32, #tpu.memory_space<vmem>>, %arg8: memref<8x256xf32, #tpu.memory_space<vmem>>) attributes {dimension_semantics = [#tpu.dimension_semantics<arbitrary>], iteration_bounds = array<i64: 1>, scalar_prefetch = 0 : i64, scratch_operands = 0 : i64, tpu.core_type = #tpu.core_type<tc>, window_params = [{transform_indices = @transform_0, window_bounds = array<i64: 512, 256>}, {transform_indices = @transform_1, window_bounds = array<i64: 3, 512, 512>}, {transform_indices = @transform_2, window_bounds = array<i64: 512, 8>}, {pipeline_mode = #tpu.pipeline_mode<synchronous>, transform_indices = @transform_3, window_bounds = array<i64: 256, 256>}, {pipeline_mode = #tpu.pipeline_mode<synchronous>, transform_indices = @transform_4, window_bounds = array<i64: 512, 256>}, {pipeline_mode = #tpu.pipeline_mode<synchronous>, transform_indices = @transform_5, window_bounds = array<i64: 1, 256>}, {transform_indices = @transform_6, window_bounds = array<i64: 512, 256>}, {pipeline_mode = #tpu.pipeline_mode<synchronous>, transform_indices = @transform_7, window_bounds = array<i64: 8, 256>}]} {
    %get3A = arith.constant 0 : index
    %get3A_0 = arith.constant 0 : index
    %get3A_1 = vector.load %arg3[%get3A, %get3A_0] : memref<512x8xf32, #tpu.memory_space<vmem>>, vector<512x1xf32>
    %get3A_2 = arith.constant 0 : index
    %get3A_3 = arith.constant 0 : index
    %get3A_4 = arith.constant 0 : index
    %get3A_5 = vector.load %arg2[%get3A_2, %get3A_3, %get3A_4] : memref<3x512x512xf32, #tpu.memory_space<vmem>>, vector<1x512x512xf32>
    %get3A_6 = vector.shape_cast %get3A_5 : vector<1x512x512xf32> to vector<512x512xf32>
    %mul3A = vector.broadcast %get3A_1 : vector<512x1xf32> to vector<512x512xf32>
    %mul3A_7 = arith.mulf %mul3A, %get3A_6 : vector<512x512xf32>
    %get3A_8 = arith.constant 0 : index
    %get3A_9 = arith.constant 1 : index
    %get3A_10 = vector.load %arg3[%get3A_8, %get3A_9] : memref<512x8xf32, #tpu.memory_space<vmem>>, vector<512x1xf32>
    %get3A_11 = arith.constant 1 : index
    %get3A_12 = arith.constant 0 : index
    %get3A_13 = arith.constant 0 : index
    %get3A_14 = vector.load %arg2[%get3A_11, %get3A_12, %get3A_13] : memref<3x512x512xf32, #tpu.memory_space<vmem>>, vector<1x512x512xf32>
    %get3A_15 = vector.shape_cast %get3A_14 : vector<1x512x512xf32> to vector<512x512xf32>
    %mul3A_16 = vector.broadcast %get3A_10 : vector<512x1xf32> to vector<512x512xf32>
    %mul3A_17 = arith.mulf %mul3A_16, %get3A_15 : vector<512x512xf32>
    %add3A = arith.addf %mul3A_7, %mul3A_17 : vector<512x512xf32>
    %get3A_18 = arith.constant 0 : index
    %get3A_19 = arith.constant 2 : index
    %get3A_20 = vector.load %arg3[%get3A_18, %get3A_19] : memref<512x8xf32, #tpu.memory_space<vmem>>, vector<512x1xf32>
    %get3A_21 = arith.constant 2 : index
    %get3A_22 = arith.constant 0 : index
    %get3A_23 = arith.constant 0 : index
    %get3A_24 = vector.load %arg2[%get3A_21, %get3A_22, %get3A_23] : memref<3x512x512xf32, #tpu.memory_space<vmem>>, vector<1x512x512xf32>
    %get3A_25 = vector.shape_cast %get3A_24 : vector<1x512x512xf32> to vector<512x512xf32>
    %mul3A_26 = vector.broadcast %get3A_20 : vector<512x1xf32> to vector<512x512xf32>
    %mul3A_27 = arith.mulf %mul3A_26, %get3A_25 : vector<512x512xf32>
    %add3A_28 = arith.addf %add3A, %mul3A_27 : vector<512x512xf32>
    %get3A_29 = arith.constant 0 : index
    %get3A_30 = arith.constant 0 : index
    %get3A_31 = vector.load %arg1[%get3A_29, %get3A_30] : memref<512x256xf32, #tpu.memory_space<vmem>>, vector<512x256xf32>
    %get3A_32 = arith.constant 0 : index
    %get3A_33 = arith.constant 0 : index
    %get3A_34 = vector.load %arg4[%get3A_32, %get3A_33] : memref<256x256xf32, #tpu.memory_space<vmem>>, vector<256x256xf32>
    %dot_general3A = arith.constant dense<0.000000e+00> : vector<512x256xf32>
    %dot_general3A_35 = tpu.matmul %get3A_31, %get3A_34, %dot_general3A {dimension_numbers = #tpu.dot_dimension_numbers<[1], [0], [0], [1], [0, 0, 1, 1], [], []>, transpose_lhs_hint = false} : vector<512x256xf32>, vector<256x256xf32>, vector<512x256xf32> -> vector<512x256xf32>
    %get3A_36 = arith.constant 0 : index
    %get3A_37 = arith.constant 0 : index
    %get3A_38 = vector.load %arg5[%get3A_36, %get3A_37] : memref<512x256xf32, #tpu.memory_space<vmem>>, vector<512x256xf32>
    %dot_general3A_39 = arith.constant dense<0.000000e+00> : vector<512x256xf32>
    %dot_general3A_40 = tpu.matmul %add3A_28, %get3A_38, %dot_general3A_39 {dimension_numbers = #tpu.dot_dimension_numbers<[1], [0], [0], [1], [0, 0, 1, 1], [], []>, transpose_lhs_hint = false} : vector<512x512xf32>, vector<512x256xf32>, vector<512x256xf32> -> vector<512x256xf32>
    %add3A_41 = arith.addf %dot_general3A_35, %dot_general3A_40 : vector<512x256xf32>
    %get3A_42 = arith.constant 0 : index
    %get3A_43 = arith.constant 0 : index
    %get3A_44 = vector.load %arg6[%get3A_42, %get3A_43] : memref<1x256xf32, #tpu.memory_space<vmem>>, vector<1x256xf32>
    %add3A_45 = vector.broadcast %get3A_44 : vector<1x256xf32> to vector<512x256xf32>
    %add3A_46 = arith.addf %add3A_41, %add3A_45 : vector<512x256xf32>
    %swap3A = arith.constant 0 : index
    %swap3A_47 = arith.constant 0 : index
    %swap3A_48 = vector.load %arg7[%swap3A, %swap3A_47] : memref<512x256xf32, #tpu.memory_space<vmem>>, vector<512x256xf32>
    tpu.vector_store %arg7[%swap3A, %swap3A_47], %add3A_46 {strides = array<i32>} : memref<512x256xf32, #tpu.memory_space<vmem>>, vector<512x256xf32>,
    %reduce_sum3A = arith.constant dense<0.000000e+00> : vector<256xf32>
    %reduce_sum3A_49 = vector.multi_reduction <add>, %add3A_46, %reduce_sum3A [0] : vector<512x256xf32> to vector<256xf32>
    %broadcast_in_dim3A = vector.shape_cast %reduce_sum3A_49 : vector<256xf32> to vector<1x256xf32>
    %mul3A_50 = arith.mulf %add3A_46, %add3A_46 : vector<512x256xf32>
    %reduce_sum3A_51 = arith.constant dense<0.000000e+00> : vector<256xf32>
    %reduce_sum3A_52 = vector.multi_reduction <add>, %mul3A_50, %reduce_sum3A_51 [0] : vector<512x256xf32> to vector<256xf32>
    %broadcast_in_dim3A_53 = vector.shape_cast %reduce_sum3A_52 : vector<256xf32> to vector<1x256xf32>
    %broadcast_in_dim3A_54 = arith.constant 0.000000e+00 : f32
    %broadcast_in_dim3A_55 = vector.broadcast %broadcast_in_dim3A_54 : f32 to vector<6x256xf32>
    %concatenate3A = tpu.concatenate %broadcast_in_dim3A, %broadcast_in_dim3A_53, %broadcast_in_dim3A_55 in 0 : vector<1x256xf32>, vector<1x256xf32>, vector<6x256xf32> -> vector<8x256xf32>
    %eq3A = arith.constant 0 : i32
    %eq3A_56 = arith.cmpi eq, %arg0, %eq3A : i32
    %convert_element_type3A = arith.extui %eq3A_56 : i1 to i32
    %cond3A = arith.constant 0 : i32
    %cond3A_57 = arith.cmpi ne, %convert_element_type3A, %cond3A : i32
    scf.if %cond3A_57 {
      %swap3A_62 = arith.constant 0 : index
      %swap3A_63 = arith.constant 0 : index
      %swap3A_64 = vector.load %arg8[%swap3A_62, %swap3A_63] : memref<8x256xf32, #tpu.memory_space<vmem>>, vector<8x256xf32>
      tpu.vector_store %arg8[%swap3A_62, %swap3A_63], %concatenate3A {strides = array<i32>} : memref<8x256xf32, #tpu.memory_space<vmem>>, vector<8x256xf32>,
    } else {
    }
    %ne3A = arith.constant 0 : i32
    %ne3A_58 = arith.cmpi ne, %arg0, %ne3A : i32
    %convert_element_type3A_59 = arith.extui %ne3A_58 : i1 to i32
    %cond3A_60 = arith.constant 0 : i32
    %cond3A_61 = arith.cmpi ne, %convert_element_type3A_59, %cond3A_60 : i32
    scf.if %cond3A_61 {
      %get3A_62 = arith.constant 0 : index
      %get3A_63 = arith.constant 0 : index
      %get3A_64 = vector.load %arg8[%get3A_62, %get3A_63] : memref<8x256xf32, #tpu.memory_space<vmem>>, vector<8x256xf32>
      %add3A_65 = arith.addf %get3A_64, %concatenate3A : vector<8x256xf32>
      %swap3A_66 = arith.constant 0 : index
      %swap3A_67 = arith.constant 0 : index
      %swap3A_68 = vector.load %arg8[%swap3A_66, %swap3A_67] : memref<8x256xf32, #tpu.memory_space<vmem>>, vector<8x256xf32>
      tpu.vector_store %arg8[%swap3A_66, %swap3A_67], %add3A_65 {strides = array<i32>} : memref<8x256xf32, #tpu.memory_space<vmem>>, vector<8x256xf32>,
    } else {
    }
    return
  }
  func.func @transform_0(%arg0: i32) -> (i32, i32) {
    %c0_i32 = arith.constant 0 : i32
    %c0_i32_0 = arith.constant 0 : i32
    return %arg0, %c0_i32 : i32, i32
  }
  func.func @transform_1(%arg0: i32) -> (i32, i32, i32) {
    %c0_i32 = arith.constant 0 : i32
    %c0_i32_0 = arith.constant 0 : i32
    %c0_i32_1 = arith.constant 0 : i32
    return %c0_i32, %arg0, %c0_i32_0 : i32, i32, i32
  }
  func.func @transform_2(%arg0: i32) -> (i32, i32) {
    %c0_i32 = arith.constant 0 : i32
    %c0_i32_0 = arith.constant 0 : i32
    return %arg0, %c0_i32 : i32, i32
  }
  func.func @transform_3(%arg0: i32) -> (i32, i32) {
    %c0_i32 = arith.constant 0 : i32
    %c0_i32_0 = arith.constant 0 : i32
    %c0_i32_1 = arith.constant 0 : i32
    return %c0_i32, %c0_i32_0 : i32, i32
  }
  func.func @transform_4(%arg0: i32) -> (i32, i32) {
    %c0_i32 = arith.constant 0 : i32
    %c0_i32_0 = arith.constant 0 : i32
    %c0_i32_1 = arith.constant 0 : i32
    return %c0_i32, %c0_i32_0 : i32, i32
  }
  func.func @transform_5(%arg0: i32) -> (i32, i32) {
    %c0_i32 = arith.constant 0 : i32
    %c0_i32_0 = arith.constant 0 : i32
    %c0_i32_1 = arith.constant 0 : i32
    return %c0_i32, %c0_i32_0 : i32, i32
  }
  func.func @transform_6(%arg0: i32) -> (i32, i32) {
    %c0_i32 = arith.constant 0 : i32
    %c0_i32_0 = arith.constant 0 : i32
    return %arg0, %c0_i32 : i32, i32
  }
  func.func @transform_7(%arg0: i32) -> (i32, i32) {
    %c0_i32 = arith.constant 0 : i32
    %c0_i32_0 = arith.constant 0 : i32
    %c0_i32_1 = arith.constant 0 : i32
    return %c0_i32, %c0_i32_0 : i32, i32
  }
}

module attributes {stable_mosaic.version = 14 : i64} {
  func.func @_mlp_b_body(%arg0: i32, %arg1: memref<512x256xf32, #tpu.memory_space<vmem>>, %arg2: memref<8x256xf32, #tpu.memory_space<vmem>>, %arg3: memref<1x256xf32, #tpu.memory_space<vmem>>, %arg4: memref<1x256xf32, #tpu.memory_space<vmem>>, %arg5: memref<256x256xf32, #tpu.memory_space<vmem>>, %arg6: memref<1x256xf32, #tpu.memory_space<vmem>>, %arg7: memref<512x256xf32, #tpu.memory_space<vmem>>, %arg8: memref<8x256xf32, #tpu.memory_space<vmem>>) attributes {dimension_semantics = [#tpu.dimension_semantics<arbitrary>], iteration_bounds = array<i64: 1>, scalar_prefetch = 0 : i64, scratch_operands = 0 : i64, tpu.core_type = #tpu.core_type<tc>, window_params = [{transform_indices = @transform_0, window_bounds = array<i64: 512, 256>}, {pipeline_mode = #tpu.pipeline_mode<synchronous>, transform_indices = @transform_1, window_bounds = array<i64: 8, 256>}, {pipeline_mode = #tpu.pipeline_mode<synchronous>, transform_indices = @transform_2, window_bounds = array<i64: 1, 256>}, {pipeline_mode = #tpu.pipeline_mode<synchronous>, transform_indices = @transform_3, window_bounds = array<i64: 1, 256>}, {pipeline_mode = #tpu.pipeline_mode<synchronous>, transform_indices = @transform_4, window_bounds = array<i64: 256, 256>}, {pipeline_mode = #tpu.pipeline_mode<synchronous>, transform_indices = @transform_5, window_bounds = array<i64: 1, 256>}, {transform_indices = @transform_6, window_bounds = array<i64: 512, 256>}, {pipeline_mode = #tpu.pipeline_mode<synchronous>, transform_indices = @transform_7, window_bounds = array<i64: 8, 256>}]} {
    %get3A = arith.constant 0 : index
    %get3A_0 = arith.constant 0 : index
    %get3A_1 = vector.load %arg2[%get3A, %get3A_0] : memref<8x256xf32, #tpu.memory_space<vmem>>, vector<1x256xf32>
    %mul3A = arith.constant 0.001953125 : f32
    %mul3A_2 = vector.broadcast %mul3A : f32 to vector<1x256xf32>
    %mul3A_3 = arith.mulf %get3A_1, %mul3A_2 : vector<1x256xf32>
    %get3A_4 = arith.constant 1 : index
    %get3A_5 = arith.constant 0 : index
    %get3A_6 = vector.load %arg2[%get3A_4, %get3A_5] : memref<8x256xf32, #tpu.memory_space<vmem>>, vector<1x256xf32>
    %mul3A_7 = arith.constant 0.001953125 : f32
    %mul3A_8 = vector.broadcast %mul3A_7 : f32 to vector<1x256xf32>
    %mul3A_9 = arith.mulf %get3A_6, %mul3A_8 : vector<1x256xf32>
    %mul3A_10 = arith.mulf %mul3A_3, %mul3A_3 : vector<1x256xf32>
    %sub3A = arith.subf %mul3A_9, %mul3A_10 : vector<1x256xf32>
    %add3A = arith.constant 9.99999974E-6 : f32
    %add3A_11 = vector.broadcast %add3A : f32 to vector<1x256xf32>
    %add3A_12 = arith.addf %sub3A, %add3A_11 : vector<1x256xf32>
    %rsqrt3A = math.rsqrt %add3A_12 : vector<1x256xf32>
    %get3A_13 = arith.constant 0 : index
    %get3A_14 = arith.constant 0 : index
    %get3A_15 = vector.load %arg1[%get3A_13, %get3A_14] : memref<512x256xf32, #tpu.memory_space<vmem>>, vector<512x256xf32>
    %sub3A_16 = vector.broadcast %mul3A_3 : vector<1x256xf32> to vector<512x256xf32>
    %sub3A_17 = arith.subf %get3A_15, %sub3A_16 : vector<512x256xf32>
    %mul3A_18 = vector.broadcast %rsqrt3A : vector<1x256xf32> to vector<512x256xf32>
    %mul3A_19 = arith.mulf %sub3A_17, %mul3A_18 : vector<512x256xf32>
    %get3A_20 = arith.constant 0 : index
    %get3A_21 = arith.constant 0 : index
    %get3A_22 = vector.load %arg3[%get3A_20, %get3A_21] : memref<1x256xf32, #tpu.memory_space<vmem>>, vector<1x256xf32>
    %mul3A_23 = vector.broadcast %get3A_22 : vector<1x256xf32> to vector<512x256xf32>
    %mul3A_24 = arith.mulf %mul3A_19, %mul3A_23 : vector<512x256xf32>
    %get3A_25 = arith.constant 0 : index
    %get3A_26 = arith.constant 0 : index
    %get3A_27 = vector.load %arg4[%get3A_25, %get3A_26] : memref<1x256xf32, #tpu.memory_space<vmem>>, vector<1x256xf32>
    %add3A_28 = vector.broadcast %get3A_27 : vector<1x256xf32> to vector<512x256xf32>
    %add3A_29 = arith.addf %mul3A_24, %add3A_28 : vector<512x256xf32>
    %max3A = arith.constant 0.000000e+00 : f32
    %max3A_30 = vector.broadcast %max3A : f32 to vector<512x256xf32>
    %max3A_31 = arith.maximumf %add3A_29, %max3A_30 : vector<512x256xf32>
    %get3A_32 = arith.constant 0 : index
    %get3A_33 = arith.constant 0 : index
    %get3A_34 = vector.load %arg5[%get3A_32, %get3A_33] : memref<256x256xf32, #tpu.memory_space<vmem>>, vector<256x256xf32>
    %dot_general3A = arith.constant dense<0.000000e+00> : vector<512x256xf32>
    %dot_general3A_35 = tpu.matmul %max3A_31, %get3A_34, %dot_general3A {dimension_numbers = #tpu.dot_dimension_numbers<[1], [0], [0], [1], [0, 0, 1, 1], [], []>, transpose_lhs_hint = false} : vector<512x256xf32>, vector<256x256xf32>, vector<512x256xf32> -> vector<512x256xf32>
    %get3A_36 = arith.constant 0 : index
    %get3A_37 = arith.constant 0 : index
    %get3A_38 = vector.load %arg6[%get3A_36, %get3A_37] : memref<1x256xf32, #tpu.memory_space<vmem>>, vector<1x256xf32>
    %add3A_39 = vector.broadcast %get3A_38 : vector<1x256xf32> to vector<512x256xf32>
    %add3A_40 = arith.addf %dot_general3A_35, %add3A_39 : vector<512x256xf32>
    %swap3A = arith.constant 0 : index
    %swap3A_41 = arith.constant 0 : index
    %swap3A_42 = vector.load %arg7[%swap3A, %swap3A_41] : memref<512x256xf32, #tpu.memory_space<vmem>>, vector<512x256xf32>
    tpu.vector_store %arg7[%swap3A, %swap3A_41], %add3A_40 {strides = array<i32>} : memref<512x256xf32, #tpu.memory_space<vmem>>, vector<512x256xf32>,
    %reduce_sum3A = arith.constant dense<0.000000e+00> : vector<256xf32>
    %reduce_sum3A_43 = vector.multi_reduction <add>, %add3A_40, %reduce_sum3A [0] : vector<512x256xf32> to vector<256xf32>
    %broadcast_in_dim3A = vector.shape_cast %reduce_sum3A_43 : vector<256xf32> to vector<1x256xf32>
    %mul3A_44 = arith.mulf %add3A_40, %add3A_40 : vector<512x256xf32>
    %reduce_sum3A_45 = arith.constant dense<0.000000e+00> : vector<256xf32>
    %reduce_sum3A_46 = vector.multi_reduction <add>, %mul3A_44, %reduce_sum3A_45 [0] : vector<512x256xf32> to vector<256xf32>
    %broadcast_in_dim3A_47 = vector.shape_cast %reduce_sum3A_46 : vector<256xf32> to vector<1x256xf32>
    %broadcast_in_dim3A_48 = arith.constant 0.000000e+00 : f32
    %broadcast_in_dim3A_49 = vector.broadcast %broadcast_in_dim3A_48 : f32 to vector<6x256xf32>
    %concatenate3A = tpu.concatenate %broadcast_in_dim3A, %broadcast_in_dim3A_47, %broadcast_in_dim3A_49 in 0 : vector<1x256xf32>, vector<1x256xf32>, vector<6x256xf32> -> vector<8x256xf32>
    %eq3A = arith.constant 0 : i32
    %eq3A_50 = arith.cmpi eq, %arg0, %eq3A : i32
    %convert_element_type3A = arith.extui %eq3A_50 : i1 to i32
    %cond3A = arith.constant 0 : i32
    %cond3A_51 = arith.cmpi ne, %convert_element_type3A, %cond3A : i32
    scf.if %cond3A_51 {
      %swap3A_56 = arith.constant 0 : index
      %swap3A_57 = arith.constant 0 : index
      %swap3A_58 = vector.load %arg8[%swap3A_56, %swap3A_57] : memref<8x256xf32, #tpu.memory_space<vmem>>, vector<8x256xf32>
      tpu.vector_store %arg8[%swap3A_56, %swap3A_57], %concatenate3A {strides = array<i32>} : memref<8x256xf32, #tpu.memory_space<vmem>>, vector<8x256xf32>,
    } else {
    }
    %ne3A = arith.constant 0 : i32
    %ne3A_52 = arith.cmpi ne, %arg0, %ne3A : i32
    %convert_element_type3A_53 = arith.extui %ne3A_52 : i1 to i32
    %cond3A_54 = arith.constant 0 : i32
    %cond3A_55 = arith.cmpi ne, %convert_element_type3A_53, %cond3A_54 : i32
    scf.if %cond3A_55 {
      %get3A_56 = arith.constant 0 : index
      %get3A_57 = arith.constant 0 : index
      %get3A_58 = vector.load %arg8[%get3A_56, %get3A_57] : memref<8x256xf32, #tpu.memory_space<vmem>>, vector<8x256xf32>
      %add3A_59 = arith.addf %get3A_58, %concatenate3A : vector<8x256xf32>
      %swap3A_60 = arith.constant 0 : index
      %swap3A_61 = arith.constant 0 : index
      %swap3A_62 = vector.load %arg8[%swap3A_60, %swap3A_61] : memref<8x256xf32, #tpu.memory_space<vmem>>, vector<8x256xf32>
      tpu.vector_store %arg8[%swap3A_60, %swap3A_61], %add3A_59 {strides = array<i32>} : memref<8x256xf32, #tpu.memory_space<vmem>>, vector<8x256xf32>,
    } else {
    }
    return
  }
  func.func @transform_0(%arg0: i32) -> (i32, i32) {
    %c0_i32 = arith.constant 0 : i32
    %c0_i32_0 = arith.constant 0 : i32
    return %arg0, %c0_i32 : i32, i32
  }
  func.func @transform_1(%arg0: i32) -> (i32, i32) {
    %c0_i32 = arith.constant 0 : i32
    %c0_i32_0 = arith.constant 0 : i32
    %c0_i32_1 = arith.constant 0 : i32
    return %c0_i32, %c0_i32_0 : i32, i32
  }
  func.func @transform_2(%arg0: i32) -> (i32, i32) {
    %c0_i32 = arith.constant 0 : i32
    %c0_i32_0 = arith.constant 0 : i32
    %c0_i32_1 = arith.constant 0 : i32
    return %c0_i32, %c0_i32_0 : i32, i32
  }
  func.func @transform_3(%arg0: i32) -> (i32, i32) {
    %c0_i32 = arith.constant 0 : i32
    %c0_i32_0 = arith.constant 0 : i32
    %c0_i32_1 = arith.constant 0 : i32
    return %c0_i32, %c0_i32_0 : i32, i32
  }
  func.func @transform_4(%arg0: i32) -> (i32, i32) {
    %c0_i32 = arith.constant 0 : i32
    %c0_i32_0 = arith.constant 0 : i32
    %c0_i32_1 = arith.constant 0 : i32
    return %c0_i32, %c0_i32_0 : i32, i32
  }
  func.func @transform_5(%arg0: i32) -> (i32, i32) {
    %c0_i32 = arith.constant 0 : i32
    %c0_i32_0 = arith.constant 0 : i32
    %c0_i32_1 = arith.constant 0 : i32
    return %c0_i32, %c0_i32_0 : i32, i32
  }
  func.func @transform_6(%arg0: i32) -> (i32, i32) {
    %c0_i32 = arith.constant 0 : i32
    %c0_i32_0 = arith.constant 0 : i32
    return %arg0, %c0_i32 : i32, i32
  }
  func.func @transform_7(%arg0: i32) -> (i32, i32) {
    %c0_i32 = arith.constant 0 : i32
    %c0_i32_0 = arith.constant 0 : i32
    %c0_i32_1 = arith.constant 0 : i32
    return %c0_i32, %c0_i32_0 : i32, i32
  }
}

module attributes {stable_mosaic.version = 14 : i64} {
  func.func @_mlp_c_body(%arg0: i32, %arg1: memref<512x256xf32, #tpu.memory_space<vmem>>, %arg2: memref<8x256xf32, #tpu.memory_space<vmem>>, %arg3: memref<1x256xf32, #tpu.memory_space<vmem>>, %arg4: memref<1x256xf32, #tpu.memory_space<vmem>>, %arg5: memref<512x256xf32, #tpu.memory_space<vmem>>) attributes {dimension_semantics = [#tpu.dimension_semantics<arbitrary>], iteration_bounds = array<i64: 1>, scalar_prefetch = 0 : i64, scratch_operands = 0 : i64, tpu.core_type = #tpu.core_type<tc>, window_params = [{transform_indices = @transform_0, window_bounds = array<i64: 512, 256>}, {pipeline_mode = #tpu.pipeline_mode<synchronous>, transform_indices = @transform_1, window_bounds = array<i64: 8, 256>}, {pipeline_mode = #tpu.pipeline_mode<synchronous>, transform_indices = @transform_2, window_bounds = array<i64: 1, 256>}, {pipeline_mode = #tpu.pipeline_mode<synchronous>, transform_indices = @transform_3, window_bounds = array<i64: 1, 256>}, {transform_indices = @transform_4, window_bounds = array<i64: 512, 256>}]} {
    %get3A = arith.constant 0 : index
    %get3A_0 = arith.constant 0 : index
    %get3A_1 = vector.load %arg2[%get3A, %get3A_0] : memref<8x256xf32, #tpu.memory_space<vmem>>, vector<1x256xf32>
    %mul3A = arith.constant 0.001953125 : f32
    %mul3A_2 = vector.broadcast %mul3A : f32 to vector<1x256xf32>
    %mul3A_3 = arith.mulf %get3A_1, %mul3A_2 : vector<1x256xf32>
    %get3A_4 = arith.constant 1 : index
    %get3A_5 = arith.constant 0 : index
    %get3A_6 = vector.load %arg2[%get3A_4, %get3A_5] : memref<8x256xf32, #tpu.memory_space<vmem>>, vector<1x256xf32>
    %mul3A_7 = arith.constant 0.001953125 : f32
    %mul3A_8 = vector.broadcast %mul3A_7 : f32 to vector<1x256xf32>
    %mul3A_9 = arith.mulf %get3A_6, %mul3A_8 : vector<1x256xf32>
    %mul3A_10 = arith.mulf %mul3A_3, %mul3A_3 : vector<1x256xf32>
    %sub3A = arith.subf %mul3A_9, %mul3A_10 : vector<1x256xf32>
    %add3A = arith.constant 9.99999974E-6 : f32
    %add3A_11 = vector.broadcast %add3A : f32 to vector<1x256xf32>
    %add3A_12 = arith.addf %sub3A, %add3A_11 : vector<1x256xf32>
    %rsqrt3A = math.rsqrt %add3A_12 : vector<1x256xf32>
    %get3A_13 = arith.constant 0 : index
    %get3A_14 = arith.constant 0 : index
    %get3A_15 = vector.load %arg1[%get3A_13, %get3A_14] : memref<512x256xf32, #tpu.memory_space<vmem>>, vector<512x256xf32>
    %sub3A_16 = vector.broadcast %mul3A_3 : vector<1x256xf32> to vector<512x256xf32>
    %sub3A_17 = arith.subf %get3A_15, %sub3A_16 : vector<512x256xf32>
    %mul3A_18 = vector.broadcast %rsqrt3A : vector<1x256xf32> to vector<512x256xf32>
    %mul3A_19 = arith.mulf %sub3A_17, %mul3A_18 : vector<512x256xf32>
    %get3A_20 = arith.constant 0 : index
    %get3A_21 = arith.constant 0 : index
    %get3A_22 = vector.load %arg3[%get3A_20, %get3A_21] : memref<1x256xf32, #tpu.memory_space<vmem>>, vector<1x256xf32>
    %mul3A_23 = vector.broadcast %get3A_22 : vector<1x256xf32> to vector<512x256xf32>
    %mul3A_24 = arith.mulf %mul3A_19, %mul3A_23 : vector<512x256xf32>
    %get3A_25 = arith.constant 0 : index
    %get3A_26 = arith.constant 0 : index
    %get3A_27 = vector.load %arg4[%get3A_25, %get3A_26] : memref<1x256xf32, #tpu.memory_space<vmem>>, vector<1x256xf32>
    %add3A_28 = vector.broadcast %get3A_27 : vector<1x256xf32> to vector<512x256xf32>
    %add3A_29 = arith.addf %mul3A_24, %add3A_28 : vector<512x256xf32>
    %max3A = arith.constant 0.000000e+00 : f32
    %max3A_30 = vector.broadcast %max3A : f32 to vector<512x256xf32>
    %max3A_31 = arith.maximumf %add3A_29, %max3A_30 : vector<512x256xf32>
    %swap3A = arith.constant 0 : index
    %swap3A_32 = arith.constant 0 : index
    %swap3A_33 = vector.load %arg5[%swap3A, %swap3A_32] : memref<512x256xf32, #tpu.memory_space<vmem>>, vector<512x256xf32>
    tpu.vector_store %arg5[%swap3A, %swap3A_32], %max3A_31 {strides = array<i32>} : memref<512x256xf32, #tpu.memory_space<vmem>>, vector<512x256xf32>,
    return
  }
  func.func @transform_0(%arg0: i32) -> (i32, i32) {
    %c0_i32 = arith.constant 0 : i32
    %c0_i32_0 = arith.constant 0 : i32
    return %arg0, %c0_i32 : i32, i32
  }
  func.func @transform_1(%arg0: i32) -> (i32, i32) {
    %c0_i32 = arith.constant 0 : i32
    %c0_i32_0 = arith.constant 0 : i32
    %c0_i32_1 = arith.constant 0 : i32
    return %c0_i32, %c0_i32_0 : i32, i32
  }
  func.func @transform_2(%arg0: i32) -> (i32, i32) {
    %c0_i32 = arith.constant 0 : i32
    %c0_i32_0 = arith.constant 0 : i32
    %c0_i32_1 = arith.constant 0 : i32
    return %c0_i32, %c0_i32_0 : i32, i32
  }
  func.func @transform_3(%arg0: i32) -> (i32, i32) {
    %c0_i32 = arith.constant 0 : i32
    %c0_i32_0 = arith.constant 0 : i32
    %c0_i32_1 = arith.constant 0 : i32
    return %c0_i32, %c0_i32_0 : i32, i32
  }
  func.func @transform_4(%arg0: i32) -> (i32, i32) {
    %c0_i32 = arith.constant 0 : i32
    %c0_i32_0 = arith.constant 0 : i32
    return %arg0, %c0_i32 : i32, i32
  }
}

module attributes {stable_mosaic.version = 14 : i64} {
  func.func @_knn_body(%arg0: i32, %arg1: memref<256x8xf32, #tpu.memory_space<vmem>>, %arg2: memref<16x8x128xf32, #tpu.memory_space<vmem>>, %arg3: memref<256x8xi32, #tpu.memory_space<vmem>>, %arg4: memref<256x8xf32, #tpu.memory_space<vmem>>) attributes {dimension_semantics = [#tpu.dimension_semantics<arbitrary>], iteration_bounds = array<i64: 32>, scalar_prefetch = 0 : i64, scratch_operands = 0 : i64, tpu.core_type = #tpu.core_type<tc>, window_params = [{transform_indices = @transform_0, window_bounds = array<i64: 256, 8>}, {pipeline_mode = #tpu.pipeline_mode<synchronous>, transform_indices = @transform_1, window_bounds = array<i64: 16, 8, 128>}, {transform_indices = @transform_2, window_bounds = array<i64: 256, 8>}, {transform_indices = @transform_3, window_bounds = array<i64: 256, 8>}]} {
    %get3A = arith.constant 0 : index
    %get3A_0 = arith.constant 0 : index
    %get3A_1 = vector.load %arg1[%get3A, %get3A_0] : memref<256x8xf32, #tpu.memory_space<vmem>>, vector<256x8xf32>
    %get3A_2 = arith.constant 0 : index
    %get3A_3 = arith.constant 0 : index
    %get3A_4 = arith.constant 0 : index
    %get3A_5 = vector.load %arg2[%get3A_2, %get3A_3, %get3A_4] : memref<16x8x128xf32, #tpu.memory_space<vmem>>, vector<16x8x128xf32>
    %broadcast_in_dim3A = arith.constant 0.000000e+00 : f32
    %broadcast_in_dim3A_6 = vector.broadcast %broadcast_in_dim3A : f32 to vector<16x256x128xf32>
    %slice3A = vector.extract_strided_slice %get3A_1 {offsets = [0, 0], sizes = [256, 1], strides = [1, 1]} : vector<256x8xf32> to vector<256x1xf32>
    %reshape3A = vector.shape_cast %slice3A : vector<256x1xf32> to vector<1x256x1xf32>
    %slice3A_7 = vector.extract_strided_slice %get3A_5 {offsets = [0, 0, 0], sizes = [16, 1, 128], strides = [1, 1, 1]} : vector<16x8x128xf32> to vector<16x1x128xf32>
    %sub3A = vector.broadcast %reshape3A : vector<1x256x1xf32> to vector<16x256x128xf32>
    %sub3A_8 = vector.broadcast %slice3A_7 : vector<16x1x128xf32> to vector<16x256x128xf32>
    %sub3A_9 = arith.subf %sub3A, %sub3A_8 : vector<16x256x128xf32>
    %mul3A = arith.mulf %sub3A_9, %sub3A_9 : vector<16x256x128xf32>
    %add3A = arith.addf %broadcast_in_dim3A_6, %mul3A : vector<16x256x128xf32>
    %slice3A_10 = vector.extract_strided_slice %get3A_1 {offsets = [0, 1], sizes = [256, 1], strides = [1, 1]} : vector<256x8xf32> to vector<256x1xf32>
    %reshape3A_11 = vector.shape_cast %slice3A_10 : vector<256x1xf32> to vector<1x256x1xf32>
    %slice3A_12 = vector.extract_strided_slice %get3A_5 {offsets = [0, 1, 0], sizes = [16, 1, 128], strides = [1, 1, 1]} : vector<16x8x128xf32> to vector<16x1x128xf32>
    %sub3A_13 = vector.broadcast %reshape3A_11 : vector<1x256x1xf32> to vector<16x256x128xf32>
    %sub3A_14 = vector.broadcast %slice3A_12 : vector<16x1x128xf32> to vector<16x256x128xf32>
    %sub3A_15 = arith.subf %sub3A_13, %sub3A_14 : vector<16x256x128xf32>
    %mul3A_16 = arith.mulf %sub3A_15, %sub3A_15 : vector<16x256x128xf32>
    %add3A_17 = arith.addf %add3A, %mul3A_16 : vector<16x256x128xf32>
    %slice3A_18 = vector.extract_strided_slice %get3A_1 {offsets = [0, 2], sizes = [256, 1], strides = [1, 1]} : vector<256x8xf32> to vector<256x1xf32>
    %reshape3A_19 = vector.shape_cast %slice3A_18 : vector<256x1xf32> to vector<1x256x1xf32>
    %slice3A_20 = vector.extract_strided_slice %get3A_5 {offsets = [0, 2, 0], sizes = [16, 1, 128], strides = [1, 1, 1]} : vector<16x8x128xf32> to vector<16x1x128xf32>
    %sub3A_21 = vector.broadcast %reshape3A_19 : vector<1x256x1xf32> to vector<16x256x128xf32>
    %sub3A_22 = vector.broadcast %slice3A_20 : vector<16x1x128xf32> to vector<16x256x128xf32>
    %sub3A_23 = arith.subf %sub3A_21, %sub3A_22 : vector<16x256x128xf32>
    %mul3A_24 = arith.mulf %sub3A_23, %sub3A_23 : vector<16x256x128xf32>
    %add3A_25 = arith.addf %add3A_17, %mul3A_24 : vector<16x256x128xf32>
    %bitcast_convert_type3A = tpu.bitcast %add3A_25 : vector<16x256x128xf32> -> vector<16x256x128xi32>
    %iota3A = tpu.iota {dimensions = array<i32: 0>} : vector<16x256x128xi32>
    %and3A = arith.constant -16 : i32
    %and3A_26 = vector.broadcast %and3A : i32 to vector<16x256x128xi32>
    %and3A_27 = arith.andi %bitcast_convert_type3A, %and3A_26 : vector<16x256x128xi32>
    %or3A = arith.ori %and3A_27, %iota3A : vector<16x256x128xi32>
    %bitcast_convert_type3A_28 = tpu.bitcast %or3A : vector<16x256x128xi32> -> vector<16x256x128xf32>
    %reduce_min3A = arith.constant dense<0x7F800000> : vector<256x128xf32>
    %reduce_min3A_29 = vector.multi_reduction <minimumf>, %bitcast_convert_type3A_28, %reduce_min3A [0] : vector<16x256x128xf32> to vector<256x128xf32>
    %broadcast_in_dim3A_30 = vector.shape_cast %reduce_min3A_29 : vector<256x128xf32> to vector<1x256x128xf32>
    %eq3A = vector.broadcast %broadcast_in_dim3A_30 : vector<1x256x128xf32> to vector<16x256x128xf32>
    %eq3A_31 = arith.cmpf oeq, %bitcast_convert_type3A_28, %eq3A : vector<16x256x128xf32>
    %jit3A = arith.constant 0x7F800000 : f32
    %broadcast_in_dim3A_32 = vector.broadcast %jit3A : f32 to vector<16x256x128xf32>
    %select_n3A = arith.select %eq3A_31, %broadcast_in_dim3A_32, %bitcast_convert_type3A_28 : vector<16x256x128xi1>, vector<16x256x128xf32>
    %reduce_min3A_33 = arith.constant dense<0x7F800000> : vector<256x128xf32>
    %reduce_min3A_34 = vector.multi_reduction <minimumf>, %select_n3A, %reduce_min3A_33 [0] : vector<16x256x128xf32> to vector<256x128xf32>
    %broadcast_in_dim3A_35 = vector.shape_cast %reduce_min3A_34 : vector<256x128xf32> to vector<1x256x128xf32>
    %eq3A_36 = vector.broadcast %broadcast_in_dim3A_35 : vector<1x256x128xf32> to vector<16x256x128xf32>
    %eq3A_37 = arith.cmpf oeq, %select_n3A, %eq3A_36 : vector<16x256x128xf32>
    %jit3A_38 = arith.constant 0x7F800000 : f32
    %broadcast_in_dim3A_39 = vector.broadcast %jit3A_38 : f32 to vector<16x256x128xf32>
    %select_n3A_40 = arith.select %eq3A_37, %broadcast_in_dim3A_39, %select_n3A : vector<16x256x128xi1>, vector<16x256x128xf32>
    %reduce_min3A_41 = arith.constant dense<0x7F800000> : vector<256x128xf32>
    %reduce_min3A_42 = vector.multi_reduction <minimumf>, %select_n3A_40, %reduce_min3A_41 [0] : vector<16x256x128xf32> to vector<256x128xf32>
    %iota3A_43 = tpu.iota {dimensions = array<i32: 1>} : vector<256x128xi32>
    %reduce_min3A_44 = arith.constant dense<0x7F800000> : vector<256xf32>
    %reduce_min3A_45 = vector.multi_reduction <minimumf>, %reduce_min3A_29, %reduce_min3A_44 [1] : vector<256x128xf32> to vector<256xf32>
    %broadcast_in_dim3A_46 = vector.shape_cast %reduce_min3A_45 : vector<256xf32> to vector<256x1xf32>
    %eq3A_47 = vector.broadcast %broadcast_in_dim3A_46 : vector<256x1xf32> to vector<256x128xf32>
    %eq3A_48 = arith.cmpf oeq, %reduce_min3A_29, %eq3A_47 : vector<256x128xf32>
    %jit3A_49 = arith.constant 128 : i32
    %broadcast_in_dim3A_50 = vector.broadcast %jit3A_49 : i32 to vector<256x128xi32>
    %select_n3A_51 = arith.select %eq3A_48, %iota3A_43, %broadcast_in_dim3A_50 : vector<256x128xi1>, vector<256x128xi32>
    %reduce_min3A_52 = arith.constant dense<2147483647> : vector<256xi32>
    %reduce_min3A_53 = vector.multi_reduction <minsi>, %select_n3A_51, %reduce_min3A_52 [1] : vector<256x128xi32> to vector<256xi32>
    %broadcast_in_dim3A_54 = vector.shape_cast %reduce_min3A_53 : vector<256xi32> to vector<256x1xi32>
    %bitcast_convert_type3A_55 = tpu.bitcast %broadcast_in_dim3A_46 : vector<256x1xf32> -> vector<256x1xi32>
    %and3A_56 = arith.constant 15 : i32
    %and3A_57 = vector.broadcast %and3A_56 : i32 to vector<256x1xi32>
    %and3A_58 = arith.andi %bitcast_convert_type3A_55, %and3A_57 : vector<256x1xi32>
    %mul3A_59 = arith.constant 128 : i32
    %mul3A_60 = vector.broadcast %mul3A_59 : i32 to vector<256x1xi32>
    %mul3A_61 = arith.muli %and3A_58, %mul3A_60 : vector<256x1xi32>
    %add3A_62 = arith.addi %mul3A_61, %broadcast_in_dim3A_54 : vector<256x1xi32>
    %and3A_63 = arith.constant -16 : i32
    %and3A_64 = vector.broadcast %and3A_63 : i32 to vector<256x1xi32>
    %and3A_65 = arith.andi %bitcast_convert_type3A_55, %and3A_64 : vector<256x1xi32>
    %bitcast_convert_type3A_66 = tpu.bitcast %and3A_65 : vector<256x1xi32> -> vector<256x1xf32>
    %eq3A_67 = vector.broadcast %broadcast_in_dim3A_46 : vector<256x1xf32> to vector<256x128xf32>
    %eq3A_68 = arith.cmpf oeq, %reduce_min3A_29, %eq3A_67 : vector<256x128xf32>
    %jit3A_69 = arith.constant 0x7F800000 : f32
    %broadcast_in_dim3A_70 = vector.broadcast %jit3A_69 : f32 to vector<256x128xf32>
    %select_n3A_71 = arith.select %eq3A_68, %broadcast_in_dim3A_70, %reduce_min3A_29 : vector<256x128xi1>, vector<256x128xf32>
    %reduce_min3A_72 = arith.constant dense<0x7F800000> : vector<256xf32>
    %reduce_min3A_73 = vector.multi_reduction <minimumf>, %select_n3A_71, %reduce_min3A_72 [1] : vector<256x128xf32> to vector<256xf32>
    %broadcast_in_dim3A_74 = vector.shape_cast %reduce_min3A_73 : vector<256xf32> to vector<256x1xf32>
    %reduce_min3A_75 = arith.constant dense<0x7F800000> : vector<256xf32>
    %reduce_min3A_76 = vector.multi_reduction <minimumf>, %reduce_min3A_34, %reduce_min3A_75 [1] : vector<256x128xf32> to vector<256xf32>
    %broadcast_in_dim3A_77 = vector.shape_cast %reduce_min3A_76 : vector<256xf32> to vector<256x1xf32>
    %min3A = arith.minimumf %broadcast_in_dim3A_74, %broadcast_in_dim3A_77 : vector<256x1xf32>
    %min3A_78 = arith.minimumf %select_n3A_71, %reduce_min3A_34 : vector<256x128xf32>
    %eq3A_79 = vector.broadcast %min3A : vector<256x1xf32> to vector<256x128xf32>
    %eq3A_80 = arith.cmpf oeq, %min3A_78, %eq3A_79 : vector<256x128xf32>
    %jit3A_81 = arith.constant 128 : i32
    %broadcast_in_dim3A_82 = vector.broadcast %jit3A_81 : i32 to vector<256x128xi32>
    %select_n3A_83 = arith.select %eq3A_80, %iota3A_43, %broadcast_in_dim3A_82 : vector<256x128xi1>, vector<256x128xi32>
    %reduce_min3A_84 = arith.constant dense<2147483647> : vector<256xi32>
    %reduce_min3A_85 = vector.multi_reduction <minsi>, %select_n3A_83, %reduce_min3A_84 [1] : vector<256x128xi32> to vector<256xi32>
    %broadcast_in_dim3A_86 = vector.shape_cast %reduce_min3A_85 : vector<256xi32> to vector<256x1xi32>
    %bitcast_convert_type3A_87 = tpu.bitcast %min3A : vector<256x1xf32> -> vector<256x1xi32>
    %and3A_88 = arith.constant 15 : i32
    %and3A_89 = vector.broadcast %and3A_88 : i32 to vector<256x1xi32>
    %and3A_90 = arith.andi %bitcast_convert_type3A_87, %and3A_89 : vector<256x1xi32>
    %mul3A_91 = arith.constant 128 : i32
    %mul3A_92 = vector.broadcast %mul3A_91 : i32 to vector<256x1xi32>
    %mul3A_93 = arith.muli %and3A_90, %mul3A_92 : vector<256x1xi32>
    %add3A_94 = arith.addi %mul3A_93, %broadcast_in_dim3A_86 : vector<256x1xi32>
    %and3A_95 = arith.constant -16 : i32
    %and3A_96 = vector.broadcast %and3A_95 : i32 to vector<256x1xi32>
    %and3A_97 = arith.andi %bitcast_convert_type3A_87, %and3A_96 : vector<256x1xi32>
    %bitcast_convert_type3A_98 = tpu.bitcast %and3A_97 : vector<256x1xi32> -> vector<256x1xf32>
    %eq3A_99 = vector.broadcast %min3A : vector<256x1xf32> to vector<256x128xf32>
    %eq3A_100 = arith.cmpf oeq, %select_n3A_71, %eq3A_99 : vector<256x128xf32>
    %jit3A_101 = arith.constant 0x7F800000 : f32
    %broadcast_in_dim3A_102 = vector.broadcast %jit3A_101 : f32 to vector<256x128xf32>
    %select_n3A_103 = arith.select %eq3A_100, %broadcast_in_dim3A_102, %select_n3A_71 : vector<256x128xi1>, vector<256x128xf32>
    %eq3A_104 = vector.broadcast %min3A : vector<256x1xf32> to vector<256x128xf32>
    %eq3A_105 = arith.cmpf oeq, %reduce_min3A_34, %eq3A_104 : vector<256x128xf32>
    %jit3A_106 = arith.constant 0x7F800000 : f32
    %broadcast_in_dim3A_107 = vector.broadcast %jit3A_106 : f32 to vector<256x128xf32>
    %select_n3A_108 = arith.select %eq3A_105, %broadcast_in_dim3A_107, %reduce_min3A_34 : vector<256x128xi1>, vector<256x128xf32>
    %reduce_min3A_109 = arith.constant dense<0x7F800000> : vector<256xf32>
    %reduce_min3A_110 = vector.multi_reduction <minimumf>, %select_n3A_103, %reduce_min3A_109 [1] : vector<256x128xf32> to vector<256xf32>
    %broadcast_in_dim3A_111 = vector.shape_cast %reduce_min3A_110 : vector<256xf32> to vector<256x1xf32>
    %reduce_min3A_112 = arith.constant dense<0x7F800000> : vector<256xf32>
    %reduce_min3A_113 = vector.multi_reduction <minimumf>, %select_n3A_108, %reduce_min3A_112 [1] : vector<256x128xf32> to vector<256xf32>
    %broadcast_in_dim3A_114 = vector.shape_cast %reduce_min3A_113 : vector<256xf32> to vector<256x1xf32>
    %min3A_115 = arith.minimumf %broadcast_in_dim3A_111, %broadcast_in_dim3A_114 : vector<256x1xf32>
    %reduce_min3A_116 = arith.constant dense<0x7F800000> : vector<256xf32>
    %reduce_min3A_117 = vector.multi_reduction <minimumf>, %reduce_min3A_42, %reduce_min3A_116 [1] : vector<256x128xf32> to vector<256xf32>
    %broadcast_in_dim3A_118 = vector.shape_cast %reduce_min3A_117 : vector<256xf32> to vector<256x1xf32>
    %min3A_119 = arith.minimumf %min3A_115, %broadcast_in_dim3A_118 : vector<256x1xf32>
    %min3A_120 = arith.minimumf %select_n3A_103, %select_n3A_108 : vector<256x128xf32>
    %min3A_121 = arith.minimumf %min3A_120, %reduce_min3A_42 : vector<256x128xf32>
    %eq3A_122 = vector.broadcast %min3A_119 : vector<256x1xf32> to vector<256x128xf32>
    %eq3A_123 = arith.cmpf oeq, %min3A_121, %eq3A_122 : vector<256x128xf32>
    %jit3A_124 = arith.constant 128 : i32
    %broadcast_in_dim3A_125 = vector.broadcast %jit3A_124 : i32 to vector<256x128xi32>
    %select_n3A_126 = arith.select %eq3A_123, %iota3A_43, %broadcast_in_dim3A_125 : vector<256x128xi1>, vector<256x128xi32>
    %reduce_min3A_127 = arith.constant dense<2147483647> : vector<256xi32>
    %reduce_min3A_128 = vector.multi_reduction <minsi>, %select_n3A_126, %reduce_min3A_127 [1] : vector<256x128xi32> to vector<256xi32>
    %broadcast_in_dim3A_129 = vector.shape_cast %reduce_min3A_128 : vector<256xi32> to vector<256x1xi32>
    %bitcast_convert_type3A_130 = tpu.bitcast %min3A_119 : vector<256x1xf32> -> vector<256x1xi32>
    %and3A_131 = arith.constant 15 : i32
    %and3A_132 = vector.broadcast %and3A_131 : i32 to vector<256x1xi32>
    %and3A_133 = arith.andi %bitcast_convert_type3A_130, %and3A_132 : vector<256x1xi32>
    %mul3A_134 = arith.constant 128 : i32
    %mul3A_135 = vector.broadcast %mul3A_134 : i32 to vector<256x1xi32>
    %mul3A_136 = arith.muli %and3A_133, %mul3A_135 : vector<256x1xi32>
    %add3A_137 = arith.addi %mul3A_136, %broadcast_in_dim3A_129 : vector<256x1xi32>
    %and3A_138 = arith.constant -16 : i32
    %and3A_139 = vector.broadcast %and3A_138 : i32 to vector<256x1xi32>
    %and3A_140 = arith.andi %bitcast_convert_type3A_130, %and3A_139 : vector<256x1xi32>
    %bitcast_convert_type3A_141 = tpu.bitcast %and3A_140 : vector<256x1xi32> -> vector<256x1xf32>
    %max3A = arith.constant 1.000000e-16 : f32
    %max3A_142 = vector.broadcast %max3A : f32 to vector<256x1xf32>
    %max3A_143 = arith.maximumf %bitcast_convert_type3A_66, %max3A_142 : vector<256x1xf32>
    %div3A = arith.constant 1.000000e+00 : f32
    %div3A_144 = vector.broadcast %div3A : f32 to vector<256x1xf32>
    %div3A_145 = arith.divf %div3A_144, %max3A_143 : vector<256x1xf32>
    %max3A_146 = arith.constant 1.000000e-16 : f32
    %max3A_147 = vector.broadcast %max3A_146 : f32 to vector<256x1xf32>
    %max3A_148 = arith.maximumf %bitcast_convert_type3A_98, %max3A_147 : vector<256x1xf32>
    %div3A_149 = arith.constant 1.000000e+00 : f32
    %div3A_150 = vector.broadcast %div3A_149 : f32 to vector<256x1xf32>
    %div3A_151 = arith.divf %div3A_150, %max3A_148 : vector<256x1xf32>
    %max3A_152 = arith.constant 1.000000e-16 : f32
    %max3A_153 = vector.broadcast %max3A_152 : f32 to vector<256x1xf32>
    %max3A_154 = arith.maximumf %bitcast_convert_type3A_141, %max3A_153 : vector<256x1xf32>
    %div3A_155 = arith.constant 1.000000e+00 : f32
    %div3A_156 = vector.broadcast %div3A_155 : f32 to vector<256x1xf32>
    %div3A_157 = arith.divf %div3A_156, %max3A_154 : vector<256x1xf32>
    %add3A_158 = arith.addf %div3A_145, %div3A_151 : vector<256x1xf32>
    %add3A_159 = arith.addf %add3A_158, %div3A_157 : vector<256x1xf32>
    %div3A_160 = arith.divf %div3A_145, %add3A_159 : vector<256x1xf32>
    %div3A_161 = arith.divf %div3A_151, %add3A_159 : vector<256x1xf32>
    %div3A_162 = arith.divf %div3A_157, %add3A_159 : vector<256x1xf32>
    %broadcast_in_dim3A_163 = arith.constant 0 : i32
    %broadcast_in_dim3A_164 = vector.broadcast %broadcast_in_dim3A_163 : i32 to vector<256x5xi32>
    %broadcast_in_dim3A_165 = arith.constant 0.000000e+00 : f32
    %broadcast_in_dim3A_166 = vector.broadcast %broadcast_in_dim3A_165 : f32 to vector<256x5xf32>
    %concatenate3A = tpu.concatenate %add3A_62, %add3A_94, %add3A_137, %broadcast_in_dim3A_164 in 1 : vector<256x1xi32>, vector<256x1xi32>, vector<256x1xi32>, vector<256x5xi32> -> vector<256x8xi32>
    %swap3A = arith.constant 0 : index
    %swap3A_167 = arith.constant 0 : index
    %swap3A_168 = vector.load %arg3[%swap3A, %swap3A_167] : memref<256x8xi32, #tpu.memory_space<vmem>>, vector<256x8xi32>
    tpu.vector_store %arg3[%swap3A, %swap3A_167], %concatenate3A {strides = array<i32>} : memref<256x8xi32, #tpu.memory_space<vmem>>, vector<256x8xi32>,
    %concatenate3A_169 = tpu.concatenate %div3A_160, %div3A_161, %div3A_162, %broadcast_in_dim3A_166 in 1 : vector<256x1xf32>, vector<256x1xf32>, vector<256x1xf32>, vector<256x5xf32> -> vector<256x8xf32>
    %swap3A_170 = arith.constant 0 : index
    %swap3A_171 = arith.constant 0 : index
    %swap3A_172 = vector.load %arg4[%swap3A_170, %swap3A_171] : memref<256x8xf32, #tpu.memory_space<vmem>>, vector<256x8xf32>
    tpu.vector_store %arg4[%swap3A_170, %swap3A_171], %concatenate3A_169 {strides = array<i32>} : memref<256x8xf32, #tpu.memory_space<vmem>>, vector<256x8xf32>,
    return
  }
  func.func @transform_0(%arg0: i32) -> (i32, i32) {
    %c0_i32 = arith.constant 0 : i32
    %c0_i32_0 = arith.constant 0 : i32
    return %arg0, %c0_i32 : i32, i32
  }
  func.func @transform_1(%arg0: i32) -> (i32, i32, i32) {
    %c0_i32 = arith.constant 0 : i32
    %c0_i32_0 = arith.constant 0 : i32
    %c0_i32_1 = arith.constant 0 : i32
    %c0_i32_2 = arith.constant 0 : i32
    return %c0_i32, %c0_i32_0, %c0_i32_1 : i32, i32, i32
  }
  func.func @transform_2(%arg0: i32) -> (i32, i32) {
    %c0_i32 = arith.constant 0 : i32
    %c0_i32_0 = arith.constant 0 : i32
    return %arg0, %c0_i32 : i32, i32
  }
  func.func @transform_3(%arg0: i32) -> (i32, i32) {
    %c0_i32 = arith.constant 0 : i32
    %c0_i32_0 = arith.constant 0 : i32
    return %arg0, %c0_i32 : i32, i32
  }
}

module attributes {stable_mosaic.version = 14 : i64} {
  func.func @_mlp_a_body(%arg0: i32, %arg1: memref<512x128xf32, #tpu.memory_space<vmem>>, %arg2: memref<3x512x256xf32, #tpu.memory_space<vmem>>, %arg3: memref<512x8xf32, #tpu.memory_space<vmem>>, %arg4: memref<128x128xf32, #tpu.memory_space<vmem>>, %arg5: memref<256x128xf32, #tpu.memory_space<vmem>>, %arg6: memref<1x128xf32, #tpu.memory_space<vmem>>, %arg7: memref<512x128xf32, #tpu.memory_space<vmem>>, %arg8: memref<8x128xf32, #tpu.memory_space<vmem>>) attributes {dimension_semantics = [#tpu.dimension_semantics<arbitrary>], iteration_bounds = array<i64: 4>, scalar_prefetch = 0 : i64, scratch_operands = 0 : i64, tpu.core_type = #tpu.core_type<tc>, window_params = [{transform_indices = @transform_0, window_bounds = array<i64: 512, 128>}, {transform_indices = @transform_1, window_bounds = array<i64: 3, 512, 256>}, {transform_indices = @transform_2, window_bounds = array<i64: 512, 8>}, {pipeline_mode = #tpu.pipeline_mode<synchronous>, transform_indices = @transform_3, window_bounds = array<i64: 128, 128>}, {pipeline_mode = #tpu.pipeline_mode<synchronous>, transform_indices = @transform_4, window_bounds = array<i64: 256, 128>}, {pipeline_mode = #tpu.pipeline_mode<synchronous>, transform_indices = @transform_5, window_bounds = array<i64: 1, 128>}, {transform_indices = @transform_6, window_bounds = array<i64: 512, 128>}, {pipeline_mode = #tpu.pipeline_mode<synchronous>, transform_indices = @transform_7, window_bounds = array<i64: 8, 128>}]} {
    %get3A = arith.constant 0 : index
    %get3A_0 = arith.constant 0 : index
    %get3A_1 = vector.load %arg3[%get3A, %get3A_0] : memref<512x8xf32, #tpu.memory_space<vmem>>, vector<512x1xf32>
    %get3A_2 = arith.constant 0 : index
    %get3A_3 = arith.constant 0 : index
    %get3A_4 = arith.constant 0 : index
    %get3A_5 = vector.load %arg2[%get3A_2, %get3A_3, %get3A_4] : memref<3x512x256xf32, #tpu.memory_space<vmem>>, vector<1x512x256xf32>
    %get3A_6 = vector.shape_cast %get3A_5 : vector<1x512x256xf32> to vector<512x256xf32>
    %mul3A = vector.broadcast %get3A_1 : vector<512x1xf32> to vector<512x256xf32>
    %mul3A_7 = arith.mulf %mul3A, %get3A_6 : vector<512x256xf32>
    %get3A_8 = arith.constant 0 : index
    %get3A_9 = arith.constant 1 : index
    %get3A_10 = vector.load %arg3[%get3A_8, %get3A_9] : memref<512x8xf32, #tpu.memory_space<vmem>>, vector<512x1xf32>
    %get3A_11 = arith.constant 1 : index
    %get3A_12 = arith.constant 0 : index
    %get3A_13 = arith.constant 0 : index
    %get3A_14 = vector.load %arg2[%get3A_11, %get3A_12, %get3A_13] : memref<3x512x256xf32, #tpu.memory_space<vmem>>, vector<1x512x256xf32>
    %get3A_15 = vector.shape_cast %get3A_14 : vector<1x512x256xf32> to vector<512x256xf32>
    %mul3A_16 = vector.broadcast %get3A_10 : vector<512x1xf32> to vector<512x256xf32>
    %mul3A_17 = arith.mulf %mul3A_16, %get3A_15 : vector<512x256xf32>
    %add3A = arith.addf %mul3A_7, %mul3A_17 : vector<512x256xf32>
    %get3A_18 = arith.constant 0 : index
    %get3A_19 = arith.constant 2 : index
    %get3A_20 = vector.load %arg3[%get3A_18, %get3A_19] : memref<512x8xf32, #tpu.memory_space<vmem>>, vector<512x1xf32>
    %get3A_21 = arith.constant 2 : index
    %get3A_22 = arith.constant 0 : index
    %get3A_23 = arith.constant 0 : index
    %get3A_24 = vector.load %arg2[%get3A_21, %get3A_22, %get3A_23] : memref<3x512x256xf32, #tpu.memory_space<vmem>>, vector<1x512x256xf32>
    %get3A_25 = vector.shape_cast %get3A_24 : vector<1x512x256xf32> to vector<512x256xf32>
    %mul3A_26 = vector.broadcast %get3A_20 : vector<512x1xf32> to vector<512x256xf32>
    %mul3A_27 = arith.mulf %mul3A_26, %get3A_25 : vector<512x256xf32>
    %add3A_28 = arith.addf %add3A, %mul3A_27 : vector<512x256xf32>
    %get3A_29 = arith.constant 0 : index
    %get3A_30 = arith.constant 0 : index
    %get3A_31 = vector.load %arg1[%get3A_29, %get3A_30] : memref<512x128xf32, #tpu.memory_space<vmem>>, vector<512x128xf32>
    %get3A_32 = arith.constant 0 : index
    %get3A_33 = arith.constant 0 : index
    %get3A_34 = vector.load %arg4[%get3A_32, %get3A_33] : memref<128x128xf32, #tpu.memory_space<vmem>>, vector<128x128xf32>
    %dot_general3A = arith.constant dense<0.000000e+00> : vector<512x128xf32>
    %dot_general3A_35 = tpu.matmul %get3A_31, %get3A_34, %dot_general3A {dimension_numbers = #tpu.dot_dimension_numbers<[1], [0], [0], [1], [0, 0, 1, 1], [], []>, transpose_lhs_hint = false} : vector<512x128xf32>, vector<128x128xf32>, vector<512x128xf32> -> vector<512x128xf32>
    %get3A_36 = arith.constant 0 : index
    %get3A_37 = arith.constant 0 : index
    %get3A_38 = vector.load %arg5[%get3A_36, %get3A_37] : memref<256x128xf32, #tpu.memory_space<vmem>>, vector<256x128xf32>
    %dot_general3A_39 = arith.constant dense<0.000000e+00> : vector<512x128xf32>
    %dot_general3A_40 = tpu.matmul %add3A_28, %get3A_38, %dot_general3A_39 {dimension_numbers = #tpu.dot_dimension_numbers<[1], [0], [0], [1], [0, 0, 1, 1], [], []>, transpose_lhs_hint = false} : vector<512x256xf32>, vector<256x128xf32>, vector<512x128xf32> -> vector<512x128xf32>
    %add3A_41 = arith.addf %dot_general3A_35, %dot_general3A_40 : vector<512x128xf32>
    %get3A_42 = arith.constant 0 : index
    %get3A_43 = arith.constant 0 : index
    %get3A_44 = vector.load %arg6[%get3A_42, %get3A_43] : memref<1x128xf32, #tpu.memory_space<vmem>>, vector<1x128xf32>
    %add3A_45 = vector.broadcast %get3A_44 : vector<1x128xf32> to vector<512x128xf32>
    %add3A_46 = arith.addf %add3A_41, %add3A_45 : vector<512x128xf32>
    %swap3A = arith.constant 0 : index
    %swap3A_47 = arith.constant 0 : index
    %swap3A_48 = vector.load %arg7[%swap3A, %swap3A_47] : memref<512x128xf32, #tpu.memory_space<vmem>>, vector<512x128xf32>
    tpu.vector_store %arg7[%swap3A, %swap3A_47], %add3A_46 {strides = array<i32>} : memref<512x128xf32, #tpu.memory_space<vmem>>, vector<512x128xf32>,
    %reduce_sum3A = arith.constant dense<0.000000e+00> : vector<128xf32>
    %reduce_sum3A_49 = vector.multi_reduction <add>, %add3A_46, %reduce_sum3A [0] : vector<512x128xf32> to vector<128xf32>
    %broadcast_in_dim3A = vector.shape_cast %reduce_sum3A_49 : vector<128xf32> to vector<1x128xf32>
    %mul3A_50 = arith.mulf %add3A_46, %add3A_46 : vector<512x128xf32>
    %reduce_sum3A_51 = arith.constant dense<0.000000e+00> : vector<128xf32>
    %reduce_sum3A_52 = vector.multi_reduction <add>, %mul3A_50, %reduce_sum3A_51 [0] : vector<512x128xf32> to vector<128xf32>
    %broadcast_in_dim3A_53 = vector.shape_cast %reduce_sum3A_52 : vector<128xf32> to vector<1x128xf32>
    %broadcast_in_dim3A_54 = arith.constant 0.000000e+00 : f32
    %broadcast_in_dim3A_55 = vector.broadcast %broadcast_in_dim3A_54 : f32 to vector<6x128xf32>
    %concatenate3A = tpu.concatenate %broadcast_in_dim3A, %broadcast_in_dim3A_53, %broadcast_in_dim3A_55 in 0 : vector<1x128xf32>, vector<1x128xf32>, vector<6x128xf32> -> vector<8x128xf32>
    %eq3A = arith.constant 0 : i32
    %eq3A_56 = arith.cmpi eq, %arg0, %eq3A : i32
    %convert_element_type3A = arith.extui %eq3A_56 : i1 to i32
    %cond3A = arith.constant 0 : i32
    %cond3A_57 = arith.cmpi ne, %convert_element_type3A, %cond3A : i32
    scf.if %cond3A_57 {
      %swap3A_62 = arith.constant 0 : index
      %swap3A_63 = arith.constant 0 : index
      %swap3A_64 = vector.load %arg8[%swap3A_62, %swap3A_63] : memref<8x128xf32, #tpu.memory_space<vmem>>, vector<8x128xf32>
      tpu.vector_store %arg8[%swap3A_62, %swap3A_63], %concatenate3A {strides = array<i32>} : memref<8x128xf32, #tpu.memory_space<vmem>>, vector<8x128xf32>,
    } else {
    }
    %ne3A = arith.constant 0 : i32
    %ne3A_58 = arith.cmpi ne, %arg0, %ne3A : i32
    %convert_element_type3A_59 = arith.extui %ne3A_58 : i1 to i32
    %cond3A_60 = arith.constant 0 : i32
    %cond3A_61 = arith.cmpi ne, %convert_element_type3A_59, %cond3A_60 : i32
    scf.if %cond3A_61 {
      %get3A_62 = arith.constant 0 : index
      %get3A_63 = arith.constant 0 : index
      %get3A_64 = vector.load %arg8[%get3A_62, %get3A_63] : memref<8x128xf32, #tpu.memory_space<vmem>>, vector<8x128xf32>
      %add3A_65 = arith.addf %get3A_64, %concatenate3A : vector<8x128xf32>
      %swap3A_66 = arith.constant 0 : index
      %swap3A_67 = arith.constant 0 : index
      %swap3A_68 = vector.load %arg8[%swap3A_66, %swap3A_67] : memref<8x128xf32, #tpu.memory_space<vmem>>, vector<8x128xf32>
      tpu.vector_store %arg8[%swap3A_66, %swap3A_67], %add3A_65 {strides = array<i32>} : memref<8x128xf32, #tpu.memory_space<vmem>>, vector<8x128xf32>,
    } else {
    }
    return
  }
  func.func @transform_0(%arg0: i32) -> (i32, i32) {
    %c0_i32 = arith.constant 0 : i32
    %c0_i32_0 = arith.constant 0 : i32
    return %arg0, %c0_i32 : i32, i32
  }
  func.func @transform_1(%arg0: i32) -> (i32, i32, i32) {
    %c0_i32 = arith.constant 0 : i32
    %c0_i32_0 = arith.constant 0 : i32
    %c0_i32_1 = arith.constant 0 : i32
    return %c0_i32, %arg0, %c0_i32_0 : i32, i32, i32
  }
  func.func @transform_2(%arg0: i32) -> (i32, i32) {
    %c0_i32 = arith.constant 0 : i32
    %c0_i32_0 = arith.constant 0 : i32
    return %arg0, %c0_i32 : i32, i32
  }
  func.func @transform_3(%arg0: i32) -> (i32, i32) {
    %c0_i32 = arith.constant 0 : i32
    %c0_i32_0 = arith.constant 0 : i32
    %c0_i32_1 = arith.constant 0 : i32
    return %c0_i32, %c0_i32_0 : i32, i32
  }
  func.func @transform_4(%arg0: i32) -> (i32, i32) {
    %c0_i32 = arith.constant 0 : i32
    %c0_i32_0 = arith.constant 0 : i32
    %c0_i32_1 = arith.constant 0 : i32
    return %c0_i32, %c0_i32_0 : i32, i32
  }
  func.func @transform_5(%arg0: i32) -> (i32, i32) {
    %c0_i32 = arith.constant 0 : i32
    %c0_i32_0 = arith.constant 0 : i32
    %c0_i32_1 = arith.constant 0 : i32
    return %c0_i32, %c0_i32_0 : i32, i32
  }
  func.func @transform_6(%arg0: i32) -> (i32, i32) {
    %c0_i32 = arith.constant 0 : i32
    %c0_i32_0 = arith.constant 0 : i32
    return %arg0, %c0_i32 : i32, i32
  }
  func.func @transform_7(%arg0: i32) -> (i32, i32) {
    %c0_i32 = arith.constant 0 : i32
    %c0_i32_0 = arith.constant 0 : i32
    %c0_i32_1 = arith.constant 0 : i32
    return %c0_i32, %c0_i32_0 : i32, i32
  }
}

module attributes {stable_mosaic.version = 14 : i64} {
  func.func @_mlp_b_body(%arg0: i32, %arg1: memref<512x128xf32, #tpu.memory_space<vmem>>, %arg2: memref<8x128xf32, #tpu.memory_space<vmem>>, %arg3: memref<1x128xf32, #tpu.memory_space<vmem>>, %arg4: memref<1x128xf32, #tpu.memory_space<vmem>>, %arg5: memref<128x128xf32, #tpu.memory_space<vmem>>, %arg6: memref<1x128xf32, #tpu.memory_space<vmem>>, %arg7: memref<512x128xf32, #tpu.memory_space<vmem>>, %arg8: memref<8x128xf32, #tpu.memory_space<vmem>>) attributes {dimension_semantics = [#tpu.dimension_semantics<arbitrary>], iteration_bounds = array<i64: 4>, scalar_prefetch = 0 : i64, scratch_operands = 0 : i64, tpu.core_type = #tpu.core_type<tc>, window_params = [{transform_indices = @transform_0, window_bounds = array<i64: 512, 128>}, {pipeline_mode = #tpu.pipeline_mode<synchronous>, transform_indices = @transform_1, window_bounds = array<i64: 8, 128>}, {pipeline_mode = #tpu.pipeline_mode<synchronous>, transform_indices = @transform_2, window_bounds = array<i64: 1, 128>}, {pipeline_mode = #tpu.pipeline_mode<synchronous>, transform_indices = @transform_3, window_bounds = array<i64: 1, 128>}, {pipeline_mode = #tpu.pipeline_mode<synchronous>, transform_indices = @transform_4, window_bounds = array<i64: 128, 128>}, {pipeline_mode = #tpu.pipeline_mode<synchronous>, transform_indices = @transform_5, window_bounds = array<i64: 1, 128>}, {transform_indices = @transform_6, window_bounds = array<i64: 512, 128>}, {pipeline_mode = #tpu.pipeline_mode<synchronous>, transform_indices = @transform_7, window_bounds = array<i64: 8, 128>}]} {
    %get3A = arith.constant 0 : index
    %get3A_0 = arith.constant 0 : index
    %get3A_1 = vector.load %arg2[%get3A, %get3A_0] : memref<8x128xf32, #tpu.memory_space<vmem>>, vector<1x128xf32>
    %mul3A = arith.constant 4.8828125E-4 : f32
    %mul3A_2 = vector.broadcast %mul3A : f32 to vector<1x128xf32>
    %mul3A_3 = arith.mulf %get3A_1, %mul3A_2 : vector<1x128xf32>
    %get3A_4 = arith.constant 1 : index
    %get3A_5 = arith.constant 0 : index
    %get3A_6 = vector.load %arg2[%get3A_4, %get3A_5] : memref<8x128xf32, #tpu.memory_space<vmem>>, vector<1x128xf32>
    %mul3A_7 = arith.constant 4.8828125E-4 : f32
    %mul3A_8 = vector.broadcast %mul3A_7 : f32 to vector<1x128xf32>
    %mul3A_9 = arith.mulf %get3A_6, %mul3A_8 : vector<1x128xf32>
    %mul3A_10 = arith.mulf %mul3A_3, %mul3A_3 : vector<1x128xf32>
    %sub3A = arith.subf %mul3A_9, %mul3A_10 : vector<1x128xf32>
    %add3A = arith.constant 9.99999974E-6 : f32
    %add3A_11 = vector.broadcast %add3A : f32 to vector<1x128xf32>
    %add3A_12 = arith.addf %sub3A, %add3A_11 : vector<1x128xf32>
    %rsqrt3A = math.rsqrt %add3A_12 : vector<1x128xf32>
    %get3A_13 = arith.constant 0 : index
    %get3A_14 = arith.constant 0 : index
    %get3A_15 = vector.load %arg1[%get3A_13, %get3A_14] : memref<512x128xf32, #tpu.memory_space<vmem>>, vector<512x128xf32>
    %sub3A_16 = vector.broadcast %mul3A_3 : vector<1x128xf32> to vector<512x128xf32>
    %sub3A_17 = arith.subf %get3A_15, %sub3A_16 : vector<512x128xf32>
    %mul3A_18 = vector.broadcast %rsqrt3A : vector<1x128xf32> to vector<512x128xf32>
    %mul3A_19 = arith.mulf %sub3A_17, %mul3A_18 : vector<512x128xf32>
    %get3A_20 = arith.constant 0 : index
    %get3A_21 = arith.constant 0 : index
    %get3A_22 = vector.load %arg3[%get3A_20, %get3A_21] : memref<1x128xf32, #tpu.memory_space<vmem>>, vector<1x128xf32>
    %mul3A_23 = vector.broadcast %get3A_22 : vector<1x128xf32> to vector<512x128xf32>
    %mul3A_24 = arith.mulf %mul3A_19, %mul3A_23 : vector<512x128xf32>
    %get3A_25 = arith.constant 0 : index
    %get3A_26 = arith.constant 0 : index
    %get3A_27 = vector.load %arg4[%get3A_25, %get3A_26] : memref<1x128xf32, #tpu.memory_space<vmem>>, vector<1x128xf32>
    %add3A_28 = vector.broadcast %get3A_27 : vector<1x128xf32> to vector<512x128xf32>
    %add3A_29 = arith.addf %mul3A_24, %add3A_28 : vector<512x128xf32>
    %max3A = arith.constant 0.000000e+00 : f32
    %max3A_30 = vector.broadcast %max3A : f32 to vector<512x128xf32>
    %max3A_31 = arith.maximumf %add3A_29, %max3A_30 : vector<512x128xf32>
    %get3A_32 = arith.constant 0 : index
    %get3A_33 = arith.constant 0 : index
    %get3A_34 = vector.load %arg5[%get3A_32, %get3A_33] : memref<128x128xf32, #tpu.memory_space<vmem>>, vector<128x128xf32>
    %dot_general3A = arith.constant dense<0.000000e+00> : vector<512x128xf32>
    %dot_general3A_35 = tpu.matmul %max3A_31, %get3A_34, %dot_general3A {dimension_numbers = #tpu.dot_dimension_numbers<[1], [0], [0], [1], [0, 0, 1, 1], [], []>, transpose_lhs_hint = false} : vector<512x128xf32>, vector<128x128xf32>, vector<512x128xf32> -> vector<512x128xf32>
    %get3A_36 = arith.constant 0 : index
    %get3A_37 = arith.constant 0 : index
    %get3A_38 = vector.load %arg6[%get3A_36, %get3A_37] : memref<1x128xf32, #tpu.memory_space<vmem>>, vector<1x128xf32>
    %add3A_39 = vector.broadcast %get3A_38 : vector<1x128xf32> to vector<512x128xf32>
    %add3A_40 = arith.addf %dot_general3A_35, %add3A_39 : vector<512x128xf32>
    %swap3A = arith.constant 0 : index
    %swap3A_41 = arith.constant 0 : index
    %swap3A_42 = vector.load %arg7[%swap3A, %swap3A_41] : memref<512x128xf32, #tpu.memory_space<vmem>>, vector<512x128xf32>
    tpu.vector_store %arg7[%swap3A, %swap3A_41], %add3A_40 {strides = array<i32>} : memref<512x128xf32, #tpu.memory_space<vmem>>, vector<512x128xf32>,
    %reduce_sum3A = arith.constant dense<0.000000e+00> : vector<128xf32>
    %reduce_sum3A_43 = vector.multi_reduction <add>, %add3A_40, %reduce_sum3A [0] : vector<512x128xf32> to vector<128xf32>
    %broadcast_in_dim3A = vector.shape_cast %reduce_sum3A_43 : vector<128xf32> to vector<1x128xf32>
    %mul3A_44 = arith.mulf %add3A_40, %add3A_40 : vector<512x128xf32>
    %reduce_sum3A_45 = arith.constant dense<0.000000e+00> : vector<128xf32>
    %reduce_sum3A_46 = vector.multi_reduction <add>, %mul3A_44, %reduce_sum3A_45 [0] : vector<512x128xf32> to vector<128xf32>
    %broadcast_in_dim3A_47 = vector.shape_cast %reduce_sum3A_46 : vector<128xf32> to vector<1x128xf32>
    %broadcast_in_dim3A_48 = arith.constant 0.000000e+00 : f32
    %broadcast_in_dim3A_49 = vector.broadcast %broadcast_in_dim3A_48 : f32 to vector<6x128xf32>
    %concatenate3A = tpu.concatenate %broadcast_in_dim3A, %broadcast_in_dim3A_47, %broadcast_in_dim3A_49 in 0 : vector<1x128xf32>, vector<1x128xf32>, vector<6x128xf32> -> vector<8x128xf32>
    %eq3A = arith.constant 0 : i32
    %eq3A_50 = arith.cmpi eq, %arg0, %eq3A : i32
    %convert_element_type3A = arith.extui %eq3A_50 : i1 to i32
    %cond3A = arith.constant 0 : i32
    %cond3A_51 = arith.cmpi ne, %convert_element_type3A, %cond3A : i32
    scf.if %cond3A_51 {
      %swap3A_56 = arith.constant 0 : index
      %swap3A_57 = arith.constant 0 : index
      %swap3A_58 = vector.load %arg8[%swap3A_56, %swap3A_57] : memref<8x128xf32, #tpu.memory_space<vmem>>, vector<8x128xf32>
      tpu.vector_store %arg8[%swap3A_56, %swap3A_57], %concatenate3A {strides = array<i32>} : memref<8x128xf32, #tpu.memory_space<vmem>>, vector<8x128xf32>,
    } else {
    }
    %ne3A = arith.constant 0 : i32
    %ne3A_52 = arith.cmpi ne, %arg0, %ne3A : i32
    %convert_element_type3A_53 = arith.extui %ne3A_52 : i1 to i32
    %cond3A_54 = arith.constant 0 : i32
    %cond3A_55 = arith.cmpi ne, %convert_element_type3A_53, %cond3A_54 : i32
    scf.if %cond3A_55 {
      %get3A_56 = arith.constant 0 : index
      %get3A_57 = arith.constant 0 : index
      %get3A_58 = vector.load %arg8[%get3A_56, %get3A_57] : memref<8x128xf32, #tpu.memory_space<vmem>>, vector<8x128xf32>
      %add3A_59 = arith.addf %get3A_58, %concatenate3A : vector<8x128xf32>
      %swap3A_60 = arith.constant 0 : index
      %swap3A_61 = arith.constant 0 : index
      %swap3A_62 = vector.load %arg8[%swap3A_60, %swap3A_61] : memref<8x128xf32, #tpu.memory_space<vmem>>, vector<8x128xf32>
      tpu.vector_store %arg8[%swap3A_60, %swap3A_61], %add3A_59 {strides = array<i32>} : memref<8x128xf32, #tpu.memory_space<vmem>>, vector<8x128xf32>,
    } else {
    }
    return
  }
  func.func @transform_0(%arg0: i32) -> (i32, i32) {
    %c0_i32 = arith.constant 0 : i32
    %c0_i32_0 = arith.constant 0 : i32
    return %arg0, %c0_i32 : i32, i32
  }
  func.func @transform_1(%arg0: i32) -> (i32, i32) {
    %c0_i32 = arith.constant 0 : i32
    %c0_i32_0 = arith.constant 0 : i32
    %c0_i32_1 = arith.constant 0 : i32
    return %c0_i32, %c0_i32_0 : i32, i32
  }
  func.func @transform_2(%arg0: i32) -> (i32, i32) {
    %c0_i32 = arith.constant 0 : i32
    %c0_i32_0 = arith.constant 0 : i32
    %c0_i32_1 = arith.constant 0 : i32
    return %c0_i32, %c0_i32_0 : i32, i32
  }
  func.func @transform_3(%arg0: i32) -> (i32, i32) {
    %c0_i32 = arith.constant 0 : i32
    %c0_i32_0 = arith.constant 0 : i32
    %c0_i32_1 = arith.constant 0 : i32
    return %c0_i32, %c0_i32_0 : i32, i32
  }
  func.func @transform_4(%arg0: i32) -> (i32, i32) {
    %c0_i32 = arith.constant 0 : i32
    %c0_i32_0 = arith.constant 0 : i32
    %c0_i32_1 = arith.constant 0 : i32
    return %c0_i32, %c0_i32_0 : i32, i32
  }
  func.func @transform_5(%arg0: i32) -> (i32, i32) {
    %c0_i32 = arith.constant 0 : i32
    %c0_i32_0 = arith.constant 0 : i32
    %c0_i32_1 = arith.constant 0 : i32
    return %c0_i32, %c0_i32_0 : i32, i32
  }
  func.func @transform_6(%arg0: i32) -> (i32, i32) {
    %c0_i32 = arith.constant 0 : i32
    %c0_i32_0 = arith.constant 0 : i32
    return %arg0, %c0_i32 : i32, i32
  }
  func.func @transform_7(%arg0: i32) -> (i32, i32) {
    %c0_i32 = arith.constant 0 : i32
    %c0_i32_0 = arith.constant 0 : i32
    %c0_i32_1 = arith.constant 0 : i32
    return %c0_i32, %c0_i32_0 : i32, i32
  }
}

module attributes {stable_mosaic.version = 14 : i64} {
  func.func @_mlp_c_body(%arg0: i32, %arg1: memref<512x128xf32, #tpu.memory_space<vmem>>, %arg2: memref<8x128xf32, #tpu.memory_space<vmem>>, %arg3: memref<1x128xf32, #tpu.memory_space<vmem>>, %arg4: memref<1x128xf32, #tpu.memory_space<vmem>>, %arg5: memref<512x128xf32, #tpu.memory_space<vmem>>) attributes {dimension_semantics = [#tpu.dimension_semantics<arbitrary>], iteration_bounds = array<i64: 4>, scalar_prefetch = 0 : i64, scratch_operands = 0 : i64, tpu.core_type = #tpu.core_type<tc>, window_params = [{transform_indices = @transform_0, window_bounds = array<i64: 512, 128>}, {pipeline_mode = #tpu.pipeline_mode<synchronous>, transform_indices = @transform_1, window_bounds = array<i64: 8, 128>}, {pipeline_mode = #tpu.pipeline_mode<synchronous>, transform_indices = @transform_2, window_bounds = array<i64: 1, 128>}, {pipeline_mode = #tpu.pipeline_mode<synchronous>, transform_indices = @transform_3, window_bounds = array<i64: 1, 128>}, {transform_indices = @transform_4, window_bounds = array<i64: 512, 128>}]} {
    %get3A = arith.constant 0 : index
    %get3A_0 = arith.constant 0 : index
    %get3A_1 = vector.load %arg2[%get3A, %get3A_0] : memref<8x128xf32, #tpu.memory_space<vmem>>, vector<1x128xf32>
    %mul3A = arith.constant 4.8828125E-4 : f32
    %mul3A_2 = vector.broadcast %mul3A : f32 to vector<1x128xf32>
    %mul3A_3 = arith.mulf %get3A_1, %mul3A_2 : vector<1x128xf32>
    %get3A_4 = arith.constant 1 : index
    %get3A_5 = arith.constant 0 : index
    %get3A_6 = vector.load %arg2[%get3A_4, %get3A_5] : memref<8x128xf32, #tpu.memory_space<vmem>>, vector<1x128xf32>
    %mul3A_7 = arith.constant 4.8828125E-4 : f32
    %mul3A_8 = vector.broadcast %mul3A_7 : f32 to vector<1x128xf32>
    %mul3A_9 = arith.mulf %get3A_6, %mul3A_8 : vector<1x128xf32>
    %mul3A_10 = arith.mulf %mul3A_3, %mul3A_3 : vector<1x128xf32>
    %sub3A = arith.subf %mul3A_9, %mul3A_10 : vector<1x128xf32>
    %add3A = arith.constant 9.99999974E-6 : f32
    %add3A_11 = vector.broadcast %add3A : f32 to vector<1x128xf32>
    %add3A_12 = arith.addf %sub3A, %add3A_11 : vector<1x128xf32>
    %rsqrt3A = math.rsqrt %add3A_12 : vector<1x128xf32>
    %get3A_13 = arith.constant 0 : index
    %get3A_14 = arith.constant 0 : index
    %get3A_15 = vector.load %arg1[%get3A_13, %get3A_14] : memref<512x128xf32, #tpu.memory_space<vmem>>, vector<512x128xf32>
    %sub3A_16 = vector.broadcast %mul3A_3 : vector<1x128xf32> to vector<512x128xf32>
    %sub3A_17 = arith.subf %get3A_15, %sub3A_16 : vector<512x128xf32>
    %mul3A_18 = vector.broadcast %rsqrt3A : vector<1x128xf32> to vector<512x128xf32>
    %mul3A_19 = arith.mulf %sub3A_17, %mul3A_18 : vector<512x128xf32>
    %get3A_20 = arith.constant 0 : index
    %get3A_21 = arith.constant 0 : index
    %get3A_22 = vector.load %arg3[%get3A_20, %get3A_21] : memref<1x128xf32, #tpu.memory_space<vmem>>, vector<1x128xf32>
    %mul3A_23 = vector.broadcast %get3A_22 : vector<1x128xf32> to vector<512x128xf32>
    %mul3A_24 = arith.mulf %mul3A_19, %mul3A_23 : vector<512x128xf32>
    %get3A_25 = arith.constant 0 : index
    %get3A_26 = arith.constant 0 : index
    %get3A_27 = vector.load %arg4[%get3A_25, %get3A_26] : memref<1x128xf32, #tpu.memory_space<vmem>>, vector<1x128xf32>
    %add3A_28 = vector.broadcast %get3A_27 : vector<1x128xf32> to vector<512x128xf32>
    %add3A_29 = arith.addf %mul3A_24, %add3A_28 : vector<512x128xf32>
    %max3A = arith.constant 0.000000e+00 : f32
    %max3A_30 = vector.broadcast %max3A : f32 to vector<512x128xf32>
    %max3A_31 = arith.maximumf %add3A_29, %max3A_30 : vector<512x128xf32>
    %swap3A = arith.constant 0 : index
    %swap3A_32 = arith.constant 0 : index
    %swap3A_33 = vector.load %arg5[%swap3A, %swap3A_32] : memref<512x128xf32, #tpu.memory_space<vmem>>, vector<512x128xf32>
    tpu.vector_store %arg5[%swap3A, %swap3A_32], %max3A_31 {strides = array<i32>} : memref<512x128xf32, #tpu.memory_space<vmem>>, vector<512x128xf32>,
    return
  }
  func.func @transform_0(%arg0: i32) -> (i32, i32) {
    %c0_i32 = arith.constant 0 : i32
    %c0_i32_0 = arith.constant 0 : i32
    return %arg0, %c0_i32 : i32, i32
  }
  func.func @transform_1(%arg0: i32) -> (i32, i32) {
    %c0_i32 = arith.constant 0 : i32
    %c0_i32_0 = arith.constant 0 : i32
    %c0_i32_1 = arith.constant 0 : i32
    return %c0_i32, %c0_i32_0 : i32, i32
  }
  func.func @transform_2(%arg0: i32) -> (i32, i32) {
    %c0_i32 = arith.constant 0 : i32
    %c0_i32_0 = arith.constant 0 : i32
    %c0_i32_1 = arith.constant 0 : i32
    return %c0_i32, %c0_i32_0 : i32, i32
  }
  func.func @transform_3(%arg0: i32) -> (i32, i32) {
    %c0_i32 = arith.constant 0 : i32
    %c0_i32_0 = arith.constant 0 : i32
    %c0_i32_1 = arith.constant 0 : i32
    return %c0_i32, %c0_i32_0 : i32, i32
  }
  func.func @transform_4(%arg0: i32) -> (i32, i32) {
    %c0_i32 = arith.constant 0 : i32
    %c0_i32_0 = arith.constant 0 : i32
    return %arg0, %c0_i32 : i32, i32
  }
}

module attributes {stable_mosaic.version = 14 : i64} {
  func.func @_knn_body(%arg0: i32, %arg1: memref<256x8xf32, #tpu.memory_space<vmem>>, %arg2: memref<64x8x128xf32, #tpu.memory_space<vmem>>, %arg3: memref<256x8xi32, #tpu.memory_space<vmem>>, %arg4: memref<256x8xf32, #tpu.memory_space<vmem>>) attributes {dimension_semantics = [#tpu.dimension_semantics<arbitrary>], iteration_bounds = array<i64: 128>, scalar_prefetch = 0 : i64, scratch_operands = 0 : i64, tpu.core_type = #tpu.core_type<tc>, window_params = [{transform_indices = @transform_0, window_bounds = array<i64: 256, 8>}, {pipeline_mode = #tpu.pipeline_mode<synchronous>, transform_indices = @transform_1, window_bounds = array<i64: 64, 8, 128>}, {transform_indices = @transform_2, window_bounds = array<i64: 256, 8>}, {transform_indices = @transform_3, window_bounds = array<i64: 256, 8>}]} {
    %get3A = arith.constant 0 : index
    %get3A_0 = arith.constant 0 : index
    %get3A_1 = vector.load %arg1[%get3A, %get3A_0] : memref<256x8xf32, #tpu.memory_space<vmem>>, vector<256x8xf32>
    %get3A_2 = arith.constant 0 : index
    %get3A_3 = arith.constant 0 : index
    %get3A_4 = arith.constant 0 : index
    %get3A_5 = vector.load %arg2[%get3A_2, %get3A_3, %get3A_4] : memref<64x8x128xf32, #tpu.memory_space<vmem>>, vector<64x8x128xf32>
    %broadcast_in_dim3A = arith.constant 0.000000e+00 : f32
    %broadcast_in_dim3A_6 = vector.broadcast %broadcast_in_dim3A : f32 to vector<64x256x128xf32>
    %slice3A = vector.extract_strided_slice %get3A_1 {offsets = [0, 0], sizes = [256, 1], strides = [1, 1]} : vector<256x8xf32> to vector<256x1xf32>
    %reshape3A = vector.shape_cast %slice3A : vector<256x1xf32> to vector<1x256x1xf32>
    %slice3A_7 = vector.extract_strided_slice %get3A_5 {offsets = [0, 0, 0], sizes = [64, 1, 128], strides = [1, 1, 1]} : vector<64x8x128xf32> to vector<64x1x128xf32>
    %sub3A = vector.broadcast %reshape3A : vector<1x256x1xf32> to vector<64x256x128xf32>
    %sub3A_8 = vector.broadcast %slice3A_7 : vector<64x1x128xf32> to vector<64x256x128xf32>
    %sub3A_9 = arith.subf %sub3A, %sub3A_8 : vector<64x256x128xf32>
    %mul3A = arith.mulf %sub3A_9, %sub3A_9 : vector<64x256x128xf32>
    %add3A = arith.addf %broadcast_in_dim3A_6, %mul3A : vector<64x256x128xf32>
    %slice3A_10 = vector.extract_strided_slice %get3A_1 {offsets = [0, 1], sizes = [256, 1], strides = [1, 1]} : vector<256x8xf32> to vector<256x1xf32>
    %reshape3A_11 = vector.shape_cast %slice3A_10 : vector<256x1xf32> to vector<1x256x1xf32>
    %slice3A_12 = vector.extract_strided_slice %get3A_5 {offsets = [0, 1, 0], sizes = [64, 1, 128], strides = [1, 1, 1]} : vector<64x8x128xf32> to vector<64x1x128xf32>
    %sub3A_13 = vector.broadcast %reshape3A_11 : vector<1x256x1xf32> to vector<64x256x128xf32>
    %sub3A_14 = vector.broadcast %slice3A_12 : vector<64x1x128xf32> to vector<64x256x128xf32>
    %sub3A_15 = arith.subf %sub3A_13, %sub3A_14 : vector<64x256x128xf32>
    %mul3A_16 = arith.mulf %sub3A_15, %sub3A_15 : vector<64x256x128xf32>
    %add3A_17 = arith.addf %add3A, %mul3A_16 : vector<64x256x128xf32>
    %slice3A_18 = vector.extract_strided_slice %get3A_1 {offsets = [0, 2], sizes = [256, 1], strides = [1, 1]} : vector<256x8xf32> to vector<256x1xf32>
    %reshape3A_19 = vector.shape_cast %slice3A_18 : vector<256x1xf32> to vector<1x256x1xf32>
    %slice3A_20 = vector.extract_strided_slice %get3A_5 {offsets = [0, 2, 0], sizes = [64, 1, 128], strides = [1, 1, 1]} : vector<64x8x128xf32> to vector<64x1x128xf32>
    %sub3A_21 = vector.broadcast %reshape3A_19 : vector<1x256x1xf32> to vector<64x256x128xf32>
    %sub3A_22 = vector.broadcast %slice3A_20 : vector<64x1x128xf32> to vector<64x256x128xf32>
    %sub3A_23 = arith.subf %sub3A_21, %sub3A_22 : vector<64x256x128xf32>
    %mul3A_24 = arith.mulf %sub3A_23, %sub3A_23 : vector<64x256x128xf32>
    %add3A_25 = arith.addf %add3A_17, %mul3A_24 : vector<64x256x128xf32>
    %bitcast_convert_type3A = tpu.bitcast %add3A_25 : vector<64x256x128xf32> -> vector<64x256x128xi32>
    %iota3A = tpu.iota {dimensions = array<i32: 0>} : vector<64x256x128xi32>
    %and3A = arith.constant -64 : i32
    %and3A_26 = vector.broadcast %and3A : i32 to vector<64x256x128xi32>
    %and3A_27 = arith.andi %bitcast_convert_type3A, %and3A_26 : vector<64x256x128xi32>
    %or3A = arith.ori %and3A_27, %iota3A : vector<64x256x128xi32>
    %bitcast_convert_type3A_28 = tpu.bitcast %or3A : vector<64x256x128xi32> -> vector<64x256x128xf32>
    %reduce_min3A = arith.constant dense<0x7F800000> : vector<256x128xf32>
    %reduce_min3A_29 = vector.multi_reduction <minimumf>, %bitcast_convert_type3A_28, %reduce_min3A [0] : vector<64x256x128xf32> to vector<256x128xf32>
    %broadcast_in_dim3A_30 = vector.shape_cast %reduce_min3A_29 : vector<256x128xf32> to vector<1x256x128xf32>
    %eq3A = vector.broadcast %broadcast_in_dim3A_30 : vector<1x256x128xf32> to vector<64x256x128xf32>
    %eq3A_31 = arith.cmpf oeq, %bitcast_convert_type3A_28, %eq3A : vector<64x256x128xf32>
    %jit3A = arith.constant 0x7F800000 : f32
    %broadcast_in_dim3A_32 = vector.broadcast %jit3A : f32 to vector<64x256x128xf32>
    %select_n3A = arith.select %eq3A_31, %broadcast_in_dim3A_32, %bitcast_convert_type3A_28 : vector<64x256x128xi1>, vector<64x256x128xf32>
    %reduce_min3A_33 = arith.constant dense<0x7F800000> : vector<256x128xf32>
    %reduce_min3A_34 = vector.multi_reduction <minimumf>, %select_n3A, %reduce_min3A_33 [0] : vector<64x256x128xf32> to vector<256x128xf32>
    %broadcast_in_dim3A_35 = vector.shape_cast %reduce_min3A_34 : vector<256x128xf32> to vector<1x256x128xf32>
    %eq3A_36 = vector.broadcast %broadcast_in_dim3A_35 : vector<1x256x128xf32> to vector<64x256x128xf32>
    %eq3A_37 = arith.cmpf oeq, %select_n3A, %eq3A_36 : vector<64x256x128xf32>
    %jit3A_38 = arith.constant 0x7F800000 : f32
    %broadcast_in_dim3A_39 = vector.broadcast %jit3A_38 : f32 to vector<64x256x128xf32>
    %select_n3A_40 = arith.select %eq3A_37, %broadcast_in_dim3A_39, %select_n3A : vector<64x256x128xi1>, vector<64x256x128xf32>
    %reduce_min3A_41 = arith.constant dense<0x7F800000> : vector<256x128xf32>
    %reduce_min3A_42 = vector.multi_reduction <minimumf>, %select_n3A_40, %reduce_min3A_41 [0] : vector<64x256x128xf32> to vector<256x128xf32>
    %iota3A_43 = tpu.iota {dimensions = array<i32: 1>} : vector<256x128xi32>
    %reduce_min3A_44 = arith.constant dense<0x7F800000> : vector<256xf32>
    %reduce_min3A_45 = vector.multi_reduction <minimumf>, %reduce_min3A_29, %reduce_min3A_44 [1] : vector<256x128xf32> to vector<256xf32>
    %broadcast_in_dim3A_46 = vector.shape_cast %reduce_min3A_45 : vector<256xf32> to vector<256x1xf32>
    %eq3A_47 = vector.broadcast %broadcast_in_dim3A_46 : vector<256x1xf32> to vector<256x128xf32>
    %eq3A_48 = arith.cmpf oeq, %reduce_min3A_29, %eq3A_47 : vector<256x128xf32>
    %jit3A_49 = arith.constant 128 : i32
    %broadcast_in_dim3A_50 = vector.broadcast %jit3A_49 : i32 to vector<256x128xi32>
    %select_n3A_51 = arith.select %eq3A_48, %iota3A_43, %broadcast_in_dim3A_50 : vector<256x128xi1>, vector<256x128xi32>
    %reduce_min3A_52 = arith.constant dense<2147483647> : vector<256xi32>
    %reduce_min3A_53 = vector.multi_reduction <minsi>, %select_n3A_51, %reduce_min3A_52 [1] : vector<256x128xi32> to vector<256xi32>
    %broadcast_in_dim3A_54 = vector.shape_cast %reduce_min3A_53 : vector<256xi32> to vector<256x1xi32>
    %bitcast_convert_type3A_55 = tpu.bitcast %broadcast_in_dim3A_46 : vector<256x1xf32> -> vector<256x1xi32>
    %and3A_56 = arith.constant 63 : i32
    %and3A_57 = vector.broadcast %and3A_56 : i32 to vector<256x1xi32>
    %and3A_58 = arith.andi %bitcast_convert_type3A_55, %and3A_57 : vector<256x1xi32>
    %mul3A_59 = arith.constant 128 : i32
    %mul3A_60 = vector.broadcast %mul3A_59 : i32 to vector<256x1xi32>
    %mul3A_61 = arith.muli %and3A_58, %mul3A_60 : vector<256x1xi32>
    %add3A_62 = arith.addi %mul3A_61, %broadcast_in_dim3A_54 : vector<256x1xi32>
    %and3A_63 = arith.constant -64 : i32
    %and3A_64 = vector.broadcast %and3A_63 : i32 to vector<256x1xi32>
    %and3A_65 = arith.andi %bitcast_convert_type3A_55, %and3A_64 : vector<256x1xi32>
    %bitcast_convert_type3A_66 = tpu.bitcast %and3A_65 : vector<256x1xi32> -> vector<256x1xf32>
    %eq3A_67 = vector.broadcast %broadcast_in_dim3A_46 : vector<256x1xf32> to vector<256x128xf32>
    %eq3A_68 = arith.cmpf oeq, %reduce_min3A_29, %eq3A_67 : vector<256x128xf32>
    %jit3A_69 = arith.constant 0x7F800000 : f32
    %broadcast_in_dim3A_70 = vector.broadcast %jit3A_69 : f32 to vector<256x128xf32>
    %select_n3A_71 = arith.select %eq3A_68, %broadcast_in_dim3A_70, %reduce_min3A_29 : vector<256x128xi1>, vector<256x128xf32>
    %reduce_min3A_72 = arith.constant dense<0x7F800000> : vector<256xf32>
    %reduce_min3A_73 = vector.multi_reduction <minimumf>, %select_n3A_71, %reduce_min3A_72 [1] : vector<256x128xf32> to vector<256xf32>
    %broadcast_in_dim3A_74 = vector.shape_cast %reduce_min3A_73 : vector<256xf32> to vector<256x1xf32>
    %reduce_min3A_75 = arith.constant dense<0x7F800000> : vector<256xf32>
    %reduce_min3A_76 = vector.multi_reduction <minimumf>, %reduce_min3A_34, %reduce_min3A_75 [1] : vector<256x128xf32> to vector<256xf32>
    %broadcast_in_dim3A_77 = vector.shape_cast %reduce_min3A_76 : vector<256xf32> to vector<256x1xf32>
    %min3A = arith.minimumf %broadcast_in_dim3A_74, %broadcast_in_dim3A_77 : vector<256x1xf32>
    %min3A_78 = arith.minimumf %select_n3A_71, %reduce_min3A_34 : vector<256x128xf32>
    %eq3A_79 = vector.broadcast %min3A : vector<256x1xf32> to vector<256x128xf32>
    %eq3A_80 = arith.cmpf oeq, %min3A_78, %eq3A_79 : vector<256x128xf32>
    %jit3A_81 = arith.constant 128 : i32
    %broadcast_in_dim3A_82 = vector.broadcast %jit3A_81 : i32 to vector<256x128xi32>
    %select_n3A_83 = arith.select %eq3A_80, %iota3A_43, %broadcast_in_dim3A_82 : vector<256x128xi1>, vector<256x128xi32>
    %reduce_min3A_84 = arith.constant dense<2147483647> : vector<256xi32>
    %reduce_min3A_85 = vector.multi_reduction <minsi>, %select_n3A_83, %reduce_min3A_84 [1] : vector<256x128xi32> to vector<256xi32>
    %broadcast_in_dim3A_86 = vector.shape_cast %reduce_min3A_85 : vector<256xi32> to vector<256x1xi32>
    %bitcast_convert_type3A_87 = tpu.bitcast %min3A : vector<256x1xf32> -> vector<256x1xi32>
    %and3A_88 = arith.constant 63 : i32
    %and3A_89 = vector.broadcast %and3A_88 : i32 to vector<256x1xi32>
    %and3A_90 = arith.andi %bitcast_convert_type3A_87, %and3A_89 : vector<256x1xi32>
    %mul3A_91 = arith.constant 128 : i32
    %mul3A_92 = vector.broadcast %mul3A_91 : i32 to vector<256x1xi32>
    %mul3A_93 = arith.muli %and3A_90, %mul3A_92 : vector<256x1xi32>
    %add3A_94 = arith.addi %mul3A_93, %broadcast_in_dim3A_86 : vector<256x1xi32>
    %and3A_95 = arith.constant -64 : i32
    %and3A_96 = vector.broadcast %and3A_95 : i32 to vector<256x1xi32>
    %and3A_97 = arith.andi %bitcast_convert_type3A_87, %and3A_96 : vector<256x1xi32>
    %bitcast_convert_type3A_98 = tpu.bitcast %and3A_97 : vector<256x1xi32> -> vector<256x1xf32>
    %eq3A_99 = vector.broadcast %min3A : vector<256x1xf32> to vector<256x128xf32>
    %eq3A_100 = arith.cmpf oeq, %select_n3A_71, %eq3A_99 : vector<256x128xf32>
    %jit3A_101 = arith.constant 0x7F800000 : f32
    %broadcast_in_dim3A_102 = vector.broadcast %jit3A_101 : f32 to vector<256x128xf32>
    %select_n3A_103 = arith.select %eq3A_100, %broadcast_in_dim3A_102, %select_n3A_71 : vector<256x128xi1>, vector<256x128xf32>
    %eq3A_104 = vector.broadcast %min3A : vector<256x1xf32> to vector<256x128xf32>
    %eq3A_105 = arith.cmpf oeq, %reduce_min3A_34, %eq3A_104 : vector<256x128xf32>
    %jit3A_106 = arith.constant 0x7F800000 : f32
    %broadcast_in_dim3A_107 = vector.broadcast %jit3A_106 : f32 to vector<256x128xf32>
    %select_n3A_108 = arith.select %eq3A_105, %broadcast_in_dim3A_107, %reduce_min3A_34 : vector<256x128xi1>, vector<256x128xf32>
    %reduce_min3A_109 = arith.constant dense<0x7F800000> : vector<256xf32>
    %reduce_min3A_110 = vector.multi_reduction <minimumf>, %select_n3A_103, %reduce_min3A_109 [1] : vector<256x128xf32> to vector<256xf32>
    %broadcast_in_dim3A_111 = vector.shape_cast %reduce_min3A_110 : vector<256xf32> to vector<256x1xf32>
    %reduce_min3A_112 = arith.constant dense<0x7F800000> : vector<256xf32>
    %reduce_min3A_113 = vector.multi_reduction <minimumf>, %select_n3A_108, %reduce_min3A_112 [1] : vector<256x128xf32> to vector<256xf32>
    %broadcast_in_dim3A_114 = vector.shape_cast %reduce_min3A_113 : vector<256xf32> to vector<256x1xf32>
    %min3A_115 = arith.minimumf %broadcast_in_dim3A_111, %broadcast_in_dim3A_114 : vector<256x1xf32>
    %reduce_min3A_116 = arith.constant dense<0x7F800000> : vector<256xf32>
    %reduce_min3A_117 = vector.multi_reduction <minimumf>, %reduce_min3A_42, %reduce_min3A_116 [1] : vector<256x128xf32> to vector<256xf32>
    %broadcast_in_dim3A_118 = vector.shape_cast %reduce_min3A_117 : vector<256xf32> to vector<256x1xf32>
    %min3A_119 = arith.minimumf %min3A_115, %broadcast_in_dim3A_118 : vector<256x1xf32>
    %min3A_120 = arith.minimumf %select_n3A_103, %select_n3A_108 : vector<256x128xf32>
    %min3A_121 = arith.minimumf %min3A_120, %reduce_min3A_42 : vector<256x128xf32>
    %eq3A_122 = vector.broadcast %min3A_119 : vector<256x1xf32> to vector<256x128xf32>
    %eq3A_123 = arith.cmpf oeq, %min3A_121, %eq3A_122 : vector<256x128xf32>
    %jit3A_124 = arith.constant 128 : i32
    %broadcast_in_dim3A_125 = vector.broadcast %jit3A_124 : i32 to vector<256x128xi32>
    %select_n3A_126 = arith.select %eq3A_123, %iota3A_43, %broadcast_in_dim3A_125 : vector<256x128xi1>, vector<256x128xi32>
    %reduce_min3A_127 = arith.constant dense<2147483647> : vector<256xi32>
    %reduce_min3A_128 = vector.multi_reduction <minsi>, %select_n3A_126, %reduce_min3A_127 [1] : vector<256x128xi32> to vector<256xi32>
    %broadcast_in_dim3A_129 = vector.shape_cast %reduce_min3A_128 : vector<256xi32> to vector<256x1xi32>
    %bitcast_convert_type3A_130 = tpu.bitcast %min3A_119 : vector<256x1xf32> -> vector<256x1xi32>
    %and3A_131 = arith.constant 63 : i32
    %and3A_132 = vector.broadcast %and3A_131 : i32 to vector<256x1xi32>
    %and3A_133 = arith.andi %bitcast_convert_type3A_130, %and3A_132 : vector<256x1xi32>
    %mul3A_134 = arith.constant 128 : i32
    %mul3A_135 = vector.broadcast %mul3A_134 : i32 to vector<256x1xi32>
    %mul3A_136 = arith.muli %and3A_133, %mul3A_135 : vector<256x1xi32>
    %add3A_137 = arith.addi %mul3A_136, %broadcast_in_dim3A_129 : vector<256x1xi32>
    %and3A_138 = arith.constant -64 : i32
    %and3A_139 = vector.broadcast %and3A_138 : i32 to vector<256x1xi32>
    %and3A_140 = arith.andi %bitcast_convert_type3A_130, %and3A_139 : vector<256x1xi32>
    %bitcast_convert_type3A_141 = tpu.bitcast %and3A_140 : vector<256x1xi32> -> vector<256x1xf32>
    %max3A = arith.constant 1.000000e-16 : f32
    %max3A_142 = vector.broadcast %max3A : f32 to vector<256x1xf32>
    %max3A_143 = arith.maximumf %bitcast_convert_type3A_66, %max3A_142 : vector<256x1xf32>
    %div3A = arith.constant 1.000000e+00 : f32
    %div3A_144 = vector.broadcast %div3A : f32 to vector<256x1xf32>
    %div3A_145 = arith.divf %div3A_144, %max3A_143 : vector<256x1xf32>
    %max3A_146 = arith.constant 1.000000e-16 : f32
    %max3A_147 = vector.broadcast %max3A_146 : f32 to vector<256x1xf32>
    %max3A_148 = arith.maximumf %bitcast_convert_type3A_98, %max3A_147 : vector<256x1xf32>
    %div3A_149 = arith.constant 1.000000e+00 : f32
    %div3A_150 = vector.broadcast %div3A_149 : f32 to vector<256x1xf32>
    %div3A_151 = arith.divf %div3A_150, %max3A_148 : vector<256x1xf32>
    %max3A_152 = arith.constant 1.000000e-16 : f32
    %max3A_153 = vector.broadcast %max3A_152 : f32 to vector<256x1xf32>
    %max3A_154 = arith.maximumf %bitcast_convert_type3A_141, %max3A_153 : vector<256x1xf32>
    %div3A_155 = arith.constant 1.000000e+00 : f32
    %div3A_156 = vector.broadcast %div3A_155 : f32 to vector<256x1xf32>
    %div3A_157 = arith.divf %div3A_156, %max3A_154 : vector<256x1xf32>
    %add3A_158 = arith.addf %div3A_145, %div3A_151 : vector<256x1xf32>
    %add3A_159 = arith.addf %add3A_158, %div3A_157 : vector<256x1xf32>
    %div3A_160 = arith.divf %div3A_145, %add3A_159 : vector<256x1xf32>
    %div3A_161 = arith.divf %div3A_151, %add3A_159 : vector<256x1xf32>
    %div3A_162 = arith.divf %div3A_157, %add3A_159 : vector<256x1xf32>
    %broadcast_in_dim3A_163 = arith.constant 0 : i32
    %broadcast_in_dim3A_164 = vector.broadcast %broadcast_in_dim3A_163 : i32 to vector<256x5xi32>
    %broadcast_in_dim3A_165 = arith.constant 0.000000e+00 : f32
    %broadcast_in_dim3A_166 = vector.broadcast %broadcast_in_dim3A_165 : f32 to vector<256x5xf32>
    %concatenate3A = tpu.concatenate %add3A_62, %add3A_94, %add3A_137, %broadcast_in_dim3A_164 in 1 : vector<256x1xi32>, vector<256x1xi32>, vector<256x1xi32>, vector<256x5xi32> -> vector<256x8xi32>
    %swap3A = arith.constant 0 : index
    %swap3A_167 = arith.constant 0 : index
    %swap3A_168 = vector.load %arg3[%swap3A, %swap3A_167] : memref<256x8xi32, #tpu.memory_space<vmem>>, vector<256x8xi32>
    tpu.vector_store %arg3[%swap3A, %swap3A_167], %concatenate3A {strides = array<i32>} : memref<256x8xi32, #tpu.memory_space<vmem>>, vector<256x8xi32>,
    %concatenate3A_169 = tpu.concatenate %div3A_160, %div3A_161, %div3A_162, %broadcast_in_dim3A_166 in 1 : vector<256x1xf32>, vector<256x1xf32>, vector<256x1xf32>, vector<256x5xf32> -> vector<256x8xf32>
    %swap3A_170 = arith.constant 0 : index
    %swap3A_171 = arith.constant 0 : index
    %swap3A_172 = vector.load %arg4[%swap3A_170, %swap3A_171] : memref<256x8xf32, #tpu.memory_space<vmem>>, vector<256x8xf32>
    tpu.vector_store %arg4[%swap3A_170, %swap3A_171], %concatenate3A_169 {strides = array<i32>} : memref<256x8xf32, #tpu.memory_space<vmem>>, vector<256x8xf32>,
    return
  }
  func.func @transform_0(%arg0: i32) -> (i32, i32) {
    %c0_i32 = arith.constant 0 : i32
    %c0_i32_0 = arith.constant 0 : i32
    return %arg0, %c0_i32 : i32, i32
  }
  func.func @transform_1(%arg0: i32) -> (i32, i32, i32) {
    %c0_i32 = arith.constant 0 : i32
    %c0_i32_0 = arith.constant 0 : i32
    %c0_i32_1 = arith.constant 0 : i32
    %c0_i32_2 = arith.constant 0 : i32
    return %c0_i32, %c0_i32_0, %c0_i32_1 : i32, i32, i32
  }
  func.func @transform_2(%arg0: i32) -> (i32, i32) {
    %c0_i32 = arith.constant 0 : i32
    %c0_i32_0 = arith.constant 0 : i32
    return %arg0, %c0_i32 : i32, i32
  }
  func.func @transform_3(%arg0: i32) -> (i32, i32) {
    %c0_i32 = arith.constant 0 : i32
    %c0_i32_0 = arith.constant 0 : i32
    return %arg0, %c0_i32 : i32, i32
  }
}

module attributes {stable_mosaic.version = 14 : i64} {
  func.func @_mlp_a_body(%arg0: i32, %arg1: memref<512x64xf32, #tpu.memory_space<vmem>>, %arg2: memref<3x512x128xf32, #tpu.memory_space<vmem>>, %arg3: memref<512x8xf32, #tpu.memory_space<vmem>>, %arg4: memref<64x64xf32, #tpu.memory_space<vmem>>, %arg5: memref<128x64xf32, #tpu.memory_space<vmem>>, %arg6: memref<1x64xf32, #tpu.memory_space<vmem>>, %arg7: memref<512x64xf32, #tpu.memory_space<vmem>>, %arg8: memref<8x64xf32, #tpu.memory_space<vmem>>) attributes {dimension_semantics = [#tpu.dimension_semantics<arbitrary>], iteration_bounds = array<i64: 16>, scalar_prefetch = 0 : i64, scratch_operands = 0 : i64, tpu.core_type = #tpu.core_type<tc>, window_params = [{transform_indices = @transform_0, window_bounds = array<i64: 512, 64>}, {transform_indices = @transform_1, window_bounds = array<i64: 3, 512, 128>}, {transform_indices = @transform_2, window_bounds = array<i64: 512, 8>}, {pipeline_mode = #tpu.pipeline_mode<synchronous>, transform_indices = @transform_3, window_bounds = array<i64: 64, 64>}, {pipeline_mode = #tpu.pipeline_mode<synchronous>, transform_indices = @transform_4, window_bounds = array<i64: 128, 64>}, {pipeline_mode = #tpu.pipeline_mode<synchronous>, transform_indices = @transform_5, window_bounds = array<i64: 1, 64>}, {transform_indices = @transform_6, window_bounds = array<i64: 512, 64>}, {pipeline_mode = #tpu.pipeline_mode<synchronous>, transform_indices = @transform_7, window_bounds = array<i64: 8, 64>}]} {
    %get3A = arith.constant 0 : index
    %get3A_0 = arith.constant 0 : index
    %get3A_1 = vector.load %arg3[%get3A, %get3A_0] : memref<512x8xf32, #tpu.memory_space<vmem>>, vector<512x1xf32>
    %get3A_2 = arith.constant 0 : index
    %get3A_3 = arith.constant 0 : index
    %get3A_4 = arith.constant 0 : index
    %get3A_5 = vector.load %arg2[%get3A_2, %get3A_3, %get3A_4] : memref<3x512x128xf32, #tpu.memory_space<vmem>>, vector<1x512x128xf32>
    %get3A_6 = vector.shape_cast %get3A_5 : vector<1x512x128xf32> to vector<512x128xf32>
    %mul3A = vector.broadcast %get3A_1 : vector<512x1xf32> to vector<512x128xf32>
    %mul3A_7 = arith.mulf %mul3A, %get3A_6 : vector<512x128xf32>
    %get3A_8 = arith.constant 0 : index
    %get3A_9 = arith.constant 1 : index
    %get3A_10 = vector.load %arg3[%get3A_8, %get3A_9] : memref<512x8xf32, #tpu.memory_space<vmem>>, vector<512x1xf32>
    %get3A_11 = arith.constant 1 : index
    %get3A_12 = arith.constant 0 : index
    %get3A_13 = arith.constant 0 : index
    %get3A_14 = vector.load %arg2[%get3A_11, %get3A_12, %get3A_13] : memref<3x512x128xf32, #tpu.memory_space<vmem>>, vector<1x512x128xf32>
    %get3A_15 = vector.shape_cast %get3A_14 : vector<1x512x128xf32> to vector<512x128xf32>
    %mul3A_16 = vector.broadcast %get3A_10 : vector<512x1xf32> to vector<512x128xf32>
    %mul3A_17 = arith.mulf %mul3A_16, %get3A_15 : vector<512x128xf32>
    %add3A = arith.addf %mul3A_7, %mul3A_17 : vector<512x128xf32>
    %get3A_18 = arith.constant 0 : index
    %get3A_19 = arith.constant 2 : index
    %get3A_20 = vector.load %arg3[%get3A_18, %get3A_19] : memref<512x8xf32, #tpu.memory_space<vmem>>, vector<512x1xf32>
    %get3A_21 = arith.constant 2 : index
    %get3A_22 = arith.constant 0 : index
    %get3A_23 = arith.constant 0 : index
    %get3A_24 = vector.load %arg2[%get3A_21, %get3A_22, %get3A_23] : memref<3x512x128xf32, #tpu.memory_space<vmem>>, vector<1x512x128xf32>
    %get3A_25 = vector.shape_cast %get3A_24 : vector<1x512x128xf32> to vector<512x128xf32>
    %mul3A_26 = vector.broadcast %get3A_20 : vector<512x1xf32> to vector<512x128xf32>
    %mul3A_27 = arith.mulf %mul3A_26, %get3A_25 : vector<512x128xf32>
    %add3A_28 = arith.addf %add3A, %mul3A_27 : vector<512x128xf32>
    %get3A_29 = arith.constant 0 : index
    %get3A_30 = arith.constant 0 : index
    %get3A_31 = vector.load %arg1[%get3A_29, %get3A_30] : memref<512x64xf32, #tpu.memory_space<vmem>>, vector<512x64xf32>
    %get3A_32 = arith.constant 0 : index
    %get3A_33 = arith.constant 0 : index
    %get3A_34 = vector.load %arg4[%get3A_32, %get3A_33] : memref<64x64xf32, #tpu.memory_space<vmem>>, vector<64x64xf32>
    %dot_general3A = arith.constant dense<0.000000e+00> : vector<512x64xf32>
    %dot_general3A_35 = tpu.matmul %get3A_31, %get3A_34, %dot_general3A {dimension_numbers = #tpu.dot_dimension_numbers<[1], [0], [0], [1], [0, 0, 1, 1], [], []>, transpose_lhs_hint = false} : vector<512x64xf32>, vector<64x64xf32>, vector<512x64xf32> -> vector<512x64xf32>
    %get3A_36 = arith.constant 0 : index
    %get3A_37 = arith.constant 0 : index
    %get3A_38 = vector.load %arg5[%get3A_36, %get3A_37] : memref<128x64xf32, #tpu.memory_space<vmem>>, vector<128x64xf32>
    %dot_general3A_39 = arith.constant dense<0.000000e+00> : vector<512x64xf32>
    %dot_general3A_40 = tpu.matmul %add3A_28, %get3A_38, %dot_general3A_39 {dimension_numbers = #tpu.dot_dimension_numbers<[1], [0], [0], [1], [0, 0, 1, 1], [], []>, transpose_lhs_hint = false} : vector<512x128xf32>, vector<128x64xf32>, vector<512x64xf32> -> vector<512x64xf32>
    %add3A_41 = arith.addf %dot_general3A_35, %dot_general3A_40 : vector<512x64xf32>
    %get3A_42 = arith.constant 0 : index
    %get3A_43 = arith.constant 0 : index
    %get3A_44 = vector.load %arg6[%get3A_42, %get3A_43] : memref<1x64xf32, #tpu.memory_space<vmem>>, vector<1x64xf32>
    %add3A_45 = vector.broadcast %get3A_44 : vector<1x64xf32> to vector<512x64xf32>
    %add3A_46 = arith.addf %add3A_41, %add3A_45 : vector<512x64xf32>
    %swap3A = arith.constant 0 : index
    %swap3A_47 = arith.constant 0 : index
    %swap3A_48 = vector.load %arg7[%swap3A, %swap3A_47] : memref<512x64xf32, #tpu.memory_space<vmem>>, vector<512x64xf32>
    tpu.vector_store %arg7[%swap3A, %swap3A_47], %add3A_46 {strides = array<i32>} : memref<512x64xf32, #tpu.memory_space<vmem>>, vector<512x64xf32>,
    %reduce_sum3A = arith.constant dense<0.000000e+00> : vector<64xf32>
    %reduce_sum3A_49 = vector.multi_reduction <add>, %add3A_46, %reduce_sum3A [0] : vector<512x64xf32> to vector<64xf32>
    %broadcast_in_dim3A = vector.shape_cast %reduce_sum3A_49 : vector<64xf32> to vector<1x64xf32>
    %mul3A_50 = arith.mulf %add3A_46, %add3A_46 : vector<512x64xf32>
    %reduce_sum3A_51 = arith.constant dense<0.000000e+00> : vector<64xf32>
    %reduce_sum3A_52 = vector.multi_reduction <add>, %mul3A_50, %reduce_sum3A_51 [0] : vector<512x64xf32> to vector<64xf32>
    %broadcast_in_dim3A_53 = vector.shape_cast %reduce_sum3A_52 : vector<64xf32> to vector<1x64xf32>
    %broadcast_in_dim3A_54 = arith.constant 0.000000e+00 : f32
    %broadcast_in_dim3A_55 = vector.broadcast %broadcast_in_dim3A_54 : f32 to vector<6x64xf32>
    %concatenate3A = tpu.concatenate %broadcast_in_dim3A, %broadcast_in_dim3A_53, %broadcast_in_dim3A_55 in 0 : vector<1x64xf32>, vector<1x64xf32>, vector<6x64xf32> -> vector<8x64xf32>
    %eq3A = arith.constant 0 : i32
    %eq3A_56 = arith.cmpi eq, %arg0, %eq3A : i32
    %convert_element_type3A = arith.extui %eq3A_56 : i1 to i32
    %cond3A = arith.constant 0 : i32
    %cond3A_57 = arith.cmpi ne, %convert_element_type3A, %cond3A : i32
    scf.if %cond3A_57 {
      %swap3A_62 = arith.constant 0 : index
      %swap3A_63 = arith.constant 0 : index
      %swap3A_64 = vector.load %arg8[%swap3A_62, %swap3A_63] : memref<8x64xf32, #tpu.memory_space<vmem>>, vector<8x64xf32>
      tpu.vector_store %arg8[%swap3A_62, %swap3A_63], %concatenate3A {strides = array<i32>} : memref<8x64xf32, #tpu.memory_space<vmem>>, vector<8x64xf32>,
    } else {
    }
    %ne3A = arith.constant 0 : i32
    %ne3A_58 = arith.cmpi ne, %arg0, %ne3A : i32
    %convert_element_type3A_59 = arith.extui %ne3A_58 : i1 to i32
    %cond3A_60 = arith.constant 0 : i32
    %cond3A_61 = arith.cmpi ne, %convert_element_type3A_59, %cond3A_60 : i32
    scf.if %cond3A_61 {
      %get3A_62 = arith.constant 0 : index
      %get3A_63 = arith.constant 0 : index
      %get3A_64 = vector.load %arg8[%get3A_62, %get3A_63] : memref<8x64xf32, #tpu.memory_space<vmem>>, vector<8x64xf32>
      %add3A_65 = arith.addf %get3A_64, %concatenate3A : vector<8x64xf32>
      %swap3A_66 = arith.constant 0 : index
      %swap3A_67 = arith.constant 0 : index
      %swap3A_68 = vector.load %arg8[%swap3A_66, %swap3A_67] : memref<8x64xf32, #tpu.memory_space<vmem>>, vector<8x64xf32>
      tpu.vector_store %arg8[%swap3A_66, %swap3A_67], %add3A_65 {strides = array<i32>} : memref<8x64xf32, #tpu.memory_space<vmem>>, vector<8x64xf32>,
    } else {
    }
    return
  }
  func.func @transform_0(%arg0: i32) -> (i32, i32) {
    %c0_i32 = arith.constant 0 : i32
    %c0_i32_0 = arith.constant 0 : i32
    return %arg0, %c0_i32 : i32, i32
  }
  func.func @transform_1(%arg0: i32) -> (i32, i32, i32) {
    %c0_i32 = arith.constant 0 : i32
    %c0_i32_0 = arith.constant 0 : i32
    %c0_i32_1 = arith.constant 0 : i32
    return %c0_i32, %arg0, %c0_i32_0 : i32, i32, i32
  }
  func.func @transform_2(%arg0: i32) -> (i32, i32) {
    %c0_i32 = arith.constant 0 : i32
    %c0_i32_0 = arith.constant 0 : i32
    return %arg0, %c0_i32 : i32, i32
  }
  func.func @transform_3(%arg0: i32) -> (i32, i32) {
    %c0_i32 = arith.constant 0 : i32
    %c0_i32_0 = arith.constant 0 : i32
    %c0_i32_1 = arith.constant 0 : i32
    return %c0_i32, %c0_i32_0 : i32, i32
  }
  func.func @transform_4(%arg0: i32) -> (i32, i32) {
    %c0_i32 = arith.constant 0 : i32
    %c0_i32_0 = arith.constant 0 : i32
    %c0_i32_1 = arith.constant 0 : i32
    return %c0_i32, %c0_i32_0 : i32, i32
  }
  func.func @transform_5(%arg0: i32) -> (i32, i32) {
    %c0_i32 = arith.constant 0 : i32
    %c0_i32_0 = arith.constant 0 : i32
    %c0_i32_1 = arith.constant 0 : i32
    return %c0_i32, %c0_i32_0 : i32, i32
  }
  func.func @transform_6(%arg0: i32) -> (i32, i32) {
    %c0_i32 = arith.constant 0 : i32
    %c0_i32_0 = arith.constant 0 : i32
    return %arg0, %c0_i32 : i32, i32
  }
  func.func @transform_7(%arg0: i32) -> (i32, i32) {
    %c0_i32 = arith.constant 0 : i32
    %c0_i32_0 = arith.constant 0 : i32
    %c0_i32_1 = arith.constant 0 : i32
    return %c0_i32, %c0_i32_0 : i32, i32
  }
}

module attributes {stable_mosaic.version = 14 : i64} {
  func.func @_mlp_b_body(%arg0: i32, %arg1: memref<512x64xf32, #tpu.memory_space<vmem>>, %arg2: memref<8x64xf32, #tpu.memory_space<vmem>>, %arg3: memref<1x64xf32, #tpu.memory_space<vmem>>, %arg4: memref<1x64xf32, #tpu.memory_space<vmem>>, %arg5: memref<64x64xf32, #tpu.memory_space<vmem>>, %arg6: memref<1x64xf32, #tpu.memory_space<vmem>>, %arg7: memref<512x64xf32, #tpu.memory_space<vmem>>, %arg8: memref<8x64xf32, #tpu.memory_space<vmem>>) attributes {dimension_semantics = [#tpu.dimension_semantics<arbitrary>], iteration_bounds = array<i64: 16>, scalar_prefetch = 0 : i64, scratch_operands = 0 : i64, tpu.core_type = #tpu.core_type<tc>, window_params = [{transform_indices = @transform_0, window_bounds = array<i64: 512, 64>}, {pipeline_mode = #tpu.pipeline_mode<synchronous>, transform_indices = @transform_1, window_bounds = array<i64: 8, 64>}, {pipeline_mode = #tpu.pipeline_mode<synchronous>, transform_indices = @transform_2, window_bounds = array<i64: 1, 64>}, {pipeline_mode = #tpu.pipeline_mode<synchronous>, transform_indices = @transform_3, window_bounds = array<i64: 1, 64>}, {pipeline_mode = #tpu.pipeline_mode<synchronous>, transform_indices = @transform_4, window_bounds = array<i64: 64, 64>}, {pipeline_mode = #tpu.pipeline_mode<synchronous>, transform_indices = @transform_5, window_bounds = array<i64: 1, 64>}, {transform_indices = @transform_6, window_bounds = array<i64: 512, 64>}, {pipeline_mode = #tpu.pipeline_mode<synchronous>, transform_indices = @transform_7, window_bounds = array<i64: 8, 64>}]} {
    %get3A = arith.constant 0 : index
    %get3A_0 = arith.constant 0 : index
    %get3A_1 = vector.load %arg2[%get3A, %get3A_0] : memref<8x64xf32, #tpu.memory_space<vmem>>, vector<1x64xf32>
    %mul3A = arith.constant 1.22070313E-4 : f32
    %mul3A_2 = vector.broadcast %mul3A : f32 to vector<1x64xf32>
    %mul3A_3 = arith.mulf %get3A_1, %mul3A_2 : vector<1x64xf32>
    %get3A_4 = arith.constant 1 : index
    %get3A_5 = arith.constant 0 : index
    %get3A_6 = vector.load %arg2[%get3A_4, %get3A_5] : memref<8x64xf32, #tpu.memory_space<vmem>>, vector<1x64xf32>
    %mul3A_7 = arith.constant 1.22070313E-4 : f32
    %mul3A_8 = vector.broadcast %mul3A_7 : f32 to vector<1x64xf32>
    %mul3A_9 = arith.mulf %get3A_6, %mul3A_8 : vector<1x64xf32>
    %mul3A_10 = arith.mulf %mul3A_3, %mul3A_3 : vector<1x64xf32>
    %sub3A = arith.subf %mul3A_9, %mul3A_10 : vector<1x64xf32>
    %add3A = arith.constant 9.99999974E-6 : f32
    %add3A_11 = vector.broadcast %add3A : f32 to vector<1x64xf32>
    %add3A_12 = arith.addf %sub3A, %add3A_11 : vector<1x64xf32>
    %rsqrt3A = math.rsqrt %add3A_12 : vector<1x64xf32>
    %get3A_13 = arith.constant 0 : index
    %get3A_14 = arith.constant 0 : index
    %get3A_15 = vector.load %arg1[%get3A_13, %get3A_14] : memref<512x64xf32, #tpu.memory_space<vmem>>, vector<512x64xf32>
    %sub3A_16 = vector.broadcast %mul3A_3 : vector<1x64xf32> to vector<512x64xf32>
    %sub3A_17 = arith.subf %get3A_15, %sub3A_16 : vector<512x64xf32>
    %mul3A_18 = vector.broadcast %rsqrt3A : vector<1x64xf32> to vector<512x64xf32>
    %mul3A_19 = arith.mulf %sub3A_17, %mul3A_18 : vector<512x64xf32>
    %get3A_20 = arith.constant 0 : index
    %get3A_21 = arith.constant 0 : index
    %get3A_22 = vector.load %arg3[%get3A_20, %get3A_21] : memref<1x64xf32, #tpu.memory_space<vmem>>, vector<1x64xf32>
    %mul3A_23 = vector.broadcast %get3A_22 : vector<1x64xf32> to vector<512x64xf32>
    %mul3A_24 = arith.mulf %mul3A_19, %mul3A_23 : vector<512x64xf32>
    %get3A_25 = arith.constant 0 : index
    %get3A_26 = arith.constant 0 : index
    %get3A_27 = vector.load %arg4[%get3A_25, %get3A_26] : memref<1x64xf32, #tpu.memory_space<vmem>>, vector<1x64xf32>
    %add3A_28 = vector.broadcast %get3A_27 : vector<1x64xf32> to vector<512x64xf32>
    %add3A_29 = arith.addf %mul3A_24, %add3A_28 : vector<512x64xf32>
    %max3A = arith.constant 0.000000e+00 : f32
    %max3A_30 = vector.broadcast %max3A : f32 to vector<512x64xf32>
    %max3A_31 = arith.maximumf %add3A_29, %max3A_30 : vector<512x64xf32>
    %get3A_32 = arith.constant 0 : index
    %get3A_33 = arith.constant 0 : index
    %get3A_34 = vector.load %arg5[%get3A_32, %get3A_33] : memref<64x64xf32, #tpu.memory_space<vmem>>, vector<64x64xf32>
    %dot_general3A = arith.constant dense<0.000000e+00> : vector<512x64xf32>
    %dot_general3A_35 = tpu.matmul %max3A_31, %get3A_34, %dot_general3A {dimension_numbers = #tpu.dot_dimension_numbers<[1], [0], [0], [1], [0, 0, 1, 1], [], []>, transpose_lhs_hint = false} : vector<512x64xf32>, vector<64x64xf32>, vector<512x64xf32> -> vector<512x64xf32>
    %get3A_36 = arith.constant 0 : index
    %get3A_37 = arith.constant 0 : index
    %get3A_38 = vector.load %arg6[%get3A_36, %get3A_37] : memref<1x64xf32, #tpu.memory_space<vmem>>, vector<1x64xf32>
    %add3A_39 = vector.broadcast %get3A_38 : vector<1x64xf32> to vector<512x64xf32>
    %add3A_40 = arith.addf %dot_general3A_35, %add3A_39 : vector<512x64xf32>
    %swap3A = arith.constant 0 : index
    %swap3A_41 = arith.constant 0 : index
    %swap3A_42 = vector.load %arg7[%swap3A, %swap3A_41] : memref<512x64xf32, #tpu.memory_space<vmem>>, vector<512x64xf32>
    tpu.vector_store %arg7[%swap3A, %swap3A_41], %add3A_40 {strides = array<i32>} : memref<512x64xf32, #tpu.memory_space<vmem>>, vector<512x64xf32>,
    %reduce_sum3A = arith.constant dense<0.000000e+00> : vector<64xf32>
    %reduce_sum3A_43 = vector.multi_reduction <add>, %add3A_40, %reduce_sum3A [0] : vector<512x64xf32> to vector<64xf32>
    %broadcast_in_dim3A = vector.shape_cast %reduce_sum3A_43 : vector<64xf32> to vector<1x64xf32>
    %mul3A_44 = arith.mulf %add3A_40, %add3A_40 : vector<512x64xf32>
    %reduce_sum3A_45 = arith.constant dense<0.000000e+00> : vector<64xf32>
    %reduce_sum3A_46 = vector.multi_reduction <add>, %mul3A_44, %reduce_sum3A_45 [0] : vector<512x64xf32> to vector<64xf32>
    %broadcast_in_dim3A_47 = vector.shape_cast %reduce_sum3A_46 : vector<64xf32> to vector<1x64xf32>
    %broadcast_in_dim3A_48 = arith.constant 0.000000e+00 : f32
    %broadcast_in_dim3A_49 = vector.broadcast %broadcast_in_dim3A_48 : f32 to vector<6x64xf32>
    %concatenate3A = tpu.concatenate %broadcast_in_dim3A, %broadcast_in_dim3A_47, %broadcast_in_dim3A_49 in 0 : vector<1x64xf32>, vector<1x64xf32>, vector<6x64xf32> -> vector<8x64xf32>
    %eq3A = arith.constant 0 : i32
    %eq3A_50 = arith.cmpi eq, %arg0, %eq3A : i32
    %convert_element_type3A = arith.extui %eq3A_50 : i1 to i32
    %cond3A = arith.constant 0 : i32
    %cond3A_51 = arith.cmpi ne, %convert_element_type3A, %cond3A : i32
    scf.if %cond3A_51 {
      %swap3A_56 = arith.constant 0 : index
      %swap3A_57 = arith.constant 0 : index
      %swap3A_58 = vector.load %arg8[%swap3A_56, %swap3A_57] : memref<8x64xf32, #tpu.memory_space<vmem>>, vector<8x64xf32>
      tpu.vector_store %arg8[%swap3A_56, %swap3A_57], %concatenate3A {strides = array<i32>} : memref<8x64xf32, #tpu.memory_space<vmem>>, vector<8x64xf32>,
    } else {
    }
    %ne3A = arith.constant 0 : i32
    %ne3A_52 = arith.cmpi ne, %arg0, %ne3A : i32
    %convert_element_type3A_53 = arith.extui %ne3A_52 : i1 to i32
    %cond3A_54 = arith.constant 0 : i32
    %cond3A_55 = arith.cmpi ne, %convert_element_type3A_53, %cond3A_54 : i32
    scf.if %cond3A_55 {
      %get3A_56 = arith.constant 0 : index
      %get3A_57 = arith.constant 0 : index
      %get3A_58 = vector.load %arg8[%get3A_56, %get3A_57] : memref<8x64xf32, #tpu.memory_space<vmem>>, vector<8x64xf32>
      %add3A_59 = arith.addf %get3A_58, %concatenate3A : vector<8x64xf32>
      %swap3A_60 = arith.constant 0 : index
      %swap3A_61 = arith.constant 0 : index
      %swap3A_62 = vector.load %arg8[%swap3A_60, %swap3A_61] : memref<8x64xf32, #tpu.memory_space<vmem>>, vector<8x64xf32>
      tpu.vector_store %arg8[%swap3A_60, %swap3A_61], %add3A_59 {strides = array<i32>} : memref<8x64xf32, #tpu.memory_space<vmem>>, vector<8x64xf32>,
    } else {
    }
    return
  }
  func.func @transform_0(%arg0: i32) -> (i32, i32) {
    %c0_i32 = arith.constant 0 : i32
    %c0_i32_0 = arith.constant 0 : i32
    return %arg0, %c0_i32 : i32, i32
  }
  func.func @transform_1(%arg0: i32) -> (i32, i32) {
    %c0_i32 = arith.constant 0 : i32
    %c0_i32_0 = arith.constant 0 : i32
    %c0_i32_1 = arith.constant 0 : i32
    return %c0_i32, %c0_i32_0 : i32, i32
  }
  func.func @transform_2(%arg0: i32) -> (i32, i32) {
    %c0_i32 = arith.constant 0 : i32
    %c0_i32_0 = arith.constant 0 : i32
    %c0_i32_1 = arith.constant 0 : i32
    return %c0_i32, %c0_i32_0 : i32, i32
  }
  func.func @transform_3(%arg0: i32) -> (i32, i32) {
    %c0_i32 = arith.constant 0 : i32
    %c0_i32_0 = arith.constant 0 : i32
    %c0_i32_1 = arith.constant 0 : i32
    return %c0_i32, %c0_i32_0 : i32, i32
  }
  func.func @transform_4(%arg0: i32) -> (i32, i32) {
    %c0_i32 = arith.constant 0 : i32
    %c0_i32_0 = arith.constant 0 : i32
    %c0_i32_1 = arith.constant 0 : i32
    return %c0_i32, %c0_i32_0 : i32, i32
  }
  func.func @transform_5(%arg0: i32) -> (i32, i32) {
    %c0_i32 = arith.constant 0 : i32
    %c0_i32_0 = arith.constant 0 : i32
    %c0_i32_1 = arith.constant 0 : i32
    return %c0_i32, %c0_i32_0 : i32, i32
  }
  func.func @transform_6(%arg0: i32) -> (i32, i32) {
    %c0_i32 = arith.constant 0 : i32
    %c0_i32_0 = arith.constant 0 : i32
    return %arg0, %c0_i32 : i32, i32
  }
  func.func @transform_7(%arg0: i32) -> (i32, i32) {
    %c0_i32 = arith.constant 0 : i32
    %c0_i32_0 = arith.constant 0 : i32
    %c0_i32_1 = arith.constant 0 : i32
    return %c0_i32, %c0_i32_0 : i32, i32
  }
}

module attributes {stable_mosaic.version = 14 : i64} {
  func.func @_mlp_c_body(%arg0: i32, %arg1: memref<512x64xf32, #tpu.memory_space<vmem>>, %arg2: memref<8x64xf32, #tpu.memory_space<vmem>>, %arg3: memref<1x64xf32, #tpu.memory_space<vmem>>, %arg4: memref<1x64xf32, #tpu.memory_space<vmem>>, %arg5: memref<512x64xf32, #tpu.memory_space<vmem>>) attributes {dimension_semantics = [#tpu.dimension_semantics<arbitrary>], iteration_bounds = array<i64: 16>, scalar_prefetch = 0 : i64, scratch_operands = 0 : i64, tpu.core_type = #tpu.core_type<tc>, window_params = [{transform_indices = @transform_0, window_bounds = array<i64: 512, 64>}, {pipeline_mode = #tpu.pipeline_mode<synchronous>, transform_indices = @transform_1, window_bounds = array<i64: 8, 64>}, {pipeline_mode = #tpu.pipeline_mode<synchronous>, transform_indices = @transform_2, window_bounds = array<i64: 1, 64>}, {pipeline_mode = #tpu.pipeline_mode<synchronous>, transform_indices = @transform_3, window_bounds = array<i64: 1, 64>}, {transform_indices = @transform_4, window_bounds = array<i64: 512, 64>}]} {
    %get3A = arith.constant 0 : index
    %get3A_0 = arith.constant 0 : index
    %get3A_1 = vector.load %arg2[%get3A, %get3A_0] : memref<8x64xf32, #tpu.memory_space<vmem>>, vector<1x64xf32>
    %mul3A = arith.constant 1.22070313E-4 : f32
    %mul3A_2 = vector.broadcast %mul3A : f32 to vector<1x64xf32>
    %mul3A_3 = arith.mulf %get3A_1, %mul3A_2 : vector<1x64xf32>
    %get3A_4 = arith.constant 1 : index
    %get3A_5 = arith.constant 0 : index
    %get3A_6 = vector.load %arg2[%get3A_4, %get3A_5] : memref<8x64xf32, #tpu.memory_space<vmem>>, vector<1x64xf32>
    %mul3A_7 = arith.constant 1.22070313E-4 : f32
    %mul3A_8 = vector.broadcast %mul3A_7 : f32 to vector<1x64xf32>
    %mul3A_9 = arith.mulf %get3A_6, %mul3A_8 : vector<1x64xf32>
    %mul3A_10 = arith.mulf %mul3A_3, %mul3A_3 : vector<1x64xf32>
    %sub3A = arith.subf %mul3A_9, %mul3A_10 : vector<1x64xf32>
    %add3A = arith.constant 9.99999974E-6 : f32
    %add3A_11 = vector.broadcast %add3A : f32 to vector<1x64xf32>
    %add3A_12 = arith.addf %sub3A, %add3A_11 : vector<1x64xf32>
    %rsqrt3A = math.rsqrt %add3A_12 : vector<1x64xf32>
    %get3A_13 = arith.constant 0 : index
    %get3A_14 = arith.constant 0 : index
    %get3A_15 = vector.load %arg1[%get3A_13, %get3A_14] : memref<512x64xf32, #tpu.memory_space<vmem>>, vector<512x64xf32>
    %sub3A_16 = vector.broadcast %mul3A_3 : vector<1x64xf32> to vector<512x64xf32>
    %sub3A_17 = arith.subf %get3A_15, %sub3A_16 : vector<512x64xf32>
    %mul3A_18 = vector.broadcast %rsqrt3A : vector<1x64xf32> to vector<512x64xf32>
    %mul3A_19 = arith.mulf %sub3A_17, %mul3A_18 : vector<512x64xf32>
    %get3A_20 = arith.constant 0 : index
    %get3A_21 = arith.constant 0 : index
    %get3A_22 = vector.load %arg3[%get3A_20, %get3A_21] : memref<1x64xf32, #tpu.memory_space<vmem>>, vector<1x64xf32>
    %mul3A_23 = vector.broadcast %get3A_22 : vector<1x64xf32> to vector<512x64xf32>
    %mul3A_24 = arith.mulf %mul3A_19, %mul3A_23 : vector<512x64xf32>
    %get3A_25 = arith.constant 0 : index
    %get3A_26 = arith.constant 0 : index
    %get3A_27 = vector.load %arg4[%get3A_25, %get3A_26] : memref<1x64xf32, #tpu.memory_space<vmem>>, vector<1x64xf32>
    %add3A_28 = vector.broadcast %get3A_27 : vector<1x64xf32> to vector<512x64xf32>
    %add3A_29 = arith.addf %mul3A_24, %add3A_28 : vector<512x64xf32>
    %max3A = arith.constant 0.000000e+00 : f32
    %max3A_30 = vector.broadcast %max3A : f32 to vector<512x64xf32>
    %max3A_31 = arith.maximumf %add3A_29, %max3A_30 : vector<512x64xf32>
    %swap3A = arith.constant 0 : index
    %swap3A_32 = arith.constant 0 : index
    %swap3A_33 = vector.load %arg5[%swap3A, %swap3A_32] : memref<512x64xf32, #tpu.memory_space<vmem>>, vector<512x64xf32>
    tpu.vector_store %arg5[%swap3A, %swap3A_32], %max3A_31 {strides = array<i32>} : memref<512x64xf32, #tpu.memory_space<vmem>>, vector<512x64xf32>,
    return
  }
  func.func @transform_0(%arg0: i32) -> (i32, i32) {
    %c0_i32 = arith.constant 0 : i32
    %c0_i32_0 = arith.constant 0 : i32
    return %arg0, %c0_i32 : i32, i32
  }
  func.func @transform_1(%arg0: i32) -> (i32, i32) {
    %c0_i32 = arith.constant 0 : i32
    %c0_i32_0 = arith.constant 0 : i32
    %c0_i32_1 = arith.constant 0 : i32
    return %c0_i32, %c0_i32_0 : i32, i32
  }
  func.func @transform_2(%arg0: i32) -> (i32, i32) {
    %c0_i32 = arith.constant 0 : i32
    %c0_i32_0 = arith.constant 0 : i32
    %c0_i32_1 = arith.constant 0 : i32
    return %c0_i32, %c0_i32_0 : i32, i32
  }
  func.func @transform_3(%arg0: i32) -> (i32, i32) {
    %c0_i32 = arith.constant 0 : i32
    %c0_i32_0 = arith.constant 0 : i32
    %c0_i32_1 = arith.constant 0 : i32
    return %c0_i32, %c0_i32_0 : i32, i32
  }
  func.func @transform_4(%arg0: i32) -> (i32, i32) {
    %c0_i32 = arith.constant 0 : i32
    %c0_i32_0 = arith.constant 0 : i32
    return %arg0, %c0_i32 : i32, i32
  }
}

module attributes {stable_mosaic.version = 14 : i64} {
  func.func @_mlp_a_body(%arg0: i32, %arg1: memref<512x32xf32, #tpu.memory_space<vmem>>, %arg2: memref<3x512x64xf32, #tpu.memory_space<vmem>>, %arg3: memref<512x8xf32, #tpu.memory_space<vmem>>, %arg4: memref<32x32xf32, #tpu.memory_space<vmem>>, %arg5: memref<64x32xf32, #tpu.memory_space<vmem>>, %arg6: memref<1x32xf32, #tpu.memory_space<vmem>>, %arg7: memref<512x32xf32, #tpu.memory_space<vmem>>, %arg8: memref<8x32xf32, #tpu.memory_space<vmem>>) attributes {dimension_semantics = [#tpu.dimension_semantics<arbitrary>], iteration_bounds = array<i64: 64>, scalar_prefetch = 0 : i64, scratch_operands = 0 : i64, tpu.core_type = #tpu.core_type<tc>, window_params = [{transform_indices = @transform_0, window_bounds = array<i64: 512, 32>}, {transform_indices = @transform_1, window_bounds = array<i64: 3, 512, 64>}, {transform_indices = @transform_2, window_bounds = array<i64: 512, 8>}, {pipeline_mode = #tpu.pipeline_mode<synchronous>, transform_indices = @transform_3, window_bounds = array<i64: 32, 32>}, {pipeline_mode = #tpu.pipeline_mode<synchronous>, transform_indices = @transform_4, window_bounds = array<i64: 64, 32>}, {pipeline_mode = #tpu.pipeline_mode<synchronous>, transform_indices = @transform_5, window_bounds = array<i64: 1, 32>}, {transform_indices = @transform_6, window_bounds = array<i64: 512, 32>}, {pipeline_mode = #tpu.pipeline_mode<synchronous>, transform_indices = @transform_7, window_bounds = array<i64: 8, 32>}]} {
    %get3A = arith.constant 0 : index
    %get3A_0 = arith.constant 0 : index
    %get3A_1 = vector.load %arg3[%get3A, %get3A_0] : memref<512x8xf32, #tpu.memory_space<vmem>>, vector<512x1xf32>
    %get3A_2 = arith.constant 0 : index
    %get3A_3 = arith.constant 0 : index
    %get3A_4 = arith.constant 0 : index
    %get3A_5 = vector.load %arg2[%get3A_2, %get3A_3, %get3A_4] : memref<3x512x64xf32, #tpu.memory_space<vmem>>, vector<1x512x64xf32>
    %get3A_6 = vector.shape_cast %get3A_5 : vector<1x512x64xf32> to vector<512x64xf32>
    %mul3A = vector.broadcast %get3A_1 : vector<512x1xf32> to vector<512x64xf32>
    %mul3A_7 = arith.mulf %mul3A, %get3A_6 : vector<512x64xf32>
    %get3A_8 = arith.constant 0 : index
    %get3A_9 = arith.constant 1 : index
    %get3A_10 = vector.load %arg3[%get3A_8, %get3A_9] : memref<512x8xf32, #tpu.memory_space<vmem>>, vector<512x1xf32>
    %get3A_11 = arith.constant 1 : index
    %get3A_12 = arith.constant 0 : index
    %get3A_13 = arith.constant 0 : index
    %get3A_14 = vector.load %arg2[%get3A_11, %get3A_12, %get3A_13] : memref<3x512x64xf32, #tpu.memory_space<vmem>>, vector<1x512x64xf32>
    %get3A_15 = vector.shape_cast %get3A_14 : vector<1x512x64xf32> to vector<512x64xf32>
    %mul3A_16 = vector.broadcast %get3A_10 : vector<512x1xf32> to vector<512x64xf32>
    %mul3A_17 = arith.mulf %mul3A_16, %get3A_15 : vector<512x64xf32>
    %add3A = arith.addf %mul3A_7, %mul3A_17 : vector<512x64xf32>
    %get3A_18 = arith.constant 0 : index
    %get3A_19 = arith.constant 2 : index
    %get3A_20 = vector.load %arg3[%get3A_18, %get3A_19] : memref<512x8xf32, #tpu.memory_space<vmem>>, vector<512x1xf32>
    %get3A_21 = arith.constant 2 : index
    %get3A_22 = arith.constant 0 : index
    %get3A_23 = arith.constant 0 : index
    %get3A_24 = vector.load %arg2[%get3A_21, %get3A_22, %get3A_23] : memref<3x512x64xf32, #tpu.memory_space<vmem>>, vector<1x512x64xf32>
    %get3A_25 = vector.shape_cast %get3A_24 : vector<1x512x64xf32> to vector<512x64xf32>
    %mul3A_26 = vector.broadcast %get3A_20 : vector<512x1xf32> to vector<512x64xf32>
    %mul3A_27 = arith.mulf %mul3A_26, %get3A_25 : vector<512x64xf32>
    %add3A_28 = arith.addf %add3A, %mul3A_27 : vector<512x64xf32>
    %get3A_29 = arith.constant 0 : index
    %get3A_30 = arith.constant 0 : index
    %get3A_31 = vector.load %arg1[%get3A_29, %get3A_30] : memref<512x32xf32, #tpu.memory_space<vmem>>, vector<512x32xf32>
    %get3A_32 = arith.constant 0 : index
    %get3A_33 = arith.constant 0 : index
    %get3A_34 = vector.load %arg4[%get3A_32, %get3A_33] : memref<32x32xf32, #tpu.memory_space<vmem>>, vector<32x32xf32>
    %dot_general3A = arith.constant dense<0.000000e+00> : vector<512x32xf32>
    %dot_general3A_35 = tpu.matmul %get3A_31, %get3A_34, %dot_general3A {dimension_numbers = #tpu.dot_dimension_numbers<[1], [0], [0], [1], [0, 0, 1, 1], [], []>, transpose_lhs_hint = false} : vector<512x32xf32>, vector<32x32xf32>, vector<512x32xf32> -> vector<512x32xf32>
    %get3A_36 = arith.constant 0 : index
    %get3A_37 = arith.constant 0 : index
    %get3A_38 = vector.load %arg5[%get3A_36, %get3A_37] : memref<64x32xf32, #tpu.memory_space<vmem>>, vector<64x32xf32>
    %dot_general3A_39 = arith.constant dense<0.000000e+00> : vector<512x32xf32>
    %dot_general3A_40 = tpu.matmul %add3A_28, %get3A_38, %dot_general3A_39 {dimension_numbers = #tpu.dot_dimension_numbers<[1], [0], [0], [1], [0, 0, 1, 1], [], []>, transpose_lhs_hint = false} : vector<512x64xf32>, vector<64x32xf32>, vector<512x32xf32> -> vector<512x32xf32>
    %add3A_41 = arith.addf %dot_general3A_35, %dot_general3A_40 : vector<512x32xf32>
    %get3A_42 = arith.constant 0 : index
    %get3A_43 = arith.constant 0 : index
    %get3A_44 = vector.load %arg6[%get3A_42, %get3A_43] : memref<1x32xf32, #tpu.memory_space<vmem>>, vector<1x32xf32>
    %add3A_45 = vector.broadcast %get3A_44 : vector<1x32xf32> to vector<512x32xf32>
    %add3A_46 = arith.addf %add3A_41, %add3A_45 : vector<512x32xf32>
    %swap3A = arith.constant 0 : index
    %swap3A_47 = arith.constant 0 : index
    %swap3A_48 = vector.load %arg7[%swap3A, %swap3A_47] : memref<512x32xf32, #tpu.memory_space<vmem>>, vector<512x32xf32>
    tpu.vector_store %arg7[%swap3A, %swap3A_47], %add3A_46 {strides = array<i32>} : memref<512x32xf32, #tpu.memory_space<vmem>>, vector<512x32xf32>,
    %reduce_sum3A = arith.constant dense<0.000000e+00> : vector<32xf32>
    %reduce_sum3A_49 = vector.multi_reduction <add>, %add3A_46, %reduce_sum3A [0] : vector<512x32xf32> to vector<32xf32>
    %broadcast_in_dim3A = vector.shape_cast %reduce_sum3A_49 : vector<32xf32> to vector<1x32xf32>
    %mul3A_50 = arith.mulf %add3A_46, %add3A_46 : vector<512x32xf32>
    %reduce_sum3A_51 = arith.constant dense<0.000000e+00> : vector<32xf32>
    %reduce_sum3A_52 = vector.multi_reduction <add>, %mul3A_50, %reduce_sum3A_51 [0] : vector<512x32xf32> to vector<32xf32>
    %broadcast_in_dim3A_53 = vector.shape_cast %reduce_sum3A_52 : vector<32xf32> to vector<1x32xf32>
    %broadcast_in_dim3A_54 = arith.constant 0.000000e+00 : f32
    %broadcast_in_dim3A_55 = vector.broadcast %broadcast_in_dim3A_54 : f32 to vector<6x32xf32>
    %concatenate3A = tpu.concatenate %broadcast_in_dim3A, %broadcast_in_dim3A_53, %broadcast_in_dim3A_55 in 0 : vector<1x32xf32>, vector<1x32xf32>, vector<6x32xf32> -> vector<8x32xf32>
    %eq3A = arith.constant 0 : i32
    %eq3A_56 = arith.cmpi eq, %arg0, %eq3A : i32
    %convert_element_type3A = arith.extui %eq3A_56 : i1 to i32
    %cond3A = arith.constant 0 : i32
    %cond3A_57 = arith.cmpi ne, %convert_element_type3A, %cond3A : i32
    scf.if %cond3A_57 {
      %swap3A_62 = arith.constant 0 : index
      %swap3A_63 = arith.constant 0 : index
      %swap3A_64 = vector.load %arg8[%swap3A_62, %swap3A_63] : memref<8x32xf32, #tpu.memory_space<vmem>>, vector<8x32xf32>
      tpu.vector_store %arg8[%swap3A_62, %swap3A_63], %concatenate3A {strides = array<i32>} : memref<8x32xf32, #tpu.memory_space<vmem>>, vector<8x32xf32>,
    } else {
    }
    %ne3A = arith.constant 0 : i32
    %ne3A_58 = arith.cmpi ne, %arg0, %ne3A : i32
    %convert_element_type3A_59 = arith.extui %ne3A_58 : i1 to i32
    %cond3A_60 = arith.constant 0 : i32
    %cond3A_61 = arith.cmpi ne, %convert_element_type3A_59, %cond3A_60 : i32
    scf.if %cond3A_61 {
      %get3A_62 = arith.constant 0 : index
      %get3A_63 = arith.constant 0 : index
      %get3A_64 = vector.load %arg8[%get3A_62, %get3A_63] : memref<8x32xf32, #tpu.memory_space<vmem>>, vector<8x32xf32>
      %add3A_65 = arith.addf %get3A_64, %concatenate3A : vector<8x32xf32>
      %swap3A_66 = arith.constant 0 : index
      %swap3A_67 = arith.constant 0 : index
      %swap3A_68 = vector.load %arg8[%swap3A_66, %swap3A_67] : memref<8x32xf32, #tpu.memory_space<vmem>>, vector<8x32xf32>
      tpu.vector_store %arg8[%swap3A_66, %swap3A_67], %add3A_65 {strides = array<i32>} : memref<8x32xf32, #tpu.memory_space<vmem>>, vector<8x32xf32>,
    } else {
    }
    return
  }
  func.func @transform_0(%arg0: i32) -> (i32, i32) {
    %c0_i32 = arith.constant 0 : i32
    %c0_i32_0 = arith.constant 0 : i32
    return %arg0, %c0_i32 : i32, i32
  }
  func.func @transform_1(%arg0: i32) -> (i32, i32, i32) {
    %c0_i32 = arith.constant 0 : i32
    %c0_i32_0 = arith.constant 0 : i32
    %c0_i32_1 = arith.constant 0 : i32
    return %c0_i32, %arg0, %c0_i32_0 : i32, i32, i32
  }
  func.func @transform_2(%arg0: i32) -> (i32, i32) {
    %c0_i32 = arith.constant 0 : i32
    %c0_i32_0 = arith.constant 0 : i32
    return %arg0, %c0_i32 : i32, i32
  }
  func.func @transform_3(%arg0: i32) -> (i32, i32) {
    %c0_i32 = arith.constant 0 : i32
    %c0_i32_0 = arith.constant 0 : i32
    %c0_i32_1 = arith.constant 0 : i32
    return %c0_i32, %c0_i32_0 : i32, i32
  }
  func.func @transform_4(%arg0: i32) -> (i32, i32) {
    %c0_i32 = arith.constant 0 : i32
    %c0_i32_0 = arith.constant 0 : i32
    %c0_i32_1 = arith.constant 0 : i32
    return %c0_i32, %c0_i32_0 : i32, i32
  }
  func.func @transform_5(%arg0: i32) -> (i32, i32) {
    %c0_i32 = arith.constant 0 : i32
    %c0_i32_0 = arith.constant 0 : i32
    %c0_i32_1 = arith.constant 0 : i32
    return %c0_i32, %c0_i32_0 : i32, i32
  }
  func.func @transform_6(%arg0: i32) -> (i32, i32) {
    %c0_i32 = arith.constant 0 : i32
    %c0_i32_0 = arith.constant 0 : i32
    return %arg0, %c0_i32 : i32, i32
  }
  func.func @transform_7(%arg0: i32) -> (i32, i32) {
    %c0_i32 = arith.constant 0 : i32
    %c0_i32_0 = arith.constant 0 : i32
    %c0_i32_1 = arith.constant 0 : i32
    return %c0_i32, %c0_i32_0 : i32, i32
  }
}

module attributes {stable_mosaic.version = 14 : i64} {
  func.func @_mlp_b_body(%arg0: i32, %arg1: memref<512x32xf32, #tpu.memory_space<vmem>>, %arg2: memref<8x32xf32, #tpu.memory_space<vmem>>, %arg3: memref<1x32xf32, #tpu.memory_space<vmem>>, %arg4: memref<1x32xf32, #tpu.memory_space<vmem>>, %arg5: memref<32x32xf32, #tpu.memory_space<vmem>>, %arg6: memref<1x32xf32, #tpu.memory_space<vmem>>, %arg7: memref<512x32xf32, #tpu.memory_space<vmem>>, %arg8: memref<8x32xf32, #tpu.memory_space<vmem>>) attributes {dimension_semantics = [#tpu.dimension_semantics<arbitrary>], iteration_bounds = array<i64: 64>, scalar_prefetch = 0 : i64, scratch_operands = 0 : i64, tpu.core_type = #tpu.core_type<tc>, window_params = [{transform_indices = @transform_0, window_bounds = array<i64: 512, 32>}, {pipeline_mode = #tpu.pipeline_mode<synchronous>, transform_indices = @transform_1, window_bounds = array<i64: 8, 32>}, {pipeline_mode = #tpu.pipeline_mode<synchronous>, transform_indices = @transform_2, window_bounds = array<i64: 1, 32>}, {pipeline_mode = #tpu.pipeline_mode<synchronous>, transform_indices = @transform_3, window_bounds = array<i64: 1, 32>}, {pipeline_mode = #tpu.pipeline_mode<synchronous>, transform_indices = @transform_4, window_bounds = array<i64: 32, 32>}, {pipeline_mode = #tpu.pipeline_mode<synchronous>, transform_indices = @transform_5, window_bounds = array<i64: 1, 32>}, {transform_indices = @transform_6, window_bounds = array<i64: 512, 32>}, {pipeline_mode = #tpu.pipeline_mode<synchronous>, transform_indices = @transform_7, window_bounds = array<i64: 8, 32>}]} {
    %get3A = arith.constant 0 : index
    %get3A_0 = arith.constant 0 : index
    %get3A_1 = vector.load %arg2[%get3A, %get3A_0] : memref<8x32xf32, #tpu.memory_space<vmem>>, vector<1x32xf32>
    %mul3A = arith.constant 3.05175781E-5 : f32
    %mul3A_2 = vector.broadcast %mul3A : f32 to vector<1x32xf32>
    %mul3A_3 = arith.mulf %get3A_1, %mul3A_2 : vector<1x32xf32>
    %get3A_4 = arith.constant 1 : index
    %get3A_5 = arith.constant 0 : index
    %get3A_6 = vector.load %arg2[%get3A_4, %get3A_5] : memref<8x32xf32, #tpu.memory_space<vmem>>, vector<1x32xf32>
    %mul3A_7 = arith.constant 3.05175781E-5 : f32
    %mul3A_8 = vector.broadcast %mul3A_7 : f32 to vector<1x32xf32>
    %mul3A_9 = arith.mulf %get3A_6, %mul3A_8 : vector<1x32xf32>
    %mul3A_10 = arith.mulf %mul3A_3, %mul3A_3 : vector<1x32xf32>
    %sub3A = arith.subf %mul3A_9, %mul3A_10 : vector<1x32xf32>
    %add3A = arith.constant 9.99999974E-6 : f32
    %add3A_11 = vector.broadcast %add3A : f32 to vector<1x32xf32>
    %add3A_12 = arith.addf %sub3A, %add3A_11 : vector<1x32xf32>
    %rsqrt3A = math.rsqrt %add3A_12 : vector<1x32xf32>
    %get3A_13 = arith.constant 0 : index
    %get3A_14 = arith.constant 0 : index
    %get3A_15 = vector.load %arg1[%get3A_13, %get3A_14] : memref<512x32xf32, #tpu.memory_space<vmem>>, vector<512x32xf32>
    %sub3A_16 = vector.broadcast %mul3A_3 : vector<1x32xf32> to vector<512x32xf32>
    %sub3A_17 = arith.subf %get3A_15, %sub3A_16 : vector<512x32xf32>
    %mul3A_18 = vector.broadcast %rsqrt3A : vector<1x32xf32> to vector<512x32xf32>
    %mul3A_19 = arith.mulf %sub3A_17, %mul3A_18 : vector<512x32xf32>
    %get3A_20 = arith.constant 0 : index
    %get3A_21 = arith.constant 0 : index
    %get3A_22 = vector.load %arg3[%get3A_20, %get3A_21] : memref<1x32xf32, #tpu.memory_space<vmem>>, vector<1x32xf32>
    %mul3A_23 = vector.broadcast %get3A_22 : vector<1x32xf32> to vector<512x32xf32>
    %mul3A_24 = arith.mulf %mul3A_19, %mul3A_23 : vector<512x32xf32>
    %get3A_25 = arith.constant 0 : index
    %get3A_26 = arith.constant 0 : index
    %get3A_27 = vector.load %arg4[%get3A_25, %get3A_26] : memref<1x32xf32, #tpu.memory_space<vmem>>, vector<1x32xf32>
    %add3A_28 = vector.broadcast %get3A_27 : vector<1x32xf32> to vector<512x32xf32>
    %add3A_29 = arith.addf %mul3A_24, %add3A_28 : vector<512x32xf32>
    %max3A = arith.constant 0.000000e+00 : f32
    %max3A_30 = vector.broadcast %max3A : f32 to vector<512x32xf32>
    %max3A_31 = arith.maximumf %add3A_29, %max3A_30 : vector<512x32xf32>
    %get3A_32 = arith.constant 0 : index
    %get3A_33 = arith.constant 0 : index
    %get3A_34 = vector.load %arg5[%get3A_32, %get3A_33] : memref<32x32xf32, #tpu.memory_space<vmem>>, vector<32x32xf32>
    %dot_general3A = arith.constant dense<0.000000e+00> : vector<512x32xf32>
    %dot_general3A_35 = tpu.matmul %max3A_31, %get3A_34, %dot_general3A {dimension_numbers = #tpu.dot_dimension_numbers<[1], [0], [0], [1], [0, 0, 1, 1], [], []>, transpose_lhs_hint = false} : vector<512x32xf32>, vector<32x32xf32>, vector<512x32xf32> -> vector<512x32xf32>
    %get3A_36 = arith.constant 0 : index
    %get3A_37 = arith.constant 0 : index
    %get3A_38 = vector.load %arg6[%get3A_36, %get3A_37] : memref<1x32xf32, #tpu.memory_space<vmem>>, vector<1x32xf32>
    %add3A_39 = vector.broadcast %get3A_38 : vector<1x32xf32> to vector<512x32xf32>
    %add3A_40 = arith.addf %dot_general3A_35, %add3A_39 : vector<512x32xf32>
    %swap3A = arith.constant 0 : index
    %swap3A_41 = arith.constant 0 : index
    %swap3A_42 = vector.load %arg7[%swap3A, %swap3A_41] : memref<512x32xf32, #tpu.memory_space<vmem>>, vector<512x32xf32>
    tpu.vector_store %arg7[%swap3A, %swap3A_41], %add3A_40 {strides = array<i32>} : memref<512x32xf32, #tpu.memory_space<vmem>>, vector<512x32xf32>,
    %reduce_sum3A = arith.constant dense<0.000000e+00> : vector<32xf32>
    %reduce_sum3A_43 = vector.multi_reduction <add>, %add3A_40, %reduce_sum3A [0] : vector<512x32xf32> to vector<32xf32>
    %broadcast_in_dim3A = vector.shape_cast %reduce_sum3A_43 : vector<32xf32> to vector<1x32xf32>
    %mul3A_44 = arith.mulf %add3A_40, %add3A_40 : vector<512x32xf32>
    %reduce_sum3A_45 = arith.constant dense<0.000000e+00> : vector<32xf32>
    %reduce_sum3A_46 = vector.multi_reduction <add>, %mul3A_44, %reduce_sum3A_45 [0] : vector<512x32xf32> to vector<32xf32>
    %broadcast_in_dim3A_47 = vector.shape_cast %reduce_sum3A_46 : vector<32xf32> to vector<1x32xf32>
    %broadcast_in_dim3A_48 = arith.constant 0.000000e+00 : f32
    %broadcast_in_dim3A_49 = vector.broadcast %broadcast_in_dim3A_48 : f32 to vector<6x32xf32>
    %concatenate3A = tpu.concatenate %broadcast_in_dim3A, %broadcast_in_dim3A_47, %broadcast_in_dim3A_49 in 0 : vector<1x32xf32>, vector<1x32xf32>, vector<6x32xf32> -> vector<8x32xf32>
    %eq3A = arith.constant 0 : i32
    %eq3A_50 = arith.cmpi eq, %arg0, %eq3A : i32
    %convert_element_type3A = arith.extui %eq3A_50 : i1 to i32
    %cond3A = arith.constant 0 : i32
    %cond3A_51 = arith.cmpi ne, %convert_element_type3A, %cond3A : i32
    scf.if %cond3A_51 {
      %swap3A_56 = arith.constant 0 : index
      %swap3A_57 = arith.constant 0 : index
      %swap3A_58 = vector.load %arg8[%swap3A_56, %swap3A_57] : memref<8x32xf32, #tpu.memory_space<vmem>>, vector<8x32xf32>
      tpu.vector_store %arg8[%swap3A_56, %swap3A_57], %concatenate3A {strides = array<i32>} : memref<8x32xf32, #tpu.memory_space<vmem>>, vector<8x32xf32>,
    } else {
    }
    %ne3A = arith.constant 0 : i32
    %ne3A_52 = arith.cmpi ne, %arg0, %ne3A : i32
    %convert_element_type3A_53 = arith.extui %ne3A_52 : i1 to i32
    %cond3A_54 = arith.constant 0 : i32
    %cond3A_55 = arith.cmpi ne, %convert_element_type3A_53, %cond3A_54 : i32
    scf.if %cond3A_55 {
      %get3A_56 = arith.constant 0 : index
      %get3A_57 = arith.constant 0 : index
      %get3A_58 = vector.load %arg8[%get3A_56, %get3A_57] : memref<8x32xf32, #tpu.memory_space<vmem>>, vector<8x32xf32>
      %add3A_59 = arith.addf %get3A_58, %concatenate3A : vector<8x32xf32>
      %swap3A_60 = arith.constant 0 : index
      %swap3A_61 = arith.constant 0 : index
      %swap3A_62 = vector.load %arg8[%swap3A_60, %swap3A_61] : memref<8x32xf32, #tpu.memory_space<vmem>>, vector<8x32xf32>
      tpu.vector_store %arg8[%swap3A_60, %swap3A_61], %add3A_59 {strides = array<i32>} : memref<8x32xf32, #tpu.memory_space<vmem>>, vector<8x32xf32>,
    } else {
    }
    return
  }
  func.func @transform_0(%arg0: i32) -> (i32, i32) {
    %c0_i32 = arith.constant 0 : i32
    %c0_i32_0 = arith.constant 0 : i32
    return %arg0, %c0_i32 : i32, i32
  }
  func.func @transform_1(%arg0: i32) -> (i32, i32) {
    %c0_i32 = arith.constant 0 : i32
    %c0_i32_0 = arith.constant 0 : i32
    %c0_i32_1 = arith.constant 0 : i32
    return %c0_i32, %c0_i32_0 : i32, i32
  }
  func.func @transform_2(%arg0: i32) -> (i32, i32) {
    %c0_i32 = arith.constant 0 : i32
    %c0_i32_0 = arith.constant 0 : i32
    %c0_i32_1 = arith.constant 0 : i32
    return %c0_i32, %c0_i32_0 : i32, i32
  }
  func.func @transform_3(%arg0: i32) -> (i32, i32) {
    %c0_i32 = arith.constant 0 : i32
    %c0_i32_0 = arith.constant 0 : i32
    %c0_i32_1 = arith.constant 0 : i32
    return %c0_i32, %c0_i32_0 : i32, i32
  }
  func.func @transform_4(%arg0: i32) -> (i32, i32) {
    %c0_i32 = arith.constant 0 : i32
    %c0_i32_0 = arith.constant 0 : i32
    %c0_i32_1 = arith.constant 0 : i32
    return %c0_i32, %c0_i32_0 : i32, i32
  }
  func.func @transform_5(%arg0: i32) -> (i32, i32) {
    %c0_i32 = arith.constant 0 : i32
    %c0_i32_0 = arith.constant 0 : i32
    %c0_i32_1 = arith.constant 0 : i32
    return %c0_i32, %c0_i32_0 : i32, i32
  }
  func.func @transform_6(%arg0: i32) -> (i32, i32) {
    %c0_i32 = arith.constant 0 : i32
    %c0_i32_0 = arith.constant 0 : i32
    return %arg0, %c0_i32 : i32, i32
  }
  func.func @transform_7(%arg0: i32) -> (i32, i32) {
    %c0_i32 = arith.constant 0 : i32
    %c0_i32_0 = arith.constant 0 : i32
    %c0_i32_1 = arith.constant 0 : i32
    return %c0_i32, %c0_i32_0 : i32, i32
  }
}

module attributes {stable_mosaic.version = 14 : i64} {
  func.func @_mlp_c_body(%arg0: i32, %arg1: memref<512x32xf32, #tpu.memory_space<vmem>>, %arg2: memref<8x32xf32, #tpu.memory_space<vmem>>, %arg3: memref<1x32xf32, #tpu.memory_space<vmem>>, %arg4: memref<1x32xf32, #tpu.memory_space<vmem>>, %arg5: memref<512x32xf32, #tpu.memory_space<vmem>>) attributes {dimension_semantics = [#tpu.dimension_semantics<arbitrary>], iteration_bounds = array<i64: 64>, scalar_prefetch = 0 : i64, scratch_operands = 0 : i64, tpu.core_type = #tpu.core_type<tc>, window_params = [{transform_indices = @transform_0, window_bounds = array<i64: 512, 32>}, {pipeline_mode = #tpu.pipeline_mode<synchronous>, transform_indices = @transform_1, window_bounds = array<i64: 8, 32>}, {pipeline_mode = #tpu.pipeline_mode<synchronous>, transform_indices = @transform_2, window_bounds = array<i64: 1, 32>}, {pipeline_mode = #tpu.pipeline_mode<synchronous>, transform_indices = @transform_3, window_bounds = array<i64: 1, 32>}, {transform_indices = @transform_4, window_bounds = array<i64: 512, 32>}]} {
    %get3A = arith.constant 0 : index
    %get3A_0 = arith.constant 0 : index
    %get3A_1 = vector.load %arg2[%get3A, %get3A_0] : memref<8x32xf32, #tpu.memory_space<vmem>>, vector<1x32xf32>
    %mul3A = arith.constant 3.05175781E-5 : f32
    %mul3A_2 = vector.broadcast %mul3A : f32 to vector<1x32xf32>
    %mul3A_3 = arith.mulf %get3A_1, %mul3A_2 : vector<1x32xf32>
    %get3A_4 = arith.constant 1 : index
    %get3A_5 = arith.constant 0 : index
    %get3A_6 = vector.load %arg2[%get3A_4, %get3A_5] : memref<8x32xf32, #tpu.memory_space<vmem>>, vector<1x32xf32>
    %mul3A_7 = arith.constant 3.05175781E-5 : f32
    %mul3A_8 = vector.broadcast %mul3A_7 : f32 to vector<1x32xf32>
    %mul3A_9 = arith.mulf %get3A_6, %mul3A_8 : vector<1x32xf32>
    %mul3A_10 = arith.mulf %mul3A_3, %mul3A_3 : vector<1x32xf32>
    %sub3A = arith.subf %mul3A_9, %mul3A_10 : vector<1x32xf32>
    %add3A = arith.constant 9.99999974E-6 : f32
    %add3A_11 = vector.broadcast %add3A : f32 to vector<1x32xf32>
    %add3A_12 = arith.addf %sub3A, %add3A_11 : vector<1x32xf32>
    %rsqrt3A = math.rsqrt %add3A_12 : vector<1x32xf32>
    %get3A_13 = arith.constant 0 : index
    %get3A_14 = arith.constant 0 : index
    %get3A_15 = vector.load %arg1[%get3A_13, %get3A_14] : memref<512x32xf32, #tpu.memory_space<vmem>>, vector<512x32xf32>
    %sub3A_16 = vector.broadcast %mul3A_3 : vector<1x32xf32> to vector<512x32xf32>
    %sub3A_17 = arith.subf %get3A_15, %sub3A_16 : vector<512x32xf32>
    %mul3A_18 = vector.broadcast %rsqrt3A : vector<1x32xf32> to vector<512x32xf32>
    %mul3A_19 = arith.mulf %sub3A_17, %mul3A_18 : vector<512x32xf32>
    %get3A_20 = arith.constant 0 : index
    %get3A_21 = arith.constant 0 : index
    %get3A_22 = vector.load %arg3[%get3A_20, %get3A_21] : memref<1x32xf32, #tpu.memory_space<vmem>>, vector<1x32xf32>
    %mul3A_23 = vector.broadcast %get3A_22 : vector<1x32xf32> to vector<512x32xf32>
    %mul3A_24 = arith.mulf %mul3A_19, %mul3A_23 : vector<512x32xf32>
    %get3A_25 = arith.constant 0 : index
    %get3A_26 = arith.constant 0 : index
    %get3A_27 = vector.load %arg4[%get3A_25, %get3A_26] : memref<1x32xf32, #tpu.memory_space<vmem>>, vector<1x32xf32>
    %add3A_28 = vector.broadcast %get3A_27 : vector<1x32xf32> to vector<512x32xf32>
    %add3A_29 = arith.addf %mul3A_24, %add3A_28 : vector<512x32xf32>
    %max3A = arith.constant 0.000000e+00 : f32
    %max3A_30 = vector.broadcast %max3A : f32 to vector<512x32xf32>
    %max3A_31 = arith.maximumf %add3A_29, %max3A_30 : vector<512x32xf32>
    %swap3A = arith.constant 0 : index
    %swap3A_32 = arith.constant 0 : index
    %swap3A_33 = vector.load %arg5[%swap3A, %swap3A_32] : memref<512x32xf32, #tpu.memory_space<vmem>>, vector<512x32xf32>
    tpu.vector_store %arg5[%swap3A, %swap3A_32], %max3A_31 {strides = array<i32>} : memref<512x32xf32, #tpu.memory_space<vmem>>, vector<512x32xf32>,
    return
  }
  func.func @transform_0(%arg0: i32) -> (i32, i32) {
    %c0_i32 = arith.constant 0 : i32
    %c0_i32_0 = arith.constant 0 : i32
    return %arg0, %c0_i32 : i32, i32
  }
  func.func @transform_1(%arg0: i32) -> (i32, i32) {
    %c0_i32 = arith.constant 0 : i32
    %c0_i32_0 = arith.constant 0 : i32
    %c0_i32_1 = arith.constant 0 : i32
    return %c0_i32, %c0_i32_0 : i32, i32
  }
  func.func @transform_2(%arg0: i32) -> (i32, i32) {
    %c0_i32 = arith.constant 0 : i32
    %c0_i32_0 = arith.constant 0 : i32
    %c0_i32_1 = arith.constant 0 : i32
    return %c0_i32, %c0_i32_0 : i32, i32
  }
  func.func @transform_3(%arg0: i32) -> (i32, i32) {
    %c0_i32 = arith.constant 0 : i32
    %c0_i32_0 = arith.constant 0 : i32
    %c0_i32_1 = arith.constant 0 : i32
    return %c0_i32, %c0_i32_0 : i32, i32
  }
  func.func @transform_4(%arg0: i32) -> (i32, i32) {
    %c0_i32 = arith.constant 0 : i32
    %c0_i32_0 = arith.constant 0 : i32
    return %arg0, %c0_i32 : i32, i32
  }
}

</mosaic_0001>

<sc_bundles>
// kernel: kernel.22.cloned.1.call-start
scs
__scs_entry_jumppad:
0x0: {  	(pc) =	sbr.rel $0x88, $3  }
0x1: {  	(tag) =	ssettag $0x0;
	lr =	simm.s32 $0x1  }
0x2: {  	[smem:$0x3F77] =	sst lr;
	_ =	strace $0xD0000000  }
0x3: {  	_ = 	snop  }
0x4: {  	_ = 	snop  }
0x5: {  	_ = 	snop  }
0x6: {  	_ = 	snop  }
0x7: {  	_ = 	snop  }
__scs_overlays_trampoline_lowered:
0x8: {  	[smem:$0x3F86] =	sst s0  }
0x9: {  	[smem:$0x3F87] =	sst s1  }
0xa: {  	[smem:$0x3F88] =	sst s2  }
0xb: {  	[smem:$0x3F89] =	sst s3  }
0xc: {  	[smem:$0x3F8A] =	sst s4  }
0xd: {  	[smem:$0x3F8B] =	sst s5  }
0xe: {  	[smem:$0x3F8C] =	sst s6  }
0xf: {  	[smem:$0x3F8D] =	sst s7  }
0x10: {  	[smem:$0x3F8E] =	sst s8  }
0x11: {  	[smem:$0x3F8F] =	sst s9;
	s0 =	simm.s32 @!p0 $0x0  }
0x12: {  	s1 =	sld [smem:$0x3F75];
	s0 =	simm.s32 @p0 $0x1  }
0x13: {  	[smem:$0x3F90] =	sst s0;
	s0 =	simm.s32 @!p1 $0x0  }
0x14: {  	s2 =	sld [smem:$0x3F74];
	s0 =	simm.s32 @p1 $0x1  }
0x15: {  	[smem:$0x3F91] =	sst s0;
	s0 =	simm.s32 @!p2 $0x0  }
0x16: {  	s3 =	sld [smem:$0x3FDB];
	s0 =	simm.s32 @p2 $0x1  }
0x17: {  	s4 =	simm.s32 $0x1BF5;
	[smem:$0x3F93] =	sst s0  }
0x18: {  	s0 =	sld [smem:$0x3F76];
	_ =	swait.ge [sflag:s4], $0x0  }
0x19: {  	s7 =	sld [smem:$0x3F77]  }
0x1a: {  	s8 =	sadd.s32 $0xFFFFE003, lr  }
0x1b: {  	s9 =	sadd.s32 $0xFFFFFEF7, lr;
	s5 =	simm.s32 $0xFFFFFFFF;
	p2 =	slt.u32 s8, $0xFFFFF086  }
0x1c: {  	p1 =	slt.u32 s9, $0xF7A;
	s5 =	simm.s32 @!p2 $0x0  }
0x1d: {  	s5 =	simm.s32 @p1 $0x1;
	p0 =	seq.s32 s7, s2  }
0x1e: {  	s7 =	smul.u32 @!p0 $0xF7A, s2;
	p2 =	seq.s32 @!p0 s5, $0x0  }
0x1f: {  	s9 =	smul.u32 $0xF7A, s1;
	s8 =	simm.s32 @!p0 $0x1BF5;
	p2 =	por !p2, p0  }
0x20: {  	[sflag:s8] =	ssyncset.s32 @!p0 $0xFFFFF086;
	s6 =	sadd.s32 @!p0 s3, s7;
	s7 =	simm.s32 @!p0 $0x108  }
0x21: {  	s3 =	sadd.s32 s3, s9;
	s6 =	sadd.s32 @!p0 $0x88, s6;
	s7 =	simm.s32 @p2 $0x1082  }
0x22: {  	[simem:s7], [sflag:s8] =	dma.local @!p0 [hbm:s6], $0xF7A  }
0x23: {  	s9 =	sor.u32 $0xD0000000, s2;
	s6 =	simm.s32 $0x108;
	_ =	swait.ge @!p0 [sflag:s8], $0x0  }
0x24: {  	s3 =	sadd.s32 $0x88, s3;
	s6 =	simm.s32 @!p1 $0x1082;
	[sflag:s4] =	ssyncset.s32 $0xFFFFF086  }
0x25: {  	[simem:s6], [sflag:s4] =	dma.local [hbm:s3], $0xF7A  }
0x26: {  	[smem:$0x3F77] =	sst s1;
	(tag) =	ssettag s2;
	_ =	strace s9  }
0x27: {  	s1 =	sld [smem:$0x3F87]  }
0x28: {  	s2 =	sld [smem:$0x3F88]  }
0x29: {  	s4 =	sld [smem:$0x3F8A]  }
0x2a: {  	p0 =	seq.s32 s5, $0x0;
	s5 =	sld [smem:$0x3F8B]  }
0x2b: {  	s6 =	sld [smem:$0x3F8C]  }
0x2c: {  	s7 =	sld [smem:$0x3F8D]  }
0x2d: {  	s3 =	simm.s32 $0x108;
	s8 =	sld [smem:$0x3F8E]  }
0x2e: {  	s3 =	simm.s32 @!p0 $0x1082;
	s9 =	sld [smem:$0x3F8F]  }
0x2f: {  	lr =	sadd.s32 s0, s3;
	s0 =	sld [smem:$0x3F86]  }
0x30: {  	s3 =	sld [smem:$0x3F89]  }
0x31: {  	[smem:$0x3F92] =	sst s10  }
0x32: {  	s10 =	sld [smem:$0x3F90];
	_ =	sdelay $0x3  }
0x33: {  	p0 =	seq.s32 s10, $0x1;
	s10 =	sld [smem:$0x3F92];
	_ =	sdelay $0x3  }
0x34: {  	[smem:$0x3F92] =	sst s10  }
0x35: {  	s10 =	sld [smem:$0x3F91];
	_ =	sdelay $0x3  }
0x36: {  	p1 =	seq.s32 s10, $0x1;
	s10 =	sld [smem:$0x3F92];
	_ =	sdelay $0x3  }
0x37: {  	[smem:$0x3F92] =	sst s10  }
0x38: {  	s10 =	sld [smem:$0x3F93]  }
0x39: {  	_ = 	snop;
	(pc) =	sbr.ind lr, $3  }
0x3a: {  	_ = 	snop  }
0x3b: {  	_ = 	snop  }
0x3c: {  	p2 =	seq.s32 s10, $0x1;
	s10 =	sld [smem:$0x3F92]  }
0x3d: {  	_ =	shalt  }
0x3e: {  	_ =	shalt  }
0x3f: {  	_ =	shalt  }
0x40: {  	_ =	shalt  }
0x41: {  	_ =	shalt  }
0x42: {  	_ =	shalt  }
0x43: {  	_ =	shalt  }
0x44: {  	_ =	shalt  }
0x45: {  	_ =	shalt  }
0x46: {  	_ =	shalt  }
0x47: {  	_ =	shalt  }
0x48: {  	_ =	shalt  }
0x49: {  	_ =	shalt  }
0x4a: {  	_ =	shalt  }
0x4b: {  	_ =	shalt  }
0x4c: {  	_ =	shalt  }
0x4d: {  	_ =	shalt  }
0x4e: {  	_ =	shalt  }
0x4f: {  	_ =	shalt  }
0x50: {  	_ =	shalt  }
0x51: {  	_ =	shalt  }
0x52: {  	_ =	shalt  }
0x53: {  	_ =	shalt  }
0x54: {  	_ =	shalt  }
0x55: {  	_ =	shalt  }
0x56: {  	_ =	shalt  }
0x57: {  	_ =	shalt  }
0x58: {  	_ =	shalt  }
0x59: {  	_ =	shalt  }
0x5a: {  	_ =	shalt  }
0x5b: {  	_ =	shalt  }
0x5c: {  	_ =	shalt  }
0x5d: {  	_ =	shalt  }
0x5e: {  	_ =	shalt  }
0x5f: {  	_ =	shalt  }
0x60: {  	_ =	shalt  }
0x61: {  	_ =	shalt  }
0x62: {  	_ =	shalt  }
0x63: {  	_ =	shalt  }
0x64: {  	_ =	shalt  }
0x65: {  	_ =	shalt  }
0x66: {  	_ =	shalt  }
0x67: {  	_ =	shalt  }
0x68: {  	_ =	shalt  }
0x69: {  	_ =	shalt  }
0x6a: {  	_ =	shalt  }
0x6b: {  	_ =	shalt  }
0x6c: {  	_ =	shalt  }
0x6d: {  	_ =	shalt  }
0x6e: {  	_ =	shalt  }
0x6f: {  	_ =	shalt  }
0x70: {  	_ =	shalt  }
0x71: {  	_ =	shalt  }
0x72: {  	_ =	shalt  }
0x73: {  	_ =	shalt  }
0x74: {  	_ =	shalt  }
0x75: {  	_ =	shalt  }
0x76: {  	_ =	shalt  }
0x77: {  	_ =	shalt  }
0x78: {  	_ =	shalt  }
0x79: {  	_ =	shalt  }
0x7a: {  	_ =	shalt  }
0x7b: {  	_ =	shalt  }
0x7c: {  	_ =	shalt  }
0x7d: {  	_ =	shalt  }
0x7e: {  	_ =	shalt  }
0x7f: {  	_ =	shalt  }
0x80: {  	_ =	shalt  }
0x81: {  	_ =	shalt  }
0x82: {  	_ =	shalt  }
0x83: {  	_ =	shalt  }
0x84: {  	_ =	shalt  }
0x85: {  	_ =	shalt  }
0x86: {  	_ =	shalt  }
0x87: {  	_ =	shalt  }
.Lfunc_end0:
.L_simem_size_0:
called_computation_lowered:
.L_overlay_start_0:
0x88: {  	s2 =	sld [smem:$0x3FD9]  }
0x89: {  	s3 =	sld [smem:$0x3FFE];
	_ =	sdelay $0x1  }
0x8a: {  	s1 =	srdreg.scid  }
0x8b: {  	s0 =	sand.u32 $0x1, s1  }
0x8c: {  	s17 =	sshll.u32 s0, $0xA;
	s2 =	sadd.s32 s3, s2  }
0x8d: {  	s2 =	sadd.s32 s2, s17  }
0x8e: {  	[smem:$0x3F9E] =	sst s2  }
0x8f: {  	_ = 	snop  }
0x90: {  	s2 =	sld [smem:$0x3FD0];
	(tm) =	ssettm $0x1  }
0x91: {  	s18 =	sld [smem:$0x3FFB];
	_ =	sdelay $0x3  }
0x92: {  	_ =	strace s18  }
0x93: {  	s3 =	sld [smem:$0x3FFC];
	_ =	sdelay $0x3  }
0x94: {  	_ =	strace s3  }
0x95: {  	s3 =	sld [smem:$0x3FFD];
	_ =	sdelay $0x3  }
0x96: {  	_ =	strace s3  }
0x97: {  	_ =	strace $0x8FFFFFFF  }
0x98: {  	s19 =	sld [smem:$0x3FDB];
	_ =	sdelay $0x1  }
0x99: {  	s4 =	simm.s32 $_scs_section_size  }
0x9a: {  	s5 =	simm.s32 $_size__tile_overlayer_lowered;
	s6 =	simm.s32 $_tile_overlayer_lowered  }
0x9b: {  	s22 =	simm.s32 $0x1BFF;
	s21 =	sshll.u32 s6, $0x1;
	s3 =	sadd.s32 s4, s19  }
0x9c: {  	s7 =	simm.s32 $0x0;
	s20 =	sshll.u32 s5, $0x1;
	s5 =	sadd.s32 s21, s3  }
0x9d: {  	[timem:s7], [sflag:s22] =	dma.local [hbm:s5], s20  }
0x9e: {  	_ =	swait.ge [sflag:s22], s20  }
0x9f: {  	s4 =	ssub.s32 $0x0, s20;
	[sflag:s22] =	ssyncset.done $0x0  }
0xa0: {  	[sflag:s22] =	ssyncadd.s32 s4;
	_ =	sdelay $0x1  }
0xa1: {  	s23 =	simm.s32 $0x1B8B  }
0xa2: {  	_ =	swait.ge [sflag:s23], $0x1  }
0xa3: {  	[sflag:s23] =	ssyncset.done $0x0  }
0xa4: {  	s25 =	simm.s32 $0x1B8E;
	s24 =	sld [smem:$0x3FFE];
	[sflag:s23] =	ssyncadd.s32 $0xFFFFFFFF  }
0xa5: {  	s26 =	simm.s32 $execute0_lowered;
	[smem:$0x3FD2] =	sst s25  }
0xa6: {  	s5 =	sshll.u32 s26, $0x1;
	_ =	strace $0x80000046;
	[dreg:$0x1] =	wrdreg $0xFFFFFFFF  }
0xa7: {  	s28 =	simm.s32 $_size_execute0_lowered;
	s3 =	sadd.s32 s3, s5;
	[dreg:$0x0] =	wrdreg $0x0  }
0xa8: {  	s5 =	sshll.u32 s28, $0x1;
	[dreg:$0x2] =	wrdreg s3  }
0xa9: {  	[dreg:$0x3] =	wrdreg s5  }
0xaa: {  	[dreg:$0x4] =	wrdreg $0xC0  }
0xab: {  	_ =	task [dreg:s7], $0x5FFFF  }
0xac: {  	[dreg:$0x1] =	wrdreg $0xFFFFFFFF  }
0xad: {  	[dreg:$0x0] =	wrdreg $0x60  }
0xae: {  	[dreg:$0x2] =	wrdreg s24  }
0xaf: {  	[dreg:$0x3] =	wrdreg s2  }
0xb0: {  	[dreg:$0x4] =	wrdreg $0x9  }
0xb1: {  	_ =	task.clear_ibuf [dreg:s7], $0x5FFFF;
	_ =	strace $0x90000046  }
0xb2: {  	s29 =	simm.s32 $0x9;
	_ =	strace $0x80000048  }
0xb3: {  	_ =	swait.ge [sflag:s29], $0x1  }
0xb4: {  	[sflag:s29] =	ssyncadd.s32 $0xFFFFFFFF  }
0xb5: {  	_ =	strace $0x90000048  }
0xb6: {  	_ =	sfence  }
0xb7: {  	s30 =	sld [smem:$0x0];
	_ =	sdelay $0x2  }
0xb8: {  	s31 =	sshll.u32 s1, $0xD;
	s1 =	sshrl.u32 s1, $0x2  }
0xb9: {  	s3 =	sand.u32 $0x4000, s31;
	s1 =	sadd.s32 s1, s30  }
0xba: {  	s0 =	sor.u32 s3, s0;
	s1 =	sshll.u32 s1, $0x11  }
0xbb: {  	s0 =	sor.u32 s1, s0  }
0xbc: {  	s0 =	sadd.s32 $0x8F2B, s0  }
0xbd: {  	[sflag:s0] =	ssyncadd.remote.s32 $0x1  }
0xbe: {  	_ =	sfence.sel $0xFFFF  }
0xbf: {  	[dreg:$0x0] =	wrdreg $0xFFFFFFFF;
	(pc) =	sbr.abs _section_cstart, $3  }
0xc0: {  	[dreg:$0x1] =	wrdreg $0xFFFFFFFF  }
0xc1: {  	_ =	task.clear_ibuf [dreg:s7], $0x2FFFF;
	_ =	strace $0x9FFFFFFF  }
0xc2: {  	(tm) =	ssettm $0x7FFFFFFF  }
0xc3: {  	_ =	shalt  }
tec
execute0_lowered:
.L_overlay_start_1:
0x0: {  	(tag) =	ssettag $0x1  }
0x1: {  	s1 =	srdreg.scid  }
0x2: {  	s0 =	stileid.u32;
	s12 =	sand.u32 $0x1, s1  }
0x3: {  	s5 =	rddreg [dreg:$0x0];
	s31 =	sshll.u32 s0, $0x5;
	s2 =	sshll.u32 s12, $0x4  }
0x4: {  	s8 =	rddreg [dreg:$0x1];
	s9 =	sor.u32 s2, s31  }
0x5: {  	s1 =	rddreg [dreg:$0x2];
	s2 =	simm.s32 $0x0;
	s3 =	sshrl.u32 s9, $0x3  }
0x6: {  	[smem:$0x7FF] =	sst s2;
	s11 =	sadd.s32 s3, s5  }
0x7: {  	_ =	strace $0x80000047;
	s3 =	simm.s32 $0x2;
	s4 =	sadd.s32 $0x8000, s11  }
0x8: {  	[tilespmem:s2], [sflag:$0x2] =	stream.linear.gather [hbm4b:s4+s2], $0x10, $0x38;
	[tilespmem:$0x2010] =	vst v63  }
0x9: {  	_ =	swait.ge [sflag:s3], $0x10  }
0xa: {  	s6 =	simm.s32 $0x10;
	[sflag:s3] =	ssyncset.done $0x0  }
0xb: {  	s7 =	simm.s32 $0x1;
	s5 =	sadd.s32 $0x8200, s5;
	[sflag:s3] =	ssyncadd.s32 $0xFFFFFFF0  }
0xc: {  	[tilespmem:s6], [sflag:$0x1] =	stream.indirect.gather [hbm4b:s5+s6], $0x200, s2, s6, $0xb8;
	[tilespmem:$0x2010] =	vst v63  }
0xd: {  	_ =	swait.ge [sflag:s7], $0x2000  }
0xe: {  	s9 =	sshll.u32 s9, $0x6;
	[sflag:s7] =	ssyncset.done $0x0  }
0xf: {  	s8 =	sadd.s32 s8, s9;
	[sflag:s7] =	ssyncadd.s32 $0xFFFFE000  }
0x10: {  	[hbm4b:s8+s2] =	stream.linear.scatter [tilespmem:s6], [sflag:$0x2], $0x2000, $0x38;
	[tilespmem:$0x2010] =	vst v63  }
0x11: {  	_ =	swait.ge [sflag:s3], $0x2000  }
0x12: {  	[sflag:s3] =	ssyncset.done $0x0  }
0x13: {  	s9 =	sadd.s32 $0x8040, s11;
	[sflag:s3] =	ssyncadd.s32 $0xFFFFE000  }
0x14: {  	[tilespmem:s2], [sflag:$0x2] =	stream.linear.gather [hbm4b:s9+s2], $0x10, $0x38;
	[tilespmem:$0x2010] =	vst v63  }
0x15: {  	_ =	swait.ge [sflag:s3], $0x10  }
0x16: {  	[sflag:s3] =	ssyncset.done $0x0  }
0x17: {  	[sflag:s3] =	ssyncadd.s32 $0xFFFFFFF0  }
0x18: {  	[tilespmem:s6], [sflag:$0x1] =	stream.indirect.gather [hbm4b:s5+s6], $0x200, s2, s6, $0xb8;
	[tilespmem:$0x2010] =	vst v63  }
0x19: {  	_ =	swait.ge [sflag:s7], $0x2000  }
0x1a: {  	[sflag:s7] =	ssyncset.done $0x0  }
0x1b: {  	s10 =	sadd.s32 $0x8000, s8;
	[sflag:s7] =	ssyncadd.s32 $0xFFFFE000  }
0x1c: {  	[hbm4b:s10+s2] =	stream.linear.scatter [tilespmem:s6], [sflag:$0x2], $0x2000, $0x38;
	[tilespmem:$0x2010] =	vst v63  }
0x1d: {  	_ =	swait.ge [sflag:s3], $0x2000  }
0x1e: {  	[sflag:s3] =	ssyncset.done $0x0  }
0x1f: {  	s12 =	ssub.s32 $0x2, s12;
	s11 =	sadd.s32 $0x8080, s11;
	[sflag:s3] =	ssyncadd.s32 $0xFFFFE000  }
0x20: {  	[tilespmem:s2], [sflag:$0x2] =	stream.linear.gather [hbm4b:s11+s2], $0x10, $0x38;
	[tilespmem:$0x2010] =	vst v63  }
0x21: {  	s13 =	sshrl.u32 s12, $0x1;
	_ =	swait.ge [sflag:s3], $0x10  }
0x22: {  	s12 =	ssub.s32 s12, s13;
	[sflag:s3] =	ssyncset.done $0x0  }
0x23: {  	s13 =	smax.u32 s12, $0x1;
	[sflag:s3] =	ssyncadd.s32 $0xFFFFFFF0  }
0x24: {  	[tilespmem:s6], [sflag:$0x1] =	stream.indirect.gather [hbm4b:s5+s6], $0x200, s2, s6, $0xb8;
	[tilespmem:$0x2010] =	vst v63  }
0x25: {  	p0 =	sne.s32 s13, $0x1;
	_ =	swait.ge [sflag:s7], $0x2000  }
.Ltmp0:
0x26: {  	[sflag:s7] =	ssyncset.done $0x0;
	(pc) =	sbr.rel @!p0 .LBB2_2-.Ltmp0, $4  }
0x27: {  	s12 =	sadd.s32 $0x10000, s8;
	[sflag:s7] =	ssyncadd.s32 $0xFFFFE000  }
0x28: {  	[hbm4b:s12+s2] =	stream.linear.scatter [tilespmem:s6], [sflag:$0x2], $0x2000, $0x38;
	[tilespmem:$0x2010] =	vst v63  }
0x29: {  	_ =	swait.ge [sflag:s3], $0x2000  }
0x2a: {  	s13 =	sadd.s32 $0xFFFFFFFF, s13;
	[sflag:s3] =	ssyncset.done $0x0  }
.LBB2_1:
0x2b: {  	p0 =	sne.s32 s13, $0x1;
	s13 =	sadd.s32 $0xFFFFFFFF, s13;
	[sflag:s3] =	ssyncadd.s32 $0xFFFFE000  }
0x2c: {  	[tilespmem:s2], [sflag:$0x2] =	stream.linear.gather [hbm4b:s4+s2], $0x10, $0x38;
	[tilespmem:$0x2010] =	vst v63  }
0x2d: {  	_ =	swait.ge [sflag:s3], $0x10  }
0x2e: {  	[sflag:s3] =	ssyncset.done $0x0  }
0x2f: {  	[sflag:s3] =	ssyncadd.s32 $0xFFFFFFF0  }
0x30: {  	[tilespmem:s6], [sflag:$0x1] =	stream.indirect.gather [hbm4b:s5+s6], $0x200, s2, s6, $0xb8;
	[tilespmem:$0x2010] =	vst v63  }
0x31: {  	_ =	swait.ge [sflag:s7], $0x2000  }
0x32: {  	[sflag:s7] =	ssyncset.done $0x0  }
0x33: {  	[sflag:s7] =	ssyncadd.s32 $0xFFFFE000  }
0x34: {  	[hbm4b:s8+s2] =	stream.linear.scatter [tilespmem:s6], [sflag:$0x2], $0x2000, $0x38;
	[tilespmem:$0x2010] =	vst v63  }
0x35: {  	_ =	swait.ge [sflag:s3], $0x2000  }
0x36: {  	[sflag:s3] =	ssyncset.done $0x0  }
0x37: {  	[sflag:s3] =	ssyncadd.s32 $0xFFFFE000  }
0x38: {  	[tilespmem:s2], [sflag:$0x2] =	stream.linear.gather [hbm4b:s9+s2], $0x10, $0x38;
	[tilespmem:$0x2010] =	vst v63  }
0x39: {  	_ =	swait.ge [sflag:s3], $0x10  }
0x3a: {  	[sflag:s3] =	ssyncset.done $0x0  }
0x3b: {  	[sflag:s3] =	ssyncadd.s32 $0xFFFFFFF0  }
0x3c: {  	[tilespmem:s6], [sflag:$0x1] =	stream.indirect.gather [hbm4b:s5+s6], $0x200, s2, s6, $0xb8;
	[tilespmem:$0x2010] =	vst v63  }
0x3d: {  	_ =	swait.ge [sflag:s7], $0x2000  }
0x3e: {  	[sflag:s7] =	ssyncset.done $0x0  }
0x3f: {  	[sflag:s7] =	ssyncadd.s32 $0xFFFFE000  }
0x40: {  	[hbm4b:s10+s2] =	stream.linear.scatter [tilespmem:s6], [sflag:$0x2], $0x2000, $0x38;
	[tilespmem:$0x2010] =	vst v63  }
0x41: {  	_ =	swait.ge [sflag:s3], $0x2000  }
0x42: {  	[sflag:s3] =	ssyncset.done $0x0  }
0x43: {  	[sflag:s3] =	ssyncadd.s32 $0xFFFFE000  }
0x44: {  	[tilespmem:s2], [sflag:$0x2] =	stream.linear.gather [hbm4b:s11+s2], $0x10, $0x38;
	[tilespmem:$0x2010] =	vst v63  }
0x45: {  	_ =	swait.ge [sflag:s3], $0x10  }
0x46: {  	[sflag:s3] =	ssyncset.done $0x0  }
0x47: {  	[sflag:s3] =	ssyncadd.s32 $0xFFFFFFF0  }
0x48: {  	[tilespmem:s6], [sflag:$0x1] =	stream.indirect.gather [hbm4b:s5+s6], $0x200, s2, s6, $0xb8;
	[tilespmem:$0x2010] =	vst v63  }
0x49: {  	_ =	swait.ge [sflag:s7], $0x2000  }
.Ltmp1:
0x4a: {  	[sflag:s7] =	ssyncset.done $0x0;
	(pc) =	sbr.rel @p0 .LBB2_1-.Ltmp1, $4  }
0x4b: {  	[sflag:s7] =	ssyncadd.s32 $0xFFFFE000  }
0x4c: {  	[hbm4b:s12+s2] =	stream.linear.scatter [tilespmem:s6], [sflag:$0x2], $0x2000, $0x38;
	[tilespmem:$0x2010] =	vst v63  }
0x4d: {  	_ =	swait.ge [sflag:s3], $0x2000  }
0x4e: {  	[sflag:s3] =	ssyncset.done $0x0  }
.LBB2_2:
0x4f: {  	[sflag:s3] =	ssyncadd.s32 $0xFFFFE000  }
0x50: {  	_ =	sfence.sel $0x180000  }
0x51: {  	[bflag:$0x0] =	sbarrier.arrive $0xFFFF  }
0x52: {  	p0 =	sne.s32 s0, $0x0;
	_ =	strace $0x90000047  }
0x53: {  	s0 =	sadd.s32 @!p0 $0x100000, s1;
	[bflag:$0x2] =	sbarrier.arrive $0xFFFF  }
0x54: {  	[sflag:s0] =	ssyncadd.tile.s32 @!p0 $0x1;
	_ =	shalt  }
.Lfunc_end2:
_tile_overlayer_lowered:
.L_overlay_start_2:
0x55: {  	(tag) =	ssettag $0x2  }
0x56: {  	s0 =	rddreg [dreg:$0x0];
	s2 =	stileid.u32  }
0x57: {  	s1 =	rddreg [dreg:$0x1];
	p0 =	sne.s32 s2, $0x0  }
0x58: {  	s3 =	rddreg [dreg:$0x2];
	[bflag:$0x3] =	sbarrier.arrive $0xFFFF;
	s2 =	simm.s32 @!p0 $0x1C02  }
0x59: {  	[timem:s3], [sflag:s2] =	dma.local @!p0 [hbm:s0], s1  }
0x5a: {  	s0 =	simm.s32 @!p0 $0x2  }
0x5b: {  	_ =	swait.ge @!p0 [sflag:s0], s1  }
0x5c: {  	s1 =	ssub.s32 @!p0 $0x0, s1;
	[sflag:s0] =	ssyncset.done @!p0 $0x0  }
0x5d: {  	[sflag:s0] =	ssyncadd.s32 @!p0 s1  }
0x5e: {  	[bflag:$0x3] =	sbarrier.arrive $0xFFFF  }
0x5f: {  	_ =	shalt  }

// kernel: kernel.25.cloned.1.call-start
scs
__scs_entry_jumppad:
0x0: {  	(pc) =	sbr.rel $0x88, $3  }
0x1: {  	(tag) =	ssettag $0x0;
	lr =	simm.s32 $0x1  }
0x2: {  	[smem:$0x3F77] =	sst lr;
	_ =	strace $0xD0000000  }
0x3: {  	_ = 	snop  }
0x4: {  	_ = 	snop  }
0x5: {  	_ = 	snop  }
0x6: {  	_ = 	snop  }
0x7: {  	_ = 	snop  }
__scs_overlays_trampoline_lowered:
0x8: {  	[smem:$0x3F86] =	sst s0  }
0x9: {  	[smem:$0x3F87] =	sst s1  }
0xa: {  	[smem:$0x3F88] =	sst s2  }
0xb: {  	[smem:$0x3F89] =	sst s3  }
0xc: {  	[smem:$0x3F8A] =	sst s4  }
0xd: {  	[smem:$0x3F8B] =	sst s5  }
0xe: {  	[smem:$0x3F8C] =	sst s6  }
0xf: {  	[smem:$0x3F8D] =	sst s7  }
0x10: {  	[smem:$0x3F8E] =	sst s8  }
0x11: {  	[smem:$0x3F8F] =	sst s9;
	s0 =	simm.s32 @!p0 $0x0  }
0x12: {  	s1 =	sld [smem:$0x3F75];
	s0 =	simm.s32 @p0 $0x1  }
0x13: {  	[smem:$0x3F90] =	sst s0;
	s0 =	simm.s32 @!p1 $0x0  }
0x14: {  	s2 =	sld [smem:$0x3F74];
	s0 =	simm.s32 @p1 $0x1  }
0x15: {  	[smem:$0x3F91] =	sst s0;
	s0 =	simm.s32 @!p2 $0x0  }
0x16: {  	s3 =	sld [smem:$0x3FDB];
	s0 =	simm.s32 @p2 $0x1  }
0x17: {  	s4 =	simm.s32 $0x1BF5;
	[smem:$0x3F93] =	sst s0  }
0x18: {  	s0 =	sld [smem:$0x3F76];
	_ =	swait.ge [sflag:s4], $0x0  }
0x19: {  	s7 =	sld [smem:$0x3F77]  }
0x1a: {  	s8 =	sadd.s32 $0xFFFFE003, lr  }
0x1b: {  	s9 =	sadd.s32 $0xFFFFFEF7, lr;
	s5 =	simm.s32 $0xFFFFFFFF;
	p2 =	slt.u32 s8, $0xFFFFF086  }
0x1c: {  	p1 =	slt.u32 s9, $0xF7A;
	s5 =	simm.s32 @!p2 $0x0  }
0x1d: {  	s5 =	simm.s32 @p1 $0x1;
	p0 =	seq.s32 s7, s2  }
0x1e: {  	s7 =	smul.u32 @!p0 $0xF7A, s2;
	p2 =	seq.s32 @!p0 s5, $0x0  }
0x1f: {  	s9 =	smul.u32 $0xF7A, s1;
	s8 =	simm.s32 @!p0 $0x1BF5;
	p2 =	por !p2, p0  }
0x20: {  	[sflag:s8] =	ssyncset.s32 @!p0 $0xFFFFF086;
	s6 =	sadd.s32 @!p0 s3, s7;
	s7 =	simm.s32 @!p0 $0x108  }
0x21: {  	s3 =	sadd.s32 s3, s9;
	s6 =	sadd.s32 @!p0 $0x88, s6;
	s7 =	simm.s32 @p2 $0x1082  }
0x22: {  	[simem:s7], [sflag:s8] =	dma.local @!p0 [hbm:s6], $0xF7A  }
0x23: {  	s9 =	sor.u32 $0xD0000000, s2;
	s6 =	simm.s32 $0x108;
	_ =	swait.ge @!p0 [sflag:s8], $0x0  }
0x24: {  	s3 =	sadd.s32 $0x88, s3;
	s6 =	simm.s32 @!p1 $0x1082;
	[sflag:s4] =	ssyncset.s32 $0xFFFFF086  }
0x25: {  	[simem:s6], [sflag:s4] =	dma.local [hbm:s3], $0xF7A  }
0x26: {  	[smem:$0x3F77] =	sst s1;
	(tag) =	ssettag s2;
	_ =	strace s9  }
0x27: {  	s1 =	sld [smem:$0x3F87]  }
0x28: {  	s2 =	sld [smem:$0x3F88]  }
0x29: {  	s4 =	sld [smem:$0x3F8A]  }
0x2a: {  	p0 =	seq.s32 s5, $0x0;
	s5 =	sld [smem:$0x3F8B]  }
0x2b: {  	s6 =	sld [smem:$0x3F8C]  }
0x2c: {  	s7 =	sld [smem:$0x3F8D]  }
0x2d: {  	s3 =	simm.s32 $0x108;
	s8 =	sld [smem:$0x3F8E]  }
0x2e: {  	s3 =	simm.s32 @!p0 $0x1082;
	s9 =	sld [smem:$0x3F8F]  }
0x2f: {  	lr =	sadd.s32 s0, s3;
	s0 =	sld [smem:$0x3F86]  }
0x30: {  	s3 =	sld [smem:$0x3F89]  }
0x31: {  	[smem:$0x3F92] =	sst s10  }
0x32: {  	s10 =	sld [smem:$0x3F90];
	_ =	sdelay $0x3  }
0x33: {  	p0 =	seq.s32 s10, $0x1;
	s10 =	sld [smem:$0x3F92];
	_ =	sdelay $0x3  }
0x34: {  	[smem:$0x3F92] =	sst s10  }
0x35: {  	s10 =	sld [smem:$0x3F91];
	_ =	sdelay $0x3  }
0x36: {  	p1 =	seq.s32 s10, $0x1;
	s10 =	sld [smem:$0x3F92];
	_ =	sdelay $0x3  }
0x37: {  	[smem:$0x3F92] =	sst s10  }
0x38: {  	s10 =	sld [smem:$0x3F93]  }
0x39: {  	_ = 	snop;
	(pc) =	sbr.ind lr, $3  }
0x3a: {  	_ = 	snop  }
0x3b: {  	_ = 	snop  }
0x3c: {  	p2 =	seq.s32 s10, $0x1;
	s10 =	sld [smem:$0x3F92]  }
0x3d: {  	_ =	shalt  }
0x3e: {  	_ =	shalt  }
0x3f: {  	_ =	shalt  }
0x40: {  	_ =	shalt  }
0x41: {  	_ =	shalt  }
0x42: {  	_ =	shalt  }
0x43: {  	_ =	shalt  }
0x44: {  	_ =	shalt  }
0x45: {  	_ =	shalt  }
0x46: {  	_ =	shalt  }
0x47: {  	_ =	shalt  }
0x48: {  	_ =	shalt  }
0x49: {  	_ =	shalt  }
0x4a: {  	_ =	shalt  }
0x4b: {  	_ =	shalt  }
0x4c: {  	_ =	shalt  }
0x4d: {  	_ =	shalt  }
0x4e: {  	_ =	shalt  }
0x4f: {  	_ =	shalt  }
0x50: {  	_ =	shalt  }
0x51: {  	_ =	shalt  }
0x52: {  	_ =	shalt  }
0x53: {  	_ =	shalt  }
0x54: {  	_ =	shalt  }
0x55: {  	_ =	shalt  }
0x56: {  	_ =	shalt  }
0x57: {  	_ =	shalt  }
0x58: {  	_ =	shalt  }
0x59: {  	_ =	shalt  }
0x5a: {  	_ =	shalt  }
0x5b: {  	_ =	shalt  }
0x5c: {  	_ =	shalt  }
0x5d: {  	_ =	shalt  }
0x5e: {  	_ =	shalt  }
0x5f: {  	_ =	shalt  }
0x60: {  	_ =	shalt  }
0x61: {  	_ =	shalt  }
0x62: {  	_ =	shalt  }
0x63: {  	_ =	shalt  }
0x64: {  	_ =	shalt  }
0x65: {  	_ =	shalt  }
0x66: {  	_ =	shalt  }
0x67: {  	_ =	shalt  }
0x68: {  	_ =	shalt  }
0x69: {  	_ =	shalt  }
0x6a: {  	_ =	shalt  }
0x6b: {  	_ =	shalt  }
0x6c: {  	_ =	shalt  }
0x6d: {  	_ =	shalt  }
0x6e: {  	_ =	shalt  }
0x6f: {  	_ =	shalt  }
0x70: {  	_ =	shalt  }
0x71: {  	_ =	shalt  }
0x72: {  	_ =	shalt  }
0x73: {  	_ =	shalt  }
0x74: {  	_ =	shalt  }
0x75: {  	_ =	shalt  }
0x76: {  	_ =	shalt  }
0x77: {  	_ =	shalt  }
0x78: {  	_ =	shalt  }
0x79: {  	_ =	shalt  }
0x7a: {  	_ =	shalt  }
0x7b: {  	_ =	shalt  }
0x7c: {  	_ =	shalt  }
0x7d: {  	_ =	shalt  }
0x7e: {  	_ =	shalt  }
0x7f: {  	_ =	shalt  }
0x80: {  	_ =	shalt  }
0x81: {  	_ =	shalt  }
0x82: {  	_ =	shalt  }
0x83: {  	_ =	shalt  }
0x84: {  	_ =	shalt  }
0x85: {  	_ =	shalt  }
0x86: {  	_ =	shalt  }
0x87: {  	_ =	shalt  }
.Lfunc_end0:
.L_simem_size_0:
called_computation.1_lowered:
.L_overlay_start_0:
0x88: {  	s2 =	sld [smem:$0x3FD9]  }
0x89: {  	s3 =	sld [smem:$0x3FFE];
	_ =	sdelay $0x1  }
0x8a: {  	s1 =	srdreg.scid  }
0x8b: {  	s0 =	sand.u32 $0x1, s1  }
0x8c: {  	s17 =	sshll.u32 s0, $0xA;
	s2 =	sadd.s32 s3, s2  }
0x8d: {  	s2 =	sadd.s32 s2, s17  }
0x8e: {  	[smem:$0x3F9E] =	sst s2  }
0x8f: {  	_ = 	snop  }
0x90: {  	s2 =	sld [smem:$0x3FD0];
	(tm) =	ssettm $0x1  }
0x91: {  	s18 =	sld [smem:$0x3FFB];
	_ =	sdelay $0x3  }
0x92: {  	_ =	strace s18  }
0x93: {  	s3 =	sld [smem:$0x3FFC];
	_ =	sdelay $0x3  }
0x94: {  	_ =	strace s3  }
0x95: {  	s3 =	sld [smem:$0x3FFD];
	_ =	sdelay $0x3  }
0x96: {  	_ =	strace s3  }
0x97: {  	_ =	strace $0x8FFFFFFF  }
0x98: {  	s19 =	sld [smem:$0x3FDB];
	_ =	sdelay $0x1  }
0x99: {  	s4 =	simm.s32 $_scs_section_size  }
0x9a: {  	s5 =	simm.s32 $_size__tile_overlayer_lowered;
	s6 =	simm.s32 $_tile_overlayer_lowered  }
0x9b: {  	s22 =	simm.s32 $0x1BFF;
	s21 =	sshll.u32 s6, $0x1;
	s3 =	sadd.s32 s4, s19  }
0x9c: {  	s7 =	simm.s32 $0x0;
	s20 =	sshll.u32 s5, $0x1;
	s5 =	sadd.s32 s21, s3  }
0x9d: {  	[timem:s7], [sflag:s22] =	dma.local [hbm:s5], s20  }
0x9e: {  	_ =	swait.ge [sflag:s22], s20  }
0x9f: {  	s4 =	ssub.s32 $0x0, s20;
	[sflag:s22] =	ssyncset.done $0x0  }
0xa0: {  	[sflag:s22] =	ssyncadd.s32 s4;
	_ =	sdelay $0x1  }
0xa1: {  	s23 =	simm.s32 $0x1B8B  }
0xa2: {  	_ =	swait.ge [sflag:s23], $0x1  }
0xa3: {  	[sflag:s23] =	ssyncset.done $0x0  }
0xa4: {  	s25 =	simm.s32 $0x1B8E;
	s24 =	sld [smem:$0x3FFE];
	[sflag:s23] =	ssyncadd.s32 $0xFFFFFFFF  }
0xa5: {  	s26 =	simm.s32 $execute0_lowered;
	[smem:$0x3FD2] =	sst s25  }
0xa6: {  	s5 =	sshll.u32 s26, $0x1;
	_ =	strace $0x80000049;
	[dreg:$0x1] =	wrdreg $0xFFFFFFFF  }
0xa7: {  	s28 =	simm.s32 $_size_execute0_lowered;
	s3 =	sadd.s32 s3, s5;
	[dreg:$0x0] =	wrdreg $0x0  }
0xa8: {  	s5 =	sshll.u32 s28, $0x1;
	[dreg:$0x2] =	wrdreg s3  }
0xa9: {  	[dreg:$0x3] =	wrdreg s5  }
0xaa: {  	[dreg:$0x4] =	wrdreg $0xC0  }
0xab: {  	_ =	task [dreg:s7], $0x5FFFF  }
0xac: {  	[dreg:$0x1] =	wrdreg $0xFFFFFFFF  }
0xad: {  	[dreg:$0x0] =	wrdreg $0x60  }
0xae: {  	[dreg:$0x2] =	wrdreg s2  }
0xaf: {  	[dreg:$0x3] =	wrdreg s24  }
0xb0: {  	[dreg:$0x4] =	wrdreg $0x9  }
0xb1: {  	_ =	task.clear_ibuf [dreg:s7], $0x5FFFF;
	_ =	strace $0x90000049  }
0xb2: {  	s29 =	simm.s32 $0x9;
	_ =	strace $0x8000004B  }
0xb3: {  	_ =	swait.ge [sflag:s29], $0x1  }
0xb4: {  	[sflag:s29] =	ssyncadd.s32 $0xFFFFFFFF  }
0xb5: {  	_ =	strace $0x9000004B  }
0xb6: {  	_ =	sfence  }
0xb7: {  	s30 =	sld [smem:$0x0];
	_ =	sdelay $0x2  }
0xb8: {  	s31 =	sshll.u32 s1, $0xD;
	s1 =	sshrl.u32 s1, $0x2  }
0xb9: {  	s3 =	sand.u32 $0x4000, s31;
	s1 =	sadd.s32 s1, s30  }
0xba: {  	s0 =	sor.u32 s3, s0;
	s1 =	sshll.u32 s1, $0x11  }
0xbb: {  	s0 =	sor.u32 s1, s0  }
0xbc: {  	s0 =	sadd.s32 $0x8F2B, s0  }
0xbd: {  	[sflag:s0] =	ssyncadd.remote.s32 $0x1  }
0xbe: {  	_ =	sfence.sel $0xFFFF  }
0xbf: {  	[dreg:$0x0] =	wrdreg $0xFFFFFFFF;
	(pc) =	sbr.abs _section_cstart, $3  }
0xc0: {  	[dreg:$0x1] =	wrdreg $0xFFFFFFFF  }
0xc1: {  	_ =	task.clear_ibuf [dreg:s7], $0x2FFFF;
	_ =	strace $0x9FFFFFFF  }
0xc2: {  	(tm) =	ssettm $0x7FFFFFFF  }
0xc3: {  	_ =	shalt  }
tec
execute0_lowered:
.L_overlay_start_1:
0x0: {  	(tag) =	ssettag $0x1  }
0x1: {  	s1 =	srdreg.scid  }
0x2: {  	s0 =	stileid.u32;
	s12 =	sand.u32 $0x1, s1  }
0x3: {  	s2 =	rddreg [dreg:$0x0];
	s31 =	sshll.u32 s0, $0x7;
	s3 =	sshll.u32 s12, $0x6  }
0x4: {  	s8 =	rddreg [dreg:$0x1];
	s9 =	sor.u32 s3, s31  }
0x5: {  	s1 =	rddreg [dreg:$0x2];
	s3 =	simm.s32 $0x0;
	s4 =	sshrl.u32 s9, $0x3  }
0x6: {  	[smem:$0x7FF] =	sst s3;
	s11 =	sadd.s32 s4, s8  }
0x7: {  	_ =	strace $0x8000004A;
	s4 =	simm.s32 $0x2;
	s5 =	sadd.s32 $0xA200, s11  }
0x8: {  	[tilespmem:s3], [sflag:$0x2] =	stream.linear.gather [hbm4b:s5+s3], $0x40, $0x38;
	[tilespmem:$0x4040] =	vst v63  }
0x9: {  	_ =	swait.ge [sflag:s4], $0x40  }
0xa: {  	[sflag:s4] =	ssyncset.done $0x0  }
0xb: {  	s6 =	simm.s32 $0x40;
	s7 =	simm.s32 $0x1;
	[sflag:s4] =	ssyncadd.s32 $0xFFFFFFC0  }
0xc: {  	[tilespmem:s6], [sflag:$0x1] =	stream.indirect.gather [hbm4b:s2+s6], $0x100, s3, s6, $0xb8;
	[tilespmem:$0x4040] =	vst v63  }
0xd: {  	s9 =	sshll.u32 s9, $0x5;
	_ =	swait.ge [sflag:s7], $0x4000  }
0xe: {  	s13 =	sadd.s32 s9, s8;
	[sflag:s7] =	ssyncset.done $0x0  }
0xf: {  	s8 =	sadd.s32 $0xA600, s13;
	[sflag:s7] =	ssyncadd.s32 $0xFFFFC000  }
0x10: {  	[hbm4b:s8+s3] =	stream.linear.scatter [tilespmem:s6], [sflag:$0x2], $0x4000, $0x38;
	[tilespmem:$0x4040] =	vst v63  }
0x11: {  	_ =	swait.ge [sflag:s4], $0x4000  }
0x12: {  	[sflag:s4] =	ssyncset.done $0x0  }
0x13: {  	s9 =	sadd.s32 $0xA300, s11;
	[sflag:s4] =	ssyncadd.s32 $0xFFFFC000  }
0x14: {  	[tilespmem:s3], [sflag:$0x2] =	stream.linear.gather [hbm4b:s9+s3], $0x40, $0x38;
	[tilespmem:$0x4040] =	vst v63  }
0x15: {  	_ =	swait.ge [sflag:s4], $0x40  }
0x16: {  	[sflag:s4] =	ssyncset.done $0x0  }
0x17: {  	[sflag:s4] =	ssyncadd.s32 $0xFFFFFFC0  }
0x18: {  	[tilespmem:s6], [sflag:$0x1] =	stream.indirect.gather [hbm4b:s2+s6], $0x100, s3, s6, $0xb8;
	[tilespmem:$0x4040] =	vst v63  }
0x19: {  	_ =	swait.ge [sflag:s7], $0x4000  }
0x1a: {  	[sflag:s7] =	ssyncset.done $0x0  }
0x1b: {  	s10 =	sadd.s32 $0x1A600, s13;
	[sflag:s7] =	ssyncadd.s32 $0xFFFFC000  }
0x1c: {  	[hbm4b:s10+s3] =	stream.linear.scatter [tilespmem:s6], [sflag:$0x2], $0x4000, $0x38;
	[tilespmem:$0x4040] =	vst v63  }
0x1d: {  	_ =	swait.ge [sflag:s4], $0x4000  }
0x1e: {  	[sflag:s4] =	ssyncset.done $0x0  }
0x1f: {  	s12 =	ssub.s32 $0x2, s12;
	s11 =	sadd.s32 $0xA400, s11;
	[sflag:s4] =	ssyncadd.s32 $0xFFFFC000  }
0x20: {  	[tilespmem:s3], [sflag:$0x2] =	stream.linear.gather [hbm4b:s11+s3], $0x40, $0x38;
	[tilespmem:$0x4040] =	vst v63  }
0x21: {  	s14 =	sshrl.u32 s12, $0x1;
	_ =	swait.ge [sflag:s4], $0x40  }
0x22: {  	s12 =	ssub.s32 s12, s14;
	[sflag:s4] =	ssyncset.done $0x0  }
0x23: {  	s14 =	smax.u32 s12, $0x1;
	[sflag:s4] =	ssyncadd.s32 $0xFFFFFFC0  }
0x24: {  	[tilespmem:s6], [sflag:$0x1] =	stream.indirect.gather [hbm4b:s2+s6], $0x100, s3, s6, $0xb8;
	[tilespmem:$0x4040] =	vst v63  }
0x25: {  	p0 =	sne.s32 s14, $0x1;
	_ =	swait.ge [sflag:s7], $0x4000  }
.Ltmp0:
0x26: {  	[sflag:s7] =	ssyncset.done $0x0;
	(pc) =	sbr.rel @!p0 .LBB2_2-.Ltmp0, $4  }
0x27: {  	s12 =	sadd.s32 $0x2A600, s13;
	[sflag:s7] =	ssyncadd.s32 $0xFFFFC000  }
0x28: {  	[hbm4b:s12+s3] =	stream.linear.scatter [tilespmem:s6], [sflag:$0x2], $0x4000, $0x38;
	[tilespmem:$0x4040] =	vst v63  }
0x29: {  	_ =	swait.ge [sflag:s4], $0x4000  }
0x2a: {  	s13 =	sadd.s32 $0xFFFFFFFF, s14;
	[sflag:s4] =	ssyncset.done $0x0  }
.LBB2_1:
0x2b: {  	p0 =	sne.s32 s13, $0x1;
	s13 =	sadd.s32 $0xFFFFFFFF, s13;
	[sflag:s4] =	ssyncadd.s32 $0xFFFFC000  }
0x2c: {  	[tilespmem:s3], [sflag:$0x2] =	stream.linear.gather [hbm4b:s5+s3], $0x40, $0x38;
	[tilespmem:$0x4040] =	vst v63  }
0x2d: {  	_ =	swait.ge [sflag:s4], $0x40  }
0x2e: {  	[sflag:s4] =	ssyncset.done $0x0  }
0x2f: {  	[sflag:s4] =	ssyncadd.s32 $0xFFFFFFC0  }
0x30: {  	[tilespmem:s6], [sflag:$0x1] =	stream.indirect.gather [hbm4b:s2+s6], $0x100, s3, s6, $0xb8;
	[tilespmem:$0x4040] =	vst v63  }
0x31: {  	_ =	swait.ge [sflag:s7], $0x4000  }
0x32: {  	[sflag:s7] =	ssyncset.done $0x0  }
0x33: {  	[sflag:s7] =	ssyncadd.s32 $0xFFFFC000  }
0x34: {  	[hbm4b:s8+s3] =	stream.linear.scatter [tilespmem:s6], [sflag:$0x2], $0x4000, $0x38;
	[tilespmem:$0x4040] =	vst v63  }
0x35: {  	_ =	swait.ge [sflag:s4], $0x4000  }
0x36: {  	[sflag:s4] =	ssyncset.done $0x0  }
0x37: {  	[sflag:s4] =	ssyncadd.s32 $0xFFFFC000  }
0x38: {  	[tilespmem:s3], [sflag:$0x2] =	stream.linear.gather [hbm4b:s9+s3], $0x40, $0x38;
	[tilespmem:$0x4040] =	vst v63  }
0x39: {  	_ =	swait.ge [sflag:s4], $0x40  }
0x3a: {  	[sflag:s4] =	ssyncset.done $0x0  }
0x3b: {  	[sflag:s4] =	ssyncadd.s32 $0xFFFFFFC0  }
0x3c: {  	[tilespmem:s6], [sflag:$0x1] =	stream.indirect.gather [hbm4b:s2+s6], $0x100, s3, s6, $0xb8;
	[tilespmem:$0x4040] =	vst v63  }
0x3d: {  	_ =	swait.ge [sflag:s7], $0x4000  }
0x3e: {  	[sflag:s7] =	ssyncset.done $0x0  }
0x3f: {  	[sflag:s7] =	ssyncadd.s32 $0xFFFFC000  }
0x40: {  	[hbm4b:s10+s3] =	stream.linear.scatter [tilespmem:s6], [sflag:$0x2], $0x4000, $0x38;
	[tilespmem:$0x4040] =	vst v63  }
0x41: {  	_ =	swait.ge [sflag:s4], $0x4000  }
0x42: {  	[sflag:s4] =	ssyncset.done $0x0  }
0x43: {  	[sflag:s4] =	ssyncadd.s32 $0xFFFFC000  }
0x44: {  	[tilespmem:s3], [sflag:$0x2] =	stream.linear.gather [hbm4b:s11+s3], $0x40, $0x38;
	[tilespmem:$0x4040] =	vst v63  }
0x45: {  	_ =	swait.ge [sflag:s4], $0x40  }
0x46: {  	[sflag:s4] =	ssyncset.done $0x0  }
0x47: {  	[sflag:s4] =	ssyncadd.s32 $0xFFFFFFC0  }
0x48: {  	[tilespmem:s6], [sflag:$0x1] =	stream.indirect.gather [hbm4b:s2+s6], $0x100, s3, s6, $0xb8;
	[tilespmem:$0x4040] =	vst v63  }
0x49: {  	_ =	swait.ge [sflag:s7], $0x4000  }
.Ltmp1:
0x4a: {  	[sflag:s7] =	ssyncset.done $0x0;
	(pc) =	sbr.rel @p0 .LBB2_1-.Ltmp1, $4  }
0x4b: {  	[sflag:s7] =	ssyncadd.s32 $0xFFFFC000  }
0x4c: {  	[hbm4b:s12+s3] =	stream.linear.scatter [tilespmem:s6], [sflag:$0x2], $0x4000, $0x38;
	[tilespmem:$0x4040] =	vst v63  }
0x4d: {  	_ =	swait.ge [sflag:s4], $0x4000  }
0x4e: {  	[sflag:s4] =	ssyncset.done $0x0  }
.LBB2_2:
0x4f: {  	[sflag:s4] =	ssyncadd.s32 $0xFFFFC000  }
0x50: {  	_ =	sfence.sel $0x180000  }
0x51: {  	[bflag:$0x0] =	sbarrier.arrive $0xFFFF  }
0x52: {  	p0 =	sne.s32 s0, $0x0;
	_ =	strace $0x9000004A  }
0x53: {  	s0 =	sadd.s32 @!p0 $0x100000, s1;
	[bflag:$0x2] =	sbarrier.arrive $0xFFFF  }
0x54: {  	[sflag:s0] =	ssyncadd.tile.s32 @!p0 $0x1;
	_ =	shalt  }
.Lfunc_end2:
_tile_overlayer_lowered:
.L_overlay_start_2:
0x55: {  	(tag) =	ssettag $0x2  }
0x56: {  	s0 =	rddreg [dreg:$0x0];
	s2 =	stileid.u32  }
0x57: {  	s1 =	rddreg [dreg:$0x1];
	p0 =	sne.s32 s2, $0x0  }
0x58: {  	s3 =	rddreg [dreg:$0x2];
	[bflag:$0x3] =	sbarrier.arrive $0xFFFF;
	s2 =	simm.s32 @!p0 $0x1C02  }
0x59: {  	[timem:s3], [sflag:s2] =	dma.local @!p0 [hbm:s0], s1  }
0x5a: {  	s0 =	simm.s32 @!p0 $0x2  }
0x5b: {  	_ =	swait.ge @!p0 [sflag:s0], s1  }
0x5c: {  	s1 =	ssub.s32 @!p0 $0x0, s1;
	[sflag:s0] =	ssyncset.done @!p0 $0x0  }
0x5d: {  	[sflag:s0] =	ssyncadd.s32 @!p0 s1  }
0x5e: {  	[bflag:$0x3] =	sbarrier.arrive $0xFFFF  }
0x5f: {  	_ =	shalt  }

// kernel: kernel.28.cloned.1.call-start
scs
__scs_entry_jumppad:
0x0: {  	(pc) =	sbr.rel $0x88, $3  }
0x1: {  	(tag) =	ssettag $0x0;
	lr =	simm.s32 $0x1  }
0x2: {  	[smem:$0x3F77] =	sst lr;
	_ =	strace $0xD0000000  }
0x3: {  	_ = 	snop  }
0x4: {  	_ = 	snop  }
0x5: {  	_ = 	snop  }
0x6: {  	_ = 	snop  }
0x7: {  	_ = 	snop  }
__scs_overlays_trampoline_lowered:
0x8: {  	[smem:$0x3F86] =	sst s0  }
0x9: {  	[smem:$0x3F87] =	sst s1  }
0xa: {  	[smem:$0x3F88] =	sst s2  }
0xb: {  	[smem:$0x3F89] =	sst s3  }
0xc: {  	[smem:$0x3F8A] =	sst s4  }
0xd: {  	[smem:$0x3F8B] =	sst s5  }
0xe: {  	[smem:$0x3F8C] =	sst s6  }
0xf: {  	[smem:$0x3F8D] =	sst s7  }
0x10: {  	[smem:$0x3F8E] =	sst s8  }
0x11: {  	[smem:$0x3F8F] =	sst s9;
	s0 =	simm.s32 @!p0 $0x0  }
0x12: {  	s1 =	sld [smem:$0x3F75];
	s0 =	simm.s32 @p0 $0x1  }
0x13: {  	[smem:$0x3F90] =	sst s0;
	s0 =	simm.s32 @!p1 $0x0  }
0x14: {  	s2 =	sld [smem:$0x3F74];
	s0 =	simm.s32 @p1 $0x1  }
0x15: {  	[smem:$0x3F91] =	sst s0;
	s0 =	simm.s32 @!p2 $0x0  }
0x16: {  	s3 =	sld [smem:$0x3FDB];
	s0 =	simm.s32 @p2 $0x1  }
0x17: {  	s4 =	simm.s32 $0x1BF5;
	[smem:$0x3F93] =	sst s0  }
0x18: {  	s0 =	sld [smem:$0x3F76];
	_ =	swait.ge [sflag:s4], $0x0  }
0x19: {  	s7 =	sld [smem:$0x3F77]  }
0x1a: {  	s8 =	sadd.s32 $0xFFFFE003, lr  }
0x1b: {  	s9 =	sadd.s32 $0xFFFFFEF7, lr;
	s5 =	simm.s32 $0xFFFFFFFF;
	p2 =	slt.u32 s8, $0xFFFFF086  }
0x1c: {  	p1 =	slt.u32 s9, $0xF7A;
	s5 =	simm.s32 @!p2 $0x0  }
0x1d: {  	s5 =	simm.s32 @p1 $0x1;
	p0 =	seq.s32 s7, s2  }
0x1e: {  	s7 =	smul.u32 @!p0 $0xF7A, s2;
	p2 =	seq.s32 @!p0 s5, $0x0  }
0x1f: {  	s9 =	smul.u32 $0xF7A, s1;
	s8 =	simm.s32 @!p0 $0x1BF5;
	p2 =	por !p2, p0  }
0x20: {  	[sflag:s8] =	ssyncset.s32 @!p0 $0xFFFFF086;
	s6 =	sadd.s32 @!p0 s3, s7;
	s7 =	simm.s32 @!p0 $0x108  }
0x21: {  	s3 =	sadd.s32 s3, s9;
	s6 =	sadd.s32 @!p0 $0x88, s6;
	s7 =	simm.s32 @p2 $0x1082  }
0x22: {  	[simem:s7], [sflag:s8] =	dma.local @!p0 [hbm:s6], $0xF7A  }
0x23: {  	s9 =	sor.u32 $0xD0000000, s2;
	s6 =	simm.s32 $0x108;
	_ =	swait.ge @!p0 [sflag:s8], $0x0  }
0x24: {  	s3 =	sadd.s32 $0x88, s3;
	s6 =	simm.s32 @!p1 $0x1082;
	[sflag:s4] =	ssyncset.s32 $0xFFFFF086  }
0x25: {  	[simem:s6], [sflag:s4] =	dma.local [hbm:s3], $0xF7A  }
0x26: {  	[smem:$0x3F77] =	sst s1;
	(tag) =	ssettag s2;
	_ =	strace s9  }
0x27: {  	s1 =	sld [smem:$0x3F87]  }
0x28: {  	s2 =	sld [smem:$0x3F88]  }
0x29: {  	s4 =	sld [smem:$0x3F8A]  }
0x2a: {  	p0 =	seq.s32 s5, $0x0;
	s5 =	sld [smem:$0x3F8B]  }
0x2b: {  	s6 =	sld [smem:$0x3F8C]  }
0x2c: {  	s7 =	sld [smem:$0x3F8D]  }
0x2d: {  	s3 =	simm.s32 $0x108;
	s8 =	sld [smem:$0x3F8E]  }
0x2e: {  	s3 =	simm.s32 @!p0 $0x1082;
	s9 =	sld [smem:$0x3F8F]  }
0x2f: {  	lr =	sadd.s32 s0, s3;
	s0 =	sld [smem:$0x3F86]  }
0x30: {  	s3 =	sld [smem:$0x3F89]  }
0x31: {  	[smem:$0x3F92] =	sst s10  }
0x32: {  	s10 =	sld [smem:$0x3F90];
	_ =	sdelay $0x3  }
0x33: {  	p0 =	seq.s32 s10, $0x1;
	s10 =	sld [smem:$0x3F92];
	_ =	sdelay $0x3  }
0x34: {  	[smem:$0x3F92] =	sst s10  }
0x35: {  	s10 =	sld [smem:$0x3F91];
	_ =	sdelay $0x3  }
0x36: {  	p1 =	seq.s32 s10, $0x1;
	s10 =	sld [smem:$0x3F92];
	_ =	sdelay $0x3  }
0x37: {  	[smem:$0x3F92] =	sst s10  }
0x38: {  	s10 =	sld [smem:$0x3F93]  }
0x39: {  	_ = 	snop;
	(pc) =	sbr.ind lr, $3  }
0x3a: {  	_ = 	snop  }
0x3b: {  	_ = 	snop  }
0x3c: {  	p2 =	seq.s32 s10, $0x1;
	s10 =	sld [smem:$0x3F92]  }
0x3d: {  	_ =	shalt  }
0x3e: {  	_ =	shalt  }
0x3f: {  	_ =	shalt  }
0x40: {  	_ =	shalt  }
0x41: {  	_ =	shalt  }
0x42: {  	_ =	shalt  }
0x43: {  	_ =	shalt  }
0x44: {  	_ =	shalt  }
0x45: {  	_ =	shalt  }
0x46: {  	_ =	shalt  }
0x47: {  	_ =	shalt  }
0x48: {  	_ =	shalt  }
0x49: {  	_ =	shalt  }
0x4a: {  	_ =	shalt  }
0x4b: {  	_ =	shalt  }
0x4c: {  	_ =	shalt  }
0x4d: {  	_ =	shalt  }
0x4e: {  	_ =	shalt  }
0x4f: {  	_ =	shalt  }
0x50: {  	_ =	shalt  }
0x51: {  	_ =	shalt  }
0x52: {  	_ =	shalt  }
0x53: {  	_ =	shalt  }
0x54: {  	_ =	shalt  }
0x55: {  	_ =	shalt  }
0x56: {  	_ =	shalt  }
0x57: {  	_ =	shalt  }
0x58: {  	_ =	shalt  }
0x59: {  	_ =	shalt  }
0x5a: {  	_ =	shalt  }
0x5b: {  	_ =	shalt  }
0x5c: {  	_ =	shalt  }
0x5d: {  	_ =	shalt  }
0x5e: {  	_ =	shalt  }
0x5f: {  	_ =	shalt  }
0x60: {  	_ =	shalt  }
0x61: {  	_ =	shalt  }
0x62: {  	_ =	shalt  }
0x63: {  	_ =	shalt  }
0x64: {  	_ =	shalt  }
0x65: {  	_ =	shalt  }
0x66: {  	_ =	shalt  }
0x67: {  	_ =	shalt  }
0x68: {  	_ =	shalt  }
0x69: {  	_ =	shalt  }
0x6a: {  	_ =	shalt  }
0x6b: {  	_ =	shalt  }
0x6c: {  	_ =	shalt  }
0x6d: {  	_ =	shalt  }
0x6e: {  	_ =	shalt  }
0x6f: {  	_ =	shalt  }
0x70: {  	_ =	shalt  }
0x71: {  	_ =	shalt  }
0x72: {  	_ =	shalt  }
0x73: {  	_ =	shalt  }
0x74: {  	_ =	shalt  }
0x75: {  	_ =	shalt  }
0x76: {  	_ =	shalt  }
0x77: {  	_ =	shalt  }
0x78: {  	_ =	shalt  }
0x79: {  	_ =	shalt  }
0x7a: {  	_ =	shalt  }
0x7b: {  	_ =	shalt  }
0x7c: {  	_ =	shalt  }
0x7d: {  	_ =	shalt  }
0x7e: {  	_ =	shalt  }
0x7f: {  	_ =	shalt  }
0x80: {  	_ =	shalt  }
0x81: {  	_ =	shalt  }
0x82: {  	_ =	shalt  }
0x83: {  	_ =	shalt  }
0x84: {  	_ =	shalt  }
0x85: {  	_ =	shalt  }
0x86: {  	_ =	shalt  }
0x87: {  	_ =	shalt  }
.Lfunc_end0:
.L_simem_size_0:
called_computation.2_lowered:
.L_overlay_start_0:
0x88: {  	s2 =	sld [smem:$0x3FD9]  }
0x89: {  	s3 =	sld [smem:$0x3FFE];
	_ =	sdelay $0x1  }
0x8a: {  	s1 =	srdreg.scid  }
0x8b: {  	s0 =	sand.u32 $0x1, s1  }
0x8c: {  	s17 =	sshll.u32 s0, $0xA;
	s2 =	sadd.s32 s3, s2  }
0x8d: {  	s2 =	sadd.s32 s2, s17  }
0x8e: {  	[smem:$0x3F9E] =	sst s2  }
0x8f: {  	_ = 	snop  }
0x90: {  	s2 =	sld [smem:$0x3FD0];
	(tm) =	ssettm $0x1  }
0x91: {  	s18 =	sld [smem:$0x3FFB];
	_ =	sdelay $0x3  }
0x92: {  	_ =	strace s18  }
0x93: {  	s3 =	sld [smem:$0x3FFC];
	_ =	sdelay $0x3  }
0x94: {  	_ =	strace s3  }
0x95: {  	s3 =	sld [smem:$0x3FFD];
	_ =	sdelay $0x3  }
0x96: {  	_ =	strace s3  }
0x97: {  	_ =	strace $0x8FFFFFFF  }
0x98: {  	s19 =	sld [smem:$0x3FDB];
	_ =	sdelay $0x1  }
0x99: {  	s4 =	simm.s32 $_scs_section_size  }
0x9a: {  	s5 =	simm.s32 $_size__tile_overlayer_lowered;
	s6 =	simm.s32 $_tile_overlayer_lowered  }
0x9b: {  	s22 =	simm.s32 $0x1BFF;
	s21 =	sshll.u32 s6, $0x1;
	s3 =	sadd.s32 s4, s19  }
0x9c: {  	s7 =	simm.s32 $0x0;
	s20 =	sshll.u32 s5, $0x1;
	s5 =	sadd.s32 s21, s3  }
0x9d: {  	[timem:s7], [sflag:s22] =	dma.local [hbm:s5], s20  }
0x9e: {  	_ =	swait.ge [sflag:s22], s20  }
0x9f: {  	s4 =	ssub.s32 $0x0, s20;
	[sflag:s22] =	ssyncset.done $0x0  }
0xa0: {  	[sflag:s22] =	ssyncadd.s32 s4;
	_ =	sdelay $0x1  }
0xa1: {  	s23 =	simm.s32 $0x1B8B  }
0xa2: {  	_ =	swait.ge [sflag:s23], $0x1  }
0xa3: {  	[sflag:s23] =	ssyncset.done $0x0  }
0xa4: {  	s25 =	simm.s32 $0x1B8E;
	s24 =	sld [smem:$0x3FFE];
	[sflag:s23] =	ssyncadd.s32 $0xFFFFFFFF  }
0xa5: {  	s26 =	simm.s32 $execute0_lowered;
	[smem:$0x3FD2] =	sst s25  }
0xa6: {  	s5 =	sshll.u32 s26, $0x1;
	_ =	strace $0x8000004C;
	[dreg:$0x1] =	wrdreg $0xFFFFFFFF  }
0xa7: {  	s28 =	simm.s32 $_size_execute0_lowered;
	s3 =	sadd.s32 s3, s5;
	[dreg:$0x0] =	wrdreg $0x0  }
0xa8: {  	s5 =	sshll.u32 s28, $0x1;
	[dreg:$0x2] =	wrdreg s3  }
0xa9: {  	[dreg:$0x3] =	wrdreg s5  }
0xaa: {  	[dreg:$0x4] =	wrdreg $0xC0  }
0xab: {  	_ =	task [dreg:s7], $0x5FFFF  }
0xac: {  	[dreg:$0x1] =	wrdreg $0xFFFFFFFF  }
0xad: {  	[dreg:$0x0] =	wrdreg $0x60  }
0xae: {  	[dreg:$0x2] =	wrdreg s2  }
0xaf: {  	[dreg:$0x3] =	wrdreg s24  }
0xb0: {  	[dreg:$0x4] =	wrdreg $0x9  }
0xb1: {  	_ =	task.clear_ibuf [dreg:s7], $0x5FFFF;
	_ =	strace $0x9000004C  }
0xb2: {  	s29 =	simm.s32 $0x9;
	_ =	strace $0x8000004E  }
0xb3: {  	_ =	swait.ge [sflag:s29], $0x1  }
0xb4: {  	[sflag:s29] =	ssyncadd.s32 $0xFFFFFFFF  }
0xb5: {  	_ =	strace $0x9000004E  }
0xb6: {  	_ =	sfence  }
0xb7: {  	s30 =	sld [smem:$0x0];
	_ =	sdelay $0x2  }
0xb8: {  	s31 =	sshll.u32 s1, $0xD;
	s1 =	sshrl.u32 s1, $0x2  }
0xb9: {  	s3 =	sand.u32 $0x4000, s31;
	s1 =	sadd.s32 s1, s30  }
0xba: {  	s0 =	sor.u32 s3, s0;
	s1 =	sshll.u32 s1, $0x11  }
0xbb: {  	s0 =	sor.u32 s1, s0  }
0xbc: {  	s0 =	sadd.s32 $0x8F2B, s0  }
0xbd: {  	[sflag:s0] =	ssyncadd.remote.s32 $0x1  }
0xbe: {  	_ =	sfence.sel $0xFFFF  }
0xbf: {  	[dreg:$0x0] =	wrdreg $0xFFFFFFFF;
	(pc) =	sbr.abs _section_cstart, $3  }
0xc0: {  	[dreg:$0x1] =	wrdreg $0xFFFFFFFF  }
0xc1: {  	_ =	task.clear_ibuf [dreg:s7], $0x2FFFF;
	_ =	strace $0x9FFFFFFF  }
0xc2: {  	(tm) =	ssettm $0x7FFFFFFF  }
0xc3: {  	_ =	shalt  }
tec
execute0_lowered:
.L_overlay_start_1:
0x0: {  	(tag) =	ssettag $0x1  }
0x1: {  	s1 =	srdreg.scid  }
0x2: {  	s0 =	stileid.u32;
	s14 =	sand.u32 $0x1, s1  }
0x3: {  	s2 =	rddreg [dreg:$0x0];
	s31 =	sshll.u32 s0, $0x9;
	s3 =	sshll.u32 s14, $0x8  }
0x4: {  	s10 =	rddreg [dreg:$0x1];
	s11 =	sor.u32 s3, s31  }
0x5: {  	s1 =	rddreg [dreg:$0x2];
	s3 =	simm.s32 $0x0;
	s4 =	sshrl.u32 s11, $0x3  }
0x6: {  	[smem:$0x7FF] =	sst s3;
	s13 =	sadd.s32 s4, s10  }
0x7: {  	_ =	strace $0x8000004D;
	s4 =	simm.s32 $0x2;
	s5 =	sadd.s32 $0x8000, s13  }
0x8: {  	[tilespmem:s3], [sflag:$0x2] =	stream.linear.gather [hbm4b:s5+s3], $0x100, $0x38;
	[tilespmem:$0x8100] =	vst v63  }
0x9: {  	_ =	swait.ge [sflag:s4], $0x100  }
0xa: {  	[sflag:s4] =	ssyncset.done $0x0  }
0xb: {  	s6 =	simm.s32 $0x80;
	s7 =	simm.s32 $0x100;
	[sflag:s4] =	ssyncadd.s32 $0xFFFFFF00  }
0xc: {  	[tilespmem:s7], [sflag:$0x1] =	stream.indirect.gather [hbm4b:s2+s6], $0x80, s3, s6, $0xb8;
	[tilespmem:$0x8100] =	vst v63  }
0xd: {  	s8 =	simm.s32 $0x4100;
	s9 =	simm.s32 $0x1  }
0xe: {  	[tilespmem:s8], [sflag:$0x1] =	stream.indirect.gather [hbm4b:s2+s6], $0x80, s6, s6, $0xb8;
	[tilespmem:$0x8100] =	vst v63  }
0xf: {  	_ =	swait.ge [sflag:s9], $0x4000  }
0x10: {  	[sflag:s9] =	ssyncset.done $0x0  }
0x11: {  	[sflag:s9] =	ssyncadd.s32 $0xFFFFC000  }
0x12: {  	s11 =	sshll.u32 s11, $0x4;
	_ =	swait.ge [sflag:s9], $0x4000  }
0x13: {  	s15 =	sadd.s32 s11, s10;
	[sflag:s9] =	ssyncset.done $0x0  }
0x14: {  	s10 =	sadd.s32 $0x8C00, s15;
	[sflag:s9] =	ssyncadd.s32 $0xFFFFC000  }
0x15: {  	[hbm4b:s10+s3] =	stream.linear.scatter [tilespmem:s7], [sflag:$0x2], $0x8000, $0x38;
	[tilespmem:$0x8100] =	vst v63  }
0x16: {  	_ =	swait.ge [sflag:s4], $0x8000  }
0x17: {  	[sflag:s4] =	ssyncset.done $0x0  }
0x18: {  	s11 =	sadd.s32 $0x8400, s13;
	[sflag:s4] =	ssyncadd.s32 $0xFFFF8000  }
0x19: {  	[tilespmem:s3], [sflag:$0x2] =	stream.linear.gather [hbm4b:s11+s3], $0x100, $0x38;
	[tilespmem:$0x8100] =	vst v63  }
0x1a: {  	_ =	swait.ge [sflag:s4], $0x100  }
0x1b: {  	[sflag:s4] =	ssyncset.done $0x0  }
0x1c: {  	[sflag:s4] =	ssyncadd.s32 $0xFFFFFF00  }
0x1d: {  	[tilespmem:s7], [sflag:$0x1] =	stream.indirect.gather [hbm4b:s2+s6], $0x80, s3, s6, $0xb8;
	[tilespmem:$0x8100] =	vst v63  }
0x1e: {  	_ = 	snop  }
0x1f: {  	[tilespmem:s8], [sflag:$0x1] =	stream.indirect.gather [hbm4b:s2+s6], $0x80, s6, s6, $0xb8;
	[tilespmem:$0x8100] =	vst v63  }
0x20: {  	_ =	swait.ge [sflag:s9], $0x4000  }
0x21: {  	[sflag:s9] =	ssyncset.done $0x0  }
0x22: {  	[sflag:s9] =	ssyncadd.s32 $0xFFFFC000  }
0x23: {  	_ =	swait.ge [sflag:s9], $0x4000  }
0x24: {  	[sflag:s9] =	ssyncset.done $0x0  }
0x25: {  	s12 =	sadd.s32 $0x28C00, s15;
	[sflag:s9] =	ssyncadd.s32 $0xFFFFC000  }
0x26: {  	[hbm4b:s12+s3] =	stream.linear.scatter [tilespmem:s7], [sflag:$0x2], $0x8000, $0x38;
	[tilespmem:$0x8100] =	vst v63  }
0x27: {  	_ =	swait.ge [sflag:s4], $0x8000  }
0x28: {  	[sflag:s4] =	ssyncset.done $0x0  }
0x29: {  	s13 =	sadd.s32 $0x8800, s13;
	[sflag:s4] =	ssyncadd.s32 $0xFFFF8000  }
0x2a: {  	[tilespmem:s3], [sflag:$0x2] =	stream.linear.gather [hbm4b:s13+s3], $0x100, $0x38;
	[tilespmem:$0x8100] =	vst v63  }
0x2b: {  	_ =	swait.ge [sflag:s4], $0x100  }
0x2c: {  	[sflag:s4] =	ssyncset.done $0x0  }
0x2d: {  	[sflag:s4] =	ssyncadd.s32 $0xFFFFFF00  }
0x2e: {  	[tilespmem:s7], [sflag:$0x1] =	stream.indirect.gather [hbm4b:s2+s6], $0x80, s3, s6, $0xb8;
	[tilespmem:$0x8100] =	vst v63  }
0x2f: {  	s14 =	ssub.s32 $0x2, s14  }
0x30: {  	[tilespmem:s8], [sflag:$0x1] =	stream.indirect.gather [hbm4b:s2+s6], $0x80, s6, s6, $0xb8;
	[tilespmem:$0x8100] =	vst v63  }
0x31: {  	s16 =	sshrl.u32 s14, $0x1;
	_ =	swait.ge [sflag:s9], $0x4000  }
0x32: {  	s14 =	ssub.s32 s14, s16;
	[sflag:s9] =	ssyncset.done $0x0  }
0x33: {  	s16 =	smax.u32 s14, $0x1;
	[sflag:s9] =	ssyncadd.s32 $0xFFFFC000  }
0x34: {  	p0 =	sne.s32 s16, $0x1;
	_ =	swait.ge [sflag:s9], $0x4000  }
.Ltmp0:
0x35: {  	[sflag:s9] =	ssyncset.done $0x0;
	(pc) =	sbr.rel @!p0 .LBB2_2-.Ltmp0, $4  }
0x36: {  	s14 =	sadd.s32 $0x48C00, s15;
	[sflag:s9] =	ssyncadd.s32 $0xFFFFC000  }
0x37: {  	[hbm4b:s14+s3] =	stream.linear.scatter [tilespmem:s7], [sflag:$0x2], $0x8000, $0x38;
	[tilespmem:$0x8100] =	vst v63  }
0x38: {  	_ =	swait.ge [sflag:s4], $0x8000  }
0x39: {  	s15 =	sadd.s32 $0xFFFFFFFF, s16;
	[sflag:s4] =	ssyncset.done $0x0  }
.LBB2_1:
0x3a: {  	p0 =	sne.s32 s15, $0x1;
	s15 =	sadd.s32 $0xFFFFFFFF, s15;
	[sflag:s4] =	ssyncadd.s32 $0xFFFF8000  }
0x3b: {  	[tilespmem:s3], [sflag:$0x2] =	stream.linear.gather [hbm4b:s5+s3], $0x100, $0x38;
	[tilespmem:$0x8100] =	vst v63  }
0x3c: {  	_ =	swait.ge [sflag:s4], $0x100  }
0x3d: {  	[sflag:s4] =	ssyncset.done $0x0  }
0x3e: {  	[sflag:s4] =	ssyncadd.s32 $0xFFFFFF00  }
0x3f: {  	[tilespmem:s7], [sflag:$0x1] =	stream.indirect.gather [hbm4b:s2+s6], $0x80, s3, s6, $0xb8;
	[tilespmem:$0x8100] =	vst v63  }
0x40: {  	_ = 	snop  }
0x41: {  	[tilespmem:s8], [sflag:$0x1] =	stream.indirect.gather [hbm4b:s2+s6], $0x80, s6, s6, $0xb8;
	[tilespmem:$0x8100] =	vst v63  }
0x42: {  	_ =	swait.ge [sflag:s9], $0x4000  }
0x43: {  	[sflag:s9] =	ssyncset.done $0x0  }
0x44: {  	[sflag:s9] =	ssyncadd.s32 $0xFFFFC000  }
0x45: {  	_ =	swait.ge [sflag:s9], $0x4000  }
0x46: {  	[sflag:s9] =	ssyncset.done $0x0  }
0x47: {  	[sflag:s9] =	ssyncadd.s32 $0xFFFFC000  }
0x48: {  	[hbm4b:s10+s3] =	stream.linear.scatter [tilespmem:s7], [sflag:$0x2], $0x8000, $0x38;
	[tilespmem:$0x8100] =	vst v63  }
0x49: {  	_ =	swait.ge [sflag:s4], $0x8000  }
0x4a: {  	[sflag:s4] =	ssyncset.done $0x0  }
0x4b: {  	[sflag:s4] =	ssyncadd.s32 $0xFFFF8000  }
0x4c: {  	[tilespmem:s3], [sflag:$0x2] =	stream.linear.gather [hbm4b:s11+s3], $0x100, $0x38;
	[tilespmem:$0x8100] =	vst v63  }
0x4d: {  	_ =	swait.ge [sflag:s4], $0x100  }
0x4e: {  	[sflag:s4] =	ssyncset.done $0x0  }
0x4f: {  	[sflag:s4] =	ssyncadd.s32 $0xFFFFFF00  }
0x50: {  	[tilespmem:s7], [sflag:$0x1] =	stream.indirect.gather [hbm4b:s2+s6], $0x80, s3, s6, $0xb8;
	[tilespmem:$0x8100] =	vst v63  }
0x51: {  	_ = 	snop  }
0x52: {  	[tilespmem:s8], [sflag:$0x1] =	stream.indirect.gather [hbm4b:s2+s6], $0x80, s6, s6, $0xb8;
	[tilespmem:$0x8100] =	vst v63  }
0x53: {  	_ =	swait.ge [sflag:s9], $0x4000  }
0x54: {  	[sflag:s9] =	ssyncset.done $0x0  }
0x55: {  	[sflag:s9] =	ssyncadd.s32 $0xFFFFC000  }
0x56: {  	_ =	swait.ge [sflag:s9], $0x4000  }
0x57: {  	[sflag:s9] =	ssyncset.done $0x0  }
0x58: {  	[sflag:s9] =	ssyncadd.s32 $0xFFFFC000  }
0x59: {  	[hbm4b:s12+s3] =	stream.linear.scatter [tilespmem:s7], [sflag:$0x2], $0x8000, $0x38;
	[tilespmem:$0x8100] =	vst v63  }
0x5a: {  	_ =	swait.ge [sflag:s4], $0x8000  }
0x5b: {  	[sflag:s4] =	ssyncset.done $0x0  }
0x5c: {  	[sflag:s4] =	ssyncadd.s32 $0xFFFF8000  }
0x5d: {  	[tilespmem:s3], [sflag:$0x2] =	stream.linear.gather [hbm4b:s13+s3], $0x100, $0x38;
	[tilespmem:$0x8100] =	vst v63  }
0x5e: {  	_ =	swait.ge [sflag:s4], $0x100  }
0x5f: {  	[sflag:s4] =	ssyncset.done $0x0  }
0x60: {  	[sflag:s4] =	ssyncadd.s32 $0xFFFFFF00  }
0x61: {  	[tilespmem:s7], [sflag:$0x1] =	stream.indirect.gather [hbm4b:s2+s6], $0x80, s3, s6, $0xb8;
	[tilespmem:$0x8100] =	vst v63  }
0x62: {  	_ = 	snop  }
0x63: {  	[tilespmem:s8], [sflag:$0x1] =	stream.indirect.gather [hbm4b:s2+s6], $0x80, s6, s6, $0xb8;
	[tilespmem:$0x8100] =	vst v63  }
0x64: {  	_ =	swait.ge [sflag:s9], $0x4000  }
0x65: {  	[sflag:s9] =	ssyncset.done $0x0  }
0x66: {  	[sflag:s9] =	ssyncadd.s32 $0xFFFFC000  }
0x67: {  	_ =	swait.ge [sflag:s9], $0x4000  }
.Ltmp1:
0x68: {  	[sflag:s9] =	ssyncset.done $0x0;
	(pc) =	sbr.rel @p0 .LBB2_1-.Ltmp1, $4  }
0x69: {  	[sflag:s9] =	ssyncadd.s32 $0xFFFFC000  }
0x6a: {  	[hbm4b:s14+s3] =	stream.linear.scatter [tilespmem:s7], [sflag:$0x2], $0x8000, $0x38;
	[tilespmem:$0x8100] =	vst v63  }
0x6b: {  	_ =	swait.ge [sflag:s4], $0x8000  }
0x6c: {  	[sflag:s4] =	ssyncset.done $0x0  }
.LBB2_2:
0x6d: {  	[sflag:s4] =	ssyncadd.s32 $0xFFFF8000  }
0x6e: {  	_ =	sfence.sel $0x180000  }
0x6f: {  	[bflag:$0x0] =	sbarrier.arrive $0xFFFF  }
0x70: {  	p0 =	sne.s32 s0, $0x0;
	_ =	strace $0x9000004D  }
0x71: {  	s0 =	sadd.s32 @!p0 $0x100000, s1;
	[bflag:$0x2] =	sbarrier.arrive $0xFFFF  }
0x72: {  	[sflag:s0] =	ssyncadd.tile.s32 @!p0 $0x1;
	_ =	shalt  }
.Lfunc_end2:
_tile_overlayer_lowered:
.L_overlay_start_2:
0x73: {  	(tag) =	ssettag $0x2  }
0x74: {  	s0 =	rddreg [dreg:$0x0];
	s2 =	stileid.u32  }
0x75: {  	s1 =	rddreg [dreg:$0x1];
	p0 =	sne.s32 s2, $0x0  }
0x76: {  	s3 =	rddreg [dreg:$0x2];
	[bflag:$0x3] =	sbarrier.arrive $0xFFFF;
	s2 =	simm.s32 @!p0 $0x1C02  }
0x77: {  	[timem:s3], [sflag:s2] =	dma.local @!p0 [hbm:s0], s1  }
0x78: {  	s0 =	simm.s32 @!p0 $0x2  }
0x79: {  	_ =	swait.ge @!p0 [sflag:s0], s1  }
0x7a: {  	s1 =	ssub.s32 @!p0 $0x0, s1;
	[sflag:s0] =	ssyncset.done @!p0 $0x0  }
0x7b: {  	[sflag:s0] =	ssyncadd.s32 @!p0 s1  }
0x7c: {  	[bflag:$0x3] =	sbarrier.arrive $0xFFFF  }
0x7d: {  	_ =	shalt  }

// kernel: kernel.31.cloned.1.call-start
scs
__scs_entry_jumppad:
0x0: {  	(pc) =	sbr.rel $0x88, $3  }
0x1: {  	(tag) =	ssettag $0x0;
	lr =	simm.s32 $0x1  }
0x2: {  	[smem:$0x3F77] =	sst lr;
	_ =	strace $0xD0000000  }
0x3: {  	_ = 	snop  }
0x4: {  	_ = 	snop  }
0x5: {  	_ = 	snop  }
0x6: {  	_ = 	snop  }
0x7: {  	_ = 	snop  }
__scs_overlays_trampoline_lowered:
0x8: {  	[smem:$0x3F86] =	sst s0  }
0x9: {  	[smem:$0x3F87] =	sst s1  }
0xa: {  	[smem:$0x3F88] =	sst s2  }
0xb: {  	[smem:$0x3F89] =	sst s3  }
0xc: {  	[smem:$0x3F8A] =	sst s4  }
0xd: {  	[smem:$0x3F8B] =	sst s5  }
0xe: {  	[smem:$0x3F8C] =	sst s6  }
0xf: {  	[smem:$0x3F8D] =	sst s7  }
0x10: {  	[smem:$0x3F8E] =	sst s8  }
0x11: {  	[smem:$0x3F8F] =	sst s9;
	s0 =	simm.s32 @!p0 $0x0  }
0x12: {  	s1 =	sld [smem:$0x3F75];
	s0 =	simm.s32 @p0 $0x1  }
0x13: {  	[smem:$0x3F90] =	sst s0;
	s0 =	simm.s32 @!p1 $0x0  }
0x14: {  	s2 =	sld [smem:$0x3F74];
	s0 =	simm.s32 @p1 $0x1  }
0x15: {  	[smem:$0x3F91] =	sst s0;
	s0 =	simm.s32 @!p2 $0x0  }
0x16: {  	s3 =	sld [smem:$0x3FDB];
	s0 =	simm.s32 @p2 $0x1  }
0x17: {  	s4 =	simm.s32 $0x1BF5;
	[smem:$0x3F93] =	sst s0  }
0x18: {  	s0 =	sld [smem:$0x3F76];
	_ =	swait.ge [sflag:s4], $0x0  }
0x19: {  	s7 =	sld [smem:$0x3F77]  }
0x1a: {  	s8 =	sadd.s32 $0xFFFFE003, lr  }
0x1b: {  	s9 =	sadd.s32 $0xFFFFFEF7, lr;
	s5 =	simm.s32 $0xFFFFFFFF;
	p2 =	slt.u32 s8, $0xFFFFF086  }
0x1c: {  	p1 =	slt.u32 s9, $0xF7A;
	s5 =	simm.s32 @!p2 $0x0  }
0x1d: {  	s5 =	simm.s32 @p1 $0x1;
	p0 =	seq.s32 s7, s2  }
0x1e: {  	s7 =	smul.u32 @!p0 $0xF7A, s2;
	p2 =	seq.s32 @!p0 s5, $0x0  }
0x1f: {  	s9 =	smul.u32 $0xF7A, s1;
	s8 =	simm.s32 @!p0 $0x1BF5;
	p2 =	por !p2, p0  }
0x20: {  	[sflag:s8] =	ssyncset.s32 @!p0 $0xFFFFF086;
	s6 =	sadd.s32 @!p0 s3, s7;
	s7 =	simm.s32 @!p0 $0x108  }
0x21: {  	s3 =	sadd.s32 s3, s9;
	s6 =	sadd.s32 @!p0 $0x88, s6;
	s7 =	simm.s32 @p2 $0x1082  }
0x22: {  	[simem:s7], [sflag:s8] =	dma.local @!p0 [hbm:s6], $0xF7A  }
0x23: {  	s9 =	sor.u32 $0xD0000000, s2;
	s6 =	simm.s32 $0x108;
	_ =	swait.ge @!p0 [sflag:s8], $0x0  }
0x24: {  	s3 =	sadd.s32 $0x88, s3;
	s6 =	simm.s32 @!p1 $0x1082;
	[sflag:s4] =	ssyncset.s32 $0xFFFFF086  }
0x25: {  	[simem:s6], [sflag:s4] =	dma.local [hbm:s3], $0xF7A  }
0x26: {  	[smem:$0x3F77] =	sst s1;
	(tag) =	ssettag s2;
	_ =	strace s9  }
0x27: {  	s1 =	sld [smem:$0x3F87]  }
0x28: {  	s2 =	sld [smem:$0x3F88]  }
0x29: {  	s4 =	sld [smem:$0x3F8A]  }
0x2a: {  	p0 =	seq.s32 s5, $0x0;
	s5 =	sld [smem:$0x3F8B]  }
0x2b: {  	s6 =	sld [smem:$0x3F8C]  }
0x2c: {  	s7 =	sld [smem:$0x3F8D]  }
0x2d: {  	s3 =	simm.s32 $0x108;
	s8 =	sld [smem:$0x3F8E]  }
0x2e: {  	s3 =	simm.s32 @!p0 $0x1082;
	s9 =	sld [smem:$0x3F8F]  }
0x2f: {  	lr =	sadd.s32 s0, s3;
	s0 =	sld [smem:$0x3F86]  }
0x30: {  	s3 =	sld [smem:$0x3F89]  }
0x31: {  	[smem:$0x3F92] =	sst s10  }
0x32: {  	s10 =	sld [smem:$0x3F90];
	_ =	sdelay $0x3  }
0x33: {  	p0 =	seq.s32 s10, $0x1;
	s10 =	sld [smem:$0x3F92];
	_ =	sdelay $0x3  }
0x34: {  	[smem:$0x3F92] =	sst s10  }
0x35: {  	s10 =	sld [smem:$0x3F91];
	_ =	sdelay $0x3  }
0x36: {  	p1 =	seq.s32 s10, $0x1;
	s10 =	sld [smem:$0x3F92];
	_ =	sdelay $0x3  }
0x37: {  	[smem:$0x3F92] =	sst s10  }
0x38: {  	s10 =	sld [smem:$0x3F93]  }
0x39: {  	_ = 	snop;
	(pc) =	sbr.ind lr, $3  }
0x3a: {  	_ = 	snop  }
0x3b: {  	_ = 	snop  }
0x3c: {  	p2 =	seq.s32 s10, $0x1;
	s10 =	sld [smem:$0x3F92]  }
0x3d: {  	_ =	shalt  }
0x3e: {  	_ =	shalt  }
0x3f: {  	_ =	shalt  }
0x40: {  	_ =	shalt  }
0x41: {  	_ =	shalt  }
0x42: {  	_ =	shalt  }
0x43: {  	_ =	shalt  }
0x44: {  	_ =	shalt  }
0x45: {  	_ =	shalt  }
0x46: {  	_ =	shalt  }
0x47: {  	_ =	shalt  }
0x48: {  	_ =	shalt  }
0x49: {  	_ =	shalt  }
0x4a: {  	_ =	shalt  }
0x4b: {  	_ =	shalt  }
0x4c: {  	_ =	shalt  }
0x4d: {  	_ =	shalt  }
0x4e: {  	_ =	shalt  }
0x4f: {  	_ =	shalt  }
0x50: {  	_ =	shalt  }
0x51: {  	_ =	shalt  }
0x52: {  	_ =	shalt  }
0x53: {  	_ =	shalt  }
0x54: {  	_ =	shalt  }
0x55: {  	_ =	shalt  }
0x56: {  	_ =	shalt  }
0x57: {  	_ =	shalt  }
0x58: {  	_ =	shalt  }
0x59: {  	_ =	shalt  }
0x5a: {  	_ =	shalt  }
0x5b: {  	_ =	shalt  }
0x5c: {  	_ =	shalt  }
0x5d: {  	_ =	shalt  }
0x5e: {  	_ =	shalt  }
0x5f: {  	_ =	shalt  }
0x60: {  	_ =	shalt  }
0x61: {  	_ =	shalt  }
0x62: {  	_ =	shalt  }
0x63: {  	_ =	shalt  }
0x64: {  	_ =	shalt  }
0x65: {  	_ =	shalt  }
0x66: {  	_ =	shalt  }
0x67: {  	_ =	shalt  }
0x68: {  	_ =	shalt  }
0x69: {  	_ =	shalt  }
0x6a: {  	_ =	shalt  }
0x6b: {  	_ =	shalt  }
0x6c: {  	_ =	shalt  }
0x6d: {  	_ =	shalt  }
0x6e: {  	_ =	shalt  }
0x6f: {  	_ =	shalt  }
0x70: {  	_ =	shalt  }
0x71: {  	_ =	shalt  }
0x72: {  	_ =	shalt  }
0x73: {  	_ =	shalt  }
0x74: {  	_ =	shalt  }
0x75: {  	_ =	shalt  }
0x76: {  	_ =	shalt  }
0x77: {  	_ =	shalt  }
0x78: {  	_ =	shalt  }
0x79: {  	_ =	shalt  }
0x7a: {  	_ =	shalt  }
0x7b: {  	_ =	shalt  }
0x7c: {  	_ =	shalt  }
0x7d: {  	_ =	shalt  }
0x7e: {  	_ =	shalt  }
0x7f: {  	_ =	shalt  }
0x80: {  	_ =	shalt  }
0x81: {  	_ =	shalt  }
0x82: {  	_ =	shalt  }
0x83: {  	_ =	shalt  }
0x84: {  	_ =	shalt  }
0x85: {  	_ =	shalt  }
0x86: {  	_ =	shalt  }
0x87: {  	_ =	shalt  }
.Lfunc_end0:
.L_simem_size_0:
called_computation.3_lowered:
.L_overlay_start_0:
0x88: {  	s2 =	sld [smem:$0x3FD9]  }
0x89: {  	s3 =	sld [smem:$0x3FFE];
	_ =	sdelay $0x1  }
0x8a: {  	s1 =	srdreg.scid  }
0x8b: {  	s0 =	sand.u32 $0x1, s1  }
0x8c: {  	s17 =	sshll.u32 s0, $0xA;
	s2 =	sadd.s32 s3, s2  }
0x8d: {  	s2 =	sadd.s32 s2, s17  }
0x8e: {  	[smem:$0x3F9E] =	sst s2  }
0x8f: {  	_ = 	snop  }
0x90: {  	s2 =	sld [smem:$0x3FD0];
	(tm) =	ssettm $0x1  }
0x91: {  	s18 =	sld [smem:$0x3FFB];
	_ =	sdelay $0x3  }
0x92: {  	_ =	strace s18  }
0x93: {  	s3 =	sld [smem:$0x3FFC];
	_ =	sdelay $0x3  }
0x94: {  	_ =	strace s3  }
0x95: {  	s3 =	sld [smem:$0x3FFD];
	_ =	sdelay $0x3  }
0x96: {  	_ =	strace s3  }
0x97: {  	_ =	strace $0x8FFFFFFF  }
0x98: {  	s19 =	sld [smem:$0x3FDB];
	_ =	sdelay $0x1  }
0x99: {  	s4 =	simm.s32 $_scs_section_size  }
0x9a: {  	s5 =	simm.s32 $_size__tile_overlayer_lowered;
	s6 =	simm.s32 $_tile_overlayer_lowered  }
0x9b: {  	s22 =	simm.s32 $0x1BFF;
	s21 =	sshll.u32 s6, $0x1;
	s3 =	sadd.s32 s4, s19  }
0x9c: {  	s7 =	simm.s32 $0x0;
	s20 =	sshll.u32 s5, $0x1;
	s5 =	sadd.s32 s21, s3  }
0x9d: {  	[timem:s7], [sflag:s22] =	dma.local [hbm:s5], s20  }
0x9e: {  	_ =	swait.ge [sflag:s22], s20  }
0x9f: {  	s4 =	ssub.s32 $0x0, s20;
	[sflag:s22] =	ssyncset.done $0x0  }
0xa0: {  	[sflag:s22] =	ssyncadd.s32 s4;
	_ =	sdelay $0x1  }
0xa1: {  	s23 =	simm.s32 $0x1B8B  }
0xa2: {  	_ =	swait.ge [sflag:s23], $0x1  }
0xa3: {  	[sflag:s23] =	ssyncset.done $0x0  }
0xa4: {  	s25 =	simm.s32 $0x1B8E;
	s24 =	sld [smem:$0x3FFE];
	[sflag:s23] =	ssyncadd.s32 $0xFFFFFFFF  }
0xa5: {  	s26 =	simm.s32 $execute0_lowered;
	[smem:$0x3FD2] =	sst s25  }
0xa6: {  	s5 =	sshll.u32 s26, $0x1;
	_ =	strace $0x8000004F;
	[dreg:$0x1] =	wrdreg $0xFFFFFFFF  }
0xa7: {  	s28 =	simm.s32 $_size_execute0_lowered;
	s3 =	sadd.s32 s3, s5;
	[dreg:$0x0] =	wrdreg $0x0  }
0xa8: {  	s5 =	sshll.u32 s28, $0x1;
	[dreg:$0x2] =	wrdreg s3  }
0xa9: {  	[dreg:$0x3] =	wrdreg s5  }
0xaa: {  	[dreg:$0x4] =	wrdreg $0xC0  }
0xab: {  	_ =	task [dreg:s7], $0x5FFFF  }
0xac: {  	[dreg:$0x1] =	wrdreg $0xFFFFFFFF  }
0xad: {  	[dreg:$0x0] =	wrdreg $0x60  }
0xae: {  	[dreg:$0x2] =	wrdreg s2  }
0xaf: {  	[dreg:$0x3] =	wrdreg s24  }
0xb0: {  	[dreg:$0x4] =	wrdreg $0x9  }
0xb1: {  	_ =	task.clear_ibuf [dreg:s7], $0x5FFFF;
	_ =	strace $0x9000004F  }
0xb2: {  	s29 =	simm.s32 $0x9;
	_ =	strace $0x80000051  }
0xb3: {  	_ =	swait.ge [sflag:s29], $0x1  }
0xb4: {  	[sflag:s29] =	ssyncadd.s32 $0xFFFFFFFF  }
0xb5: {  	_ =	strace $0x90000051  }
0xb6: {  	_ =	sfence  }
0xb7: {  	s30 =	sld [smem:$0x0];
	_ =	sdelay $0x2  }
0xb8: {  	s31 =	sshll.u32 s1, $0xD;
	s1 =	sshrl.u32 s1, $0x2  }
0xb9: {  	s3 =	sand.u32 $0x4000, s31;
	s1 =	sadd.s32 s1, s30  }
0xba: {  	s0 =	sor.u32 s3, s0;
	s1 =	sshll.u32 s1, $0x11  }
0xbb: {  	s0 =	sor.u32 s1, s0  }
0xbc: {  	s0 =	sadd.s32 $0x8F2B, s0  }
0xbd: {  	[sflag:s0] =	ssyncadd.remote.s32 $0x1  }
0xbe: {  	_ =	sfence.sel $0xFFFF  }
0xbf: {  	[dreg:$0x0] =	wrdreg $0xFFFFFFFF;
	(pc) =	sbr.abs _section_cstart, $3  }
0xc0: {  	[dreg:$0x1] =	wrdreg $0xFFFFFFFF  }
0xc1: {  	_ =	task.clear_ibuf [dreg:s7], $0x2FFFF;
	_ =	strace $0x9FFFFFFF  }
0xc2: {  	(tm) =	ssettm $0x7FFFFFFF  }
0xc3: {  	_ =	shalt  }
tec
execute0_lowered:
.L_overlay_start_1:
0x0: {  	(tag) =	ssettag $0x1  }
0x1: {  	s1 =	srdreg.scid  }
0x2: {  	s0 =	stileid.u32;
	s26 =	sand.u32 $0x1, s1  }
0x3: {  	s2 =	rddreg [dreg:$0x0];
	s31 =	sshll.u32 s0, $0xB;
	s3 =	sshll.u32 s26, $0xA  }
0x4: {  	s22 =	rddreg [dreg:$0x1];
	s23 =	sor.u32 s3, s31  }
0x5: {  	s1 =	rddreg [dreg:$0x2];
	s3 =	simm.s32 $0x0;
	s4 =	sshrl.u32 s23, $0x3  }
0x6: {  	[smem:$0x7FF] =	sst s3;
	s25 =	sadd.s32 s4, s22  }
0x7: {  	_ =	strace $0x80000050;
	s4 =	simm.s32 $0x2;
	s5 =	sadd.s32 $0x68C00, s25  }
0x8: {  	[tilespmem:s3], [sflag:$0x2] =	stream.linear.gather [hbm4b:s5+s3], $0x400, $0x38;
	[tilespmem:$0x10400] =	vst v63  }
0x9: {  	_ =	swait.ge [sflag:s4], $0x400  }
0xa: {  	[sflag:s4] =	ssyncset.done $0x0  }
0xb: {  	s6 =	simm.s32 $0x80;
	s7 =	simm.s32 $0x400;
	[sflag:s4] =	ssyncadd.s32 $0xFFFFFC00  }
0xc: {  	[tilespmem:s7], [sflag:$0x1] =	stream.indirect.gather [hbm4b:s2+s6], $0x40, s3, s6, $0xb8;
	[tilespmem:$0x10400] =	vst v63  }
0xd: {  	s8 =	simm.s32 $0x2400  }
0xe: {  	[tilespmem:s8], [sflag:$0x1] =	stream.indirect.gather [hbm4b:s2+s6], $0x40, s6, s6, $0xb8;
	[tilespmem:$0x10400] =	vst v63  }
0xf: {  	s9 =	simm.s32 $0x100;
	s10 =	simm.s32 $0x4400  }
0x10: {  	[tilespmem:s10], [sflag:$0x1] =	stream.indirect.gather [hbm4b:s2+s6], $0x40, s9, s6, $0xb8;
	[tilespmem:$0x10400] =	vst v63  }
0x11: {  	s11 =	simm.s32 $0x180;
	s12 =	simm.s32 $0x6400  }
0x12: {  	[tilespmem:s12], [sflag:$0x1] =	stream.indirect.gather [hbm4b:s2+s6], $0x40, s11, s6, $0xb8;
	[tilespmem:$0x10400] =	vst v63  }
0x13: {  	s13 =	simm.s32 $0x200;
	s14 =	simm.s32 $0x8400  }
0x14: {  	[tilespmem:s14], [sflag:$0x1] =	stream.indirect.gather [hbm4b:s2+s6], $0x40, s13, s6, $0xb8;
	[tilespmem:$0x10400] =	vst v63  }
0x15: {  	s15 =	simm.s32 $0x280;
	s16 =	simm.s32 $0xA400  }
0x16: {  	[tilespmem:s16], [sflag:$0x1] =	stream.indirect.gather [hbm4b:s2+s6], $0x40, s15, s6, $0xb8;
	[tilespmem:$0x10400] =	vst v63  }
0x17: {  	s17 =	simm.s32 $0x300;
	s18 =	simm.s32 $0xC400  }
0x18: {  	[tilespmem:s18], [sflag:$0x1] =	stream.indirect.gather [hbm4b:s2+s6], $0x40, s17, s6, $0xb8;
	[tilespmem:$0x10400] =	vst v63  }
0x19: {  	s19 =	simm.s32 $0x380;
	s20 =	simm.s32 $0xE400;
	s21 =	simm.s32 $0x1  }
0x1a: {  	[tilespmem:s20], [sflag:$0x1] =	stream.indirect.gather [hbm4b:s2+s6], $0x40, s19, s6, $0xb8;
	[tilespmem:$0x10400] =	vst v63  }
0x1b: {  	_ =	swait.ge [sflag:s21], $0x2000  }
0x1c: {  	[sflag:s21] =	ssyncset.done $0x0  }
0x1d: {  	[sflag:s21] =	ssyncadd.s32 $0xFFFFE000  }
0x1e: {  	_ =	swait.ge [sflag:s21], $0x2000  }
0x1f: {  	[sflag:s21] =	ssyncset.done $0x0  }
0x20: {  	[sflag:s21] =	ssyncadd.s32 $0xFFFFE000  }
0x21: {  	_ =	swait.ge [sflag:s21], $0x2000  }
0x22: {  	[sflag:s21] =	ssyncset.done $0x0  }
0x23: {  	[sflag:s21] =	ssyncadd.s32 $0xFFFFE000  }
0x24: {  	_ =	swait.ge [sflag:s21], $0x2000  }
0x25: {  	[sflag:s21] =	ssyncset.done $0x0  }
0x26: {  	[sflag:s21] =	ssyncadd.s32 $0xFFFFE000  }
0x27: {  	_ =	swait.ge [sflag:s21], $0x2000  }
0x28: {  	[sflag:s21] =	ssyncset.done $0x0  }
0x29: {  	[sflag:s21] =	ssyncadd.s32 $0xFFFFE000  }
0x2a: {  	_ =	swait.ge [sflag:s21], $0x2000  }
0x2b: {  	[sflag:s21] =	ssyncset.done $0x0  }
0x2c: {  	[sflag:s21] =	ssyncadd.s32 $0xFFFFE000  }
0x2d: {  	_ =	swait.ge [sflag:s21], $0x2000  }
0x2e: {  	[sflag:s21] =	ssyncset.done $0x0  }
0x2f: {  	[sflag:s21] =	ssyncadd.s32 $0xFFFFE000  }
0x30: {  	s23 =	sshll.u32 s23, $0x3;
	_ =	swait.ge [sflag:s21], $0x2000  }
0x31: {  	s28 =	sadd.s32 s23, s22;
	[sflag:s21] =	ssyncset.done $0x0  }
0x32: {  	s22 =	sadd.s32 $0x168C00, s28;
	[sflag:s21] =	ssyncadd.s32 $0xFFFFE000  }
0x33: {  	[hbm4b:s22+s3] =	stream.linear.scatter [tilespmem:s7], [sflag:$0x2], $0x10000, $0x38;
	[tilespmem:$0x10400] =	vst v63  }
0x34: {  	_ =	swait.ge [sflag:s4], $0x10000  }
0x35: {  	[sflag:s4] =	ssyncset.done $0x0  }
0x36: {  	s23 =	sadd.s32 $0x69C00, s25;
	[sflag:s4] =	ssyncadd.s32 $0xFFFF0000  }
0x37: {  	[tilespmem:s3], [sflag:$0x2] =	stream.linear.gather [hbm4b:s23+s3], $0x400, $0x38;
	[tilespmem:$0x10400] =	vst v63  }
0x38: {  	_ =	swait.ge [sflag:s4], $0x400  }
0x39: {  	[sflag:s4] =	ssyncset.done $0x0  }
0x3a: {  	[sflag:s4] =	ssyncadd.s32 $0xFFFFFC00  }
0x3b: {  	[tilespmem:s7], [sflag:$0x1] =	stream.indirect.gather [hbm4b:s2+s6], $0x40, s3, s6, $0xb8;
	[tilespmem:$0x10400] =	vst v63  }
0x3c: {  	_ = 	snop  }
0x3d: {  	[tilespmem:s8], [sflag:$0x1] =	stream.indirect.gather [hbm4b:s2+s6], $0x40, s6, s6, $0xb8;
	[tilespmem:$0x10400] =	vst v63  }
0x3e: {  	_ = 	snop  }
0x3f: {  	[tilespmem:s10], [sflag:$0x1] =	stream.indirect.gather [hbm4b:s2+s6], $0x40, s9, s6, $0xb8;
	[tilespmem:$0x10400] =	vst v63  }
0x40: {  	_ = 	snop  }
0x41: {  	[tilespmem:s12], [sflag:$0x1] =	stream.indirect.gather [hbm4b:s2+s6], $0x40, s11, s6, $0xb8;
	[tilespmem:$0x10400] =	vst v63  }
0x42: {  	_ = 	snop  }
0x43: {  	[tilespmem:s14], [sflag:$0x1] =	stream.indirect.gather [hbm4b:s2+s6], $0x40, s13, s6, $0xb8;
	[tilespmem:$0x10400] =	vst v63  }
0x44: {  	_ = 	snop  }
0x45: {  	[tilespmem:s16], [sflag:$0x1] =	stream.indirect.gather [hbm4b:s2+s6], $0x40, s15, s6, $0xb8;
	[tilespmem:$0x10400] =	vst v63  }
0x46: {  	_ = 	snop  }
0x47: {  	[tilespmem:s18], [sflag:$0x1] =	stream.indirect.gather [hbm4b:s2+s6], $0x40, s17, s6, $0xb8;
	[tilespmem:$0x10400] =	vst v63  }
0x48: {  	_ = 	snop  }
0x49: {  	[tilespmem:s20], [sflag:$0x1] =	stream.indirect.gather [hbm4b:s2+s6], $0x40, s19, s6, $0xb8;
	[tilespmem:$0x10400] =	vst v63  }
0x4a: {  	_ =	swait.ge [sflag:s21], $0x2000  }
0x4b: {  	[sflag:s21] =	ssyncset.done $0x0  }
0x4c: {  	[sflag:s21] =	ssyncadd.s32 $0xFFFFE000  }
0x4d: {  	_ =	swait.ge [sflag:s21], $0x2000  }
0x4e: {  	[sflag:s21] =	ssyncset.done $0x0  }
0x4f: {  	[sflag:s21] =	ssyncadd.s32 $0xFFFFE000  }
0x50: {  	_ =	swait.ge [sflag:s21], $0x2000  }
0x51: {  	[sflag:s21] =	ssyncset.done $0x0  }
0x52: {  	[sflag:s21] =	ssyncadd.s32 $0xFFFFE000  }
0x53: {  	_ =	swait.ge [sflag:s21], $0x2000  }
0x54: {  	[sflag:s21] =	ssyncset.done $0x0  }
0x55: {  	[sflag:s21] =	ssyncadd.s32 $0xFFFFE000  }
0x56: {  	_ =	swait.ge [sflag:s21], $0x2000  }
0x57: {  	[sflag:s21] =	ssyncset.done $0x0  }
0x58: {  	[sflag:s21] =	ssyncadd.s32 $0xFFFFE000  }
0x59: {  	_ =	swait.ge [sflag:s21], $0x2000  }
0x5a: {  	[sflag:s21] =	ssyncset.done $0x0  }
0x5b: {  	[sflag:s21] =	ssyncadd.s32 $0xFFFFE000  }
0x5c: {  	_ =	swait.ge [sflag:s21], $0x2000  }
0x5d: {  	[sflag:s21] =	ssyncset.done $0x0  }
0x5e: {  	[sflag:s21] =	ssyncadd.s32 $0xFFFFE000  }
0x5f: {  	_ =	swait.ge [sflag:s21], $0x2000  }
0x60: {  	[sflag:s21] =	ssyncset.done $0x0  }
0x61: {  	s24 =	sadd.s32 $0x1A8C00, s28;
	[sflag:s21] =	ssyncadd.s32 $0xFFFFE000  }
0x62: {  	[hbm4b:s24+s3] =	stream.linear.scatter [tilespmem:s7], [sflag:$0x2], $0x10000, $0x38;
	[tilespmem:$0x10400] =	vst v63  }
0x63: {  	_ =	swait.ge [sflag:s4], $0x10000  }
0x64: {  	[sflag:s4] =	ssyncset.done $0x0  }
0x65: {  	s25 =	sadd.s32 $0x6AC00, s25;
	[sflag:s4] =	ssyncadd.s32 $0xFFFF0000  }
0x66: {  	[tilespmem:s3], [sflag:$0x2] =	stream.linear.gather [hbm4b:s25+s3], $0x400, $0x38;
	[tilespmem:$0x10400] =	vst v63  }
0x67: {  	_ =	swait.ge [sflag:s4], $0x400  }
0x68: {  	[sflag:s4] =	ssyncset.done $0x0  }
0x69: {  	[sflag:s4] =	ssyncadd.s32 $0xFFFFFC00  }
0x6a: {  	[tilespmem:s7], [sflag:$0x1] =	stream.indirect.gather [hbm4b:s2+s6], $0x40, s3, s6, $0xb8;
	[tilespmem:$0x10400] =	vst v63  }
0x6b: {  	_ = 	snop  }
0x6c: {  	[tilespmem:s8], [sflag:$0x1] =	stream.indirect.gather [hbm4b:s2+s6], $0x40, s6, s6, $0xb8;
	[tilespmem:$0x10400] =	vst v63  }
0x6d: {  	_ = 	snop  }
0x6e: {  	[tilespmem:s10], [sflag:$0x1] =	stream.indirect.gather [hbm4b:s2+s6], $0x40, s9, s6, $0xb8;
	[tilespmem:$0x10400] =	vst v63  }
0x6f: {  	_ = 	snop  }
0x70: {  	[tilespmem:s12], [sflag:$0x1] =	stream.indirect.gather [hbm4b:s2+s6], $0x40, s11, s6, $0xb8;
	[tilespmem:$0x10400] =	vst v63  }
0x71: {  	_ = 	snop  }
0x72: {  	[tilespmem:s14], [sflag:$0x1] =	stream.indirect.gather [hbm4b:s2+s6], $0x40, s13, s6, $0xb8;
	[tilespmem:$0x10400] =	vst v63  }
0x73: {  	_ = 	snop  }
0x74: {  	[tilespmem:s16], [sflag:$0x1] =	stream.indirect.gather [hbm4b:s2+s6], $0x40, s15, s6, $0xb8;
	[tilespmem:$0x10400] =	vst v63  }
0x75: {  	_ = 	snop  }
0x76: {  	[tilespmem:s18], [sflag:$0x1] =	stream.indirect.gather [hbm4b:s2+s6], $0x40, s17, s6, $0xb8;
	[tilespmem:$0x10400] =	vst v63  }
0x77: {  	_ = 	snop  }
0x78: {  	[tilespmem:s20], [sflag:$0x1] =	stream.indirect.gather [hbm4b:s2+s6], $0x40, s19, s6, $0xb8;
	[tilespmem:$0x10400] =	vst v63  }
0x79: {  	_ =	swait.ge [sflag:s21], $0x2000  }
0x7a: {  	[sflag:s21] =	ssyncset.done $0x0  }
0x7b: {  	[sflag:s21] =	ssyncadd.s32 $0xFFFFE000  }
0x7c: {  	_ =	swait.ge [sflag:s21], $0x2000  }
0x7d: {  	[sflag:s21] =	ssyncset.done $0x0  }
0x7e: {  	[sflag:s21] =	ssyncadd.s32 $0xFFFFE000  }
0x7f: {  	_ =	swait.ge [sflag:s21], $0x2000  }
0x80: {  	[sflag:s21] =	ssyncset.done $0x0  }
0x81: {  	[sflag:s21] =	ssyncadd.s32 $0xFFFFE000  }
0x82: {  	_ =	swait.ge [sflag:s21], $0x2000  }
0x83: {  	[sflag:s21] =	ssyncset.done $0x0  }
0x84: {  	[sflag:s21] =	ssyncadd.s32 $0xFFFFE000  }
0x85: {  	_ =	swait.ge [sflag:s21], $0x2000  }
0x86: {  	[sflag:s21] =	ssyncset.done $0x0  }
0x87: {  	[sflag:s21] =	ssyncadd.s32 $0xFFFFE000  }
0x88: {  	_ =	swait.ge [sflag:s21], $0x2000  }
0x89: {  	[sflag:s21] =	ssyncset.done $0x0  }
0x8a: {  	s26 =	ssub.s32 $0x2, s26;
	[sflag:s21] =	ssyncadd.s32 $0xFFFFE000  }
0x8b: {  	s29 =	sshrl.u32 s26, $0x1;
	_ =	swait.ge [sflag:s21], $0x2000  }
0x8c: {  	s26 =	ssub.s32 s26, s29;
	[sflag:s21] =	ssyncset.done $0x0  }
0x8d: {  	s29 =	smax.u32 s26, $0x1;
	[sflag:s21] =	ssyncadd.s32 $0xFFFFE000  }
0x8e: {  	p0 =	sne.s32 s29, $0x1;
	_ =	swait.ge [sflag:s21], $0x2000  }
.Ltmp0:
0x8f: {  	[sflag:s21] =	ssyncset.done $0x0;
	(pc) =	sbr.rel @!p0 .LBB2_2-.Ltmp0, $4  }
0x90: {  	s26 =	sadd.s32 $0x1E8C00, s28;
	[sflag:s21] =	ssyncadd.s32 $0xFFFFE000  }
0x91: {  	[hbm4b:s26+s3] =	stream.linear.scatter [tilespmem:s7], [sflag:$0x2], $0x10000, $0x38;
	[tilespmem:$0x10400] =	vst v63  }
0x92: {  	_ =	swait.ge [sflag:s4], $0x10000  }
0x93: {  	s28 =	sadd.s32 $0xFFFFFFFF, s29;
	[sflag:s4] =	ssyncset.done $0x0  }
.LBB2_1:
0x94: {  	p0 =	sne.s32 s28, $0x1;
	s28 =	sadd.s32 $0xFFFFFFFF, s28;
	[sflag:s4] =	ssyncadd.s32 $0xFFFF0000  }
0x95: {  	[tilespmem:s3], [sflag:$0x2] =	stream.linear.gather [hbm4b:s5+s3], $0x400, $0x38;
	[tilespmem:$0x10400] =	vst v63  }
0x96: {  	_ =	swait.ge [sflag:s4], $0x400  }
0x97: {  	[sflag:s4] =	ssyncset.done $0x0  }
0x98: {  	[sflag:s4] =	ssyncadd.s32 $0xFFFFFC00  }
0x99: {  	[tilespmem:s7], [sflag:$0x1] =	stream.indirect.gather [hbm4b:s2+s6], $0x40, s3, s6, $0xb8;
	[tilespmem:$0x10400] =	vst v63  }
0x9a: {  	_ = 	snop  }
0x9b: {  	[tilespmem:s8], [sflag:$0x1] =	stream.indirect.gather [hbm4b:s2+s6], $0x40, s6, s6, $0xb8;
	[tilespmem:$0x10400] =	vst v63  }
0x9c: {  	_ = 	snop  }
0x9d: {  	[tilespmem:s10], [sflag:$0x1] =	stream.indirect.gather [hbm4b:s2+s6], $0x40, s9, s6, $0xb8;
	[tilespmem:$0x10400] =	vst v63  }
0x9e: {  	_ = 	snop  }
0x9f: {  	[tilespmem:s12], [sflag:$0x1] =	stream.indirect.gather [hbm4b:s2+s6], $0x40, s11, s6, $0xb8;
	[tilespmem:$0x10400] =	vst v63  }
0xa0: {  	_ = 	snop  }
0xa1: {  	[tilespmem:s14], [sflag:$0x1] =	stream.indirect.gather [hbm4b:s2+s6], $0x40, s13, s6, $0xb8;
	[tilespmem:$0x10400] =	vst v63  }
0xa2: {  	_ = 	snop  }
0xa3: {  	[tilespmem:s16], [sflag:$0x1] =	stream.indirect.gather [hbm4b:s2+s6], $0x40, s15, s6, $0xb8;
	[tilespmem:$0x10400] =	vst v63  }
0xa4: {  	_ = 	snop  }
0xa5: {  	[tilespmem:s18], [sflag:$0x1] =	stream.indirect.gather [hbm4b:s2+s6], $0x40, s17, s6, $0xb8;
	[tilespmem:$0x10400] =	vst v63  }
0xa6: {  	_ = 	snop  }
0xa7: {  	[tilespmem:s20], [sflag:$0x1] =	stream.indirect.gather [hbm4b:s2+s6], $0x40, s19, s6, $0xb8;
	[tilespmem:$0x10400] =	vst v63  }
0xa8: {  	_ =	swait.ge [sflag:s21], $0x2000  }
0xa9: {  	[sflag:s21] =	ssyncset.done $0x0  }
0xaa: {  	[sflag:s21] =	ssyncadd.s32 $0xFFFFE000  }
0xab: {  	_ =	swait.ge [sflag:s21], $0x2000  }
0xac: {  	[sflag:s21] =	ssyncset.done $0x0  }
0xad: {  	[sflag:s21] =	ssyncadd.s32 $0xFFFFE000  }
0xae: {  	_ =	swait.ge [sflag:s21], $0x2000  }
0xaf: {  	[sflag:s21] =	ssyncset.done $0x0  }
0xb0: {  	[sflag:s21] =	ssyncadd.s32 $0xFFFFE000  }
0xb1: {  	_ =	swait.ge [sflag:s21], $0x2000  }
0xb2: {  	[sflag:s21] =	ssyncset.done $0x0  }
0xb3: {  	[sflag:s21] =	ssyncadd.s32 $0xFFFFE000  }
0xb4: {  	_ =	swait.ge [sflag:s21], $0x2000  }
0xb5: {  	[sflag:s21] =	ssyncset.done $0x0  }
0xb6: {  	[sflag:s21] =	ssyncadd.s32 $0xFFFFE000  }
0xb7: {  	_ =	swait.ge [sflag:s21], $0x2000  }
0xb8: {  	[sflag:s21] =	ssyncset.done $0x0  }
0xb9: {  	[sflag:s21] =	ssyncadd.s32 $0xFFFFE000  }
0xba: {  	_ =	swait.ge [sflag:s21], $0x2000  }
0xbb: {  	[sflag:s21] =	ssyncset.done $0x0  }
0xbc: {  	[sflag:s21] =	ssyncadd.s32 $0xFFFFE000  }
0xbd: {  	_ =	swait.ge [sflag:s21], $0x2000  }
0xbe: {  	[sflag:s21] =	ssyncset.done $0x0  }
0xbf: {  	[sflag:s21] =	ssyncadd.s32 $0xFFFFE000  }
0xc0: {  	[hbm4b:s22+s3] =	stream.linear.scatter [tilespmem:s7], [sflag:$0x2], $0x10000, $0x38;
	[tilespmem:$0x10400] =	vst v63  }
0xc1: {  	_ =	swait.ge [sflag:s4], $0x10000  }
0xc2: {  	[sflag:s4] =	ssyncset.done $0x0  }
0xc3: {  	[sflag:s4] =	ssyncadd.s32 $0xFFFF0000  }
0xc4: {  	[tilespmem:s3], [sflag:$0x2] =	stream.linear.gather [hbm4b:s23+s3], $0x400, $0x38;
	[tilespmem:$0x10400] =	vst v63  }
0xc5: {  	_ =	swait.ge [sflag:s4], $0x400  }
0xc6: {  	[sflag:s4] =	ssyncset.done $0x0  }
0xc7: {  	[sflag:s4] =	ssyncadd.s32 $0xFFFFFC00  }
0xc8: {  	[tilespmem:s7], [sflag:$0x1] =	stream.indirect.gather [hbm4b:s2+s6], $0x40, s3, s6, $0xb8;
	[tilespmem:$0x10400] =	vst v63  }
0xc9: {  	_ = 	snop  }
0xca: {  	[tilespmem:s8], [sflag:$0x1] =	stream.indirect.gather [hbm4b:s2+s6], $0x40, s6, s6, $0xb8;
	[tilespmem:$0x10400] =	vst v63  }
0xcb: {  	_ = 	snop  }
0xcc: {  	[tilespmem:s10], [sflag:$0x1] =	stream.indirect.gather [hbm4b:s2+s6], $0x40, s9, s6, $0xb8;
	[tilespmem:$0x10400] =	vst v63  }
0xcd: {  	_ = 	snop  }
0xce: {  	[tilespmem:s12], [sflag:$0x1] =	stream.indirect.gather [hbm4b:s2+s6], $0x40, s11, s6, $0xb8;
	[tilespmem:$0x10400] =	vst v63  }
0xcf: {  	_ = 	snop  }
0xd0: {  	[tilespmem:s14], [sflag:$0x1] =	stream.indirect.gather [hbm4b:s2+s6], $0x40, s13, s6, $0xb8;
	[tilespmem:$0x10400] =	vst v63  }
0xd1: {  	_ = 	snop  }
0xd2: {  	[tilespmem:s16], [sflag:$0x1] =	stream.indirect.gather [hbm4b:s2+s6], $0x40, s15, s6, $0xb8;
	[tilespmem:$0x10400] =	vst v63  }
0xd3: {  	_ = 	snop  }
0xd4: {  	[tilespmem:s18], [sflag:$0x1] =	stream.indirect.gather [hbm4b:s2+s6], $0x40, s17, s6, $0xb8;
	[tilespmem:$0x10400] =	vst v63  }
0xd5: {  	_ = 	snop  }
0xd6: {  	[tilespmem:s20], [sflag:$0x1] =	stream.indirect.gather [hbm4b:s2+s6], $0x40, s19, s6, $0xb8;
	[tilespmem:$0x10400] =	vst v63  }
0xd7: {  	_ =	swait.ge [sflag:s21], $0x2000  }
0xd8: {  	[sflag:s21] =	ssyncset.done $0x0  }
0xd9: {  	[sflag:s21] =	ssyncadd.s32 $0xFFFFE000  }
0xda: {  	_ =	swait.ge [sflag:s21], $0x2000  }
0xdb: {  	[sflag:s21] =	ssyncset.done $0x0  }
0xdc: {  	[sflag:s21] =	ssyncadd.s32 $0xFFFFE000  }
0xdd: {  	_ =	swait.ge [sflag:s21], $0x2000  }
0xde: {  	[sflag:s21] =	ssyncset.done $0x0  }
0xdf: {  	[sflag:s21] =	ssyncadd.s32 $0xFFFFE000  }
0xe0: {  	_ =	swait.ge [sflag:s21], $0x2000  }
0xe1: {  	[sflag:s21] =	ssyncset.done $0x0  }
0xe2: {  	[sflag:s21] =	ssyncadd.s32 $0xFFFFE000  }
0xe3: {  	_ =	swait.ge [sflag:s21], $0x2000  }
0xe4: {  	[sflag:s21] =	ssyncset.done $0x0  }
0xe5: {  	[sflag:s21] =	ssyncadd.s32 $0xFFFFE000  }
0xe6: {  	_ =	swait.ge [sflag:s21], $0x2000  }
0xe7: {  	[sflag:s21] =	ssyncset.done $0x0  }
0xe8: {  	[sflag:s21] =	ssyncadd.s32 $0xFFFFE000  }
0xe9: {  	_ =	swait.ge [sflag:s21], $0x2000  }
0xea: {  	[sflag:s21] =	ssyncset.done $0x0  }
0xeb: {  	[sflag:s21] =	ssyncadd.s32 $0xFFFFE000  }
0xec: {  	_ =	swait.ge [sflag:s21], $0x2000  }
0xed: {  	[sflag:s21] =	ssyncset.done $0x0  }
0xee: {  	[sflag:s21] =	ssyncadd.s32 $0xFFFFE000  }
0xef: {  	[hbm4b:s24+s3] =	stream.linear.scatter [tilespmem:s7], [sflag:$0x2], $0x10000, $0x38;
	[tilespmem:$0x10400] =	vst v63  }
0xf0: {  	_ =	swait.ge [sflag:s4], $0x10000  }
0xf1: {  	[sflag:s4] =	ssyncset.done $0x0  }
0xf2: {  	[sflag:s4] =	ssyncadd.s32 $0xFFFF0000  }
0xf3: {  	[tilespmem:s3], [sflag:$0x2] =	stream.linear.gather [hbm4b:s25+s3], $0x400, $0x38;
	[tilespmem:$0x10400] =	vst v63  }
0xf4: {  	_ =	swait.ge [sflag:s4], $0x400  }
0xf5: {  	[sflag:s4] =	ssyncset.done $0x0  }
0xf6: {  	[sflag:s4] =	ssyncadd.s32 $0xFFFFFC00  }
0xf7: {  	[tilespmem:s7], [sflag:$0x1] =	stream.indirect.gather [hbm4b:s2+s6], $0x40, s3, s6, $0xb8;
	[tilespmem:$0x10400] =	vst v63  }
0xf8: {  	_ = 	snop  }
0xf9: {  	[tilespmem:s8], [sflag:$0x1] =	stream.indirect.gather [hbm4b:s2+s6], $0x40, s6, s6, $0xb8;
	[tilespmem:$0x10400] =	vst v63  }
0xfa: {  	_ = 	snop  }
0xfb: {  	[tilespmem:s10], [sflag:$0x1] =	stream.indirect.gather [hbm4b:s2+s6], $0x40, s9, s6, $0xb8;
	[tilespmem:$0x10400] =	vst v63  }
0xfc: {  	_ = 	snop  }
0xfd: {  	[tilespmem:s12], [sflag:$0x1] =	stream.indirect.gather [hbm4b:s2+s6], $0x40, s11, s6, $0xb8;
	[tilespmem:$0x10400] =	vst v63  }
0xfe: {  	_ = 	snop  }
0xff: {  	[tilespmem:s14], [sflag:$0x1] =	stream.indirect.gather [hbm4b:s2+s6], $0x40, s13, s6, $0xb8;
	[tilespmem:$0x10400] =	vst v63  }
0x100: {  	_ = 	snop  }
0x101: {  	[tilespmem:s16], [sflag:$0x1] =	stream.indirect.gather [hbm4b:s2+s6], $0x40, s15, s6, $0xb8;
	[tilespmem:$0x10400] =	vst v63  }
0x102: {  	_ = 	snop  }
0x103: {  	[tilespmem:s18], [sflag:$0x1] =	stream.indirect.gather [hbm4b:s2+s6], $0x40, s17, s6, $0xb8;
	[tilespmem:$0x10400] =	vst v63  }
0x104: {  	_ = 	snop  }
0x105: {  	[tilespmem:s20], [sflag:$0x1] =	stream.indirect.gather [hbm4b:s2+s6], $0x40, s19, s6, $0xb8;
	[tilespmem:$0x10400] =	vst v63  }
0x106: {  	_ =	swait.ge [sflag:s21], $0x2000  }
0x107: {  	[sflag:s21] =	ssyncset.done $0x0  }
0x108: {  	[sflag:s21] =	ssyncadd.s32 $0xFFFFE000  }
0x109: {  	_ =	swait.ge [sflag:s21], $0x2000  }
0x10a: {  	[sflag:s21] =	ssyncset.done $0x0  }
0x10b: {  	[sflag:s21] =	ssyncadd.s32 $0xFFFFE000  }
0x10c: {  	_ =	swait.ge [sflag:s21], $0x2000  }
0x10d: {  	[sflag:s21] =	ssyncset.done $0x0  }
0x10e: {  	[sflag:s21] =	ssyncadd.s32 $0xFFFFE000  }
0x10f: {  	_ =	swait.ge [sflag:s21], $0x2000  }
0x110: {  	[sflag:s21] =	ssyncset.done $0x0  }
0x111: {  	[sflag:s21] =	ssyncadd.s32 $0xFFFFE000  }
0x112: {  	_ =	swait.ge [sflag:s21], $0x2000  }
0x113: {  	[sflag:s21] =	ssyncset.done $0x0  }
0x114: {  	[sflag:s21] =	ssyncadd.s32 $0xFFFFE000  }
0x115: {  	_ =	swait.ge [sflag:s21], $0x2000  }
0x116: {  	[sflag:s21] =	ssyncset.done $0x0  }
0x117: {  	[sflag:s21] =	ssyncadd.s32 $0xFFFFE000  }
0x118: {  	_ =	swait.ge [sflag:s21], $0x2000  }
0x119: {  	[sflag:s21] =	ssyncset.done $0x0  }
0x11a: {  	[sflag:s21] =	ssyncadd.s32 $0xFFFFE000  }
0x11b: {  	_ =	swait.ge [sflag:s21], $0x2000  }
.Ltmp1:
0x11c: {  	[sflag:s21] =	ssyncset.done $0x0;
	(pc) =	sbr.rel @p0 .LBB2_1-.Ltmp1, $4  }
0x11d: {  	[sflag:s21] =	ssyncadd.s32 $0xFFFFE000  }
0x11e: {  	[hbm4b:s26+s3] =	stream.linear.scatter [tilespmem:s7], [sflag:$0x2], $0x10000, $0x38;
	[tilespmem:$0x10400] =	vst v63  }
0x11f: {  	_ =	swait.ge [sflag:s4], $0x10000  }
0x120: {  	[sflag:s4] =	ssyncset.done $0x0  }
.LBB2_2:
0x121: {  	[sflag:s4] =	ssyncadd.s32 $0xFFFF0000  }
0x122: {  	_ =	sfence.sel $0x180000  }
0x123: {  	[bflag:$0x0] =	sbarrier.arrive $0xFFFF  }
0x124: {  	p0 =	sne.s32 s0, $0x0;
	_ =	strace $0x90000050  }
0x125: {  	s0 =	sadd.s32 @!p0 $0x100000, s1;
	[bflag:$0x2] =	sbarrier.arrive $0xFFFF  }
0x126: {  	[sflag:s0] =	ssyncadd.tile.s32 @!p0 $0x1;
	_ =	shalt  }
.Lfunc_end2:
_tile_overlayer_lowered:
.L_overlay_start_2:
0x127: {  	(tag) =	ssettag $0x2  }
0x128: {  	s0 =	rddreg [dreg:$0x0];
	s2 =	stileid.u32  }
0x129: {  	s1 =	rddreg [dreg:$0x1];
	p0 =	sne.s32 s2, $0x0  }
0x12a: {  	s3 =	rddreg [dreg:$0x2];
	[bflag:$0x3] =	sbarrier.arrive $0xFFFF;
	s2 =	simm.s32 @!p0 $0x1C02  }
0x12b: {  	[timem:s3], [sflag:s2] =	dma.local @!p0 [hbm:s0], s1  }
0x12c: {  	s0 =	simm.s32 @!p0 $0x2  }
0x12d: {  	_ =	swait.ge @!p0 [sflag:s0], s1  }
0x12e: {  	s1 =	ssub.s32 @!p0 $0x0, s1;
	[sflag:s0] =	ssyncset.done @!p0 $0x0  }
0x12f: {  	[sflag:s0] =	ssyncadd.s32 @!p0 s1  }
0x130: {  	[bflag:$0x3] =	sbarrier.arrive $0xFFFF  }
0x131: {  	_ =	shalt  }

</sc_bundles>
